<compile_context>
chip_gen: v7x
topology: tpu7x:2x2x1
jax: 0.10.2.dev20260603
libtpu: 0.0.44.dev20260713+nightly
codegen_flags: <defaults>
</compile_context>

<pallas_src>
import functools

import jax
import jax.numpy as jnp
from jax import lax
from jax.experimental import pallas as pl
from jax.experimental.pallas import tpu as pltpu
from jax.experimental.pallas import tpu_sc as plsc

D = 128
NC = 2
NS = 16
NW = NC * NS
CH = 128
NBUF = 2
NPH = 2


def _ceil_to(a, m):
    return (a + m - 1) // m * m


def _splat16(v):
    return lax.broadcast(jnp.float32(v), (16,))




def _make_sc_kernels(NP, K):
    RPT = NP // NS
    KH = K // NPH
    G = KH // NBUF
    assert RPT % CH == 0 and KH % NBUF == 0 and G >= 3
    mesh = plsc.VectorSubcoreMesh(core_axis_name="c", subcore_axis_name="s")

    def agg_body(hp, edge, out, acc, src_v, dst_v, rows_v, *sems):
        gsems = sems[:NBUF]
        ssems = sems[NBUF:]
        c = lax.axis_index("c")
        s = lax.axis_index("s")
        w = c * NS + s

        zero16 = _splat16(0.0)

        def zrow(r, carry):
            for kk in range(D // 16):
                rows_v[0, r, pl.ds(kk * 16, 16)] = zero16
            return carry
        lax.fori_loop(0, CH, zrow, 0)
        row0 = s * RPT
        for i in range(RPT // CH):
            pltpu.sync_copy(rows_v.at[0], acc.at[pl.ds(row0 + i * CH, CH), :])
        plsc.subcore_barrier()

        def gather(t, b):
            pltpu.async_copy(hp.at[src_v.at[t]], rows_v.at[b], gsems[b])

        def gather_wait(t, b):
            pltpu.make_async_copy(hp.at[src_v.at[t]], rows_v.at[b],
                                  gsems[b]).wait()

        def scatter(t, b):
            pltpu.async_copy(rows_v.at[b], acc.at[dst_v.at[t]], ssems[b],
                             add=True)

        def scatter_wait(b):
            pltpu.make_async_copy(rows_v.at[b], acc.at[dst_v.at[0]],
                                  ssems[b]).wait()

        for p in range(NPH):
            pltpu.sync_copy(edge.at[0, w, pl.ds(p * KH, KH), :], src_v)
            pltpu.sync_copy(edge.at[1, w, pl.ds(p * KH, KH), :], dst_v)

            for b in range(NBUF - 1):
                gather(b, b)

            for b in range(NBUF):
                gather_wait(b, b)
                scatter(b, b)
                bn = (b + NBUF - 1) % NBUF
                if b >= 1:
                    scatter_wait(bn)
                gather(b + NBUF - 1, bn)

            def group(g, carry):
                for b in range(NBUF):
                    t = g * NBUF + b
                    gather_wait(t, b)
                    scatter(t, b)
                    bn = (b + NBUF - 1) % NBUF
                    scatter_wait(bn)
                    gather(t + NBUF - 1, bn)
                return carry
            lax.fori_loop(1, G - 1, group, 0)

            t0 = (G - 1) * NBUF
            for b in range(NBUF):
                gather_wait(t0 + b, b)
                scatter(t0 + b, b)
                if b == 0:
                    scatter_wait(NBUF - 1)
                    gather(t0 + NBUF - 1, NBUF - 1)

            for b in range(NBUF):
                scatter_wait(b)

        plsc.subcore_barrier()
        pltpu.sync_copy(acc.at[pl.ds(row0, RPT), :],
                        out.at[c, pl.ds(row0, RPT), :])

    agg = pl.kernel(
        agg_body,
        out_type=jax.ShapeDtypeStruct((NC, NP, D), jnp.float32),
        mesh=mesh,
        scratch_types=[
            pltpu.VMEM_SHARED((NP, D), jnp.float32),
            pltpu.VMEM((KH, CH), jnp.int32),
            pltpu.VMEM((KH, CH), jnp.int32),
            pltpu.VMEM((NBUF, CH, D), jnp.float32),
        ] + [pltpu.SemaphoreType.DMA] * (2 * NBUF),
    )

    def deg_body(edge, out, dst_v, hist):
        c = lax.axis_index("c")
        s = lax.axis_index("s")
        w = c * NS + s
        pltpu.sync_copy(edge.at[1, w], dst_v)
        zero16 = _splat16(0.0)
        one16 = _splat16(1.0)

        def zgrp(r, carry):
            hist[pl.ds(pl.multiple_of(r * 16, 16), 16)] = zero16
            return carry
        lax.fori_loop(0, NP // 16, zgrp, 0)

        def agrp(t, carry):
            for g in range(CH // 16):
                idxv = dst_v[t, pl.ds(g * 16, 16)]
                plsc.addupdate_scatter(hist, [idxv], one16)
            return carry
        lax.fori_loop(0, K, agrp, 0)
        pltpu.sync_copy(hist, out.at[pl.ds(pl.multiple_of(w * NP, 8), NP)])

    deg = pl.kernel(
        deg_body,
        out_type=jax.ShapeDtypeStruct((NW * NP,), jnp.float32),
        mesh=mesh,
        scratch_types=[
            pltpu.VMEM((K, CH), jnp.int32),
            pltpu.VMEM((NP,), jnp.float32),
        ],
        compiler_params=pltpu.CompilerParams(needs_layout_passes=False),
    )

    return agg, deg




def _dinv_block(deg_ref, blk, row0, n):
    degs = jnp.sum(deg_ref[...], axis=0) + 1.0
    dinv = lax.rsqrt(degs)
    rows = lax.broadcasted_iota(jnp.int32, (blk,), 0) + row0
    return jnp.where(rows < n, dinv, 0.0)[:, None]


def _make_tc_kernels(N, NP):
    BLK = 1024
    assert NP % BLK == 0
    grid = NP // BLK

    def mm1_body(x_ref, w_ref, deg_ref, o_ref):
        i = pl.program_id(0)
        dinv = _dinv_block(deg_ref, BLK, i * BLK, N)
        o_ref[...] = jnp.dot(x_ref[...], w_ref[...],
                             preferred_element_type=jnp.float32) * dinv

    mm1 = pl.pallas_call(
        mm1_body,
        grid=(grid,),
        in_specs=[
            pl.BlockSpec((BLK, D), lambda i: (i, 0)),
            pl.BlockSpec((D, D), lambda i: (0, 0)),
            pl.BlockSpec((NW, BLK), lambda i: (0, i)),
        ],
        out_specs=pl.BlockSpec((BLK, D), lambda i: (i, 0)),
        out_shape=jax.ShapeDtypeStruct((NP, D), jnp.float32),
    )

    def mid_body(agg_ref, hp_ref, deg_ref, b_ref, w_ref, o_ref):
        i = pl.program_id(0)
        dinv = _dinv_block(deg_ref, BLK, i * BLK, N)
        u = (agg_ref[0] + agg_ref[1] + hp_ref[...]) * dinv + b_ref[...]
        nrm = jnp.sqrt(jnp.sum(u * u, axis=1, keepdims=True))
        v = jnp.maximum(u / jnp.maximum(nrm, 1e-12), 0.0)
        o_ref[...] = jnp.dot(v, w_ref[...],
                             preferred_element_type=jnp.float32) * dinv

    mid = pl.pallas_call(
        mid_body,
        grid=(grid,),
        in_specs=[
            pl.BlockSpec((NC, BLK, D), lambda i: (0, i, 0)),
            pl.BlockSpec((BLK, D), lambda i: (i, 0)),
            pl.BlockSpec((NW, BLK), lambda i: (0, i)),
            pl.BlockSpec((1, D), lambda i: (0, 0)),
            pl.BlockSpec((D, D), lambda i: (0, 0)),
        ],
        out_specs=pl.BlockSpec((BLK, D), lambda i: (i, 0)),
        out_shape=jax.ShapeDtypeStruct((NP, D), jnp.float32),
    )

    def fin_body(agg_ref, hp_ref, deg_ref, b_ref, o_ref):
        degs = jnp.sum(deg_ref[...], axis=0) + 1.0
        dinv = lax.rsqrt(degs)[:, None]
        o_ref[...] = ((agg_ref[0] + agg_ref[1] + hp_ref[...]) * dinv
                      + b_ref[...])

    fin = pl.pallas_call(
        fin_body,
        grid=(grid,),
        in_specs=[
            pl.BlockSpec((NC, BLK, D), lambda i: (0, i, 0)),
            pl.BlockSpec((BLK, D), lambda i: (i, 0)),
            pl.BlockSpec((NW, BLK), lambda i: (0, i)),
            pl.BlockSpec((1, D), lambda i: (0, 0)),
        ],
        out_specs=pl.BlockSpec((BLK, D), lambda i: (i, 0)),
        out_shape=jax.ShapeDtypeStruct((NP, D), jnp.float32),
    )

    return mm1, mid, fin


@functools.lru_cache(maxsize=4)
def _build(N, E):
    NP = _ceil_to(N, NS * CH)
    assert NP - N >= 1
    K = _ceil_to(-(-E // (CH * NW)), NPH * NBUF)
    EP = NW * K * CH
    agg, deg = _make_sc_kernels(NP, K)
    mm1, mid, fin = _make_tc_kernels(N, NP)
    return NP, K, EP, agg, deg, mm1, mid, fin


def kernel(x, edge_index, W1, b1, W2, b2, W3, b3):
    N, _ = x.shape
    E = edge_index.shape[1]
    NP, K, EP, agg, deg_k, mm1, mid, fin = _build(N, E)

    x_p = jnp.pad(x, ((0, NP - N), (0, 0)))
    pad_idx = N + (jnp.arange(EP - E, dtype=jnp.int32) % (NP - N))
    src_p = jnp.concatenate([edge_index[0], pad_idx])
    dst_p = jnp.concatenate([edge_index[1], pad_idx])
    edge3 = jnp.stack([src_p, dst_p]).reshape(2, NW, K, CH)

    deg = deg_k(edge3).reshape(NW, NP)
    b1r, b2r, b3r = (b.reshape(1, D) for b in (b1, b2, b3))

    hp1 = mm1(x_p, W1, deg)
    hp2 = mid(agg(hp1, edge3), hp1, deg, b1r, W2)
    hp3 = mid(agg(hp2, edge3), hp2, deg, b2r, W3)
    return fin(agg(hp3, edge3), hp3, deg, b3r)[:N]

# --- scband reference (transcript-rebuilt; emitter-appended) ---
"""Pipeline reference for scband-gcn-74268574482758 (READ-ONLY COPY).

The authoritative reference and input builder live on the scoring server;
editing this copy changes nothing except your own understanding.
"""

import jax, jax.numpy as jnp
import numpy as np

N = 10000
E = 320000
D = 128


def setup_inputs(seed: int = 0) -> dict:
    key = jax.random.key(seed)
    ks = jax.random.split(key, 8)
    x = jax.random.normal(ks[0], (N, D), dtype=jnp.float32)
    edge_index = jax.random.randint(ks[1], (2, E), 0, N, dtype=jnp.int32)
    s = 1.0 / np.sqrt(D)
    W1 = jax.random.normal(ks[2], (D, D), dtype=jnp.float32) * s
    b1 = jnp.zeros((D,), dtype=jnp.float32)
    W2 = jax.random.normal(ks[3], (D, D), dtype=jnp.float32) * s
    b2 = jnp.zeros((D,), dtype=jnp.float32)
    W3 = jax.random.normal(ks[4], (D, D), dtype=jnp.float32) * s
    b3 = jnp.zeros((D,), dtype=jnp.float32)
    return {"x": x, "edge_index": edge_index, "W1": W1, "b1": b1, "W2": W2, "b2": b2, "W3": W3, "b3": b3}


def _gcn_conv(x, edge_index, W, b):
    # Faithful GCNConv: linear transform, add self-loops, symmetric degree norm, scatter-add aggregate, bias.
    n = x.shape[0]
    h = x @ W
    src = edge_index[0]
    dst = edge_index[1]
    loop = jnp.arange(n, dtype=src.dtype)
    src = jnp.concatenate([src, loop])
    dst = jnp.concatenate([dst, loop])
    deg = jnp.zeros((n,), dtype=h.dtype).at[dst].add(1.0)
    dinv = jnp.where(deg > 0, deg ** -0.5, 0.0)
    norm = dinv[src] * dinv[dst]
    msg = h[src] * norm[:, None]
    out = jnp.zeros_like(h).at[dst].add(msg)
    return out + b


def _l2_normalize(x):
    # F.normalize(x, p=2, dim=1) with eps=1e-12
    nrm = jnp.sqrt(jnp.sum(x * x, axis=1, keepdims=True))
    return x / jnp.maximum(nrm, 1e-12)


def reference(x, edge_index, W1, b1, W2, b2, W3, b3):
    # n_layers = len(hid_dims) = 2 > 1 branch; dropout is identity in eval mode.
    h = _gcn_conv(x, edge_index, W1, b1)
    h = _l2_normalize(h)
    h = jax.nn.relu(h)
    h = _gcn_conv(h, edge_index, W2, b2)
    h = _l2_normalize(h)
    h = jax.nn.relu(h)
    h = _gcn_conv(h, edge_index, W3, b3)
    return h

if __name__ == "__main__":
    import jax
    _d = setup_inputs()
    print(jax.jit(kernel)(*tuple(_d.values())))

</pallas_src>

<mosaic_0001>
#map = affine_map<(d0, d1) -> (0, 0, 0, 0)>
#map1 = affine_map<(d0, d1) -> (0)>
module attributes {stable_mosaic.version = 14 : i64} {
  func.func @deg_body(%arg0: i32, %arg1: i32, %arg2: memref<2x32x80x128xi32, #tpu.memory_space<hbm>>, %arg3: memref<327680xf32, #tpu.memory_space<hbm>>, %arg4: memref<80x128xi32, #tpu.memory_space<vmem>>, %arg5: memref<10240xf32, #tpu.memory_space<vmem>>) attributes {dimension_semantics = [#tpu.dimension_semantics<core_parallel>, #tpu.dimension_semantics<subcore_parallel>], iteration_bounds = array<i64: 2, 16>, scalar_prefetch = 0 : i64, scratch_operands = 2 : i64, tpu.core_type = #tpu.core_type<sc_vector_subcore>, window_params = [{transform_indices = #map}, {transform_indices = #map1}]} {
    %mul3A = arith.constant 16 : i32
    %mul3A_0 = arith.muli %arg0, %mul3A : i32
    %add3A = arith.addi %mul3A_0, %arg1 : i32
    %run_scoped3A = arith.constant 1 : i32
    "tpu.region"() ({
      %run_scoped3A_17 = tpu.sem_alloc : memref<!tpu.dma_semaphore, #tpu.memory_space<semaphore_mem>>
      %dma_start3A = arith.constant 0 : i32
      %dma_start3A_18 = arith.constant 0 : i32
      %dma_start3A_19 = tpu.memref_slice %arg2[%run_scoped3A, %add3A, %dma_start3A, %dma_start3A_18] : memref<2x32x80x128xi32, #tpu.memory_space<hbm>> -> memref<1x1x80x128xi32, #tpu.memory_space<hbm>>
      %dma_start3A_20 = tpu.memref_squeeze %dma_start3A_19 : memref<1x1x80x128xi32, #tpu.memory_space<hbm>> -> memref<80x128xi32, #tpu.memory_space<hbm>>
      %dma_start3A_21 = arith.constant 0 : i32
      %dma_start3A_22 = arith.constant 0 : i32
      %dma_start3A_23 = tpu.memref_slice %arg2[%run_scoped3A, %add3A, %dma_start3A_21, %dma_start3A_22] : memref<2x32x80x128xi32, #tpu.memory_space<hbm>> -> memref<1x1x80x128xi32, #tpu.memory_space<hbm>>
      %dma_start3A_24 = tpu.memref_squeeze %dma_start3A_23 : memref<1x1x80x128xi32, #tpu.memory_space<hbm>> -> memref<80x128xi32, #tpu.memory_space<hbm>>
      tpu.enqueue_dma source(%dma_start3A_24 : memref<80x128xi32, #tpu.memory_space<hbm>>) target(%arg4 : memref<80x128xi32, #tpu.memory_space<vmem>>) target_semaphore(%run_scoped3A_17 : memref<!tpu.dma_semaphore, #tpu.memory_space<semaphore_mem>>)
      %dma_wait3A = arith.constant 0 : i32
      %dma_wait3A_25 = arith.constant 0 : i32
      %dma_wait3A_26 = tpu.memref_slice %arg2[%run_scoped3A, %add3A, %dma_wait3A, %dma_wait3A_25] : memref<2x32x80x128xi32, #tpu.memory_space<hbm>> -> memref<1x1x80x128xi32, #tpu.memory_space<hbm>>
      %dma_wait3A_27 = tpu.memref_squeeze %dma_wait3A_26 : memref<1x1x80x128xi32, #tpu.memory_space<hbm>> -> memref<80x128xi32, #tpu.memory_space<hbm>>
      %dma_wait3A_28 = arith.constant 0 : i32
      %dma_wait3A_29 = arith.constant 0 : i32
      %dma_wait3A_30 = tpu.memref_slice %arg2[%run_scoped3A, %add3A, %dma_wait3A_28, %dma_wait3A_29] : memref<2x32x80x128xi32, #tpu.memory_space<hbm>> -> memref<1x1x80x128xi32, #tpu.memory_space<hbm>>
      %dma_wait3A_31 = tpu.memref_squeeze %dma_wait3A_30 : memref<1x1x80x128xi32, #tpu.memory_space<hbm>> -> memref<80x128xi32, #tpu.memory_space<hbm>>
      tpu.wait_dma2 semaphore(%run_scoped3A_17 : memref<!tpu.dma_semaphore, #tpu.memory_space<semaphore_mem>>) src(%dma_wait3A_31 : memref<80x128xi32, #tpu.memory_space<hbm>>) dst(%arg4 : memref<80x128xi32, #tpu.memory_space<vmem>>)
      tpu.yield
    }) : () -> ()
    %broadcast_in_dim3A = arith.constant 0.000000e+00 : f32
    %broadcast_in_dim3A_1 = vector.broadcast %broadcast_in_dim3A : f32 to vector<16xf32>
    %broadcast_in_dim3A_2 = arith.constant 1.000000e+00 : f32
    %broadcast_in_dim3A_3 = vector.broadcast %broadcast_in_dim3A_2 : f32 to vector<16xf32>
    %scan3A = arith.constant 0 : i32
    %scan3A_4 = arith.constant 0 : i32
    %scan3A_5 = arith.constant 640 : i32
    %scan3A_6 = arith.addi %scan3A_4, %scan3A_5 : i32
    %scan3A_7 = arith.constant 1 : i32
    scf.for %scan3A_17 = %scan3A_4 to %scan3A_6 step %scan3A_7  : i32 {
      %mul3A_18 = arith.constant 16 : i32
      %mul3A_19 = arith.muli %scan3A_17, %mul3A_18 : i32
      %multiple_of3A_20 = tpu.assume_multiple %mul3A_19, 16 : i32
      %swap3A = arith.index_cast %multiple_of3A_20 : i32 to index
      %swap3A_21 = tpu.vector_load %arg5[%swap3A] {strides = array<i32>} : memref<10240xf32, #tpu.memory_space<vmem>>, vector<16xf32>,
      tpu.vector_store %arg5[%swap3A], %broadcast_in_dim3A_1 {strides = array<i32>} : memref<10240xf32, #tpu.memory_space<vmem>>, vector<16xf32>,
    }
    %scan3A_8 = arith.constant 640 : i32
    %scan3A_9 = arith.constant 0 : i32
    %scan3A_10 = arith.constant 0 : i32
    %scan3A_11 = arith.constant 80 : i32
    %scan3A_12 = arith.addi %scan3A_10, %scan3A_11 : i32
    %scan3A_13 = arith.constant 1 : i32
    scf.for %scan3A_17 = %scan3A_10 to %scan3A_12 step %scan3A_13  : i32 {
      %get3A = arith.index_cast %scan3A_17 : i32 to index
      %get3A_18 = arith.constant 0 : index
      %get3A_19 = tpu.vector_load %arg4[%get3A, %get3A_18] {strides = array<i32>} : memref<80x128xi32, #tpu.memory_space<vmem>>, vector<16xi32>,
      tpu.vector_store_idx %arg5[%get3A_19], %broadcast_in_dim3A_3 {add = true} : memref<10240xf32, #tpu.memory_space<vmem>>[vector<16xi32>], vector<16xf32>,
      %get3A_20 = arith.index_cast %scan3A_17 : i32 to index
      %get3A_21 = arith.constant 16 : index
      %get3A_22 = tpu.vector_load %arg4[%get3A_20, %get3A_21] {strides = array<i32>} : memref<80x128xi32, #tpu.memory_space<vmem>>, vector<16xi32>,
      tpu.vector_store_idx %arg5[%get3A_22], %broadcast_in_dim3A_3 {add = true} : memref<10240xf32, #tpu.memory_space<vmem>>[vector<16xi32>], vector<16xf32>,
      %get3A_23 = arith.index_cast %scan3A_17 : i32 to index
      %get3A_24 = arith.constant 32 : index
      %get3A_25 = tpu.vector_load %arg4[%get3A_23, %get3A_24] {strides = array<i32>} : memref<80x128xi32, #tpu.memory_space<vmem>>, vector<16xi32>,
      tpu.vector_store_idx %arg5[%get3A_25], %broadcast_in_dim3A_3 {add = true} : memref<10240xf32, #tpu.memory_space<vmem>>[vector<16xi32>], vector<16xf32>,
      %get3A_26 = arith.index_cast %scan3A_17 : i32 to index
      %get3A_27 = arith.constant 48 : index
      %get3A_28 = tpu.vector_load %arg4[%get3A_26, %get3A_27] {strides = array<i32>} : memref<80x128xi32, #tpu.memory_space<vmem>>, vector<16xi32>,
      tpu.vector_store_idx %arg5[%get3A_28], %broadcast_in_dim3A_3 {add = true} : memref<10240xf32, #tpu.memory_space<vmem>>[vector<16xi32>], vector<16xf32>,
      %get3A_29 = arith.index_cast %scan3A_17 : i32 to index
      %get3A_30 = arith.constant 64 : index
      %get3A_31 = tpu.vector_load %arg4[%get3A_29, %get3A_30] {strides = array<i32>} : memref<80x128xi32, #tpu.memory_space<vmem>>, vector<16xi32>,
      tpu.vector_store_idx %arg5[%get3A_31], %broadcast_in_dim3A_3 {add = true} : memref<10240xf32, #tpu.memory_space<vmem>>[vector<16xi32>], vector<16xf32>,
      %get3A_32 = arith.index_cast %scan3A_17 : i32 to index
      %get3A_33 = arith.constant 80 : index
      %get3A_34 = tpu.vector_load %arg4[%get3A_32, %get3A_33] {strides = array<i32>} : memref<80x128xi32, #tpu.memory_space<vmem>>, vector<16xi32>,
      tpu.vector_store_idx %arg5[%get3A_34], %broadcast_in_dim3A_3 {add = true} : memref<10240xf32, #tpu.memory_space<vmem>>[vector<16xi32>], vector<16xf32>,
      %get3A_35 = arith.index_cast %scan3A_17 : i32 to index
      %get3A_36 = arith.constant 96 : index
      %get3A_37 = tpu.vector_load %arg4[%get3A_35, %get3A_36] {strides = array<i32>} : memref<80x128xi32, #tpu.memory_space<vmem>>, vector<16xi32>,
      tpu.vector_store_idx %arg5[%get3A_37], %broadcast_in_dim3A_3 {add = true} : memref<10240xf32, #tpu.memory_space<vmem>>[vector<16xi32>], vector<16xf32>,
      %get3A_38 = arith.index_cast %scan3A_17 : i32 to index
      %get3A_39 = arith.constant 112 : index
      %get3A_40 = tpu.vector_load %arg4[%get3A_38, %get3A_39] {strides = array<i32>} : memref<80x128xi32, #tpu.memory_space<vmem>>, vector<16xi32>,
      tpu.vector_store_idx %arg5[%get3A_40], %broadcast_in_dim3A_3 {add = true} : memref<10240xf32, #tpu.memory_space<vmem>>[vector<16xi32>], vector<16xf32>,
    }
    %scan3A_14 = arith.constant 80 : i32
    %mul3A_15 = arith.constant 10240 : i32
    %mul3A_16 = arith.muli %add3A, %mul3A_15 : i32
    %multiple_of3A = tpu.assume_multiple %mul3A_16, 8 : i32
    "tpu.region"() ({
      %run_scoped3A_17 = tpu.sem_alloc : memref<!tpu.dma_semaphore, #tpu.memory_space<semaphore_mem>>
      %dma_start3A = tpu.memref_slice %arg3[%multiple_of3A] : memref<327680xf32, #tpu.memory_space<hbm>> -> memref<10240xf32, #tpu.memory_space<hbm>>
      %dma_start3A_18 = tpu.memref_slice %arg3[%multiple_of3A] : memref<327680xf32, #tpu.memory_space<hbm>> -> memref<10240xf32, #tpu.memory_space<hbm>>
      tpu.enqueue_dma source(%arg5 : memref<10240xf32, #tpu.memory_space<vmem>>) target(%dma_start3A_18 : memref<10240xf32, #tpu.memory_space<hbm>>) target_semaphore(%run_scoped3A_17 : memref<!tpu.dma_semaphore, #tpu.memory_space<semaphore_mem>>)
      %dma_wait3A = tpu.memref_slice %arg3[%multiple_of3A] : memref<327680xf32, #tpu.memory_space<hbm>> -> memref<10240xf32, #tpu.memory_space<hbm>>
      %dma_wait3A_19 = tpu.memref_slice %arg3[%multiple_of3A] : memref<327680xf32, #tpu.memory_space<hbm>> -> memref<10240xf32, #tpu.memory_space<hbm>>
      tpu.wait_dma2 semaphore(%run_scoped3A_17 : memref<!tpu.dma_semaphore, #tpu.memory_space<semaphore_mem>>) src(%arg5 : memref<10240xf32, #tpu.memory_space<vmem>>) dst(%dma_wait3A_19 : memref<10240xf32, #tpu.memory_space<hbm>>)
      tpu.yield
    }) : () -> ()
    return
  }
}

#map = affine_map<(d0, d1) -> (0, 0)>
#map1 = affine_map<(d0, d1) -> (0, 0, 0, 0)>
#map2 = affine_map<(d0, d1) -> (0, 0, 0)>
module attributes {stable_mosaic.version = 14 : i64} {
  func.func @agg_body(%arg0: i32, %arg1: i32, %arg2: memref<10240x128xf32, #tpu.memory_space<hbm>>, %arg3: memref<2x32x80x128xi32, #tpu.memory_space<hbm>>, %arg4: memref<2x10240x128xf32, #tpu.memory_space<hbm>>, %arg5: memref<10240x128xf32, #tpu.memory_space<vmem_shared>>, %arg6: memref<40x128xi32, #tpu.memory_space<vmem>>, %arg7: memref<40x128xi32, #tpu.memory_space<vmem>>, %arg8: memref<2x128x128xf32, #tpu.memory_space<vmem>>, %arg9: memref<!tpu.dma_semaphore, #tpu.memory_space<semaphore_mem>>, %arg10: memref<!tpu.dma_semaphore, #tpu.memory_space<semaphore_mem>>, %arg11: memref<!tpu.dma_semaphore, #tpu.memory_space<semaphore_mem>>, %arg12: memref<!tpu.dma_semaphore, #tpu.memory_space<semaphore_mem>>) attributes {dimension_semantics = [#tpu.dimension_semantics<core_parallel>, #tpu.dimension_semantics<subcore_parallel>], iteration_bounds = array<i64: 2, 16>, scalar_prefetch = 0 : i64, scratch_operands = 8 : i64, tpu.core_type = #tpu.core_type<sc_vector_subcore>, window_params = [{transform_indices = #map}, {transform_indices = #map1}, {transform_indices = #map2}]} {
    %mul3A = arith.constant 16 : i32
    %mul3A_0 = arith.muli %arg0, %mul3A : i32
    %add3A = arith.addi %mul3A_0, %arg1 : i32
    %broadcast_in_dim3A = arith.constant 0.000000e+00 : f32
    %broadcast_in_dim3A_1 = vector.broadcast %broadcast_in_dim3A : f32 to vector<16xf32>
    %scan3A = arith.constant 0 : i32
    %scan3A_2 = arith.constant 0 : i32
    %scan3A_3 = arith.constant 128 : i32
    %scan3A_4 = arith.addi %scan3A_2, %scan3A_3 : i32
    %scan3A_5 = arith.constant 1 : i32
    scf.for %scan3A_422 = %scan3A_2 to %scan3A_4 step %scan3A_5  : i32 {
      %swap3A = arith.constant 0 : i32
      %swap3A_423 = arith.index_cast %swap3A : i32 to index
      %swap3A_424 = arith.index_cast %scan3A_422 : i32 to index
      %swap3A_425 = arith.constant 0 : index
      %swap3A_426 = tpu.vector_load %arg8[%swap3A_423, %swap3A_424, %swap3A_425] {strides = array<i32>} : memref<2x128x128xf32, #tpu.memory_space<vmem>>, vector<1x1x16xf32>,
      %swap3A_427 = vector.shape_cast %swap3A_426 : vector<1x1x16xf32> to vector<16xf32>
      %swap3A_428 = vector.shape_cast %broadcast_in_dim3A_1 : vector<16xf32> to vector<1x1x16xf32>
      tpu.vector_store %arg8[%swap3A_423, %swap3A_424, %swap3A_425], %swap3A_428 {strides = array<i32>} : memref<2x128x128xf32, #tpu.memory_space<vmem>>, vector<1x1x16xf32>,
      %swap3A_429 = arith.constant 0 : i32
      %swap3A_430 = arith.index_cast %swap3A_429 : i32 to index
      %swap3A_431 = arith.index_cast %scan3A_422 : i32 to index
      %swap3A_432 = arith.constant 16 : index
      %swap3A_433 = tpu.vector_load %arg8[%swap3A_430, %swap3A_431, %swap3A_432] {strides = array<i32>} : memref<2x128x128xf32, #tpu.memory_space<vmem>>, vector<1x1x16xf32>,
      %swap3A_434 = vector.shape_cast %swap3A_433 : vector<1x1x16xf32> to vector<16xf32>
      %swap3A_435 = vector.shape_cast %broadcast_in_dim3A_1 : vector<16xf32> to vector<1x1x16xf32>
      tpu.vector_store %arg8[%swap3A_430, %swap3A_431, %swap3A_432], %swap3A_435 {strides = array<i32>} : memref<2x128x128xf32, #tpu.memory_space<vmem>>, vector<1x1x16xf32>,
      %swap3A_436 = arith.constant 0 : i32
      %swap3A_437 = arith.index_cast %swap3A_436 : i32 to index
      %swap3A_438 = arith.index_cast %scan3A_422 : i32 to index
      %swap3A_439 = arith.constant 32 : index
      %swap3A_440 = tpu.vector_load %arg8[%swap3A_437, %swap3A_438, %swap3A_439] {strides = array<i32>} : memref<2x128x128xf32, #tpu.memory_space<vmem>>, vector<1x1x16xf32>,
      %swap3A_441 = vector.shape_cast %swap3A_440 : vector<1x1x16xf32> to vector<16xf32>
      %swap3A_442 = vector.shape_cast %broadcast_in_dim3A_1 : vector<16xf32> to vector<1x1x16xf32>
      tpu.vector_store %arg8[%swap3A_437, %swap3A_438, %swap3A_439], %swap3A_442 {strides = array<i32>} : memref<2x128x128xf32, #tpu.memory_space<vmem>>, vector<1x1x16xf32>,
      %swap3A_443 = arith.constant 0 : i32
      %swap3A_444 = arith.index_cast %swap3A_443 : i32 to index
      %swap3A_445 = arith.index_cast %scan3A_422 : i32 to index
      %swap3A_446 = arith.constant 48 : index
      %swap3A_447 = tpu.vector_load %arg8[%swap3A_444, %swap3A_445, %swap3A_446] {strides = array<i32>} : memref<2x128x128xf32, #tpu.memory_space<vmem>>, vector<1x1x16xf32>,
      %swap3A_448 = vector.shape_cast %swap3A_447 : vector<1x1x16xf32> to vector<16xf32>
      %swap3A_449 = vector.shape_cast %broadcast_in_dim3A_1 : vector<16xf32> to vector<1x1x16xf32>
      tpu.vector_store %arg8[%swap3A_444, %swap3A_445, %swap3A_446], %swap3A_449 {strides = array<i32>} : memref<2x128x128xf32, #tpu.memory_space<vmem>>, vector<1x1x16xf32>,
      %swap3A_450 = arith.constant 0 : i32
      %swap3A_451 = arith.index_cast %swap3A_450 : i32 to index
      %swap3A_452 = arith.index_cast %scan3A_422 : i32 to index
      %swap3A_453 = arith.constant 64 : index
      %swap3A_454 = tpu.vector_load %arg8[%swap3A_451, %swap3A_452, %swap3A_453] {strides = array<i32>} : memref<2x128x128xf32, #tpu.memory_space<vmem>>, vector<1x1x16xf32>,
      %swap3A_455 = vector.shape_cast %swap3A_454 : vector<1x1x16xf32> to vector<16xf32>
      %swap3A_456 = vector.shape_cast %broadcast_in_dim3A_1 : vector<16xf32> to vector<1x1x16xf32>
      tpu.vector_store %arg8[%swap3A_451, %swap3A_452, %swap3A_453], %swap3A_456 {strides = array<i32>} : memref<2x128x128xf32, #tpu.memory_space<vmem>>, vector<1x1x16xf32>,
      %swap3A_457 = arith.constant 0 : i32
      %swap3A_458 = arith.index_cast %swap3A_457 : i32 to index
      %swap3A_459 = arith.index_cast %scan3A_422 : i32 to index
      %swap3A_460 = arith.constant 80 : index
      %swap3A_461 = tpu.vector_load %arg8[%swap3A_458, %swap3A_459, %swap3A_460] {strides = array<i32>} : memref<2x128x128xf32, #tpu.memory_space<vmem>>, vector<1x1x16xf32>,
      %swap3A_462 = vector.shape_cast %swap3A_461 : vector<1x1x16xf32> to vector<16xf32>
      %swap3A_463 = vector.shape_cast %broadcast_in_dim3A_1 : vector<16xf32> to vector<1x1x16xf32>
      tpu.vector_store %arg8[%swap3A_458, %swap3A_459, %swap3A_460], %swap3A_463 {strides = array<i32>} : memref<2x128x128xf32, #tpu.memory_space<vmem>>, vector<1x1x16xf32>,
      %swap3A_464 = arith.constant 0 : i32
      %swap3A_465 = arith.index_cast %swap3A_464 : i32 to index
      %swap3A_466 = arith.index_cast %scan3A_422 : i32 to index
      %swap3A_467 = arith.constant 96 : index
      %swap3A_468 = tpu.vector_load %arg8[%swap3A_465, %swap3A_466, %swap3A_467] {strides = array<i32>} : memref<2x128x128xf32, #tpu.memory_space<vmem>>, vector<1x1x16xf32>,
      %swap3A_469 = vector.shape_cast %swap3A_468 : vector<1x1x16xf32> to vector<16xf32>
      %swap3A_470 = vector.shape_cast %broadcast_in_dim3A_1 : vector<16xf32> to vector<1x1x16xf32>
      tpu.vector_store %arg8[%swap3A_465, %swap3A_466, %swap3A_467], %swap3A_470 {strides = array<i32>} : memref<2x128x128xf32, #tpu.memory_space<vmem>>, vector<1x1x16xf32>,
      %swap3A_471 = arith.constant 0 : i32
      %swap3A_472 = arith.index_cast %swap3A_471 : i32 to index
      %swap3A_473 = arith.index_cast %scan3A_422 : i32 to index
      %swap3A_474 = arith.constant 112 : index
      %swap3A_475 = tpu.vector_load %arg8[%swap3A_472, %swap3A_473, %swap3A_474] {strides = array<i32>} : memref<2x128x128xf32, #tpu.memory_space<vmem>>, vector<1x1x16xf32>,
      %swap3A_476 = vector.shape_cast %swap3A_475 : vector<1x1x16xf32> to vector<16xf32>
      %swap3A_477 = vector.shape_cast %broadcast_in_dim3A_1 : vector<16xf32> to vector<1x1x16xf32>
      tpu.vector_store %arg8[%swap3A_472, %swap3A_473, %swap3A_474], %swap3A_477 {strides = array<i32>} : memref<2x128x128xf32, #tpu.memory_space<vmem>>, vector<1x1x16xf32>,
    }
    %scan3A_6 = arith.constant 128 : i32
    %mul3A_7 = arith.constant 640 : i32
    %mul3A_8 = arith.muli %arg1, %mul3A_7 : i32
    %add3A_9 = arith.constant 0 : i32
    %add3A_10 = arith.addi %mul3A_8, %add3A_9 : i32
    %run_scoped3A = arith.constant 0 : i32
    "tpu.region"() ({
      %run_scoped3A_422 = tpu.sem_alloc : memref<!tpu.dma_semaphore, #tpu.memory_space<semaphore_mem>>
      %dma_start3A_423 = arith.constant 0 : i32
      %dma_start3A_424 = arith.constant 0 : i32
      %dma_start3A_425 = tpu.memref_slice %arg8[%run_scoped3A, %dma_start3A_423, %dma_start3A_424] : memref<2x128x128xf32, #tpu.memory_space<vmem>> -> memref<1x128x128xf32, #tpu.memory_space<vmem>>
      %dma_start3A_426 = tpu.memref_squeeze %dma_start3A_425 : memref<1x128x128xf32, #tpu.memory_space<vmem>> -> memref<128x128xf32, #tpu.memory_space<vmem>>
      %dma_start3A_427 = arith.constant 0 : i32
      %dma_start3A_428 = tpu.memref_slice %arg5[%add3A_10, %dma_start3A_427] : memref<10240x128xf32, #tpu.memory_space<vmem_shared>> -> memref<128x128xf32, #tpu.memory_space<vmem_shared>>
      %dma_start3A_429 = arith.constant 0 : i32
      %dma_start3A_430 = tpu.memref_slice %arg5[%add3A_10, %dma_start3A_429] : memref<10240x128xf32, #tpu.memory_space<vmem_shared>> -> memref<128x128xf32, #tpu.memory_space<vmem_shared>>
      %dma_start3A_431 = arith.constant 0 : i32
      %dma_start3A_432 = arith.constant 0 : i32
      %dma_start3A_433 = tpu.memref_slice %arg8[%run_scoped3A, %dma_start3A_431, %dma_start3A_432] : memref<2x128x128xf32, #tpu.memory_space<vmem>> -> memref<1x128x128xf32, #tpu.memory_space<vmem>>
      %dma_start3A_434 = tpu.memref_squeeze %dma_start3A_433 : memref<1x128x128xf32, #tpu.memory_space<vmem>> -> memref<128x128xf32, #tpu.memory_space<vmem>>
      tpu.enqueue_dma source(%dma_start3A_434 : memref<128x128xf32, #tpu.memory_space<vmem>>) target(%dma_start3A_430 : memref<128x128xf32, #tpu.memory_space<vmem_shared>>) target_semaphore(%run_scoped3A_422 : memref<!tpu.dma_semaphore, #tpu.memory_space<semaphore_mem>>)
      %dma_wait3A_435 = arith.constant 0 : i32
      %dma_wait3A_436 = arith.constant 0 : i32
      %dma_wait3A_437 = tpu.memref_slice %arg8[%run_scoped3A, %dma_wait3A_435, %dma_wait3A_436] : memref<2x128x128xf32, #tpu.memory_space<vmem>> -> memref<1x128x128xf32, #tpu.memory_space<vmem>>
      %dma_wait3A_438 = tpu.memref_squeeze %dma_wait3A_437 : memref<1x128x128xf32, #tpu.memory_space<vmem>> -> memref<128x128xf32, #tpu.memory_space<vmem>>
      %dma_wait3A_439 = arith.constant 0 : i32
      %dma_wait3A_440 = tpu.memref_slice %arg5[%add3A_10, %dma_wait3A_439] : memref<10240x128xf32, #tpu.memory_space<vmem_shared>> -> memref<128x128xf32, #tpu.memory_space<vmem_shared>>
      %dma_wait3A_441 = arith.constant 0 : i32
      %dma_wait3A_442 = tpu.memref_slice %arg5[%add3A_10, %dma_wait3A_441] : memref<10240x128xf32, #tpu.memory_space<vmem_shared>> -> memref<128x128xf32, #tpu.memory_space<vmem_shared>>
      %dma_wait3A_443 = arith.constant 0 : i32
      %dma_wait3A_444 = arith.constant 0 : i32
      %dma_wait3A_445 = tpu.memref_slice %arg8[%run_scoped3A, %dma_wait3A_443, %dma_wait3A_444] : memref<2x128x128xf32, #tpu.memory_space<vmem>> -> memref<1x128x128xf32, #tpu.memory_space<vmem>>
      %dma_wait3A_446 = tpu.memref_squeeze %dma_wait3A_445 : memref<1x128x128xf32, #tpu.memory_space<vmem>> -> memref<128x128xf32, #tpu.memory_space<vmem>>
      tpu.wait_dma2 semaphore(%run_scoped3A_422 : memref<!tpu.dma_semaphore, #tpu.memory_space<semaphore_mem>>) src(%dma_wait3A_446 : memref<128x128xf32, #tpu.memory_space<vmem>>) dst(%dma_wait3A_442 : memref<128x128xf32, #tpu.memory_space<vmem_shared>>)
      tpu.yield
    }) : () -> ()
    %add3A_11 = arith.constant 128 : i32
    %add3A_12 = arith.addi %mul3A_8, %add3A_11 : i32
    %run_scoped3A_13 = arith.constant 0 : i32
    "tpu.region"() ({
      %run_scoped3A_422 = tpu.sem_alloc : memref<!tpu.dma_semaphore, #tpu.memory_space<semaphore_mem>>
      %dma_start3A_423 = arith.constant 0 : i32
      %dma_start3A_424 = arith.constant 0 : i32
      %dma_start3A_425 = tpu.memref_slice %arg8[%run_scoped3A_13, %dma_start3A_423, %dma_start3A_424] : memref<2x128x128xf32, #tpu.memory_space<vmem>> -> memref<1x128x128xf32, #tpu.memory_space<vmem>>
      %dma_start3A_426 = tpu.memref_squeeze %dma_start3A_425 : memref<1x128x128xf32, #tpu.memory_space<vmem>> -> memref<128x128xf32, #tpu.memory_space<vmem>>
      %dma_start3A_427 = arith.constant 0 : i32
      %dma_start3A_428 = tpu.memref_slice %arg5[%add3A_12, %dma_start3A_427] : memref<10240x128xf32, #tpu.memory_space<vmem_shared>> -> memref<128x128xf32, #tpu.memory_space<vmem_shared>>
      %dma_start3A_429 = arith.constant 0 : i32
      %dma_start3A_430 = tpu.memref_slice %arg5[%add3A_12, %dma_start3A_429] : memref<10240x128xf32, #tpu.memory_space<vmem_shared>> -> memref<128x128xf32, #tpu.memory_space<vmem_shared>>
      %dma_start3A_431 = arith.constant 0 : i32
      %dma_start3A_432 = arith.constant 0 : i32
      %dma_start3A_433 = tpu.memref_slice %arg8[%run_scoped3A_13, %dma_start3A_431, %dma_start3A_432] : memref<2x128x128xf32, #tpu.memory_space<vmem>> -> memref<1x128x128xf32, #tpu.memory_space<vmem>>
      %dma_start3A_434 = tpu.memref_squeeze %dma_start3A_433 : memref<1x128x128xf32, #tpu.memory_space<vmem>> -> memref<128x128xf32, #tpu.memory_space<vmem>>
      tpu.enqueue_dma source(%dma_start3A_434 : memref<128x128xf32, #tpu.memory_space<vmem>>) target(%dma_start3A_430 : memref<128x128xf32, #tpu.memory_space<vmem_shared>>) target_semaphore(%run_scoped3A_422 : memref<!tpu.dma_semaphore, #tpu.memory_space<semaphore_mem>>)
      %dma_wait3A_435 = arith.constant 0 : i32
      %dma_wait3A_436 = arith.constant 0 : i32
      %dma_wait3A_437 = tpu.memref_slice %arg8[%run_scoped3A_13, %dma_wait3A_435, %dma_wait3A_436] : memref<2x128x128xf32, #tpu.memory_space<vmem>> -> memref<1x128x128xf32, #tpu.memory_space<vmem>>
      %dma_wait3A_438 = tpu.memref_squeeze %dma_wait3A_437 : memref<1x128x128xf32, #tpu.memory_space<vmem>> -> memref<128x128xf32, #tpu.memory_space<vmem>>
      %dma_wait3A_439 = arith.constant 0 : i32
      %dma_wait3A_440 = tpu.memref_slice %arg5[%add3A_12, %dma_wait3A_439] : memref<10240x128xf32, #tpu.memory_space<vmem_shared>> -> memref<128x128xf32, #tpu.memory_space<vmem_shared>>
      %dma_wait3A_441 = arith.constant 0 : i32
      %dma_wait3A_442 = tpu.memref_slice %arg5[%add3A_12, %dma_wait3A_441] : memref<10240x128xf32, #tpu.memory_space<vmem_shared>> -> memref<128x128xf32, #tpu.memory_space<vmem_shared>>
      %dma_wait3A_443 = arith.constant 0 : i32
      %dma_wait3A_444 = arith.constant 0 : i32
      %dma_wait3A_445 = tpu.memref_slice %arg8[%run_scoped3A_13, %dma_wait3A_443, %dma_wait3A_444] : memref<2x128x128xf32, #tpu.memory_space<vmem>> -> memref<1x128x128xf32, #tpu.memory_space<vmem>>
      %dma_wait3A_446 = tpu.memref_squeeze %dma_wait3A_445 : memref<1x128x128xf32, #tpu.memory_space<vmem>> -> memref<128x128xf32, #tpu.memory_space<vmem>>
      tpu.wait_dma2 semaphore(%run_scoped3A_422 : memref<!tpu.dma_semaphore, #tpu.memory_space<semaphore_mem>>) src(%dma_wait3A_446 : memref<128x128xf32, #tpu.memory_space<vmem>>) dst(%dma_wait3A_442 : memref<128x128xf32, #tpu.memory_space<vmem_shared>>)
      tpu.yield
    }) : () -> ()
    %add3A_14 = arith.constant 256 : i32
    %add3A_15 = arith.addi %mul3A_8, %add3A_14 : i32
    %run_scoped3A_16 = arith.constant 0 : i32
    "tpu.region"() ({
      %run_scoped3A_422 = tpu.sem_alloc : memref<!tpu.dma_semaphore, #tpu.memory_space<semaphore_mem>>
      %dma_start3A_423 = arith.constant 0 : i32
      %dma_start3A_424 = arith.constant 0 : i32
      %dma_start3A_425 = tpu.memref_slice %arg8[%run_scoped3A_16, %dma_start3A_423, %dma_start3A_424] : memref<2x128x128xf32, #tpu.memory_space<vmem>> -> memref<1x128x128xf32, #tpu.memory_space<vmem>>
      %dma_start3A_426 = tpu.memref_squeeze %dma_start3A_425 : memref<1x128x128xf32, #tpu.memory_space<vmem>> -> memref<128x128xf32, #tpu.memory_space<vmem>>
      %dma_start3A_427 = arith.constant 0 : i32
      %dma_start3A_428 = tpu.memref_slice %arg5[%add3A_15, %dma_start3A_427] : memref<10240x128xf32, #tpu.memory_space<vmem_shared>> -> memref<128x128xf32, #tpu.memory_space<vmem_shared>>
      %dma_start3A_429 = arith.constant 0 : i32
      %dma_start3A_430 = tpu.memref_slice %arg5[%add3A_15, %dma_start3A_429] : memref<10240x128xf32, #tpu.memory_space<vmem_shared>> -> memref<128x128xf32, #tpu.memory_space<vmem_shared>>
      %dma_start3A_431 = arith.constant 0 : i32
      %dma_start3A_432 = arith.constant 0 : i32
      %dma_start3A_433 = tpu.memref_slice %arg8[%run_scoped3A_16, %dma_start3A_431, %dma_start3A_432] : memref<2x128x128xf32, #tpu.memory_space<vmem>> -> memref<1x128x128xf32, #tpu.memory_space<vmem>>
      %dma_start3A_434 = tpu.memref_squeeze %dma_start3A_433 : memref<1x128x128xf32, #tpu.memory_space<vmem>> -> memref<128x128xf32, #tpu.memory_space<vmem>>
      tpu.enqueue_dma source(%dma_start3A_434 : memref<128x128xf32, #tpu.memory_space<vmem>>) target(%dma_start3A_430 : memref<128x128xf32, #tpu.memory_space<vmem_shared>>) target_semaphore(%run_scoped3A_422 : memref<!tpu.dma_semaphore, #tpu.memory_space<semaphore_mem>>)
      %dma_wait3A_435 = arith.constant 0 : i32
      %dma_wait3A_436 = arith.constant 0 : i32
      %dma_wait3A_437 = tpu.memref_slice %arg8[%run_scoped3A_16, %dma_wait3A_435, %dma_wait3A_436] : memref<2x128x128xf32, #tpu.memory_space<vmem>> -> memref<1x128x128xf32, #tpu.memory_space<vmem>>
      %dma_wait3A_438 = tpu.memref_squeeze %dma_wait3A_437 : memref<1x128x128xf32, #tpu.memory_space<vmem>> -> memref<128x128xf32, #tpu.memory_space<vmem>>
      %dma_wait3A_439 = arith.constant 0 : i32
      %dma_wait3A_440 = tpu.memref_slice %arg5[%add3A_15, %dma_wait3A_439] : memref<10240x128xf32, #tpu.memory_space<vmem_shared>> -> memref<128x128xf32, #tpu.memory_space<vmem_shared>>
      %dma_wait3A_441 = arith.constant 0 : i32
      %dma_wait3A_442 = tpu.memref_slice %arg5[%add3A_15, %dma_wait3A_441] : memref<10240x128xf32, #tpu.memory_space<vmem_shared>> -> memref<128x128xf32, #tpu.memory_space<vmem_shared>>
      %dma_wait3A_443 = arith.constant 0 : i32
      %dma_wait3A_444 = arith.constant 0 : i32
      %dma_wait3A_445 = tpu.memref_slice %arg8[%run_scoped3A_16, %dma_wait3A_443, %dma_wait3A_444] : memref<2x128x128xf32, #tpu.memory_space<vmem>> -> memref<1x128x128xf32, #tpu.memory_space<vmem>>
      %dma_wait3A_446 = tpu.memref_squeeze %dma_wait3A_445 : memref<1x128x128xf32, #tpu.memory_space<vmem>> -> memref<128x128xf32, #tpu.memory_space<vmem>>
      tpu.wait_dma2 semaphore(%run_scoped3A_422 : memref<!tpu.dma_semaphore, #tpu.memory_space<semaphore_mem>>) src(%dma_wait3A_446 : memref<128x128xf32, #tpu.memory_space<vmem>>) dst(%dma_wait3A_442 : memref<128x128xf32, #tpu.memory_space<vmem_shared>>)
      tpu.yield
    }) : () -> ()
    %add3A_17 = arith.constant 384 : i32
    %add3A_18 = arith.addi %mul3A_8, %add3A_17 : i32
    %run_scoped3A_19 = arith.constant 0 : i32
    "tpu.region"() ({
      %run_scoped3A_422 = tpu.sem_alloc : memref<!tpu.dma_semaphore, #tpu.memory_space<semaphore_mem>>
      %dma_start3A_423 = arith.constant 0 : i32
      %dma_start3A_424 = arith.constant 0 : i32
      %dma_start3A_425 = tpu.memref_slice %arg8[%run_scoped3A_19, %dma_start3A_423, %dma_start3A_424] : memref<2x128x128xf32, #tpu.memory_space<vmem>> -> memref<1x128x128xf32, #tpu.memory_space<vmem>>
      %dma_start3A_426 = tpu.memref_squeeze %dma_start3A_425 : memref<1x128x128xf32, #tpu.memory_space<vmem>> -> memref<128x128xf32, #tpu.memory_space<vmem>>
      %dma_start3A_427 = arith.constant 0 : i32
      %dma_start3A_428 = tpu.memref_slice %arg5[%add3A_18, %dma_start3A_427] : memref<10240x128xf32, #tpu.memory_space<vmem_shared>> -> memref<128x128xf32, #tpu.memory_space<vmem_shared>>
      %dma_start3A_429 = arith.constant 0 : i32
      %dma_start3A_430 = tpu.memref_slice %arg5[%add3A_18, %dma_start3A_429] : memref<10240x128xf32, #tpu.memory_space<vmem_shared>> -> memref<128x128xf32, #tpu.memory_space<vmem_shared>>
      %dma_start3A_431 = arith.constant 0 : i32
      %dma_start3A_432 = arith.constant 0 : i32
      %dma_start3A_433 = tpu.memref_slice %arg8[%run_scoped3A_19, %dma_start3A_431, %dma_start3A_432] : memref<2x128x128xf32, #tpu.memory_space<vmem>> -> memref<1x128x128xf32, #tpu.memory_space<vmem>>
      %dma_start3A_434 = tpu.memref_squeeze %dma_start3A_433 : memref<1x128x128xf32, #tpu.memory_space<vmem>> -> memref<128x128xf32, #tpu.memory_space<vmem>>
      tpu.enqueue_dma source(%dma_start3A_434 : memref<128x128xf32, #tpu.memory_space<vmem>>) target(%dma_start3A_430 : memref<128x128xf32, #tpu.memory_space<vmem_shared>>) target_semaphore(%run_scoped3A_422 : memref<!tpu.dma_semaphore, #tpu.memory_space<semaphore_mem>>)
      %dma_wait3A_435 = arith.constant 0 : i32
      %dma_wait3A_436 = arith.constant 0 : i32
      %dma_wait3A_437 = tpu.memref_slice %arg8[%run_scoped3A_19, %dma_wait3A_435, %dma_wait3A_436] : memref<2x128x128xf32, #tpu.memory_space<vmem>> -> memref<1x128x128xf32, #tpu.memory_space<vmem>>
      %dma_wait3A_438 = tpu.memref_squeeze %dma_wait3A_437 : memref<1x128x128xf32, #tpu.memory_space<vmem>> -> memref<128x128xf32, #tpu.memory_space<vmem>>
      %dma_wait3A_439 = arith.constant 0 : i32
      %dma_wait3A_440 = tpu.memref_slice %arg5[%add3A_18, %dma_wait3A_439] : memref<10240x128xf32, #tpu.memory_space<vmem_shared>> -> memref<128x128xf32, #tpu.memory_space<vmem_shared>>
      %dma_wait3A_441 = arith.constant 0 : i32
      %dma_wait3A_442 = tpu.memref_slice %arg5[%add3A_18, %dma_wait3A_441] : memref<10240x128xf32, #tpu.memory_space<vmem_shared>> -> memref<128x128xf32, #tpu.memory_space<vmem_shared>>
      %dma_wait3A_443 = arith.constant 0 : i32
      %dma_wait3A_444 = arith.constant 0 : i32
      %dma_wait3A_445 = tpu.memref_slice %arg8[%run_scoped3A_19, %dma_wait3A_443, %dma_wait3A_444] : memref<2x128x128xf32, #tpu.memory_space<vmem>> -> memref<1x128x128xf32, #tpu.memory_space<vmem>>
      %dma_wait3A_446 = tpu.memref_squeeze %dma_wait3A_445 : memref<1x128x128xf32, #tpu.memory_space<vmem>> -> memref<128x128xf32, #tpu.memory_space<vmem>>
      tpu.wait_dma2 semaphore(%run_scoped3A_422 : memref<!tpu.dma_semaphore, #tpu.memory_space<semaphore_mem>>) src(%dma_wait3A_446 : memref<128x128xf32, #tpu.memory_space<vmem>>) dst(%dma_wait3A_442 : memref<128x128xf32, #tpu.memory_space<vmem_shared>>)
      tpu.yield
    }) : () -> ()
    %add3A_20 = arith.constant 512 : i32
    %add3A_21 = arith.addi %mul3A_8, %add3A_20 : i32
    %run_scoped3A_22 = arith.constant 0 : i32
    "tpu.region"() ({
      %run_scoped3A_422 = tpu.sem_alloc : memref<!tpu.dma_semaphore, #tpu.memory_space<semaphore_mem>>
      %dma_start3A_423 = arith.constant 0 : i32
      %dma_start3A_424 = arith.constant 0 : i32
      %dma_start3A_425 = tpu.memref_slice %arg8[%run_scoped3A_22, %dma_start3A_423, %dma_start3A_424] : memref<2x128x128xf32, #tpu.memory_space<vmem>> -> memref<1x128x128xf32, #tpu.memory_space<vmem>>
      %dma_start3A_426 = tpu.memref_squeeze %dma_start3A_425 : memref<1x128x128xf32, #tpu.memory_space<vmem>> -> memref<128x128xf32, #tpu.memory_space<vmem>>
      %dma_start3A_427 = arith.constant 0 : i32
      %dma_start3A_428 = tpu.memref_slice %arg5[%add3A_21, %dma_start3A_427] : memref<10240x128xf32, #tpu.memory_space<vmem_shared>> -> memref<128x128xf32, #tpu.memory_space<vmem_shared>>
      %dma_start3A_429 = arith.constant 0 : i32
      %dma_start3A_430 = tpu.memref_slice %arg5[%add3A_21, %dma_start3A_429] : memref<10240x128xf32, #tpu.memory_space<vmem_shared>> -> memref<128x128xf32, #tpu.memory_space<vmem_shared>>
      %dma_start3A_431 = arith.constant 0 : i32
      %dma_start3A_432 = arith.constant 0 : i32
      %dma_start3A_433 = tpu.memref_slice %arg8[%run_scoped3A_22, %dma_start3A_431, %dma_start3A_432] : memref<2x128x128xf32, #tpu.memory_space<vmem>> -> memref<1x128x128xf32, #tpu.memory_space<vmem>>
      %dma_start3A_434 = tpu.memref_squeeze %dma_start3A_433 : memref<1x128x128xf32, #tpu.memory_space<vmem>> -> memref<128x128xf32, #tpu.memory_space<vmem>>
      tpu.enqueue_dma source(%dma_start3A_434 : memref<128x128xf32, #tpu.memory_space<vmem>>) target(%dma_start3A_430 : memref<128x128xf32, #tpu.memory_space<vmem_shared>>) target_semaphore(%run_scoped3A_422 : memref<!tpu.dma_semaphore, #tpu.memory_space<semaphore_mem>>)
      %dma_wait3A_435 = arith.constant 0 : i32
      %dma_wait3A_436 = arith.constant 0 : i32
      %dma_wait3A_437 = tpu.memref_slice %arg8[%run_scoped3A_22, %dma_wait3A_435, %dma_wait3A_436] : memref<2x128x128xf32, #tpu.memory_space<vmem>> -> memref<1x128x128xf32, #tpu.memory_space<vmem>>
      %dma_wait3A_438 = tpu.memref_squeeze %dma_wait3A_437 : memref<1x128x128xf32, #tpu.memory_space<vmem>> -> memref<128x128xf32, #tpu.memory_space<vmem>>
      %dma_wait3A_439 = arith.constant 0 : i32
      %dma_wait3A_440 = tpu.memref_slice %arg5[%add3A_21, %dma_wait3A_439] : memref<10240x128xf32, #tpu.memory_space<vmem_shared>> -> memref<128x128xf32, #tpu.memory_space<vmem_shared>>
      %dma_wait3A_441 = arith.constant 0 : i32
      %dma_wait3A_442 = tpu.memref_slice %arg5[%add3A_21, %dma_wait3A_441] : memref<10240x128xf32, #tpu.memory_space<vmem_shared>> -> memref<128x128xf32, #tpu.memory_space<vmem_shared>>
      %dma_wait3A_443 = arith.constant 0 : i32
      %dma_wait3A_444 = arith.constant 0 : i32
      %dma_wait3A_445 = tpu.memref_slice %arg8[%run_scoped3A_22, %dma_wait3A_443, %dma_wait3A_444] : memref<2x128x128xf32, #tpu.memory_space<vmem>> -> memref<1x128x128xf32, #tpu.memory_space<vmem>>
      %dma_wait3A_446 = tpu.memref_squeeze %dma_wait3A_445 : memref<1x128x128xf32, #tpu.memory_space<vmem>> -> memref<128x128xf32, #tpu.memory_space<vmem>>
      tpu.wait_dma2 semaphore(%run_scoped3A_422 : memref<!tpu.dma_semaphore, #tpu.memory_space<semaphore_mem>>) src(%dma_wait3A_446 : memref<128x128xf32, #tpu.memory_space<vmem>>) dst(%dma_wait3A_442 : memref<128x128xf32, #tpu.memory_space<vmem_shared>>)
      tpu.yield
    }) : () -> ()
    %barrier3A = arith.constant 0 : index
    tpu.barrier barrier_id(%barrier3A)
    %run_scoped3A_23 = arith.constant 0 : i32
    "tpu.region"() ({
      %run_scoped3A_422 = tpu.sem_alloc : memref<!tpu.dma_semaphore, #tpu.memory_space<semaphore_mem>>
      %dma_start3A_423 = arith.constant 0 : i32
      %dma_start3A_424 = arith.constant 0 : i32
      %dma_start3A_425 = tpu.memref_slice %arg3[%run_scoped3A_23, %add3A, %dma_start3A_423, %dma_start3A_424] : memref<2x32x80x128xi32, #tpu.memory_space<hbm>> -> memref<1x1x40x128xi32, #tpu.memory_space<hbm>>
      %dma_start3A_426 = tpu.memref_squeeze %dma_start3A_425 : memref<1x1x40x128xi32, #tpu.memory_space<hbm>> -> memref<40x128xi32, #tpu.memory_space<hbm>>
      %dma_start3A_427 = arith.constant 0 : i32
      %dma_start3A_428 = arith.constant 0 : i32
      %dma_start3A_429 = tpu.memref_slice %arg3[%run_scoped3A_23, %add3A, %dma_start3A_427, %dma_start3A_428] : memref<2x32x80x128xi32, #tpu.memory_space<hbm>> -> memref<1x1x40x128xi32, #tpu.memory_space<hbm>>
      %dma_start3A_430 = tpu.memref_squeeze %dma_start3A_429 : memref<1x1x40x128xi32, #tpu.memory_space<hbm>> -> memref<40x128xi32, #tpu.memory_space<hbm>>
      tpu.enqueue_dma source(%dma_start3A_430 : memref<40x128xi32, #tpu.memory_space<hbm>>) target(%arg6 : memref<40x128xi32, #tpu.memory_space<vmem>>) target_semaphore(%run_scoped3A_422 : memref<!tpu.dma_semaphore, #tpu.memory_space<semaphore_mem>>)
      %dma_wait3A_431 = arith.constant 0 : i32
      %dma_wait3A_432 = arith.constant 0 : i32
      %dma_wait3A_433 = tpu.memref_slice %arg3[%run_scoped3A_23, %add3A, %dma_wait3A_431, %dma_wait3A_432] : memref<2x32x80x128xi32, #tpu.memory_space<hbm>> -> memref<1x1x40x128xi32, #tpu.memory_space<hbm>>
      %dma_wait3A_434 = tpu.memref_squeeze %dma_wait3A_433 : memref<1x1x40x128xi32, #tpu.memory_space<hbm>> -> memref<40x128xi32, #tpu.memory_space<hbm>>
      %dma_wait3A_435 = arith.constant 0 : i32
      %dma_wait3A_436 = arith.constant 0 : i32
      %dma_wait3A_437 = tpu.memref_slice %arg3[%run_scoped3A_23, %add3A, %dma_wait3A_435, %dma_wait3A_436] : memref<2x32x80x128xi32, #tpu.memory_space<hbm>> -> memref<1x1x40x128xi32, #tpu.memory_space<hbm>>
      %dma_wait3A_438 = tpu.memref_squeeze %dma_wait3A_437 : memref<1x1x40x128xi32, #tpu.memory_space<hbm>> -> memref<40x128xi32, #tpu.memory_space<hbm>>
      tpu.wait_dma2 semaphore(%run_scoped3A_422 : memref<!tpu.dma_semaphore, #tpu.memory_space<semaphore_mem>>) src(%dma_wait3A_438 : memref<40x128xi32, #tpu.memory_space<hbm>>) dst(%arg6 : memref<40x128xi32, #tpu.memory_space<vmem>>)
      tpu.yield
    }) : () -> ()
    %run_scoped3A_24 = arith.constant 1 : i32
    "tpu.region"() ({
      %run_scoped3A_422 = tpu.sem_alloc : memref<!tpu.dma_semaphore, #tpu.memory_space<semaphore_mem>>
      %dma_start3A_423 = arith.constant 0 : i32
      %dma_start3A_424 = arith.constant 0 : i32
      %dma_start3A_425 = tpu.memref_slice %arg3[%run_scoped3A_24, %add3A, %dma_start3A_423, %dma_start3A_424] : memref<2x32x80x128xi32, #tpu.memory_space<hbm>> -> memref<1x1x40x128xi32, #tpu.memory_space<hbm>>
      %dma_start3A_426 = tpu.memref_squeeze %dma_start3A_425 : memref<1x1x40x128xi32, #tpu.memory_space<hbm>> -> memref<40x128xi32, #tpu.memory_space<hbm>>
      %dma_start3A_427 = arith.constant 0 : i32
      %dma_start3A_428 = arith.constant 0 : i32
      %dma_start3A_429 = tpu.memref_slice %arg3[%run_scoped3A_24, %add3A, %dma_start3A_427, %dma_start3A_428] : memref<2x32x80x128xi32, #tpu.memory_space<hbm>> -> memref<1x1x40x128xi32, #tpu.memory_space<hbm>>
      %dma_start3A_430 = tpu.memref_squeeze %dma_start3A_429 : memref<1x1x40x128xi32, #tpu.memory_space<hbm>> -> memref<40x128xi32, #tpu.memory_space<hbm>>
      tpu.enqueue_dma source(%dma_start3A_430 : memref<40x128xi32, #tpu.memory_space<hbm>>) target(%arg7 : memref<40x128xi32, #tpu.memory_space<vmem>>) target_semaphore(%run_scoped3A_422 : memref<!tpu.dma_semaphore, #tpu.memory_space<semaphore_mem>>)
      %dma_wait3A_431 = arith.constant 0 : i32
      %dma_wait3A_432 = arith.constant 0 : i32
      %dma_wait3A_433 = tpu.memref_slice %arg3[%run_scoped3A_24, %add3A, %dma_wait3A_431, %dma_wait3A_432] : memref<2x32x80x128xi32, #tpu.memory_space<hbm>> -> memref<1x1x40x128xi32, #tpu.memory_space<hbm>>
      %dma_wait3A_434 = tpu.memref_squeeze %dma_wait3A_433 : memref<1x1x40x128xi32, #tpu.memory_space<hbm>> -> memref<40x128xi32, #tpu.memory_space<hbm>>
      %dma_wait3A_435 = arith.constant 0 : i32
      %dma_wait3A_436 = arith.constant 0 : i32
      %dma_wait3A_437 = tpu.memref_slice %arg3[%run_scoped3A_24, %add3A, %dma_wait3A_435, %dma_wait3A_436] : memref<2x32x80x128xi32, #tpu.memory_space<hbm>> -> memref<1x1x40x128xi32, #tpu.memory_space<hbm>>
      %dma_wait3A_438 = tpu.memref_squeeze %dma_wait3A_437 : memref<1x1x40x128xi32, #tpu.memory_space<hbm>> -> memref<40x128xi32, #tpu.memory_space<hbm>>
      tpu.wait_dma2 semaphore(%run_scoped3A_422 : memref<!tpu.dma_semaphore, #tpu.memory_space<semaphore_mem>>) src(%dma_wait3A_438 : memref<40x128xi32, #tpu.memory_space<hbm>>) dst(%arg7 : memref<40x128xi32, #tpu.memory_space<vmem>>)
      tpu.yield
    }) : () -> ()
    %dma_start3A = arith.constant 0 : i32
    %dma_start3A_25 = arith.constant 0 : i32
    %dma_start3A_26 = arith.constant 0 : i32
    %dma_start3A_27 = arith.constant 0 : i32
    %dma_start3A_28 = tpu.memref_slice %arg8[%dma_start3A_25, %dma_start3A_26, %dma_start3A_27] : memref<2x128x128xf32, #tpu.memory_space<vmem>> -> memref<1x128x128xf32, #tpu.memory_space<vmem>>
    %dma_start3A_29 = tpu.memref_squeeze %dma_start3A_28 : memref<1x128x128xf32, #tpu.memory_space<vmem>> -> memref<128x128xf32, #tpu.memory_space<vmem>>
    %dma_start3A_30 = arith.constant 0 : i32
    %dma_start3A_31 = tpu.memref_slice %arg6[%dma_start3A, %dma_start3A_30] : memref<40x128xi32, #tpu.memory_space<vmem>> -> memref<1x128xi32, #tpu.memory_space<vmem>>
    %dma_start3A_32 = tpu.memref_squeeze %dma_start3A_31 : memref<1x128xi32, #tpu.memory_space<vmem>> -> memref<128xi32, #tpu.memory_space<vmem>>
    %dma_start3A_33 = arith.constant 0 : i32
    %dma_start3A_34 = arith.constant 0 : i32
    %dma_start3A_35 = tpu.memref_slice %arg2[%dma_start3A_33, %dma_start3A_34] : memref<10240x128xf32, #tpu.memory_space<hbm>> -> memref<10240x128xf32, #tpu.memory_space<hbm>>
    tpu.enqueue_indirect_dma source(%dma_start3A_35 : memref<10240x128xf32, #tpu.memory_space<hbm>>) target(%dma_start3A_29 : memref<128x128xf32, #tpu.memory_space<vmem>>) offsets(%dma_start3A_32 : memref<128xi32, #tpu.memory_space<vmem>>) semaphore(%arg9 : memref<!tpu.dma_semaphore, #tpu.memory_space<semaphore_mem>>)
    %dma_wait3A = arith.constant 0 : i32
    %dma_wait3A_36 = arith.constant 0 : i32
    %dma_wait3A_37 = arith.constant 0 : i32
    %dma_wait3A_38 = arith.constant 0 : i32
    %dma_wait3A_39 = tpu.memref_slice %arg8[%dma_wait3A_36, %dma_wait3A_37, %dma_wait3A_38] : memref<2x128x128xf32, #tpu.memory_space<vmem>> -> memref<1x128x128xf32, #tpu.memory_space<vmem>>
    %dma_wait3A_40 = tpu.memref_squeeze %dma_wait3A_39 : memref<1x128x128xf32, #tpu.memory_space<vmem>> -> memref<128x128xf32, #tpu.memory_space<vmem>>
    %dma_wait3A_41 = arith.constant 0 : i32
    %dma_wait3A_42 = tpu.memref_slice %arg6[%dma_wait3A, %dma_wait3A_41] : memref<40x128xi32, #tpu.memory_space<vmem>> -> memref<1x128xi32, #tpu.memory_space<vmem>>
    %dma_wait3A_43 = tpu.memref_squeeze %dma_wait3A_42 : memref<1x128xi32, #tpu.memory_space<vmem>> -> memref<128xi32, #tpu.memory_space<vmem>>
    %dma_wait3A_44 = arith.constant 0 : i32
    %dma_wait3A_45 = arith.constant 0 : i32
    %dma_wait3A_46 = tpu.memref_slice %arg2[%dma_wait3A_44, %dma_wait3A_45] : memref<10240x128xf32, #tpu.memory_space<hbm>> -> memref<10240x128xf32, #tpu.memory_space<hbm>>
    tpu.wait_indirect_dma semaphore(%arg9 : memref<!tpu.dma_semaphore, #tpu.memory_space<semaphore_mem>>) src(%dma_wait3A_46 : memref<10240x128xf32, #tpu.memory_space<hbm>>) dst(%dma_wait3A_40 : memref<128x128xf32, #tpu.memory_space<vmem>>)
    %dma_start3A_47 = arith.constant 0 : i32
    %dma_start3A_48 = arith.constant 0 : i32
    %dma_start3A_49 = arith.constant 0 : i32
    %dma_start3A_50 = arith.constant 0 : i32
    %dma_start3A_51 = tpu.memref_slice %arg8[%dma_start3A_47, %dma_start3A_49, %dma_start3A_50] : memref<2x128x128xf32, #tpu.memory_space<vmem>> -> memref<1x128x128xf32, #tpu.memory_space<vmem>>
    %dma_start3A_52 = tpu.memref_squeeze %dma_start3A_51 : memref<1x128x128xf32, #tpu.memory_space<vmem>> -> memref<128x128xf32, #tpu.memory_space<vmem>>
    %dma_start3A_53 = arith.constant 0 : i32
    %dma_start3A_54 = tpu.memref_slice %arg7[%dma_start3A_48, %dma_start3A_53] : memref<40x128xi32, #tpu.memory_space<vmem>> -> memref<1x128xi32, #tpu.memory_space<vmem>>
    %dma_start3A_55 = tpu.memref_squeeze %dma_start3A_54 : memref<1x128xi32, #tpu.memory_space<vmem>> -> memref<128xi32, #tpu.memory_space<vmem>>
    %dma_start3A_56 = arith.constant 0 : i32
    %dma_start3A_57 = arith.constant 0 : i32
    %dma_start3A_58 = tpu.memref_slice %arg5[%dma_start3A_56, %dma_start3A_57] : memref<10240x128xf32, #tpu.memory_space<vmem_shared>> -> memref<10240x128xf32, #tpu.memory_space<vmem_shared>>
    tpu.enqueue_indirect_dma source(%dma_start3A_52 : memref<128x128xf32, #tpu.memory_space<vmem>>) target(%dma_start3A_58 : memref<10240x128xf32, #tpu.memory_space<vmem_shared>>) offsets(%dma_start3A_55 : memref<128xi32, #tpu.memory_space<vmem>>) semaphore(%arg11 : memref<!tpu.dma_semaphore, #tpu.memory_space<semaphore_mem>>) {add = true}
    %dma_start3A_59 = arith.constant 1 : i32
    %dma_start3A_60 = arith.constant 1 : i32
    %dma_start3A_61 = arith.constant 0 : i32
    %dma_start3A_62 = arith.constant 0 : i32
    %dma_start3A_63 = tpu.memref_slice %arg8[%dma_start3A_60, %dma_start3A_61, %dma_start3A_62] : memref<2x128x128xf32, #tpu.memory_space<vmem>> -> memref<1x128x128xf32, #tpu.memory_space<vmem>>
    %dma_start3A_64 = tpu.memref_squeeze %dma_start3A_63 : memref<1x128x128xf32, #tpu.memory_space<vmem>> -> memref<128x128xf32, #tpu.memory_space<vmem>>
    %dma_start3A_65 = arith.constant 0 : i32
    %dma_start3A_66 = tpu.memref_slice %arg6[%dma_start3A_59, %dma_start3A_65] : memref<40x128xi32, #tpu.memory_space<vmem>> -> memref<1x128xi32, #tpu.memory_space<vmem>>
    %dma_start3A_67 = tpu.memref_squeeze %dma_start3A_66 : memref<1x128xi32, #tpu.memory_space<vmem>> -> memref<128xi32, #tpu.memory_space<vmem>>
    %dma_start3A_68 = arith.constant 0 : i32
    %dma_start3A_69 = arith.constant 0 : i32
    %dma_start3A_70 = tpu.memref_slice %arg2[%dma_start3A_68, %dma_start3A_69] : memref<10240x128xf32, #tpu.memory_space<hbm>> -> memref<10240x128xf32, #tpu.memory_space<hbm>>
    tpu.enqueue_indirect_dma source(%dma_start3A_70 : memref<10240x128xf32, #tpu.memory_space<hbm>>) target(%dma_start3A_64 : memref<128x128xf32, #tpu.memory_space<vmem>>) offsets(%dma_start3A_67 : memref<128xi32, #tpu.memory_space<vmem>>) semaphore(%arg10 : memref<!tpu.dma_semaphore, #tpu.memory_space<semaphore_mem>>)
    %dma_wait3A_71 = arith.constant 1 : i32
    %dma_wait3A_72 = arith.constant 1 : i32
    %dma_wait3A_73 = arith.constant 0 : i32
    %dma_wait3A_74 = arith.constant 0 : i32
    %dma_wait3A_75 = tpu.memref_slice %arg8[%dma_wait3A_72, %dma_wait3A_73, %dma_wait3A_74] : memref<2x128x128xf32, #tpu.memory_space<vmem>> -> memref<1x128x128xf32, #tpu.memory_space<vmem>>
    %dma_wait3A_76 = tpu.memref_squeeze %dma_wait3A_75 : memref<1x128x128xf32, #tpu.memory_space<vmem>> -> memref<128x128xf32, #tpu.memory_space<vmem>>
    %dma_wait3A_77 = arith.constant 0 : i32
    %dma_wait3A_78 = tpu.memref_slice %arg6[%dma_wait3A_71, %dma_wait3A_77] : memref<40x128xi32, #tpu.memory_space<vmem>> -> memref<1x128xi32, #tpu.memory_space<vmem>>
    %dma_wait3A_79 = tpu.memref_squeeze %dma_wait3A_78 : memref<1x128xi32, #tpu.memory_space<vmem>> -> memref<128xi32, #tpu.memory_space<vmem>>
    %dma_wait3A_80 = arith.constant 0 : i32
    %dma_wait3A_81 = arith.constant 0 : i32
    %dma_wait3A_82 = tpu.memref_slice %arg2[%dma_wait3A_80, %dma_wait3A_81] : memref<10240x128xf32, #tpu.memory_space<hbm>> -> memref<10240x128xf32, #tpu.memory_space<hbm>>
    tpu.wait_indirect_dma semaphore(%arg10 : memref<!tpu.dma_semaphore, #tpu.memory_space<semaphore_mem>>) src(%dma_wait3A_82 : memref<10240x128xf32, #tpu.memory_space<hbm>>) dst(%dma_wait3A_76 : memref<128x128xf32, #tpu.memory_space<vmem>>)
    %dma_start3A_83 = arith.constant 1 : i32
    %dma_start3A_84 = arith.constant 1 : i32
    %dma_start3A_85 = arith.constant 0 : i32
    %dma_start3A_86 = arith.constant 0 : i32
    %dma_start3A_87 = tpu.memref_slice %arg8[%dma_start3A_83, %dma_start3A_85, %dma_start3A_86] : memref<2x128x128xf32, #tpu.memory_space<vmem>> -> memref<1x128x128xf32, #tpu.memory_space<vmem>>
    %dma_start3A_88 = tpu.memref_squeeze %dma_start3A_87 : memref<1x128x128xf32, #tpu.memory_space<vmem>> -> memref<128x128xf32, #tpu.memory_space<vmem>>
    %dma_start3A_89 = arith.constant 0 : i32
    %dma_start3A_90 = tpu.memref_slice %arg7[%dma_start3A_84, %dma_start3A_89] : memref<40x128xi32, #tpu.memory_space<vmem>> -> memref<1x128xi32, #tpu.memory_space<vmem>>
    %dma_start3A_91 = tpu.memref_squeeze %dma_start3A_90 : memref<1x128xi32, #tpu.memory_space<vmem>> -> memref<128xi32, #tpu.memory_space<vmem>>
    %dma_start3A_92 = arith.constant 0 : i32
    %dma_start3A_93 = arith.constant 0 : i32
    %dma_start3A_94 = tpu.memref_slice %arg5[%dma_start3A_92, %dma_start3A_93] : memref<10240x128xf32, #tpu.memory_space<vmem_shared>> -> memref<10240x128xf32, #tpu.memory_space<vmem_shared>>
    tpu.enqueue_indirect_dma source(%dma_start3A_88 : memref<128x128xf32, #tpu.memory_space<vmem>>) target(%dma_start3A_94 : memref<10240x128xf32, #tpu.memory_space<vmem_shared>>) offsets(%dma_start3A_91 : memref<128xi32, #tpu.memory_space<vmem>>) semaphore(%arg12 : memref<!tpu.dma_semaphore, #tpu.memory_space<semaphore_mem>>) {add = true}
    %dma_wait3A_95 = arith.constant 0 : i32
    %dma_wait3A_96 = arith.constant 0 : i32
    %dma_wait3A_97 = arith.constant 0 : i32
    %dma_wait3A_98 = arith.constant 0 : i32
    %dma_wait3A_99 = tpu.memref_slice %arg8[%dma_wait3A_95, %dma_wait3A_97, %dma_wait3A_98] : memref<2x128x128xf32, #tpu.memory_space<vmem>> -> memref<1x128x128xf32, #tpu.memory_space<vmem>>
    %dma_wait3A_100 = tpu.memref_squeeze %dma_wait3A_99 : memref<1x128x128xf32, #tpu.memory_space<vmem>> -> memref<128x128xf32, #tpu.memory_space<vmem>>
    %dma_wait3A_101 = arith.constant 0 : i32
    %dma_wait3A_102 = tpu.memref_slice %arg7[%dma_wait3A_96, %dma_wait3A_101] : memref<40x128xi32, #tpu.memory_space<vmem>> -> memref<1x128xi32, #tpu.memory_space<vmem>>
    %dma_wait3A_103 = tpu.memref_squeeze %dma_wait3A_102 : memref<1x128xi32, #tpu.memory_space<vmem>> -> memref<128xi32, #tpu.memory_space<vmem>>
    %dma_wait3A_104 = arith.constant 0 : i32
    %dma_wait3A_105 = arith.constant 0 : i32
    %dma_wait3A_106 = tpu.memref_slice %arg5[%dma_wait3A_104, %dma_wait3A_105] : memref<10240x128xf32, #tpu.memory_space<vmem_shared>> -> memref<10240x128xf32, #tpu.memory_space<vmem_shared>>
    tpu.wait_indirect_dma semaphore(%arg11 : memref<!tpu.dma_semaphore, #tpu.memory_space<semaphore_mem>>) src(%dma_wait3A_100 : memref<128x128xf32, #tpu.memory_space<vmem>>) dst(%dma_wait3A_106 : memref<10240x128xf32, #tpu.memory_space<vmem_shared>>)
    %dma_start3A_107 = arith.constant 2 : i32
    %dma_start3A_108 = arith.constant 0 : i32
    %dma_start3A_109 = arith.constant 0 : i32
    %dma_start3A_110 = arith.constant 0 : i32
    %dma_start3A_111 = tpu.memref_slice %arg8[%dma_start3A_108, %dma_start3A_109, %dma_start3A_110] : memref<2x128x128xf32, #tpu.memory_space<vmem>> -> memref<1x128x128xf32, #tpu.memory_space<vmem>>
    %dma_start3A_112 = tpu.memref_squeeze %dma_start3A_111 : memref<1x128x128xf32, #tpu.memory_space<vmem>> -> memref<128x128xf32, #tpu.memory_space<vmem>>
    %dma_start3A_113 = arith.constant 0 : i32
    %dma_start3A_114 = tpu.memref_slice %arg6[%dma_start3A_107, %dma_start3A_113] : memref<40x128xi32, #tpu.memory_space<vmem>> -> memref<1x128xi32, #tpu.memory_space<vmem>>
    %dma_start3A_115 = tpu.memref_squeeze %dma_start3A_114 : memref<1x128xi32, #tpu.memory_space<vmem>> -> memref<128xi32, #tpu.memory_space<vmem>>
    %dma_start3A_116 = arith.constant 0 : i32
    %dma_start3A_117 = arith.constant 0 : i32
    %dma_start3A_118 = tpu.memref_slice %arg2[%dma_start3A_116, %dma_start3A_117] : memref<10240x128xf32, #tpu.memory_space<hbm>> -> memref<10240x128xf32, #tpu.memory_space<hbm>>
    tpu.enqueue_indirect_dma source(%dma_start3A_118 : memref<10240x128xf32, #tpu.memory_space<hbm>>) target(%dma_start3A_112 : memref<128x128xf32, #tpu.memory_space<vmem>>) offsets(%dma_start3A_115 : memref<128xi32, #tpu.memory_space<vmem>>) semaphore(%arg9 : memref<!tpu.dma_semaphore, #tpu.memory_space<semaphore_mem>>)
    %scan3A_119 = arith.constant 0 : i32
    %scan3A_120 = arith.constant 1 : i32
    %scan3A_121 = arith.constant 18 : i32
    %scan3A_122 = arith.addi %scan3A_120, %scan3A_121 : i32
    %scan3A_123 = arith.constant 1 : i32
    scf.for %scan3A_422 = %scan3A_120 to %scan3A_122 step %scan3A_123  : i32 {
      %mul3A_423 = arith.constant 2 : i32
      %mul3A_424 = arith.muli %scan3A_422, %mul3A_423 : i32
      %add3A_425 = arith.constant 0 : i32
      %add3A_426 = arith.addi %mul3A_424, %add3A_425 : i32
      %dma_wait3A_427 = arith.constant 0 : i32
      %dma_wait3A_428 = arith.constant 0 : i32
      %dma_wait3A_429 = arith.constant 0 : i32
      %dma_wait3A_430 = tpu.memref_slice %arg8[%dma_wait3A_427, %dma_wait3A_428, %dma_wait3A_429] : memref<2x128x128xf32, #tpu.memory_space<vmem>> -> memref<1x128x128xf32, #tpu.memory_space<vmem>>
      %dma_wait3A_431 = tpu.memref_squeeze %dma_wait3A_430 : memref<1x128x128xf32, #tpu.memory_space<vmem>> -> memref<128x128xf32, #tpu.memory_space<vmem>>
      %dma_wait3A_432 = arith.constant 0 : i32
      %dma_wait3A_433 = tpu.memref_slice %arg6[%add3A_426, %dma_wait3A_432] : memref<40x128xi32, #tpu.memory_space<vmem>> -> memref<1x128xi32, #tpu.memory_space<vmem>>
      %dma_wait3A_434 = tpu.memref_squeeze %dma_wait3A_433 : memref<1x128xi32, #tpu.memory_space<vmem>> -> memref<128xi32, #tpu.memory_space<vmem>>
      %dma_wait3A_435 = arith.constant 0 : i32
      %dma_wait3A_436 = arith.constant 0 : i32
      %dma_wait3A_437 = tpu.memref_slice %arg2[%dma_wait3A_435, %dma_wait3A_436] : memref<10240x128xf32, #tpu.memory_space<hbm>> -> memref<10240x128xf32, #tpu.memory_space<hbm>>
      tpu.wait_indirect_dma semaphore(%arg9 : memref<!tpu.dma_semaphore, #tpu.memory_space<semaphore_mem>>) src(%dma_wait3A_437 : memref<10240x128xf32, #tpu.memory_space<hbm>>) dst(%dma_wait3A_431 : memref<128x128xf32, #tpu.memory_space<vmem>>)
      %dma_start3A_438 = arith.constant 0 : i32
      %dma_start3A_439 = arith.constant 0 : i32
      %dma_start3A_440 = arith.constant 0 : i32
      %dma_start3A_441 = tpu.memref_slice %arg8[%dma_start3A_438, %dma_start3A_439, %dma_start3A_440] : memref<2x128x128xf32, #tpu.memory_space<vmem>> -> memref<1x128x128xf32, #tpu.memory_space<vmem>>
      %dma_start3A_442 = tpu.memref_squeeze %dma_start3A_441 : memref<1x128x128xf32, #tpu.memory_space<vmem>> -> memref<128x128xf32, #tpu.memory_space<vmem>>
      %dma_start3A_443 = arith.constant 0 : i32
      %dma_start3A_444 = tpu.memref_slice %arg7[%add3A_426, %dma_start3A_443] : memref<40x128xi32, #tpu.memory_space<vmem>> -> memref<1x128xi32, #tpu.memory_space<vmem>>
      %dma_start3A_445 = tpu.memref_squeeze %dma_start3A_444 : memref<1x128xi32, #tpu.memory_space<vmem>> -> memref<128xi32, #tpu.memory_space<vmem>>
      %dma_start3A_446 = arith.constant 0 : i32
      %dma_start3A_447 = arith.constant 0 : i32
      %dma_start3A_448 = tpu.memref_slice %arg5[%dma_start3A_446, %dma_start3A_447] : memref<10240x128xf32, #tpu.memory_space<vmem_shared>> -> memref<10240x128xf32, #tpu.memory_space<vmem_shared>>
      tpu.enqueue_indirect_dma source(%dma_start3A_442 : memref<128x128xf32, #tpu.memory_space<vmem>>) target(%dma_start3A_448 : memref<10240x128xf32, #tpu.memory_space<vmem_shared>>) offsets(%dma_start3A_445 : memref<128xi32, #tpu.memory_space<vmem>>) semaphore(%arg11 : memref<!tpu.dma_semaphore, #tpu.memory_space<semaphore_mem>>) {add = true}
      %dma_wait3A_449 = arith.constant 1 : i32
      %dma_wait3A_450 = arith.constant 0 : i32
      %dma_wait3A_451 = arith.constant 0 : i32
      %dma_wait3A_452 = arith.constant 0 : i32
      %dma_wait3A_453 = tpu.memref_slice %arg8[%dma_wait3A_449, %dma_wait3A_451, %dma_wait3A_452] : memref<2x128x128xf32, #tpu.memory_space<vmem>> -> memref<1x128x128xf32, #tpu.memory_space<vmem>>
      %dma_wait3A_454 = tpu.memref_squeeze %dma_wait3A_453 : memref<1x128x128xf32, #tpu.memory_space<vmem>> -> memref<128x128xf32, #tpu.memory_space<vmem>>
      %dma_wait3A_455 = arith.constant 0 : i32
      %dma_wait3A_456 = tpu.memref_slice %arg7[%dma_wait3A_450, %dma_wait3A_455] : memref<40x128xi32, #tpu.memory_space<vmem>> -> memref<1x128xi32, #tpu.memory_space<vmem>>
      %dma_wait3A_457 = tpu.memref_squeeze %dma_wait3A_456 : memref<1x128xi32, #tpu.memory_space<vmem>> -> memref<128xi32, #tpu.memory_space<vmem>>
      %dma_wait3A_458 = arith.constant 0 : i32
      %dma_wait3A_459 = arith.constant 0 : i32
      %dma_wait3A_460 = tpu.memref_slice %arg5[%dma_wait3A_458, %dma_wait3A_459] : memref<10240x128xf32, #tpu.memory_space<vmem_shared>> -> memref<10240x128xf32, #tpu.memory_space<vmem_shared>>
      tpu.wait_indirect_dma semaphore(%arg12 : memref<!tpu.dma_semaphore, #tpu.memory_space<semaphore_mem>>) src(%dma_wait3A_454 : memref<128x128xf32, #tpu.memory_space<vmem>>) dst(%dma_wait3A_460 : memref<10240x128xf32, #tpu.memory_space<vmem_shared>>)
      %add3A_461 = arith.constant 2 : i32
      %add3A_462 = arith.addi %add3A_426, %add3A_461 : i32
      %sub3A = arith.constant 1 : i32
      %sub3A_463 = arith.subi %add3A_462, %sub3A : i32
      %dma_start3A_464 = arith.constant 1 : i32
      %dma_start3A_465 = arith.constant 0 : i32
      %dma_start3A_466 = arith.constant 0 : i32
      %dma_start3A_467 = tpu.memref_slice %arg8[%dma_start3A_464, %dma_start3A_465, %dma_start3A_466] : memref<2x128x128xf32, #tpu.memory_space<vmem>> -> memref<1x128x128xf32, #tpu.memory_space<vmem>>
      %dma_start3A_468 = tpu.memref_squeeze %dma_start3A_467 : memref<1x128x128xf32, #tpu.memory_space<vmem>> -> memref<128x128xf32, #tpu.memory_space<vmem>>
      %dma_start3A_469 = arith.constant 0 : i32
      %dma_start3A_470 = tpu.memref_slice %arg6[%sub3A_463, %dma_start3A_469] : memref<40x128xi32, #tpu.memory_space<vmem>> -> memref<1x128xi32, #tpu.memory_space<vmem>>
      %dma_start3A_471 = tpu.memref_squeeze %dma_start3A_470 : memref<1x128xi32, #tpu.memory_space<vmem>> -> memref<128xi32, #tpu.memory_space<vmem>>
      %dma_start3A_472 = arith.constant 0 : i32
      %dma_start3A_473 = arith.constant 0 : i32
      %dma_start3A_474 = tpu.memref_slice %arg2[%dma_start3A_472, %dma_start3A_473] : memref<10240x128xf32, #tpu.memory_space<hbm>> -> memref<10240x128xf32, #tpu.memory_space<hbm>>
      tpu.enqueue_indirect_dma source(%dma_start3A_474 : memref<10240x128xf32, #tpu.memory_space<hbm>>) target(%dma_start3A_468 : memref<128x128xf32, #tpu.memory_space<vmem>>) offsets(%dma_start3A_471 : memref<128xi32, #tpu.memory_space<vmem>>) semaphore(%arg10 : memref<!tpu.dma_semaphore, #tpu.memory_space<semaphore_mem>>)
      %mul3A_475 = arith.constant 2 : i32
      %mul3A_476 = arith.muli %scan3A_422, %mul3A_475 : i32
      %add3A_477 = arith.constant 1 : i32
      %add3A_478 = arith.addi %mul3A_476, %add3A_477 : i32
      %dma_wait3A_479 = arith.constant 1 : i32
      %dma_wait3A_480 = arith.constant 0 : i32
      %dma_wait3A_481 = arith.constant 0 : i32
      %dma_wait3A_482 = tpu.memref_slice %arg8[%dma_wait3A_479, %dma_wait3A_480, %dma_wait3A_481] : memref<2x128x128xf32, #tpu.memory_space<vmem>> -> memref<1x128x128xf32, #tpu.memory_space<vmem>>
      %dma_wait3A_483 = tpu.memref_squeeze %dma_wait3A_482 : memref<1x128x128xf32, #tpu.memory_space<vmem>> -> memref<128x128xf32, #tpu.memory_space<vmem>>
      %dma_wait3A_484 = arith.constant 0 : i32
      %dma_wait3A_485 = tpu.memref_slice %arg6[%add3A_478, %dma_wait3A_484] : memref<40x128xi32, #tpu.memory_space<vmem>> -> memref<1x128xi32, #tpu.memory_space<vmem>>
      %dma_wait3A_486 = tpu.memref_squeeze %dma_wait3A_485 : memref<1x128xi32, #tpu.memory_space<vmem>> -> memref<128xi32, #tpu.memory_space<vmem>>
      %dma_wait3A_487 = arith.constant 0 : i32
      %dma_wait3A_488 = arith.constant 0 : i32
      %dma_wait3A_489 = tpu.memref_slice %arg2[%dma_wait3A_487, %dma_wait3A_488] : memref<10240x128xf32, #tpu.memory_space<hbm>> -> memref<10240x128xf32, #tpu.memory_space<hbm>>
      tpu.wait_indirect_dma semaphore(%arg10 : memref<!tpu.dma_semaphore, #tpu.memory_space<semaphore_mem>>) src(%dma_wait3A_489 : memref<10240x128xf32, #tpu.memory_space<hbm>>) dst(%dma_wait3A_483 : memref<128x128xf32, #tpu.memory_space<vmem>>)
      %dma_start3A_490 = arith.constant 1 : i32
      %dma_start3A_491 = arith.constant 0 : i32
      %dma_start3A_492 = arith.constant 0 : i32
      %dma_start3A_493 = tpu.memref_slice %arg8[%dma_start3A_490, %dma_start3A_491, %dma_start3A_492] : memref<2x128x128xf32, #tpu.memory_space<vmem>> -> memref<1x128x128xf32, #tpu.memory_space<vmem>>
      %dma_start3A_494 = tpu.memref_squeeze %dma_start3A_493 : memref<1x128x128xf32, #tpu.memory_space<vmem>> -> memref<128x128xf32, #tpu.memory_space<vmem>>
      %dma_start3A_495 = arith.constant 0 : i32
      %dma_start3A_496 = tpu.memref_slice %arg7[%add3A_478, %dma_start3A_495] : memref<40x128xi32, #tpu.memory_space<vmem>> -> memref<1x128xi32, #tpu.memory_space<vmem>>
      %dma_start3A_497 = tpu.memref_squeeze %dma_start3A_496 : memref<1x128xi32, #tpu.memory_space<vmem>> -> memref<128xi32, #tpu.memory_space<vmem>>
      %dma_start3A_498 = arith.constant 0 : i32
      %dma_start3A_499 = arith.constant 0 : i32
      %dma_start3A_500 = tpu.memref_slice %arg5[%dma_start3A_498, %dma_start3A_499] : memref<10240x128xf32, #tpu.memory_space<vmem_shared>> -> memref<10240x128xf32, #tpu.memory_space<vmem_shared>>
      tpu.enqueue_indirect_dma source(%dma_start3A_494 : memref<128x128xf32, #tpu.memory_space<vmem>>) target(%dma_start3A_500 : memref<10240x128xf32, #tpu.memory_space<vmem_shared>>) offsets(%dma_start3A_497 : memref<128xi32, #tpu.memory_space<vmem>>) semaphore(%arg12 : memref<!tpu.dma_semaphore, #tpu.memory_space<semaphore_mem>>) {add = true}
      %dma_wait3A_501 = arith.constant 0 : i32
      %dma_wait3A_502 = arith.constant 0 : i32
      %dma_wait3A_503 = arith.constant 0 : i32
      %dma_wait3A_504 = arith.constant 0 : i32
      %dma_wait3A_505 = tpu.memref_slice %arg8[%dma_wait3A_501, %dma_wait3A_503, %dma_wait3A_504] : memref<2x128x128xf32, #tpu.memory_space<vmem>> -> memref<1x128x128xf32, #tpu.memory_space<vmem>>
      %dma_wait3A_506 = tpu.memref_squeeze %dma_wait3A_505 : memref<1x128x128xf32, #tpu.memory_space<vmem>> -> memref<128x128xf32, #tpu.memory_space<vmem>>
      %dma_wait3A_507 = arith.constant 0 : i32
      %dma_wait3A_508 = tpu.memref_slice %arg7[%dma_wait3A_502, %dma_wait3A_507] : memref<40x128xi32, #tpu.memory_space<vmem>> -> memref<1x128xi32, #tpu.memory_space<vmem>>
      %dma_wait3A_509 = tpu.memref_squeeze %dma_wait3A_508 : memref<1x128xi32, #tpu.memory_space<vmem>> -> memref<128xi32, #tpu.memory_space<vmem>>
      %dma_wait3A_510 = arith.constant 0 : i32
      %dma_wait3A_511 = arith.constant 0 : i32
      %dma_wait3A_512 = tpu.memref_slice %arg5[%dma_wait3A_510, %dma_wait3A_511] : memref<10240x128xf32, #tpu.memory_space<vmem_shared>> -> memref<10240x128xf32, #tpu.memory_space<vmem_shared>>
      tpu.wait_indirect_dma semaphore(%arg11 : memref<!tpu.dma_semaphore, #tpu.memory_space<semaphore_mem>>) src(%dma_wait3A_506 : memref<128x128xf32, #tpu.memory_space<vmem>>) dst(%dma_wait3A_512 : memref<10240x128xf32, #tpu.memory_space<vmem_shared>>)
      %add3A_513 = arith.constant 2 : i32
      %add3A_514 = arith.addi %add3A_478, %add3A_513 : i32
      %sub3A_515 = arith.constant 1 : i32
      %sub3A_516 = arith.subi %add3A_514, %sub3A_515 : i32
      %dma_start3A_517 = arith.constant 0 : i32
      %dma_start3A_518 = arith.constant 0 : i32
      %dma_start3A_519 = arith.constant 0 : i32
      %dma_start3A_520 = tpu.memref_slice %arg8[%dma_start3A_517, %dma_start3A_518, %dma_start3A_519] : memref<2x128x128xf32, #tpu.memory_space<vmem>> -> memref<1x128x128xf32, #tpu.memory_space<vmem>>
      %dma_start3A_521 = tpu.memref_squeeze %dma_start3A_520 : memref<1x128x128xf32, #tpu.memory_space<vmem>> -> memref<128x128xf32, #tpu.memory_space<vmem>>
      %dma_start3A_522 = arith.constant 0 : i32
      %dma_start3A_523 = tpu.memref_slice %arg6[%sub3A_516, %dma_start3A_522] : memref<40x128xi32, #tpu.memory_space<vmem>> -> memref<1x128xi32, #tpu.memory_space<vmem>>
      %dma_start3A_524 = tpu.memref_squeeze %dma_start3A_523 : memref<1x128xi32, #tpu.memory_space<vmem>> -> memref<128xi32, #tpu.memory_space<vmem>>
      %dma_start3A_525 = arith.constant 0 : i32
      %dma_start3A_526 = arith.constant 0 : i32
      %dma_start3A_527 = tpu.memref_slice %arg2[%dma_start3A_525, %dma_start3A_526] : memref<10240x128xf32, #tpu.memory_space<hbm>> -> memref<10240x128xf32, #tpu.memory_space<hbm>>
      tpu.enqueue_indirect_dma source(%dma_start3A_527 : memref<10240x128xf32, #tpu.memory_space<hbm>>) target(%dma_start3A_521 : memref<128x128xf32, #tpu.memory_space<vmem>>) offsets(%dma_start3A_524 : memref<128xi32, #tpu.memory_space<vmem>>) semaphore(%arg9 : memref<!tpu.dma_semaphore, #tpu.memory_space<semaphore_mem>>)
    }
    %scan3A_124 = arith.constant 18 : i32
    %dma_wait3A_125 = arith.constant 38 : i32
    %dma_wait3A_126 = arith.constant 0 : i32
    %dma_wait3A_127 = arith.constant 0 : i32
    %dma_wait3A_128 = arith.constant 0 : i32
    %dma_wait3A_129 = tpu.memref_slice %arg8[%dma_wait3A_126, %dma_wait3A_127, %dma_wait3A_128] : memref<2x128x128xf32, #tpu.memory_space<vmem>> -> memref<1x128x128xf32, #tpu.memory_space<vmem>>
    %dma_wait3A_130 = tpu.memref_squeeze %dma_wait3A_129 : memref<1x128x128xf32, #tpu.memory_space<vmem>> -> memref<128x128xf32, #tpu.memory_space<vmem>>
    %dma_wait3A_131 = arith.constant 0 : i32
    %dma_wait3A_132 = tpu.memref_slice %arg6[%dma_wait3A_125, %dma_wait3A_131] : memref<40x128xi32, #tpu.memory_space<vmem>> -> memref<1x128xi32, #tpu.memory_space<vmem>>
    %dma_wait3A_133 = tpu.memref_squeeze %dma_wait3A_132 : memref<1x128xi32, #tpu.memory_space<vmem>> -> memref<128xi32, #tpu.memory_space<vmem>>
    %dma_wait3A_134 = arith.constant 0 : i32
    %dma_wait3A_135 = arith.constant 0 : i32
    %dma_wait3A_136 = tpu.memref_slice %arg2[%dma_wait3A_134, %dma_wait3A_135] : memref<10240x128xf32, #tpu.memory_space<hbm>> -> memref<10240x128xf32, #tpu.memory_space<hbm>>
    tpu.wait_indirect_dma semaphore(%arg9 : memref<!tpu.dma_semaphore, #tpu.memory_space<semaphore_mem>>) src(%dma_wait3A_136 : memref<10240x128xf32, #tpu.memory_space<hbm>>) dst(%dma_wait3A_130 : memref<128x128xf32, #tpu.memory_space<vmem>>)
    %dma_start3A_137 = arith.constant 0 : i32
    %dma_start3A_138 = arith.constant 38 : i32
    %dma_start3A_139 = arith.constant 0 : i32
    %dma_start3A_140 = arith.constant 0 : i32
    %dma_start3A_141 = tpu.memref_slice %arg8[%dma_start3A_137, %dma_start3A_139, %dma_start3A_140] : memref<2x128x128xf32, #tpu.memory_space<vmem>> -> memref<1x128x128xf32, #tpu.memory_space<vmem>>
    %dma_start3A_142 = tpu.memref_squeeze %dma_start3A_141 : memref<1x128x128xf32, #tpu.memory_space<vmem>> -> memref<128x128xf32, #tpu.memory_space<vmem>>
    %dma_start3A_143 = arith.constant 0 : i32
    %dma_start3A_144 = tpu.memref_slice %arg7[%dma_start3A_138, %dma_start3A_143] : memref<40x128xi32, #tpu.memory_space<vmem>> -> memref<1x128xi32, #tpu.memory_space<vmem>>
    %dma_start3A_145 = tpu.memref_squeeze %dma_start3A_144 : memref<1x128xi32, #tpu.memory_space<vmem>> -> memref<128xi32, #tpu.memory_space<vmem>>
    %dma_start3A_146 = arith.constant 0 : i32
    %dma_start3A_147 = arith.constant 0 : i32
    %dma_start3A_148 = tpu.memref_slice %arg5[%dma_start3A_146, %dma_start3A_147] : memref<10240x128xf32, #tpu.memory_space<vmem_shared>> -> memref<10240x128xf32, #tpu.memory_space<vmem_shared>>
    tpu.enqueue_indirect_dma source(%dma_start3A_142 : memref<128x128xf32, #tpu.memory_space<vmem>>) target(%dma_start3A_148 : memref<10240x128xf32, #tpu.memory_space<vmem_shared>>) offsets(%dma_start3A_145 : memref<128xi32, #tpu.memory_space<vmem>>) semaphore(%arg11 : memref<!tpu.dma_semaphore, #tpu.memory_space<semaphore_mem>>) {add = true}
    %dma_wait3A_149 = arith.constant 1 : i32
    %dma_wait3A_150 = arith.constant 0 : i32
    %dma_wait3A_151 = arith.constant 0 : i32
    %dma_wait3A_152 = arith.constant 0 : i32
    %dma_wait3A_153 = tpu.memref_slice %arg8[%dma_wait3A_149, %dma_wait3A_151, %dma_wait3A_152] : memref<2x128x128xf32, #tpu.memory_space<vmem>> -> memref<1x128x128xf32, #tpu.memory_space<vmem>>
    %dma_wait3A_154 = tpu.memref_squeeze %dma_wait3A_153 : memref<1x128x128xf32, #tpu.memory_space<vmem>> -> memref<128x128xf32, #tpu.memory_space<vmem>>
    %dma_wait3A_155 = arith.constant 0 : i32
    %dma_wait3A_156 = tpu.memref_slice %arg7[%dma_wait3A_150, %dma_wait3A_155] : memref<40x128xi32, #tpu.memory_space<vmem>> -> memref<1x128xi32, #tpu.memory_space<vmem>>
    %dma_wait3A_157 = tpu.memref_squeeze %dma_wait3A_156 : memref<1x128xi32, #tpu.memory_space<vmem>> -> memref<128xi32, #tpu.memory_space<vmem>>
    %dma_wait3A_158 = arith.constant 0 : i32
    %dma_wait3A_159 = arith.constant 0 : i32
    %dma_wait3A_160 = tpu.memref_slice %arg5[%dma_wait3A_158, %dma_wait3A_159] : memref<10240x128xf32, #tpu.memory_space<vmem_shared>> -> memref<10240x128xf32, #tpu.memory_space<vmem_shared>>
    tpu.wait_indirect_dma semaphore(%arg12 : memref<!tpu.dma_semaphore, #tpu.memory_space<semaphore_mem>>) src(%dma_wait3A_154 : memref<128x128xf32, #tpu.memory_space<vmem>>) dst(%dma_wait3A_160 : memref<10240x128xf32, #tpu.memory_space<vmem_shared>>)
    %dma_start3A_161 = arith.constant 39 : i32
    %dma_start3A_162 = arith.constant 1 : i32
    %dma_start3A_163 = arith.constant 0 : i32
    %dma_start3A_164 = arith.constant 0 : i32
    %dma_start3A_165 = tpu.memref_slice %arg8[%dma_start3A_162, %dma_start3A_163, %dma_start3A_164] : memref<2x128x128xf32, #tpu.memory_space<vmem>> -> memref<1x128x128xf32, #tpu.memory_space<vmem>>
    %dma_start3A_166 = tpu.memref_squeeze %dma_start3A_165 : memref<1x128x128xf32, #tpu.memory_space<vmem>> -> memref<128x128xf32, #tpu.memory_space<vmem>>
    %dma_start3A_167 = arith.constant 0 : i32
    %dma_start3A_168 = tpu.memref_slice %arg6[%dma_start3A_161, %dma_start3A_167] : memref<40x128xi32, #tpu.memory_space<vmem>> -> memref<1x128xi32, #tpu.memory_space<vmem>>
    %dma_start3A_169 = tpu.memref_squeeze %dma_start3A_168 : memref<1x128xi32, #tpu.memory_space<vmem>> -> memref<128xi32, #tpu.memory_space<vmem>>
    %dma_start3A_170 = arith.constant 0 : i32
    %dma_start3A_171 = arith.constant 0 : i32
    %dma_start3A_172 = tpu.memref_slice %arg2[%dma_start3A_170, %dma_start3A_171] : memref<10240x128xf32, #tpu.memory_space<hbm>> -> memref<10240x128xf32, #tpu.memory_space<hbm>>
    tpu.enqueue_indirect_dma source(%dma_start3A_172 : memref<10240x128xf32, #tpu.memory_space<hbm>>) target(%dma_start3A_166 : memref<128x128xf32, #tpu.memory_space<vmem>>) offsets(%dma_start3A_169 : memref<128xi32, #tpu.memory_space<vmem>>) semaphore(%arg10 : memref<!tpu.dma_semaphore, #tpu.memory_space<semaphore_mem>>)
    %dma_wait3A_173 = arith.constant 39 : i32
    %dma_wait3A_174 = arith.constant 1 : i32
    %dma_wait3A_175 = arith.constant 0 : i32
    %dma_wait3A_176 = arith.constant 0 : i32
    %dma_wait3A_177 = tpu.memref_slice %arg8[%dma_wait3A_174, %dma_wait3A_175, %dma_wait3A_176] : memref<2x128x128xf32, #tpu.memory_space<vmem>> -> memref<1x128x128xf32, #tpu.memory_space<vmem>>
    %dma_wait3A_178 = tpu.memref_squeeze %dma_wait3A_177 : memref<1x128x128xf32, #tpu.memory_space<vmem>> -> memref<128x128xf32, #tpu.memory_space<vmem>>
    %dma_wait3A_179 = arith.constant 0 : i32
    %dma_wait3A_180 = tpu.memref_slice %arg6[%dma_wait3A_173, %dma_wait3A_179] : memref<40x128xi32, #tpu.memory_space<vmem>> -> memref<1x128xi32, #tpu.memory_space<vmem>>
    %dma_wait3A_181 = tpu.memref_squeeze %dma_wait3A_180 : memref<1x128xi32, #tpu.memory_space<vmem>> -> memref<128xi32, #tpu.memory_space<vmem>>
    %dma_wait3A_182 = arith.constant 0 : i32
    %dma_wait3A_183 = arith.constant 0 : i32
    %dma_wait3A_184 = tpu.memref_slice %arg2[%dma_wait3A_182, %dma_wait3A_183] : memref<10240x128xf32, #tpu.memory_space<hbm>> -> memref<10240x128xf32, #tpu.memory_space<hbm>>
    tpu.wait_indirect_dma semaphore(%arg10 : memref<!tpu.dma_semaphore, #tpu.memory_space<semaphore_mem>>) src(%dma_wait3A_184 : memref<10240x128xf32, #tpu.memory_space<hbm>>) dst(%dma_wait3A_178 : memref<128x128xf32, #tpu.memory_space<vmem>>)
    %dma_start3A_185 = arith.constant 1 : i32
    %dma_start3A_186 = arith.constant 39 : i32
    %dma_start3A_187 = arith.constant 0 : i32
    %dma_start3A_188 = arith.constant 0 : i32
    %dma_start3A_189 = tpu.memref_slice %arg8[%dma_start3A_185, %dma_start3A_187, %dma_start3A_188] : memref<2x128x128xf32, #tpu.memory_space<vmem>> -> memref<1x128x128xf32, #tpu.memory_space<vmem>>
    %dma_start3A_190 = tpu.memref_squeeze %dma_start3A_189 : memref<1x128x128xf32, #tpu.memory_space<vmem>> -> memref<128x128xf32, #tpu.memory_space<vmem>>
    %dma_start3A_191 = arith.constant 0 : i32
    %dma_start3A_192 = tpu.memref_slice %arg7[%dma_start3A_186, %dma_start3A_191] : memref<40x128xi32, #tpu.memory_space<vmem>> -> memref<1x128xi32, #tpu.memory_space<vmem>>
    %dma_start3A_193 = tpu.memref_squeeze %dma_start3A_192 : memref<1x128xi32, #tpu.memory_space<vmem>> -> memref<128xi32, #tpu.memory_space<vmem>>
    %dma_start3A_194 = arith.constant 0 : i32
    %dma_start3A_195 = arith.constant 0 : i32
    %dma_start3A_196 = tpu.memref_slice %arg5[%dma_start3A_194, %dma_start3A_195] : memref<10240x128xf32, #tpu.memory_space<vmem_shared>> -> memref<10240x128xf32, #tpu.memory_space<vmem_shared>>
    tpu.enqueue_indirect_dma source(%dma_start3A_190 : memref<128x128xf32, #tpu.memory_space<vmem>>) target(%dma_start3A_196 : memref<10240x128xf32, #tpu.memory_space<vmem_shared>>) offsets(%dma_start3A_193 : memref<128xi32, #tpu.memory_space<vmem>>) semaphore(%arg12 : memref<!tpu.dma_semaphore, #tpu.memory_space<semaphore_mem>>) {add = true}
    %dma_wait3A_197 = arith.constant 0 : i32
    %dma_wait3A_198 = arith.constant 0 : i32
    %dma_wait3A_199 = arith.constant 0 : i32
    %dma_wait3A_200 = arith.constant 0 : i32
    %dma_wait3A_201 = tpu.memref_slice %arg8[%dma_wait3A_197, %dma_wait3A_199, %dma_wait3A_200] : memref<2x128x128xf32, #tpu.memory_space<vmem>> -> memref<1x128x128xf32, #tpu.memory_space<vmem>>
    %dma_wait3A_202 = tpu.memref_squeeze %dma_wait3A_201 : memref<1x128x128xf32, #tpu.memory_space<vmem>> -> memref<128x128xf32, #tpu.memory_space<vmem>>
    %dma_wait3A_203 = arith.constant 0 : i32
    %dma_wait3A_204 = tpu.memref_slice %arg7[%dma_wait3A_198, %dma_wait3A_203] : memref<40x128xi32, #tpu.memory_space<vmem>> -> memref<1x128xi32, #tpu.memory_space<vmem>>
    %dma_wait3A_205 = tpu.memref_squeeze %dma_wait3A_204 : memref<1x128xi32, #tpu.memory_space<vmem>> -> memref<128xi32, #tpu.memory_space<vmem>>
    %dma_wait3A_206 = arith.constant 0 : i32
    %dma_wait3A_207 = arith.constant 0 : i32
    %dma_wait3A_208 = tpu.memref_slice %arg5[%dma_wait3A_206, %dma_wait3A_207] : memref<10240x128xf32, #tpu.memory_space<vmem_shared>> -> memref<10240x128xf32, #tpu.memory_space<vmem_shared>>
    tpu.wait_indirect_dma semaphore(%arg11 : memref<!tpu.dma_semaphore, #tpu.memory_space<semaphore_mem>>) src(%dma_wait3A_202 : memref<128x128xf32, #tpu.memory_space<vmem>>) dst(%dma_wait3A_208 : memref<10240x128xf32, #tpu.memory_space<vmem_shared>>)
    %dma_wait3A_209 = arith.constant 1 : i32
    %dma_wait3A_210 = arith.constant 0 : i32
    %dma_wait3A_211 = arith.constant 0 : i32
    %dma_wait3A_212 = arith.constant 0 : i32
    %dma_wait3A_213 = tpu.memref_slice %arg8[%dma_wait3A_209, %dma_wait3A_211, %dma_wait3A_212] : memref<2x128x128xf32, #tpu.memory_space<vmem>> -> memref<1x128x128xf32, #tpu.memory_space<vmem>>
    %dma_wait3A_214 = tpu.memref_squeeze %dma_wait3A_213 : memref<1x128x128xf32, #tpu.memory_space<vmem>> -> memref<128x128xf32, #tpu.memory_space<vmem>>
    %dma_wait3A_215 = arith.constant 0 : i32
    %dma_wait3A_216 = tpu.memref_slice %arg7[%dma_wait3A_210, %dma_wait3A_215] : memref<40x128xi32, #tpu.memory_space<vmem>> -> memref<1x128xi32, #tpu.memory_space<vmem>>
    %dma_wait3A_217 = tpu.memref_squeeze %dma_wait3A_216 : memref<1x128xi32, #tpu.memory_space<vmem>> -> memref<128xi32, #tpu.memory_space<vmem>>
    %dma_wait3A_218 = arith.constant 0 : i32
    %dma_wait3A_219 = arith.constant 0 : i32
    %dma_wait3A_220 = tpu.memref_slice %arg5[%dma_wait3A_218, %dma_wait3A_219] : memref<10240x128xf32, #tpu.memory_space<vmem_shared>> -> memref<10240x128xf32, #tpu.memory_space<vmem_shared>>
    tpu.wait_indirect_dma semaphore(%arg12 : memref<!tpu.dma_semaphore, #tpu.memory_space<semaphore_mem>>) src(%dma_wait3A_214 : memref<128x128xf32, #tpu.memory_space<vmem>>) dst(%dma_wait3A_220 : memref<10240x128xf32, #tpu.memory_space<vmem_shared>>)
    %run_scoped3A_221 = arith.constant 0 : i32
    "tpu.region"() ({
      %run_scoped3A_422 = tpu.sem_alloc : memref<!tpu.dma_semaphore, #tpu.memory_space<semaphore_mem>>
      %dma_start3A_423 = arith.constant 40 : i32
      %dma_start3A_424 = arith.constant 0 : i32
      %dma_start3A_425 = tpu.memref_slice %arg3[%run_scoped3A_221, %add3A, %dma_start3A_423, %dma_start3A_424] : memref<2x32x80x128xi32, #tpu.memory_space<hbm>> -> memref<1x1x40x128xi32, #tpu.memory_space<hbm>>
      %dma_start3A_426 = tpu.memref_squeeze %dma_start3A_425 : memref<1x1x40x128xi32, #tpu.memory_space<hbm>> -> memref<40x128xi32, #tpu.memory_space<hbm>>
      %dma_start3A_427 = arith.constant 40 : i32
      %dma_start3A_428 = arith.constant 0 : i32
      %dma_start3A_429 = tpu.memref_slice %arg3[%run_scoped3A_221, %add3A, %dma_start3A_427, %dma_start3A_428] : memref<2x32x80x128xi32, #tpu.memory_space<hbm>> -> memref<1x1x40x128xi32, #tpu.memory_space<hbm>>
      %dma_start3A_430 = tpu.memref_squeeze %dma_start3A_429 : memref<1x1x40x128xi32, #tpu.memory_space<hbm>> -> memref<40x128xi32, #tpu.memory_space<hbm>>
      tpu.enqueue_dma source(%dma_start3A_430 : memref<40x128xi32, #tpu.memory_space<hbm>>) target(%arg6 : memref<40x128xi32, #tpu.memory_space<vmem>>) target_semaphore(%run_scoped3A_422 : memref<!tpu.dma_semaphore, #tpu.memory_space<semaphore_mem>>)
      %dma_wait3A_431 = arith.constant 40 : i32
      %dma_wait3A_432 = arith.constant 0 : i32
      %dma_wait3A_433 = tpu.memref_slice %arg3[%run_scoped3A_221, %add3A, %dma_wait3A_431, %dma_wait3A_432] : memref<2x32x80x128xi32, #tpu.memory_space<hbm>> -> memref<1x1x40x128xi32, #tpu.memory_space<hbm>>
      %dma_wait3A_434 = tpu.memref_squeeze %dma_wait3A_433 : memref<1x1x40x128xi32, #tpu.memory_space<hbm>> -> memref<40x128xi32, #tpu.memory_space<hbm>>
      %dma_wait3A_435 = arith.constant 40 : i32
      %dma_wait3A_436 = arith.constant 0 : i32
      %dma_wait3A_437 = tpu.memref_slice %arg3[%run_scoped3A_221, %add3A, %dma_wait3A_435, %dma_wait3A_436] : memref<2x32x80x128xi32, #tpu.memory_space<hbm>> -> memref<1x1x40x128xi32, #tpu.memory_space<hbm>>
      %dma_wait3A_438 = tpu.memref_squeeze %dma_wait3A_437 : memref<1x1x40x128xi32, #tpu.memory_space<hbm>> -> memref<40x128xi32, #tpu.memory_space<hbm>>
      tpu.wait_dma2 semaphore(%run_scoped3A_422 : memref<!tpu.dma_semaphore, #tpu.memory_space<semaphore_mem>>) src(%dma_wait3A_438 : memref<40x128xi32, #tpu.memory_space<hbm>>) dst(%arg6 : memref<40x128xi32, #tpu.memory_space<vmem>>)
      tpu.yield
    }) : () -> ()
    %run_scoped3A_222 = arith.constant 1 : i32
    "tpu.region"() ({
      %run_scoped3A_422 = tpu.sem_alloc : memref<!tpu.dma_semaphore, #tpu.memory_space<semaphore_mem>>
      %dma_start3A_423 = arith.constant 40 : i32
      %dma_start3A_424 = arith.constant 0 : i32
      %dma_start3A_425 = tpu.memref_slice %arg3[%run_scoped3A_222, %add3A, %dma_start3A_423, %dma_start3A_424] : memref<2x32x80x128xi32, #tpu.memory_space<hbm>> -> memref<1x1x40x128xi32, #tpu.memory_space<hbm>>
      %dma_start3A_426 = tpu.memref_squeeze %dma_start3A_425 : memref<1x1x40x128xi32, #tpu.memory_space<hbm>> -> memref<40x128xi32, #tpu.memory_space<hbm>>
      %dma_start3A_427 = arith.constant 40 : i32
      %dma_start3A_428 = arith.constant 0 : i32
      %dma_start3A_429 = tpu.memref_slice %arg3[%run_scoped3A_222, %add3A, %dma_start3A_427, %dma_start3A_428] : memref<2x32x80x128xi32, #tpu.memory_space<hbm>> -> memref<1x1x40x128xi32, #tpu.memory_space<hbm>>
      %dma_start3A_430 = tpu.memref_squeeze %dma_start3A_429 : memref<1x1x40x128xi32, #tpu.memory_space<hbm>> -> memref<40x128xi32, #tpu.memory_space<hbm>>
      tpu.enqueue_dma source(%dma_start3A_430 : memref<40x128xi32, #tpu.memory_space<hbm>>) target(%arg7 : memref<40x128xi32, #tpu.memory_space<vmem>>) target_semaphore(%run_scoped3A_422 : memref<!tpu.dma_semaphore, #tpu.memory_space<semaphore_mem>>)
      %dma_wait3A_431 = arith.constant 40 : i32
      %dma_wait3A_432 = arith.constant 0 : i32
      %dma_wait3A_433 = tpu.memref_slice %arg3[%run_scoped3A_222, %add3A, %dma_wait3A_431, %dma_wait3A_432] : memref<2x32x80x128xi32, #tpu.memory_space<hbm>> -> memref<1x1x40x128xi32, #tpu.memory_space<hbm>>
      %dma_wait3A_434 = tpu.memref_squeeze %dma_wait3A_433 : memref<1x1x40x128xi32, #tpu.memory_space<hbm>> -> memref<40x128xi32, #tpu.memory_space<hbm>>
      %dma_wait3A_435 = arith.constant 40 : i32
      %dma_wait3A_436 = arith.constant 0 : i32
      %dma_wait3A_437 = tpu.memref_slice %arg3[%run_scoped3A_222, %add3A, %dma_wait3A_435, %dma_wait3A_436] : memref<2x32x80x128xi32, #tpu.memory_space<hbm>> -> memref<1x1x40x128xi32, #tpu.memory_space<hbm>>
      %dma_wait3A_438 = tpu.memref_squeeze %dma_wait3A_437 : memref<1x1x40x128xi32, #tpu.memory_space<hbm>> -> memref<40x128xi32, #tpu.memory_space<hbm>>
      tpu.wait_dma2 semaphore(%run_scoped3A_422 : memref<!tpu.dma_semaphore, #tpu.memory_space<semaphore_mem>>) src(%dma_wait3A_438 : memref<40x128xi32, #tpu.memory_space<hbm>>) dst(%arg7 : memref<40x128xi32, #tpu.memory_space<vmem>>)
      tpu.yield
    }) : () -> ()
    %dma_start3A_223 = arith.constant 0 : i32
    %dma_start3A_224 = arith.constant 0 : i32
    %dma_start3A_225 = arith.constant 0 : i32
    %dma_start3A_226 = arith.constant 0 : i32
    %dma_start3A_227 = tpu.memref_slice %arg8[%dma_start3A_224, %dma_start3A_225, %dma_start3A_226] : memref<2x128x128xf32, #tpu.memory_space<vmem>> -> memref<1x128x128xf32, #tpu.memory_space<vmem>>
    %dma_start3A_228 = tpu.memref_squeeze %dma_start3A_227 : memref<1x128x128xf32, #tpu.memory_space<vmem>> -> memref<128x128xf32, #tpu.memory_space<vmem>>
    %dma_start3A_229 = arith.constant 0 : i32
    %dma_start3A_230 = tpu.memref_slice %arg6[%dma_start3A_223, %dma_start3A_229] : memref<40x128xi32, #tpu.memory_space<vmem>> -> memref<1x128xi32, #tpu.memory_space<vmem>>
    %dma_start3A_231 = tpu.memref_squeeze %dma_start3A_230 : memref<1x128xi32, #tpu.memory_space<vmem>> -> memref<128xi32, #tpu.memory_space<vmem>>
    %dma_start3A_232 = arith.constant 0 : i32
    %dma_start3A_233 = arith.constant 0 : i32
    %dma_start3A_234 = tpu.memref_slice %arg2[%dma_start3A_232, %dma_start3A_233] : memref<10240x128xf32, #tpu.memory_space<hbm>> -> memref<10240x128xf32, #tpu.memory_space<hbm>>
    tpu.enqueue_indirect_dma source(%dma_start3A_234 : memref<10240x128xf32, #tpu.memory_space<hbm>>) target(%dma_start3A_228 : memref<128x128xf32, #tpu.memory_space<vmem>>) offsets(%dma_start3A_231 : memref<128xi32, #tpu.memory_space<vmem>>) semaphore(%arg9 : memref<!tpu.dma_semaphore, #tpu.memory_space<semaphore_mem>>)
    %dma_wait3A_235 = arith.constant 0 : i32
    %dma_wait3A_236 = arith.constant 0 : i32
    %dma_wait3A_237 = arith.constant 0 : i32
    %dma_wait3A_238 = arith.constant 0 : i32
    %dma_wait3A_239 = tpu.memref_slice %arg8[%dma_wait3A_236, %dma_wait3A_237, %dma_wait3A_238] : memref<2x128x128xf32, #tpu.memory_space<vmem>> -> memref<1x128x128xf32, #tpu.memory_space<vmem>>
    %dma_wait3A_240 = tpu.memref_squeeze %dma_wait3A_239 : memref<1x128x128xf32, #tpu.memory_space<vmem>> -> memref<128x128xf32, #tpu.memory_space<vmem>>
    %dma_wait3A_241 = arith.constant 0 : i32
    %dma_wait3A_242 = tpu.memref_slice %arg6[%dma_wait3A_235, %dma_wait3A_241] : memref<40x128xi32, #tpu.memory_space<vmem>> -> memref<1x128xi32, #tpu.memory_space<vmem>>
    %dma_wait3A_243 = tpu.memref_squeeze %dma_wait3A_242 : memref<1x128xi32, #tpu.memory_space<vmem>> -> memref<128xi32, #tpu.memory_space<vmem>>
    %dma_wait3A_244 = arith.constant 0 : i32
    %dma_wait3A_245 = arith.constant 0 : i32
    %dma_wait3A_246 = tpu.memref_slice %arg2[%dma_wait3A_244, %dma_wait3A_245] : memref<10240x128xf32, #tpu.memory_space<hbm>> -> memref<10240x128xf32, #tpu.memory_space<hbm>>
    tpu.wait_indirect_dma semaphore(%arg9 : memref<!tpu.dma_semaphore, #tpu.memory_space<semaphore_mem>>) src(%dma_wait3A_246 : memref<10240x128xf32, #tpu.memory_space<hbm>>) dst(%dma_wait3A_240 : memref<128x128xf32, #tpu.memory_space<vmem>>)
    %dma_start3A_247 = arith.constant 0 : i32
    %dma_start3A_248 = arith.constant 0 : i32
    %dma_start3A_249 = arith.constant 0 : i32
    %dma_start3A_250 = arith.constant 0 : i32
    %dma_start3A_251 = tpu.memref_slice %arg8[%dma_start3A_247, %dma_start3A_249, %dma_start3A_250] : memref<2x128x128xf32, #tpu.memory_space<vmem>> -> memref<1x128x128xf32, #tpu.memory_space<vmem>>
    %dma_start3A_252 = tpu.memref_squeeze %dma_start3A_251 : memref<1x128x128xf32, #tpu.memory_space<vmem>> -> memref<128x128xf32, #tpu.memory_space<vmem>>
    %dma_start3A_253 = arith.constant 0 : i32
    %dma_start3A_254 = tpu.memref_slice %arg7[%dma_start3A_248, %dma_start3A_253] : memref<40x128xi32, #tpu.memory_space<vmem>> -> memref<1x128xi32, #tpu.memory_space<vmem>>
    %dma_start3A_255 = tpu.memref_squeeze %dma_start3A_254 : memref<1x128xi32, #tpu.memory_space<vmem>> -> memref<128xi32, #tpu.memory_space<vmem>>
    %dma_start3A_256 = arith.constant 0 : i32
    %dma_start3A_257 = arith.constant 0 : i32
    %dma_start3A_258 = tpu.memref_slice %arg5[%dma_start3A_256, %dma_start3A_257] : memref<10240x128xf32, #tpu.memory_space<vmem_shared>> -> memref<10240x128xf32, #tpu.memory_space<vmem_shared>>
    tpu.enqueue_indirect_dma source(%dma_start3A_252 : memref<128x128xf32, #tpu.memory_space<vmem>>) target(%dma_start3A_258 : memref<10240x128xf32, #tpu.memory_space<vmem_shared>>) offsets(%dma_start3A_255 : memref<128xi32, #tpu.memory_space<vmem>>) semaphore(%arg11 : memref<!tpu.dma_semaphore, #tpu.memory_space<semaphore_mem>>) {add = true}
    %dma_start3A_259 = arith.constant 1 : i32
    %dma_start3A_260 = arith.constant 1 : i32
    %dma_start3A_261 = arith.constant 0 : i32
    %dma_start3A_262 = arith.constant 0 : i32
    %dma_start3A_263 = tpu.memref_slice %arg8[%dma_start3A_260, %dma_start3A_261, %dma_start3A_262] : memref<2x128x128xf32, #tpu.memory_space<vmem>> -> memref<1x128x128xf32, #tpu.memory_space<vmem>>
    %dma_start3A_264 = tpu.memref_squeeze %dma_start3A_263 : memref<1x128x128xf32, #tpu.memory_space<vmem>> -> memref<128x128xf32, #tpu.memory_space<vmem>>
    %dma_start3A_265 = arith.constant 0 : i32
    %dma_start3A_266 = tpu.memref_slice %arg6[%dma_start3A_259, %dma_start3A_265] : memref<40x128xi32, #tpu.memory_space<vmem>> -> memref<1x128xi32, #tpu.memory_space<vmem>>
    %dma_start3A_267 = tpu.memref_squeeze %dma_start3A_266 : memref<1x128xi32, #tpu.memory_space<vmem>> -> memref<128xi32, #tpu.memory_space<vmem>>
    %dma_start3A_268 = arith.constant 0 : i32
    %dma_start3A_269 = arith.constant 0 : i32
    %dma_start3A_270 = tpu.memref_slice %arg2[%dma_start3A_268, %dma_start3A_269] : memref<10240x128xf32, #tpu.memory_space<hbm>> -> memref<10240x128xf32, #tpu.memory_space<hbm>>
    tpu.enqueue_indirect_dma source(%dma_start3A_270 : memref<10240x128xf32, #tpu.memory_space<hbm>>) target(%dma_start3A_264 : memref<128x128xf32, #tpu.memory_space<vmem>>) offsets(%dma_start3A_267 : memref<128xi32, #tpu.memory_space<vmem>>) semaphore(%arg10 : memref<!tpu.dma_semaphore, #tpu.memory_space<semaphore_mem>>)
    %dma_wait3A_271 = arith.constant 1 : i32
    %dma_wait3A_272 = arith.constant 1 : i32
    %dma_wait3A_273 = arith.constant 0 : i32
    %dma_wait3A_274 = arith.constant 0 : i32
    %dma_wait3A_275 = tpu.memref_slice %arg8[%dma_wait3A_272, %dma_wait3A_273, %dma_wait3A_274] : memref<2x128x128xf32, #tpu.memory_space<vmem>> -> memref<1x128x128xf32, #tpu.memory_space<vmem>>
    %dma_wait3A_276 = tpu.memref_squeeze %dma_wait3A_275 : memref<1x128x128xf32, #tpu.memory_space<vmem>> -> memref<128x128xf32, #tpu.memory_space<vmem>>
    %dma_wait3A_277 = arith.constant 0 : i32
    %dma_wait3A_278 = tpu.memref_slice %arg6[%dma_wait3A_271, %dma_wait3A_277] : memref<40x128xi32, #tpu.memory_space<vmem>> -> memref<1x128xi32, #tpu.memory_space<vmem>>
    %dma_wait3A_279 = tpu.memref_squeeze %dma_wait3A_278 : memref<1x128xi32, #tpu.memory_space<vmem>> -> memref<128xi32, #tpu.memory_space<vmem>>
    %dma_wait3A_280 = arith.constant 0 : i32
    %dma_wait3A_281 = arith.constant 0 : i32
    %dma_wait3A_282 = tpu.memref_slice %arg2[%dma_wait3A_280, %dma_wait3A_281] : memref<10240x128xf32, #tpu.memory_space<hbm>> -> memref<10240x128xf32, #tpu.memory_space<hbm>>
    tpu.wait_indirect_dma semaphore(%arg10 : memref<!tpu.dma_semaphore, #tpu.memory_space<semaphore_mem>>) src(%dma_wait3A_282 : memref<10240x128xf32, #tpu.memory_space<hbm>>) dst(%dma_wait3A_276 : memref<128x128xf32, #tpu.memory_space<vmem>>)
    %dma_start3A_283 = arith.constant 1 : i32
    %dma_start3A_284 = arith.constant 1 : i32
    %dma_start3A_285 = arith.constant 0 : i32
    %dma_start3A_286 = arith.constant 0 : i32
    %dma_start3A_287 = tpu.memref_slice %arg8[%dma_start3A_283, %dma_start3A_285, %dma_start3A_286] : memref<2x128x128xf32, #tpu.memory_space<vmem>> -> memref<1x128x128xf32, #tpu.memory_space<vmem>>
    %dma_start3A_288 = tpu.memref_squeeze %dma_start3A_287 : memref<1x128x128xf32, #tpu.memory_space<vmem>> -> memref<128x128xf32, #tpu.memory_space<vmem>>
    %dma_start3A_289 = arith.constant 0 : i32
    %dma_start3A_290 = tpu.memref_slice %arg7[%dma_start3A_284, %dma_start3A_289] : memref<40x128xi32, #tpu.memory_space<vmem>> -> memref<1x128xi32, #tpu.memory_space<vmem>>
    %dma_start3A_291 = tpu.memref_squeeze %dma_start3A_290 : memref<1x128xi32, #tpu.memory_space<vmem>> -> memref<128xi32, #tpu.memory_space<vmem>>
    %dma_start3A_292 = arith.constant 0 : i32
    %dma_start3A_293 = arith.constant 0 : i32
    %dma_start3A_294 = tpu.memref_slice %arg5[%dma_start3A_292, %dma_start3A_293] : memref<10240x128xf32, #tpu.memory_space<vmem_shared>> -> memref<10240x128xf32, #tpu.memory_space<vmem_shared>>
    tpu.enqueue_indirect_dma source(%dma_start3A_288 : memref<128x128xf32, #tpu.memory_space<vmem>>) target(%dma_start3A_294 : memref<10240x128xf32, #tpu.memory_space<vmem_shared>>) offsets(%dma_start3A_291 : memref<128xi32, #tpu.memory_space<vmem>>) semaphore(%arg12 : memref<!tpu.dma_semaphore, #tpu.memory_space<semaphore_mem>>) {add = true}
    %dma_wait3A_295 = arith.constant 0 : i32
    %dma_wait3A_296 = arith.constant 0 : i32
    %dma_wait3A_297 = arith.constant 0 : i32
    %dma_wait3A_298 = arith.constant 0 : i32
    %dma_wait3A_299 = tpu.memref_slice %arg8[%dma_wait3A_295, %dma_wait3A_297, %dma_wait3A_298] : memref<2x128x128xf32, #tpu.memory_space<vmem>> -> memref<1x128x128xf32, #tpu.memory_space<vmem>>
    %dma_wait3A_300 = tpu.memref_squeeze %dma_wait3A_299 : memref<1x128x128xf32, #tpu.memory_space<vmem>> -> memref<128x128xf32, #tpu.memory_space<vmem>>
    %dma_wait3A_301 = arith.constant 0 : i32
    %dma_wait3A_302 = tpu.memref_slice %arg7[%dma_wait3A_296, %dma_wait3A_301] : memref<40x128xi32, #tpu.memory_space<vmem>> -> memref<1x128xi32, #tpu.memory_space<vmem>>
    %dma_wait3A_303 = tpu.memref_squeeze %dma_wait3A_302 : memref<1x128xi32, #tpu.memory_space<vmem>> -> memref<128xi32, #tpu.memory_space<vmem>>
    %dma_wait3A_304 = arith.constant 0 : i32
    %dma_wait3A_305 = arith.constant 0 : i32
    %dma_wait3A_306 = tpu.memref_slice %arg5[%dma_wait3A_304, %dma_wait3A_305] : memref<10240x128xf32, #tpu.memory_space<vmem_shared>> -> memref<10240x128xf32, #tpu.memory_space<vmem_shared>>
    tpu.wait_indirect_dma semaphore(%arg11 : memref<!tpu.dma_semaphore, #tpu.memory_space<semaphore_mem>>) src(%dma_wait3A_300 : memref<128x128xf32, #tpu.memory_space<vmem>>) dst(%dma_wait3A_306 : memref<10240x128xf32, #tpu.memory_space<vmem_shared>>)
    %dma_start3A_307 = arith.constant 2 : i32
    %dma_start3A_308 = arith.constant 0 : i32
    %dma_start3A_309 = arith.constant 0 : i32
    %dma_start3A_310 = arith.constant 0 : i32
    %dma_start3A_311 = tpu.memref_slice %arg8[%dma_start3A_308, %dma_start3A_309, %dma_start3A_310] : memref<2x128x128xf32, #tpu.memory_space<vmem>> -> memref<1x128x128xf32, #tpu.memory_space<vmem>>
    %dma_start3A_312 = tpu.memref_squeeze %dma_start3A_311 : memref<1x128x128xf32, #tpu.memory_space<vmem>> -> memref<128x128xf32, #tpu.memory_space<vmem>>
    %dma_start3A_313 = arith.constant 0 : i32
    %dma_start3A_314 = tpu.memref_slice %arg6[%dma_start3A_307, %dma_start3A_313] : memref<40x128xi32, #tpu.memory_space<vmem>> -> memref<1x128xi32, #tpu.memory_space<vmem>>
    %dma_start3A_315 = tpu.memref_squeeze %dma_start3A_314 : memref<1x128xi32, #tpu.memory_space<vmem>> -> memref<128xi32, #tpu.memory_space<vmem>>
    %dma_start3A_316 = arith.constant 0 : i32
    %dma_start3A_317 = arith.constant 0 : i32
    %dma_start3A_318 = tpu.memref_slice %arg2[%dma_start3A_316, %dma_start3A_317] : memref<10240x128xf32, #tpu.memory_space<hbm>> -> memref<10240x128xf32, #tpu.memory_space<hbm>>
    tpu.enqueue_indirect_dma source(%dma_start3A_318 : memref<10240x128xf32, #tpu.memory_space<hbm>>) target(%dma_start3A_312 : memref<128x128xf32, #tpu.memory_space<vmem>>) offsets(%dma_start3A_315 : memref<128xi32, #tpu.memory_space<vmem>>) semaphore(%arg9 : memref<!tpu.dma_semaphore, #tpu.memory_space<semaphore_mem>>)
    %scan3A_319 = arith.constant 0 : i32
    %scan3A_320 = arith.constant 1 : i32
    %scan3A_321 = arith.constant 18 : i32
    %scan3A_322 = arith.addi %scan3A_320, %scan3A_321 : i32
    %scan3A_323 = arith.constant 1 : i32
    scf.for %scan3A_422 = %scan3A_320 to %scan3A_322 step %scan3A_323  : i32 {
      %mul3A_423 = arith.constant 2 : i32
      %mul3A_424 = arith.muli %scan3A_422, %mul3A_423 : i32
      %add3A_425 = arith.constant 0 : i32
      %add3A_426 = arith.addi %mul3A_424, %add3A_425 : i32
      %dma_wait3A_427 = arith.constant 0 : i32
      %dma_wait3A_428 = arith.constant 0 : i32
      %dma_wait3A_429 = arith.constant 0 : i32
      %dma_wait3A_430 = tpu.memref_slice %arg8[%dma_wait3A_427, %dma_wait3A_428, %dma_wait3A_429] : memref<2x128x128xf32, #tpu.memory_space<vmem>> -> memref<1x128x128xf32, #tpu.memory_space<vmem>>
      %dma_wait3A_431 = tpu.memref_squeeze %dma_wait3A_430 : memref<1x128x128xf32, #tpu.memory_space<vmem>> -> memref<128x128xf32, #tpu.memory_space<vmem>>
      %dma_wait3A_432 = arith.constant 0 : i32
      %dma_wait3A_433 = tpu.memref_slice %arg6[%add3A_426, %dma_wait3A_432] : memref<40x128xi32, #tpu.memory_space<vmem>> -> memref<1x128xi32, #tpu.memory_space<vmem>>
      %dma_wait3A_434 = tpu.memref_squeeze %dma_wait3A_433 : memref<1x128xi32, #tpu.memory_space<vmem>> -> memref<128xi32, #tpu.memory_space<vmem>>
      %dma_wait3A_435 = arith.constant 0 : i32
      %dma_wait3A_436 = arith.constant 0 : i32
      %dma_wait3A_437 = tpu.memref_slice %arg2[%dma_wait3A_435, %dma_wait3A_436] : memref<10240x128xf32, #tpu.memory_space<hbm>> -> memref<10240x128xf32, #tpu.memory_space<hbm>>
      tpu.wait_indirect_dma semaphore(%arg9 : memref<!tpu.dma_semaphore, #tpu.memory_space<semaphore_mem>>) src(%dma_wait3A_437 : memref<10240x128xf32, #tpu.memory_space<hbm>>) dst(%dma_wait3A_431 : memref<128x128xf32, #tpu.memory_space<vmem>>)
      %dma_start3A_438 = arith.constant 0 : i32
      %dma_start3A_439 = arith.constant 0 : i32
      %dma_start3A_440 = arith.constant 0 : i32
      %dma_start3A_441 = tpu.memref_slice %arg8[%dma_start3A_438, %dma_start3A_439, %dma_start3A_440] : memref<2x128x128xf32, #tpu.memory_space<vmem>> -> memref<1x128x128xf32, #tpu.memory_space<vmem>>
      %dma_start3A_442 = tpu.memref_squeeze %dma_start3A_441 : memref<1x128x128xf32, #tpu.memory_space<vmem>> -> memref<128x128xf32, #tpu.memory_space<vmem>>
      %dma_start3A_443 = arith.constant 0 : i32
      %dma_start3A_444 = tpu.memref_slice %arg7[%add3A_426, %dma_start3A_443] : memref<40x128xi32, #tpu.memory_space<vmem>> -> memref<1x128xi32, #tpu.memory_space<vmem>>
      %dma_start3A_445 = tpu.memref_squeeze %dma_start3A_444 : memref<1x128xi32, #tpu.memory_space<vmem>> -> memref<128xi32, #tpu.memory_space<vmem>>
      %dma_start3A_446 = arith.constant 0 : i32
      %dma_start3A_447 = arith.constant 0 : i32
      %dma_start3A_448 = tpu.memref_slice %arg5[%dma_start3A_446, %dma_start3A_447] : memref<10240x128xf32, #tpu.memory_space<vmem_shared>> -> memref<10240x128xf32, #tpu.memory_space<vmem_shared>>
      tpu.enqueue_indirect_dma source(%dma_start3A_442 : memref<128x128xf32, #tpu.memory_space<vmem>>) target(%dma_start3A_448 : memref<10240x128xf32, #tpu.memory_space<vmem_shared>>) offsets(%dma_start3A_445 : memref<128xi32, #tpu.memory_space<vmem>>) semaphore(%arg11 : memref<!tpu.dma_semaphore, #tpu.memory_space<semaphore_mem>>) {add = true}
      %dma_wait3A_449 = arith.constant 1 : i32
      %dma_wait3A_450 = arith.constant 0 : i32
      %dma_wait3A_451 = arith.constant 0 : i32
      %dma_wait3A_452 = arith.constant 0 : i32
      %dma_wait3A_453 = tpu.memref_slice %arg8[%dma_wait3A_449, %dma_wait3A_451, %dma_wait3A_452] : memref<2x128x128xf32, #tpu.memory_space<vmem>> -> memref<1x128x128xf32, #tpu.memory_space<vmem>>
      %dma_wait3A_454 = tpu.memref_squeeze %dma_wait3A_453 : memref<1x128x128xf32, #tpu.memory_space<vmem>> -> memref<128x128xf32, #tpu.memory_space<vmem>>
      %dma_wait3A_455 = arith.constant 0 : i32
      %dma_wait3A_456 = tpu.memref_slice %arg7[%dma_wait3A_450, %dma_wait3A_455] : memref<40x128xi32, #tpu.memory_space<vmem>> -> memref<1x128xi32, #tpu.memory_space<vmem>>
      %dma_wait3A_457 = tpu.memref_squeeze %dma_wait3A_456 : memref<1x128xi32, #tpu.memory_space<vmem>> -> memref<128xi32, #tpu.memory_space<vmem>>
      %dma_wait3A_458 = arith.constant 0 : i32
      %dma_wait3A_459 = arith.constant 0 : i32
      %dma_wait3A_460 = tpu.memref_slice %arg5[%dma_wait3A_458, %dma_wait3A_459] : memref<10240x128xf32, #tpu.memory_space<vmem_shared>> -> memref<10240x128xf32, #tpu.memory_space<vmem_shared>>
      tpu.wait_indirect_dma semaphore(%arg12 : memref<!tpu.dma_semaphore, #tpu.memory_space<semaphore_mem>>) src(%dma_wait3A_454 : memref<128x128xf32, #tpu.memory_space<vmem>>) dst(%dma_wait3A_460 : memref<10240x128xf32, #tpu.memory_space<vmem_shared>>)
      %add3A_461 = arith.constant 2 : i32
      %add3A_462 = arith.addi %add3A_426, %add3A_461 : i32
      %sub3A = arith.constant 1 : i32
      %sub3A_463 = arith.subi %add3A_462, %sub3A : i32
      %dma_start3A_464 = arith.constant 1 : i32
      %dma_start3A_465 = arith.constant 0 : i32
      %dma_start3A_466 = arith.constant 0 : i32
      %dma_start3A_467 = tpu.memref_slice %arg8[%dma_start3A_464, %dma_start3A_465, %dma_start3A_466] : memref<2x128x128xf32, #tpu.memory_space<vmem>> -> memref<1x128x128xf32, #tpu.memory_space<vmem>>
      %dma_start3A_468 = tpu.memref_squeeze %dma_start3A_467 : memref<1x128x128xf32, #tpu.memory_space<vmem>> -> memref<128x128xf32, #tpu.memory_space<vmem>>
      %dma_start3A_469 = arith.constant 0 : i32
      %dma_start3A_470 = tpu.memref_slice %arg6[%sub3A_463, %dma_start3A_469] : memref<40x128xi32, #tpu.memory_space<vmem>> -> memref<1x128xi32, #tpu.memory_space<vmem>>
      %dma_start3A_471 = tpu.memref_squeeze %dma_start3A_470 : memref<1x128xi32, #tpu.memory_space<vmem>> -> memref<128xi32, #tpu.memory_space<vmem>>
      %dma_start3A_472 = arith.constant 0 : i32
      %dma_start3A_473 = arith.constant 0 : i32
      %dma_start3A_474 = tpu.memref_slice %arg2[%dma_start3A_472, %dma_start3A_473] : memref<10240x128xf32, #tpu.memory_space<hbm>> -> memref<10240x128xf32, #tpu.memory_space<hbm>>
      tpu.enqueue_indirect_dma source(%dma_start3A_474 : memref<10240x128xf32, #tpu.memory_space<hbm>>) target(%dma_start3A_468 : memref<128x128xf32, #tpu.memory_space<vmem>>) offsets(%dma_start3A_471 : memref<128xi32, #tpu.memory_space<vmem>>) semaphore(%arg10 : memref<!tpu.dma_semaphore, #tpu.memory_space<semaphore_mem>>)
      %mul3A_475 = arith.constant 2 : i32
      %mul3A_476 = arith.muli %scan3A_422, %mul3A_475 : i32
      %add3A_477 = arith.constant 1 : i32
      %add3A_478 = arith.addi %mul3A_476, %add3A_477 : i32
      %dma_wait3A_479 = arith.constant 1 : i32
      %dma_wait3A_480 = arith.constant 0 : i32
      %dma_wait3A_481 = arith.constant 0 : i32
      %dma_wait3A_482 = tpu.memref_slice %arg8[%dma_wait3A_479, %dma_wait3A_480, %dma_wait3A_481] : memref<2x128x128xf32, #tpu.memory_space<vmem>> -> memref<1x128x128xf32, #tpu.memory_space<vmem>>
      %dma_wait3A_483 = tpu.memref_squeeze %dma_wait3A_482 : memref<1x128x128xf32, #tpu.memory_space<vmem>> -> memref<128x128xf32, #tpu.memory_space<vmem>>
      %dma_wait3A_484 = arith.constant 0 : i32
      %dma_wait3A_485 = tpu.memref_slice %arg6[%add3A_478, %dma_wait3A_484] : memref<40x128xi32, #tpu.memory_space<vmem>> -> memref<1x128xi32, #tpu.memory_space<vmem>>
      %dma_wait3A_486 = tpu.memref_squeeze %dma_wait3A_485 : memref<1x128xi32, #tpu.memory_space<vmem>> -> memref<128xi32, #tpu.memory_space<vmem>>
      %dma_wait3A_487 = arith.constant 0 : i32
      %dma_wait3A_488 = arith.constant 0 : i32
      %dma_wait3A_489 = tpu.memref_slice %arg2[%dma_wait3A_487, %dma_wait3A_488] : memref<10240x128xf32, #tpu.memory_space<hbm>> -> memref<10240x128xf32, #tpu.memory_space<hbm>>
      tpu.wait_indirect_dma semaphore(%arg10 : memref<!tpu.dma_semaphore, #tpu.memory_space<semaphore_mem>>) src(%dma_wait3A_489 : memref<10240x128xf32, #tpu.memory_space<hbm>>) dst(%dma_wait3A_483 : memref<128x128xf32, #tpu.memory_space<vmem>>)
      %dma_start3A_490 = arith.constant 1 : i32
      %dma_start3A_491 = arith.constant 0 : i32
      %dma_start3A_492 = arith.constant 0 : i32
      %dma_start3A_493 = tpu.memref_slice %arg8[%dma_start3A_490, %dma_start3A_491, %dma_start3A_492] : memref<2x128x128xf32, #tpu.memory_space<vmem>> -> memref<1x128x128xf32, #tpu.memory_space<vmem>>
      %dma_start3A_494 = tpu.memref_squeeze %dma_start3A_493 : memref<1x128x128xf32, #tpu.memory_space<vmem>> -> memref<128x128xf32, #tpu.memory_space<vmem>>
      %dma_start3A_495 = arith.constant 0 : i32
      %dma_start3A_496 = tpu.memref_slice %arg7[%add3A_478, %dma_start3A_495] : memref<40x128xi32, #tpu.memory_space<vmem>> -> memref<1x128xi32, #tpu.memory_space<vmem>>
      %dma_start3A_497 = tpu.memref_squeeze %dma_start3A_496 : memref<1x128xi32, #tpu.memory_space<vmem>> -> memref<128xi32, #tpu.memory_space<vmem>>
      %dma_start3A_498 = arith.constant 0 : i32
      %dma_start3A_499 = arith.constant 0 : i32
      %dma_start3A_500 = tpu.memref_slice %arg5[%dma_start3A_498, %dma_start3A_499] : memref<10240x128xf32, #tpu.memory_space<vmem_shared>> -> memref<10240x128xf32, #tpu.memory_space<vmem_shared>>
      tpu.enqueue_indirect_dma source(%dma_start3A_494 : memref<128x128xf32, #tpu.memory_space<vmem>>) target(%dma_start3A_500 : memref<10240x128xf32, #tpu.memory_space<vmem_shared>>) offsets(%dma_start3A_497 : memref<128xi32, #tpu.memory_space<vmem>>) semaphore(%arg12 : memref<!tpu.dma_semaphore, #tpu.memory_space<semaphore_mem>>) {add = true}
      %dma_wait3A_501 = arith.constant 0 : i32
      %dma_wait3A_502 = arith.constant 0 : i32
      %dma_wait3A_503 = arith.constant 0 : i32
      %dma_wait3A_504 = arith.constant 0 : i32
      %dma_wait3A_505 = tpu.memref_slice %arg8[%dma_wait3A_501, %dma_wait3A_503, %dma_wait3A_504] : memref<2x128x128xf32, #tpu.memory_space<vmem>> -> memref<1x128x128xf32, #tpu.memory_space<vmem>>
      %dma_wait3A_506 = tpu.memref_squeeze %dma_wait3A_505 : memref<1x128x128xf32, #tpu.memory_space<vmem>> -> memref<128x128xf32, #tpu.memory_space<vmem>>
      %dma_wait3A_507 = arith.constant 0 : i32
      %dma_wait3A_508 = tpu.memref_slice %arg7[%dma_wait3A_502, %dma_wait3A_507] : memref<40x128xi32, #tpu.memory_space<vmem>> -> memref<1x128xi32, #tpu.memory_space<vmem>>
      %dma_wait3A_509 = tpu.memref_squeeze %dma_wait3A_508 : memref<1x128xi32, #tpu.memory_space<vmem>> -> memref<128xi32, #tpu.memory_space<vmem>>
      %dma_wait3A_510 = arith.constant 0 : i32
      %dma_wait3A_511 = arith.constant 0 : i32
      %dma_wait3A_512 = tpu.memref_slice %arg5[%dma_wait3A_510, %dma_wait3A_511] : memref<10240x128xf32, #tpu.memory_space<vmem_shared>> -> memref<10240x128xf32, #tpu.memory_space<vmem_shared>>
      tpu.wait_indirect_dma semaphore(%arg11 : memref<!tpu.dma_semaphore, #tpu.memory_space<semaphore_mem>>) src(%dma_wait3A_506 : memref<128x128xf32, #tpu.memory_space<vmem>>) dst(%dma_wait3A_512 : memref<10240x128xf32, #tpu.memory_space<vmem_shared>>)
      %add3A_513 = arith.constant 2 : i32
      %add3A_514 = arith.addi %add3A_478, %add3A_513 : i32
      %sub3A_515 = arith.constant 1 : i32
      %sub3A_516 = arith.subi %add3A_514, %sub3A_515 : i32
      %dma_start3A_517 = arith.constant 0 : i32
      %dma_start3A_518 = arith.constant 0 : i32
      %dma_start3A_519 = arith.constant 0 : i32
      %dma_start3A_520 = tpu.memref_slice %arg8[%dma_start3A_517, %dma_start3A_518, %dma_start3A_519] : memref<2x128x128xf32, #tpu.memory_space<vmem>> -> memref<1x128x128xf32, #tpu.memory_space<vmem>>
      %dma_start3A_521 = tpu.memref_squeeze %dma_start3A_520 : memref<1x128x128xf32, #tpu.memory_space<vmem>> -> memref<128x128xf32, #tpu.memory_space<vmem>>
      %dma_start3A_522 = arith.constant 0 : i32
      %dma_start3A_523 = tpu.memref_slice %arg6[%sub3A_516, %dma_start3A_522] : memref<40x128xi32, #tpu.memory_space<vmem>> -> memref<1x128xi32, #tpu.memory_space<vmem>>
      %dma_start3A_524 = tpu.memref_squeeze %dma_start3A_523 : memref<1x128xi32, #tpu.memory_space<vmem>> -> memref<128xi32, #tpu.memory_space<vmem>>
      %dma_start3A_525 = arith.constant 0 : i32
      %dma_start3A_526 = arith.constant 0 : i32
      %dma_start3A_527 = tpu.memref_slice %arg2[%dma_start3A_525, %dma_start3A_526] : memref<10240x128xf32, #tpu.memory_space<hbm>> -> memref<10240x128xf32, #tpu.memory_space<hbm>>
      tpu.enqueue_indirect_dma source(%dma_start3A_527 : memref<10240x128xf32, #tpu.memory_space<hbm>>) target(%dma_start3A_521 : memref<128x128xf32, #tpu.memory_space<vmem>>) offsets(%dma_start3A_524 : memref<128xi32, #tpu.memory_space<vmem>>) semaphore(%arg9 : memref<!tpu.dma_semaphore, #tpu.memory_space<semaphore_mem>>)
    }
    %scan3A_324 = arith.constant 18 : i32
    %dma_wait3A_325 = arith.constant 38 : i32
    %dma_wait3A_326 = arith.constant 0 : i32
    %dma_wait3A_327 = arith.constant 0 : i32
    %dma_wait3A_328 = arith.constant 0 : i32
    %dma_wait3A_329 = tpu.memref_slice %arg8[%dma_wait3A_326, %dma_wait3A_327, %dma_wait3A_328] : memref<2x128x128xf32, #tpu.memory_space<vmem>> -> memref<1x128x128xf32, #tpu.memory_space<vmem>>
    %dma_wait3A_330 = tpu.memref_squeeze %dma_wait3A_329 : memref<1x128x128xf32, #tpu.memory_space<vmem>> -> memref<128x128xf32, #tpu.memory_space<vmem>>
    %dma_wait3A_331 = arith.constant 0 : i32
    %dma_wait3A_332 = tpu.memref_slice %arg6[%dma_wait3A_325, %dma_wait3A_331] : memref<40x128xi32, #tpu.memory_space<vmem>> -> memref<1x128xi32, #tpu.memory_space<vmem>>
    %dma_wait3A_333 = tpu.memref_squeeze %dma_wait3A_332 : memref<1x128xi32, #tpu.memory_space<vmem>> -> memref<128xi32, #tpu.memory_space<vmem>>
    %dma_wait3A_334 = arith.constant 0 : i32
    %dma_wait3A_335 = arith.constant 0 : i32
    %dma_wait3A_336 = tpu.memref_slice %arg2[%dma_wait3A_334, %dma_wait3A_335] : memref<10240x128xf32, #tpu.memory_space<hbm>> -> memref<10240x128xf32, #tpu.memory_space<hbm>>
    tpu.wait_indirect_dma semaphore(%arg9 : memref<!tpu.dma_semaphore, #tpu.memory_space<semaphore_mem>>) src(%dma_wait3A_336 : memref<10240x128xf32, #tpu.memory_space<hbm>>) dst(%dma_wait3A_330 : memref<128x128xf32, #tpu.memory_space<vmem>>)
    %dma_start3A_337 = arith.constant 0 : i32
    %dma_start3A_338 = arith.constant 38 : i32
    %dma_start3A_339 = arith.constant 0 : i32
    %dma_start3A_340 = arith.constant 0 : i32
    %dma_start3A_341 = tpu.memref_slice %arg8[%dma_start3A_337, %dma_start3A_339, %dma_start3A_340] : memref<2x128x128xf32, #tpu.memory_space<vmem>> -> memref<1x128x128xf32, #tpu.memory_space<vmem>>
    %dma_start3A_342 = tpu.memref_squeeze %dma_start3A_341 : memref<1x128x128xf32, #tpu.memory_space<vmem>> -> memref<128x128xf32, #tpu.memory_space<vmem>>
    %dma_start3A_343 = arith.constant 0 : i32
    %dma_start3A_344 = tpu.memref_slice %arg7[%dma_start3A_338, %dma_start3A_343] : memref<40x128xi32, #tpu.memory_space<vmem>> -> memref<1x128xi32, #tpu.memory_space<vmem>>
    %dma_start3A_345 = tpu.memref_squeeze %dma_start3A_344 : memref<1x128xi32, #tpu.memory_space<vmem>> -> memref<128xi32, #tpu.memory_space<vmem>>
    %dma_start3A_346 = arith.constant 0 : i32
    %dma_start3A_347 = arith.constant 0 : i32
    %dma_start3A_348 = tpu.memref_slice %arg5[%dma_start3A_346, %dma_start3A_347] : memref<10240x128xf32, #tpu.memory_space<vmem_shared>> -> memref<10240x128xf32, #tpu.memory_space<vmem_shared>>
    tpu.enqueue_indirect_dma source(%dma_start3A_342 : memref<128x128xf32, #tpu.memory_space<vmem>>) target(%dma_start3A_348 : memref<10240x128xf32, #tpu.memory_space<vmem_shared>>) offsets(%dma_start3A_345 : memref<128xi32, #tpu.memory_space<vmem>>) semaphore(%arg11 : memref<!tpu.dma_semaphore, #tpu.memory_space<semaphore_mem>>) {add = true}
    %dma_wait3A_349 = arith.constant 1 : i32
    %dma_wait3A_350 = arith.constant 0 : i32
    %dma_wait3A_351 = arith.constant 0 : i32
    %dma_wait3A_352 = arith.constant 0 : i32
    %dma_wait3A_353 = tpu.memref_slice %arg8[%dma_wait3A_349, %dma_wait3A_351, %dma_wait3A_352] : memref<2x128x128xf32, #tpu.memory_space<vmem>> -> memref<1x128x128xf32, #tpu.memory_space<vmem>>
    %dma_wait3A_354 = tpu.memref_squeeze %dma_wait3A_353 : memref<1x128x128xf32, #tpu.memory_space<vmem>> -> memref<128x128xf32, #tpu.memory_space<vmem>>
    %dma_wait3A_355 = arith.constant 0 : i32
    %dma_wait3A_356 = tpu.memref_slice %arg7[%dma_wait3A_350, %dma_wait3A_355] : memref<40x128xi32, #tpu.memory_space<vmem>> -> memref<1x128xi32, #tpu.memory_space<vmem>>
    %dma_wait3A_357 = tpu.memref_squeeze %dma_wait3A_356 : memref<1x128xi32, #tpu.memory_space<vmem>> -> memref<128xi32, #tpu.memory_space<vmem>>
    %dma_wait3A_358 = arith.constant 0 : i32
    %dma_wait3A_359 = arith.constant 0 : i32
    %dma_wait3A_360 = tpu.memref_slice %arg5[%dma_wait3A_358, %dma_wait3A_359] : memref<10240x128xf32, #tpu.memory_space<vmem_shared>> -> memref<10240x128xf32, #tpu.memory_space<vmem_shared>>
    tpu.wait_indirect_dma semaphore(%arg12 : memref<!tpu.dma_semaphore, #tpu.memory_space<semaphore_mem>>) src(%dma_wait3A_354 : memref<128x128xf32, #tpu.memory_space<vmem>>) dst(%dma_wait3A_360 : memref<10240x128xf32, #tpu.memory_space<vmem_shared>>)
    %dma_start3A_361 = arith.constant 39 : i32
    %dma_start3A_362 = arith.constant 1 : i32
    %dma_start3A_363 = arith.constant 0 : i32
    %dma_start3A_364 = arith.constant 0 : i32
    %dma_start3A_365 = tpu.memref_slice %arg8[%dma_start3A_362, %dma_start3A_363, %dma_start3A_364] : memref<2x128x128xf32, #tpu.memory_space<vmem>> -> memref<1x128x128xf32, #tpu.memory_space<vmem>>
    %dma_start3A_366 = tpu.memref_squeeze %dma_start3A_365 : memref<1x128x128xf32, #tpu.memory_space<vmem>> -> memref<128x128xf32, #tpu.memory_space<vmem>>
    %dma_start3A_367 = arith.constant 0 : i32
    %dma_start3A_368 = tpu.memref_slice %arg6[%dma_start3A_361, %dma_start3A_367] : memref<40x128xi32, #tpu.memory_space<vmem>> -> memref<1x128xi32, #tpu.memory_space<vmem>>
    %dma_start3A_369 = tpu.memref_squeeze %dma_start3A_368 : memref<1x128xi32, #tpu.memory_space<vmem>> -> memref<128xi32, #tpu.memory_space<vmem>>
    %dma_start3A_370 = arith.constant 0 : i32
    %dma_start3A_371 = arith.constant 0 : i32
    %dma_start3A_372 = tpu.memref_slice %arg2[%dma_start3A_370, %dma_start3A_371] : memref<10240x128xf32, #tpu.memory_space<hbm>> -> memref<10240x128xf32, #tpu.memory_space<hbm>>
    tpu.enqueue_indirect_dma source(%dma_start3A_372 : memref<10240x128xf32, #tpu.memory_space<hbm>>) target(%dma_start3A_366 : memref<128x128xf32, #tpu.memory_space<vmem>>) offsets(%dma_start3A_369 : memref<128xi32, #tpu.memory_space<vmem>>) semaphore(%arg10 : memref<!tpu.dma_semaphore, #tpu.memory_space<semaphore_mem>>)
    %dma_wait3A_373 = arith.constant 39 : i32
    %dma_wait3A_374 = arith.constant 1 : i32
    %dma_wait3A_375 = arith.constant 0 : i32
    %dma_wait3A_376 = arith.constant 0 : i32
    %dma_wait3A_377 = tpu.memref_slice %arg8[%dma_wait3A_374, %dma_wait3A_375, %dma_wait3A_376] : memref<2x128x128xf32, #tpu.memory_space<vmem>> -> memref<1x128x128xf32, #tpu.memory_space<vmem>>
    %dma_wait3A_378 = tpu.memref_squeeze %dma_wait3A_377 : memref<1x128x128xf32, #tpu.memory_space<vmem>> -> memref<128x128xf32, #tpu.memory_space<vmem>>
    %dma_wait3A_379 = arith.constant 0 : i32
    %dma_wait3A_380 = tpu.memref_slice %arg6[%dma_wait3A_373, %dma_wait3A_379] : memref<40x128xi32, #tpu.memory_space<vmem>> -> memref<1x128xi32, #tpu.memory_space<vmem>>
    %dma_wait3A_381 = tpu.memref_squeeze %dma_wait3A_380 : memref<1x128xi32, #tpu.memory_space<vmem>> -> memref<128xi32, #tpu.memory_space<vmem>>
    %dma_wait3A_382 = arith.constant 0 : i32
    %dma_wait3A_383 = arith.constant 0 : i32
    %dma_wait3A_384 = tpu.memref_slice %arg2[%dma_wait3A_382, %dma_wait3A_383] : memref<10240x128xf32, #tpu.memory_space<hbm>> -> memref<10240x128xf32, #tpu.memory_space<hbm>>
    tpu.wait_indirect_dma semaphore(%arg10 : memref<!tpu.dma_semaphore, #tpu.memory_space<semaphore_mem>>) src(%dma_wait3A_384 : memref<10240x128xf32, #tpu.memory_space<hbm>>) dst(%dma_wait3A_378 : memref<128x128xf32, #tpu.memory_space<vmem>>)
    %dma_start3A_385 = arith.constant 1 : i32
    %dma_start3A_386 = arith.constant 39 : i32
    %dma_start3A_387 = arith.constant 0 : i32
    %dma_start3A_388 = arith.constant 0 : i32
    %dma_start3A_389 = tpu.memref_slice %arg8[%dma_start3A_385, %dma_start3A_387, %dma_start3A_388] : memref<2x128x128xf32, #tpu.memory_space<vmem>> -> memref<1x128x128xf32, #tpu.memory_space<vmem>>
    %dma_start3A_390 = tpu.memref_squeeze %dma_start3A_389 : memref<1x128x128xf32, #tpu.memory_space<vmem>> -> memref<128x128xf32, #tpu.memory_space<vmem>>
    %dma_start3A_391 = arith.constant 0 : i32
    %dma_start3A_392 = tpu.memref_slice %arg7[%dma_start3A_386, %dma_start3A_391] : memref<40x128xi32, #tpu.memory_space<vmem>> -> memref<1x128xi32, #tpu.memory_space<vmem>>
    %dma_start3A_393 = tpu.memref_squeeze %dma_start3A_392 : memref<1x128xi32, #tpu.memory_space<vmem>> -> memref<128xi32, #tpu.memory_space<vmem>>
    %dma_start3A_394 = arith.constant 0 : i32
    %dma_start3A_395 = arith.constant 0 : i32
    %dma_start3A_396 = tpu.memref_slice %arg5[%dma_start3A_394, %dma_start3A_395] : memref<10240x128xf32, #tpu.memory_space<vmem_shared>> -> memref<10240x128xf32, #tpu.memory_space<vmem_shared>>
    tpu.enqueue_indirect_dma source(%dma_start3A_390 : memref<128x128xf32, #tpu.memory_space<vmem>>) target(%dma_start3A_396 : memref<10240x128xf32, #tpu.memory_space<vmem_shared>>) offsets(%dma_start3A_393 : memref<128xi32, #tpu.memory_space<vmem>>) semaphore(%arg12 : memref<!tpu.dma_semaphore, #tpu.memory_space<semaphore_mem>>) {add = true}
    %dma_wait3A_397 = arith.constant 0 : i32
    %dma_wait3A_398 = arith.constant 0 : i32
    %dma_wait3A_399 = arith.constant 0 : i32
    %dma_wait3A_400 = arith.constant 0 : i32
    %dma_wait3A_401 = tpu.memref_slice %arg8[%dma_wait3A_397, %dma_wait3A_399, %dma_wait3A_400] : memref<2x128x128xf32, #tpu.memory_space<vmem>> -> memref<1x128x128xf32, #tpu.memory_space<vmem>>
    %dma_wait3A_402 = tpu.memref_squeeze %dma_wait3A_401 : memref<1x128x128xf32, #tpu.memory_space<vmem>> -> memref<128x128xf32, #tpu.memory_space<vmem>>
    %dma_wait3A_403 = arith.constant 0 : i32
    %dma_wait3A_404 = tpu.memref_slice %arg7[%dma_wait3A_398, %dma_wait3A_403] : memref<40x128xi32, #tpu.memory_space<vmem>> -> memref<1x128xi32, #tpu.memory_space<vmem>>
    %dma_wait3A_405 = tpu.memref_squeeze %dma_wait3A_404 : memref<1x128xi32, #tpu.memory_space<vmem>> -> memref<128xi32, #tpu.memory_space<vmem>>
    %dma_wait3A_406 = arith.constant 0 : i32
    %dma_wait3A_407 = arith.constant 0 : i32
    %dma_wait3A_408 = tpu.memref_slice %arg5[%dma_wait3A_406, %dma_wait3A_407] : memref<10240x128xf32, #tpu.memory_space<vmem_shared>> -> memref<10240x128xf32, #tpu.memory_space<vmem_shared>>
    tpu.wait_indirect_dma semaphore(%arg11 : memref<!tpu.dma_semaphore, #tpu.memory_space<semaphore_mem>>) src(%dma_wait3A_402 : memref<128x128xf32, #tpu.memory_space<vmem>>) dst(%dma_wait3A_408 : memref<10240x128xf32, #tpu.memory_space<vmem_shared>>)
    %dma_wait3A_409 = arith.constant 1 : i32
    %dma_wait3A_410 = arith.constant 0 : i32
    %dma_wait3A_411 = arith.constant 0 : i32
    %dma_wait3A_412 = arith.constant 0 : i32
    %dma_wait3A_413 = tpu.memref_slice %arg8[%dma_wait3A_409, %dma_wait3A_411, %dma_wait3A_412] : memref<2x128x128xf32, #tpu.memory_space<vmem>> -> memref<1x128x128xf32, #tpu.memory_space<vmem>>
    %dma_wait3A_414 = tpu.memref_squeeze %dma_wait3A_413 : memref<1x128x128xf32, #tpu.memory_space<vmem>> -> memref<128x128xf32, #tpu.memory_space<vmem>>
    %dma_wait3A_415 = arith.constant 0 : i32
    %dma_wait3A_416 = tpu.memref_slice %arg7[%dma_wait3A_410, %dma_wait3A_415] : memref<40x128xi32, #tpu.memory_space<vmem>> -> memref<1x128xi32, #tpu.memory_space<vmem>>
    %dma_wait3A_417 = tpu.memref_squeeze %dma_wait3A_416 : memref<1x128xi32, #tpu.memory_space<vmem>> -> memref<128xi32, #tpu.memory_space<vmem>>
    %dma_wait3A_418 = arith.constant 0 : i32
    %dma_wait3A_419 = arith.constant 0 : i32
    %dma_wait3A_420 = tpu.memref_slice %arg5[%dma_wait3A_418, %dma_wait3A_419] : memref<10240x128xf32, #tpu.memory_space<vmem_shared>> -> memref<10240x128xf32, #tpu.memory_space<vmem_shared>>
    tpu.wait_indirect_dma semaphore(%arg12 : memref<!tpu.dma_semaphore, #tpu.memory_space<semaphore_mem>>) src(%dma_wait3A_414 : memref<128x128xf32, #tpu.memory_space<vmem>>) dst(%dma_wait3A_420 : memref<10240x128xf32, #tpu.memory_space<vmem_shared>>)
    %barrier3A_421 = arith.constant 0 : index
    tpu.barrier barrier_id(%barrier3A_421)
    "tpu.region"() ({
      %run_scoped3A_422 = tpu.sem_alloc : memref<!tpu.dma_semaphore, #tpu.memory_space<semaphore_mem>>
      %dma_start3A_423 = arith.constant 0 : i32
      %dma_start3A_424 = tpu.memref_slice %arg4[%arg0, %mul3A_8, %dma_start3A_423] : memref<2x10240x128xf32, #tpu.memory_space<hbm>> -> memref<1x640x128xf32, #tpu.memory_space<hbm>>
      %dma_start3A_425 = tpu.memref_squeeze %dma_start3A_424 : memref<1x640x128xf32, #tpu.memory_space<hbm>> -> memref<640x128xf32, #tpu.memory_space<hbm>>
      %dma_start3A_426 = arith.constant 0 : i32
      %dma_start3A_427 = tpu.memref_slice %arg5[%mul3A_8, %dma_start3A_426] : memref<10240x128xf32, #tpu.memory_space<vmem_shared>> -> memref<640x128xf32, #tpu.memory_space<vmem_shared>>
      tpu.enqueue_dma source(%dma_start3A_427 : memref<640x128xf32, #tpu.memory_space<vmem_shared>>) target(%dma_start3A_425 : memref<640x128xf32, #tpu.memory_space<hbm>>) target_semaphore(%run_scoped3A_422 : memref<!tpu.dma_semaphore, #tpu.memory_space<semaphore_mem>>)
      %dma_wait3A_428 = arith.constant 0 : i32
      %dma_wait3A_429 = tpu.memref_slice %arg4[%arg0, %mul3A_8, %dma_wait3A_428] : memref<2x10240x128xf32, #tpu.memory_space<hbm>> -> memref<1x640x128xf32, #tpu.memory_space<hbm>>
      %dma_wait3A_430 = tpu.memref_squeeze %dma_wait3A_429 : memref<1x640x128xf32, #tpu.memory_space<hbm>> -> memref<640x128xf32, #tpu.memory_space<hbm>>
      %dma_wait3A_431 = arith.constant 0 : i32
      %dma_wait3A_432 = tpu.memref_slice %arg5[%mul3A_8, %dma_wait3A_431] : memref<10240x128xf32, #tpu.memory_space<vmem_shared>> -> memref<640x128xf32, #tpu.memory_space<vmem_shared>>
      tpu.wait_dma2 semaphore(%run_scoped3A_422 : memref<!tpu.dma_semaphore, #tpu.memory_space<semaphore_mem>>) src(%dma_wait3A_432 : memref<640x128xf32, #tpu.memory_space<vmem_shared>>) dst(%dma_wait3A_430 : memref<640x128xf32, #tpu.memory_space<hbm>>)
      tpu.yield
    }) : () -> ()
    return
  }
}

#map = affine_map<(d0, d1) -> (0, 0)>
#map1 = affine_map<(d0, d1) -> (0, 0, 0, 0)>
#map2 = affine_map<(d0, d1) -> (0, 0, 0)>
module attributes {stable_mosaic.version = 14 : i64} {
  func.func @agg_body(%arg0: i32, %arg1: i32, %arg2: memref<10240x128xf32, #tpu.memory_space<hbm>>, %arg3: memref<2x32x80x128xi32, #tpu.memory_space<hbm>>, %arg4: memref<2x10240x128xf32, #tpu.memory_space<hbm>>, %arg5: memref<10240x128xf32, #tpu.memory_space<vmem_shared>>, %arg6: memref<40x128xi32, #tpu.memory_space<vmem>>, %arg7: memref<40x128xi32, #tpu.memory_space<vmem>>, %arg8: memref<2x128x128xf32, #tpu.memory_space<vmem>>, %arg9: memref<!tpu.dma_semaphore, #tpu.memory_space<semaphore_mem>>, %arg10: memref<!tpu.dma_semaphore, #tpu.memory_space<semaphore_mem>>, %arg11: memref<!tpu.dma_semaphore, #tpu.memory_space<semaphore_mem>>, %arg12: memref<!tpu.dma_semaphore, #tpu.memory_space<semaphore_mem>>) attributes {dimension_semantics = [#tpu.dimension_semantics<core_parallel>, #tpu.dimension_semantics<subcore_parallel>], iteration_bounds = array<i64: 2, 16>, scalar_prefetch = 0 : i64, scratch_operands = 8 : i64, tpu.core_type = #tpu.core_type<sc_vector_subcore>, window_params = [{transform_indices = #map}, {transform_indices = #map1}, {transform_indices = #map2}]} {
    %mul3A = arith.constant 16 : i32
    %mul3A_0 = arith.muli %arg0, %mul3A : i32
    %add3A = arith.addi %mul3A_0, %arg1 : i32
    %broadcast_in_dim3A = arith.constant 0.000000e+00 : f32
    %broadcast_in_dim3A_1 = vector.broadcast %broadcast_in_dim3A : f32 to vector<16xf32>
    %scan3A = arith.constant 0 : i32
    %scan3A_2 = arith.constant 0 : i32
    %scan3A_3 = arith.constant 128 : i32
    %scan3A_4 = arith.addi %scan3A_2, %scan3A_3 : i32
    %scan3A_5 = arith.constant 1 : i32
    scf.for %scan3A_422 = %scan3A_2 to %scan3A_4 step %scan3A_5  : i32 {
      %swap3A = arith.constant 0 : i32
      %swap3A_423 = arith.index_cast %swap3A : i32 to index
      %swap3A_424 = arith.index_cast %scan3A_422 : i32 to index
      %swap3A_425 = arith.constant 0 : index
      %swap3A_426 = tpu.vector_load %arg8[%swap3A_423, %swap3A_424, %swap3A_425] {strides = array<i32>} : memref<2x128x128xf32, #tpu.memory_space<vmem>>, vector<1x1x16xf32>,
      %swap3A_427 = vector.shape_cast %swap3A_426 : vector<1x1x16xf32> to vector<16xf32>
      %swap3A_428 = vector.shape_cast %broadcast_in_dim3A_1 : vector<16xf32> to vector<1x1x16xf32>
      tpu.vector_store %arg8[%swap3A_423, %swap3A_424, %swap3A_425], %swap3A_428 {strides = array<i32>} : memref<2x128x128xf32, #tpu.memory_space<vmem>>, vector<1x1x16xf32>,
      %swap3A_429 = arith.constant 0 : i32
      %swap3A_430 = arith.index_cast %swap3A_429 : i32 to index
      %swap3A_431 = arith.index_cast %scan3A_422 : i32 to index
      %swap3A_432 = arith.constant 16 : index
      %swap3A_433 = tpu.vector_load %arg8[%swap3A_430, %swap3A_431, %swap3A_432] {strides = array<i32>} : memref<2x128x128xf32, #tpu.memory_space<vmem>>, vector<1x1x16xf32>,
      %swap3A_434 = vector.shape_cast %swap3A_433 : vector<1x1x16xf32> to vector<16xf32>
      %swap3A_435 = vector.shape_cast %broadcast_in_dim3A_1 : vector<16xf32> to vector<1x1x16xf32>
      tpu.vector_store %arg8[%swap3A_430, %swap3A_431, %swap3A_432], %swap3A_435 {strides = array<i32>} : memref<2x128x128xf32, #tpu.memory_space<vmem>>, vector<1x1x16xf32>,
      %swap3A_436 = arith.constant 0 : i32
      %swap3A_437 = arith.index_cast %swap3A_436 : i32 to index
      %swap3A_438 = arith.index_cast %scan3A_422 : i32 to index
      %swap3A_439 = arith.constant 32 : index
      %swap3A_440 = tpu.vector_load %arg8[%swap3A_437, %swap3A_438, %swap3A_439] {strides = array<i32>} : memref<2x128x128xf32, #tpu.memory_space<vmem>>, vector<1x1x16xf32>,
      %swap3A_441 = vector.shape_cast %swap3A_440 : vector<1x1x16xf32> to vector<16xf32>
      %swap3A_442 = vector.shape_cast %broadcast_in_dim3A_1 : vector<16xf32> to vector<1x1x16xf32>
      tpu.vector_store %arg8[%swap3A_437, %swap3A_438, %swap3A_439], %swap3A_442 {strides = array<i32>} : memref<2x128x128xf32, #tpu.memory_space<vmem>>, vector<1x1x16xf32>,
      %swap3A_443 = arith.constant 0 : i32
      %swap3A_444 = arith.index_cast %swap3A_443 : i32 to index
      %swap3A_445 = arith.index_cast %scan3A_422 : i32 to index
      %swap3A_446 = arith.constant 48 : index
      %swap3A_447 = tpu.vector_load %arg8[%swap3A_444, %swap3A_445, %swap3A_446] {strides = array<i32>} : memref<2x128x128xf32, #tpu.memory_space<vmem>>, vector<1x1x16xf32>,
      %swap3A_448 = vector.shape_cast %swap3A_447 : vector<1x1x16xf32> to vector<16xf32>
      %swap3A_449 = vector.shape_cast %broadcast_in_dim3A_1 : vector<16xf32> to vector<1x1x16xf32>
      tpu.vector_store %arg8[%swap3A_444, %swap3A_445, %swap3A_446], %swap3A_449 {strides = array<i32>} : memref<2x128x128xf32, #tpu.memory_space<vmem>>, vector<1x1x16xf32>,
      %swap3A_450 = arith.constant 0 : i32
      %swap3A_451 = arith.index_cast %swap3A_450 : i32 to index
      %swap3A_452 = arith.index_cast %scan3A_422 : i32 to index
      %swap3A_453 = arith.constant 64 : index
      %swap3A_454 = tpu.vector_load %arg8[%swap3A_451, %swap3A_452, %swap3A_453] {strides = array<i32>} : memref<2x128x128xf32, #tpu.memory_space<vmem>>, vector<1x1x16xf32>,
      %swap3A_455 = vector.shape_cast %swap3A_454 : vector<1x1x16xf32> to vector<16xf32>
      %swap3A_456 = vector.shape_cast %broadcast_in_dim3A_1 : vector<16xf32> to vector<1x1x16xf32>
      tpu.vector_store %arg8[%swap3A_451, %swap3A_452, %swap3A_453], %swap3A_456 {strides = array<i32>} : memref<2x128x128xf32, #tpu.memory_space<vmem>>, vector<1x1x16xf32>,
      %swap3A_457 = arith.constant 0 : i32
      %swap3A_458 = arith.index_cast %swap3A_457 : i32 to index
      %swap3A_459 = arith.index_cast %scan3A_422 : i32 to index
      %swap3A_460 = arith.constant 80 : index
      %swap3A_461 = tpu.vector_load %arg8[%swap3A_458, %swap3A_459, %swap3A_460] {strides = array<i32>} : memref<2x128x128xf32, #tpu.memory_space<vmem>>, vector<1x1x16xf32>,
      %swap3A_462 = vector.shape_cast %swap3A_461 : vector<1x1x16xf32> to vector<16xf32>
      %swap3A_463 = vector.shape_cast %broadcast_in_dim3A_1 : vector<16xf32> to vector<1x1x16xf32>
      tpu.vector_store %arg8[%swap3A_458, %swap3A_459, %swap3A_460], %swap3A_463 {strides = array<i32>} : memref<2x128x128xf32, #tpu.memory_space<vmem>>, vector<1x1x16xf32>,
      %swap3A_464 = arith.constant 0 : i32
      %swap3A_465 = arith.index_cast %swap3A_464 : i32 to index
      %swap3A_466 = arith.index_cast %scan3A_422 : i32 to index
      %swap3A_467 = arith.constant 96 : index
      %swap3A_468 = tpu.vector_load %arg8[%swap3A_465, %swap3A_466, %swap3A_467] {strides = array<i32>} : memref<2x128x128xf32, #tpu.memory_space<vmem>>, vector<1x1x16xf32>,
      %swap3A_469 = vector.shape_cast %swap3A_468 : vector<1x1x16xf32> to vector<16xf32>
      %swap3A_470 = vector.shape_cast %broadcast_in_dim3A_1 : vector<16xf32> to vector<1x1x16xf32>
      tpu.vector_store %arg8[%swap3A_465, %swap3A_466, %swap3A_467], %swap3A_470 {strides = array<i32>} : memref<2x128x128xf32, #tpu.memory_space<vmem>>, vector<1x1x16xf32>,
      %swap3A_471 = arith.constant 0 : i32
      %swap3A_472 = arith.index_cast %swap3A_471 : i32 to index
      %swap3A_473 = arith.index_cast %scan3A_422 : i32 to index
      %swap3A_474 = arith.constant 112 : index
      %swap3A_475 = tpu.vector_load %arg8[%swap3A_472, %swap3A_473, %swap3A_474] {strides = array<i32>} : memref<2x128x128xf32, #tpu.memory_space<vmem>>, vector<1x1x16xf32>,
      %swap3A_476 = vector.shape_cast %swap3A_475 : vector<1x1x16xf32> to vector<16xf32>
      %swap3A_477 = vector.shape_cast %broadcast_in_dim3A_1 : vector<16xf32> to vector<1x1x16xf32>
      tpu.vector_store %arg8[%swap3A_472, %swap3A_473, %swap3A_474], %swap3A_477 {strides = array<i32>} : memref<2x128x128xf32, #tpu.memory_space<vmem>>, vector<1x1x16xf32>,
    }
    %scan3A_6 = arith.constant 128 : i32
    %mul3A_7 = arith.constant 640 : i32
    %mul3A_8 = arith.muli %arg1, %mul3A_7 : i32
    %add3A_9 = arith.constant 0 : i32
    %add3A_10 = arith.addi %mul3A_8, %add3A_9 : i32
    %run_scoped3A = arith.constant 0 : i32
    "tpu.region"() ({
      %run_scoped3A_422 = tpu.sem_alloc : memref<!tpu.dma_semaphore, #tpu.memory_space<semaphore_mem>>
      %dma_start3A_423 = arith.constant 0 : i32
      %dma_start3A_424 = arith.constant 0 : i32
      %dma_start3A_425 = tpu.memref_slice %arg8[%run_scoped3A, %dma_start3A_423, %dma_start3A_424] : memref<2x128x128xf32, #tpu.memory_space<vmem>> -> memref<1x128x128xf32, #tpu.memory_space<vmem>>
      %dma_start3A_426 = tpu.memref_squeeze %dma_start3A_425 : memref<1x128x128xf32, #tpu.memory_space<vmem>> -> memref<128x128xf32, #tpu.memory_space<vmem>>
      %dma_start3A_427 = arith.constant 0 : i32
      %dma_start3A_428 = tpu.memref_slice %arg5[%add3A_10, %dma_start3A_427] : memref<10240x128xf32, #tpu.memory_space<vmem_shared>> -> memref<128x128xf32, #tpu.memory_space<vmem_shared>>
      %dma_start3A_429 = arith.constant 0 : i32
      %dma_start3A_430 = tpu.memref_slice %arg5[%add3A_10, %dma_start3A_429] : memref<10240x128xf32, #tpu.memory_space<vmem_shared>> -> memref<128x128xf32, #tpu.memory_space<vmem_shared>>
      %dma_start3A_431 = arith.constant 0 : i32
      %dma_start3A_432 = arith.constant 0 : i32
      %dma_start3A_433 = tpu.memref_slice %arg8[%run_scoped3A, %dma_start3A_431, %dma_start3A_432] : memref<2x128x128xf32, #tpu.memory_space<vmem>> -> memref<1x128x128xf32, #tpu.memory_space<vmem>>
      %dma_start3A_434 = tpu.memref_squeeze %dma_start3A_433 : memref<1x128x128xf32, #tpu.memory_space<vmem>> -> memref<128x128xf32, #tpu.memory_space<vmem>>
      tpu.enqueue_dma source(%dma_start3A_434 : memref<128x128xf32, #tpu.memory_space<vmem>>) target(%dma_start3A_430 : memref<128x128xf32, #tpu.memory_space<vmem_shared>>) target_semaphore(%run_scoped3A_422 : memref<!tpu.dma_semaphore, #tpu.memory_space<semaphore_mem>>)
      %dma_wait3A_435 = arith.constant 0 : i32
      %dma_wait3A_436 = arith.constant 0 : i32
      %dma_wait3A_437 = tpu.memref_slice %arg8[%run_scoped3A, %dma_wait3A_435, %dma_wait3A_436] : memref<2x128x128xf32, #tpu.memory_space<vmem>> -> memref<1x128x128xf32, #tpu.memory_space<vmem>>
      %dma_wait3A_438 = tpu.memref_squeeze %dma_wait3A_437 : memref<1x128x128xf32, #tpu.memory_space<vmem>> -> memref<128x128xf32, #tpu.memory_space<vmem>>
      %dma_wait3A_439 = arith.constant 0 : i32
      %dma_wait3A_440 = tpu.memref_slice %arg5[%add3A_10, %dma_wait3A_439] : memref<10240x128xf32, #tpu.memory_space<vmem_shared>> -> memref<128x128xf32, #tpu.memory_space<vmem_shared>>
      %dma_wait3A_441 = arith.constant 0 : i32
      %dma_wait3A_442 = tpu.memref_slice %arg5[%add3A_10, %dma_wait3A_441] : memref<10240x128xf32, #tpu.memory_space<vmem_shared>> -> memref<128x128xf32, #tpu.memory_space<vmem_shared>>
      %dma_wait3A_443 = arith.constant 0 : i32
      %dma_wait3A_444 = arith.constant 0 : i32
      %dma_wait3A_445 = tpu.memref_slice %arg8[%run_scoped3A, %dma_wait3A_443, %dma_wait3A_444] : memref<2x128x128xf32, #tpu.memory_space<vmem>> -> memref<1x128x128xf32, #tpu.memory_space<vmem>>
      %dma_wait3A_446 = tpu.memref_squeeze %dma_wait3A_445 : memref<1x128x128xf32, #tpu.memory_space<vmem>> -> memref<128x128xf32, #tpu.memory_space<vmem>>
      tpu.wait_dma2 semaphore(%run_scoped3A_422 : memref<!tpu.dma_semaphore, #tpu.memory_space<semaphore_mem>>) src(%dma_wait3A_446 : memref<128x128xf32, #tpu.memory_space<vmem>>) dst(%dma_wait3A_442 : memref<128x128xf32, #tpu.memory_space<vmem_shared>>)
      tpu.yield
    }) : () -> ()
    %add3A_11 = arith.constant 128 : i32
    %add3A_12 = arith.addi %mul3A_8, %add3A_11 : i32
    %run_scoped3A_13 = arith.constant 0 : i32
    "tpu.region"() ({
      %run_scoped3A_422 = tpu.sem_alloc : memref<!tpu.dma_semaphore, #tpu.memory_space<semaphore_mem>>
      %dma_start3A_423 = arith.constant 0 : i32
      %dma_start3A_424 = arith.constant 0 : i32
      %dma_start3A_425 = tpu.memref_slice %arg8[%run_scoped3A_13, %dma_start3A_423, %dma_start3A_424] : memref<2x128x128xf32, #tpu.memory_space<vmem>> -> memref<1x128x128xf32, #tpu.memory_space<vmem>>
      %dma_start3A_426 = tpu.memref_squeeze %dma_start3A_425 : memref<1x128x128xf32, #tpu.memory_space<vmem>> -> memref<128x128xf32, #tpu.memory_space<vmem>>
      %dma_start3A_427 = arith.constant 0 : i32
      %dma_start3A_428 = tpu.memref_slice %arg5[%add3A_12, %dma_start3A_427] : memref<10240x128xf32, #tpu.memory_space<vmem_shared>> -> memref<128x128xf32, #tpu.memory_space<vmem_shared>>
      %dma_start3A_429 = arith.constant 0 : i32
      %dma_start3A_430 = tpu.memref_slice %arg5[%add3A_12, %dma_start3A_429] : memref<10240x128xf32, #tpu.memory_space<vmem_shared>> -> memref<128x128xf32, #tpu.memory_space<vmem_shared>>
      %dma_start3A_431 = arith.constant 0 : i32
      %dma_start3A_432 = arith.constant 0 : i32
      %dma_start3A_433 = tpu.memref_slice %arg8[%run_scoped3A_13, %dma_start3A_431, %dma_start3A_432] : memref<2x128x128xf32, #tpu.memory_space<vmem>> -> memref<1x128x128xf32, #tpu.memory_space<vmem>>
      %dma_start3A_434 = tpu.memref_squeeze %dma_start3A_433 : memref<1x128x128xf32, #tpu.memory_space<vmem>> -> memref<128x128xf32, #tpu.memory_space<vmem>>
      tpu.enqueue_dma source(%dma_start3A_434 : memref<128x128xf32, #tpu.memory_space<vmem>>) target(%dma_start3A_430 : memref<128x128xf32, #tpu.memory_space<vmem_shared>>) target_semaphore(%run_scoped3A_422 : memref<!tpu.dma_semaphore, #tpu.memory_space<semaphore_mem>>)
      %dma_wait3A_435 = arith.constant 0 : i32
      %dma_wait3A_436 = arith.constant 0 : i32
      %dma_wait3A_437 = tpu.memref_slice %arg8[%run_scoped3A_13, %dma_wait3A_435, %dma_wait3A_436] : memref<2x128x128xf32, #tpu.memory_space<vmem>> -> memref<1x128x128xf32, #tpu.memory_space<vmem>>
      %dma_wait3A_438 = tpu.memref_squeeze %dma_wait3A_437 : memref<1x128x128xf32, #tpu.memory_space<vmem>> -> memref<128x128xf32, #tpu.memory_space<vmem>>
      %dma_wait3A_439 = arith.constant 0 : i32
      %dma_wait3A_440 = tpu.memref_slice %arg5[%add3A_12, %dma_wait3A_439] : memref<10240x128xf32, #tpu.memory_space<vmem_shared>> -> memref<128x128xf32, #tpu.memory_space<vmem_shared>>
      %dma_wait3A_441 = arith.constant 0 : i32
      %dma_wait3A_442 = tpu.memref_slice %arg5[%add3A_12, %dma_wait3A_441] : memref<10240x128xf32, #tpu.memory_space<vmem_shared>> -> memref<128x128xf32, #tpu.memory_space<vmem_shared>>
      %dma_wait3A_443 = arith.constant 0 : i32
      %dma_wait3A_444 = arith.constant 0 : i32
      %dma_wait3A_445 = tpu.memref_slice %arg8[%run_scoped3A_13, %dma_wait3A_443, %dma_wait3A_444] : memref<2x128x128xf32, #tpu.memory_space<vmem>> -> memref<1x128x128xf32, #tpu.memory_space<vmem>>
      %dma_wait3A_446 = tpu.memref_squeeze %dma_wait3A_445 : memref<1x128x128xf32, #tpu.memory_space<vmem>> -> memref<128x128xf32, #tpu.memory_space<vmem>>
      tpu.wait_dma2 semaphore(%run_scoped3A_422 : memref<!tpu.dma_semaphore, #tpu.memory_space<semaphore_mem>>) src(%dma_wait3A_446 : memref<128x128xf32, #tpu.memory_space<vmem>>) dst(%dma_wait3A_442 : memref<128x128xf32, #tpu.memory_space<vmem_shared>>)
      tpu.yield
    }) : () -> ()
    %add3A_14 = arith.constant 256 : i32
    %add3A_15 = arith.addi %mul3A_8, %add3A_14 : i32
    %run_scoped3A_16 = arith.constant 0 : i32
    "tpu.region"() ({
      %run_scoped3A_422 = tpu.sem_alloc : memref<!tpu.dma_semaphore, #tpu.memory_space<semaphore_mem>>
      %dma_start3A_423 = arith.constant 0 : i32
      %dma_start3A_424 = arith.constant 0 : i32
      %dma_start3A_425 = tpu.memref_slice %arg8[%run_scoped3A_16, %dma_start3A_423, %dma_start3A_424] : memref<2x128x128xf32, #tpu.memory_space<vmem>> -> memref<1x128x128xf32, #tpu.memory_space<vmem>>
      %dma_start3A_426 = tpu.memref_squeeze %dma_start3A_425 : memref<1x128x128xf32, #tpu.memory_space<vmem>> -> memref<128x128xf32, #tpu.memory_space<vmem>>
      %dma_start3A_427 = arith.constant 0 : i32
      %dma_start3A_428 = tpu.memref_slice %arg5[%add3A_15, %dma_start3A_427] : memref<10240x128xf32, #tpu.memory_space<vmem_shared>> -> memref<128x128xf32, #tpu.memory_space<vmem_shared>>
      %dma_start3A_429 = arith.constant 0 : i32
      %dma_start3A_430 = tpu.memref_slice %arg5[%add3A_15, %dma_start3A_429] : memref<10240x128xf32, #tpu.memory_space<vmem_shared>> -> memref<128x128xf32, #tpu.memory_space<vmem_shared>>
      %dma_start3A_431 = arith.constant 0 : i32
      %dma_start3A_432 = arith.constant 0 : i32
      %dma_start3A_433 = tpu.memref_slice %arg8[%run_scoped3A_16, %dma_start3A_431, %dma_start3A_432] : memref<2x128x128xf32, #tpu.memory_space<vmem>> -> memref<1x128x128xf32, #tpu.memory_space<vmem>>
      %dma_start3A_434 = tpu.memref_squeeze %dma_start3A_433 : memref<1x128x128xf32, #tpu.memory_space<vmem>> -> memref<128x128xf32, #tpu.memory_space<vmem>>
      tpu.enqueue_dma source(%dma_start3A_434 : memref<128x128xf32, #tpu.memory_space<vmem>>) target(%dma_start3A_430 : memref<128x128xf32, #tpu.memory_space<vmem_shared>>) target_semaphore(%run_scoped3A_422 : memref<!tpu.dma_semaphore, #tpu.memory_space<semaphore_mem>>)
      %dma_wait3A_435 = arith.constant 0 : i32
      %dma_wait3A_436 = arith.constant 0 : i32
      %dma_wait3A_437 = tpu.memref_slice %arg8[%run_scoped3A_16, %dma_wait3A_435, %dma_wait3A_436] : memref<2x128x128xf32, #tpu.memory_space<vmem>> -> memref<1x128x128xf32, #tpu.memory_space<vmem>>
      %dma_wait3A_438 = tpu.memref_squeeze %dma_wait3A_437 : memref<1x128x128xf32, #tpu.memory_space<vmem>> -> memref<128x128xf32, #tpu.memory_space<vmem>>
      %dma_wait3A_439 = arith.constant 0 : i32
      %dma_wait3A_440 = tpu.memref_slice %arg5[%add3A_15, %dma_wait3A_439] : memref<10240x128xf32, #tpu.memory_space<vmem_shared>> -> memref<128x128xf32, #tpu.memory_space<vmem_shared>>
      %dma_wait3A_441 = arith.constant 0 : i32
      %dma_wait3A_442 = tpu.memref_slice %arg5[%add3A_15, %dma_wait3A_441] : memref<10240x128xf32, #tpu.memory_space<vmem_shared>> -> memref<128x128xf32, #tpu.memory_space<vmem_shared>>
      %dma_wait3A_443 = arith.constant 0 : i32
      %dma_wait3A_444 = arith.constant 0 : i32
      %dma_wait3A_445 = tpu.memref_slice %arg8[%run_scoped3A_16, %dma_wait3A_443, %dma_wait3A_444] : memref<2x128x128xf32, #tpu.memory_space<vmem>> -> memref<1x128x128xf32, #tpu.memory_space<vmem>>
      %dma_wait3A_446 = tpu.memref_squeeze %dma_wait3A_445 : memref<1x128x128xf32, #tpu.memory_space<vmem>> -> memref<128x128xf32, #tpu.memory_space<vmem>>
      tpu.wait_dma2 semaphore(%run_scoped3A_422 : memref<!tpu.dma_semaphore, #tpu.memory_space<semaphore_mem>>) src(%dma_wait3A_446 : memref<128x128xf32, #tpu.memory_space<vmem>>) dst(%dma_wait3A_442 : memref<128x128xf32, #tpu.memory_space<vmem_shared>>)
      tpu.yield
    }) : () -> ()
    %add3A_17 = arith.constant 384 : i32
    %add3A_18 = arith.addi %mul3A_8, %add3A_17 : i32
    %run_scoped3A_19 = arith.constant 0 : i32
    "tpu.region"() ({
      %run_scoped3A_422 = tpu.sem_alloc : memref<!tpu.dma_semaphore, #tpu.memory_space<semaphore_mem>>
      %dma_start3A_423 = arith.constant 0 : i32
      %dma_start3A_424 = arith.constant 0 : i32
      %dma_start3A_425 = tpu.memref_slice %arg8[%run_scoped3A_19, %dma_start3A_423, %dma_start3A_424] : memref<2x128x128xf32, #tpu.memory_space<vmem>> -> memref<1x128x128xf32, #tpu.memory_space<vmem>>
      %dma_start3A_426 = tpu.memref_squeeze %dma_start3A_425 : memref<1x128x128xf32, #tpu.memory_space<vmem>> -> memref<128x128xf32, #tpu.memory_space<vmem>>
      %dma_start3A_427 = arith.constant 0 : i32
      %dma_start3A_428 = tpu.memref_slice %arg5[%add3A_18, %dma_start3A_427] : memref<10240x128xf32, #tpu.memory_space<vmem_shared>> -> memref<128x128xf32, #tpu.memory_space<vmem_shared>>
      %dma_start3A_429 = arith.constant 0 : i32
      %dma_start3A_430 = tpu.memref_slice %arg5[%add3A_18, %dma_start3A_429] : memref<10240x128xf32, #tpu.memory_space<vmem_shared>> -> memref<128x128xf32, #tpu.memory_space<vmem_shared>>
      %dma_start3A_431 = arith.constant 0 : i32
      %dma_start3A_432 = arith.constant 0 : i32
      %dma_start3A_433 = tpu.memref_slice %arg8[%run_scoped3A_19, %dma_start3A_431, %dma_start3A_432] : memref<2x128x128xf32, #tpu.memory_space<vmem>> -> memref<1x128x128xf32, #tpu.memory_space<vmem>>
      %dma_start3A_434 = tpu.memref_squeeze %dma_start3A_433 : memref<1x128x128xf32, #tpu.memory_space<vmem>> -> memref<128x128xf32, #tpu.memory_space<vmem>>
      tpu.enqueue_dma source(%dma_start3A_434 : memref<128x128xf32, #tpu.memory_space<vmem>>) target(%dma_start3A_430 : memref<128x128xf32, #tpu.memory_space<vmem_shared>>) target_semaphore(%run_scoped3A_422 : memref<!tpu.dma_semaphore, #tpu.memory_space<semaphore_mem>>)
      %dma_wait3A_435 = arith.constant 0 : i32
      %dma_wait3A_436 = arith.constant 0 : i32
      %dma_wait3A_437 = tpu.memref_slice %arg8[%run_scoped3A_19, %dma_wait3A_435, %dma_wait3A_436] : memref<2x128x128xf32, #tpu.memory_space<vmem>> -> memref<1x128x128xf32, #tpu.memory_space<vmem>>
      %dma_wait3A_438 = tpu.memref_squeeze %dma_wait3A_437 : memref<1x128x128xf32, #tpu.memory_space<vmem>> -> memref<128x128xf32, #tpu.memory_space<vmem>>
      %dma_wait3A_439 = arith.constant 0 : i32
      %dma_wait3A_440 = tpu.memref_slice %arg5[%add3A_18, %dma_wait3A_439] : memref<10240x128xf32, #tpu.memory_space<vmem_shared>> -> memref<128x128xf32, #tpu.memory_space<vmem_shared>>
      %dma_wait3A_441 = arith.constant 0 : i32
      %dma_wait3A_442 = tpu.memref_slice %arg5[%add3A_18, %dma_wait3A_441] : memref<10240x128xf32, #tpu.memory_space<vmem_shared>> -> memref<128x128xf32, #tpu.memory_space<vmem_shared>>
      %dma_wait3A_443 = arith.constant 0 : i32
      %dma_wait3A_444 = arith.constant 0 : i32
      %dma_wait3A_445 = tpu.memref_slice %arg8[%run_scoped3A_19, %dma_wait3A_443, %dma_wait3A_444] : memref<2x128x128xf32, #tpu.memory_space<vmem>> -> memref<1x128x128xf32, #tpu.memory_space<vmem>>
      %dma_wait3A_446 = tpu.memref_squeeze %dma_wait3A_445 : memref<1x128x128xf32, #tpu.memory_space<vmem>> -> memref<128x128xf32, #tpu.memory_space<vmem>>
      tpu.wait_dma2 semaphore(%run_scoped3A_422 : memref<!tpu.dma_semaphore, #tpu.memory_space<semaphore_mem>>) src(%dma_wait3A_446 : memref<128x128xf32, #tpu.memory_space<vmem>>) dst(%dma_wait3A_442 : memref<128x128xf32, #tpu.memory_space<vmem_shared>>)
      tpu.yield
    }) : () -> ()
    %add3A_20 = arith.constant 512 : i32
    %add3A_21 = arith.addi %mul3A_8, %add3A_20 : i32
    %run_scoped3A_22 = arith.constant 0 : i32
    "tpu.region"() ({
      %run_scoped3A_422 = tpu.sem_alloc : memref<!tpu.dma_semaphore, #tpu.memory_space<semaphore_mem>>
      %dma_start3A_423 = arith.constant 0 : i32
      %dma_start3A_424 = arith.constant 0 : i32
      %dma_start3A_425 = tpu.memref_slice %arg8[%run_scoped3A_22, %dma_start3A_423, %dma_start3A_424] : memref<2x128x128xf32, #tpu.memory_space<vmem>> -> memref<1x128x128xf32, #tpu.memory_space<vmem>>
      %dma_start3A_426 = tpu.memref_squeeze %dma_start3A_425 : memref<1x128x128xf32, #tpu.memory_space<vmem>> -> memref<128x128xf32, #tpu.memory_space<vmem>>
      %dma_start3A_427 = arith.constant 0 : i32
      %dma_start3A_428 = tpu.memref_slice %arg5[%add3A_21, %dma_start3A_427] : memref<10240x128xf32, #tpu.memory_space<vmem_shared>> -> memref<128x128xf32, #tpu.memory_space<vmem_shared>>
      %dma_start3A_429 = arith.constant 0 : i32
      %dma_start3A_430 = tpu.memref_slice %arg5[%add3A_21, %dma_start3A_429] : memref<10240x128xf32, #tpu.memory_space<vmem_shared>> -> memref<128x128xf32, #tpu.memory_space<vmem_shared>>
      %dma_start3A_431 = arith.constant 0 : i32
      %dma_start3A_432 = arith.constant 0 : i32
      %dma_start3A_433 = tpu.memref_slice %arg8[%run_scoped3A_22, %dma_start3A_431, %dma_start3A_432] : memref<2x128x128xf32, #tpu.memory_space<vmem>> -> memref<1x128x128xf32, #tpu.memory_space<vmem>>
      %dma_start3A_434 = tpu.memref_squeeze %dma_start3A_433 : memref<1x128x128xf32, #tpu.memory_space<vmem>> -> memref<128x128xf32, #tpu.memory_space<vmem>>
      tpu.enqueue_dma source(%dma_start3A_434 : memref<128x128xf32, #tpu.memory_space<vmem>>) target(%dma_start3A_430 : memref<128x128xf32, #tpu.memory_space<vmem_shared>>) target_semaphore(%run_scoped3A_422 : memref<!tpu.dma_semaphore, #tpu.memory_space<semaphore_mem>>)
      %dma_wait3A_435 = arith.constant 0 : i32
      %dma_wait3A_436 = arith.constant 0 : i32
      %dma_wait3A_437 = tpu.memref_slice %arg8[%run_scoped3A_22, %dma_wait3A_435, %dma_wait3A_436] : memref<2x128x128xf32, #tpu.memory_space<vmem>> -> memref<1x128x128xf32, #tpu.memory_space<vmem>>
      %dma_wait3A_438 = tpu.memref_squeeze %dma_wait3A_437 : memref<1x128x128xf32, #tpu.memory_space<vmem>> -> memref<128x128xf32, #tpu.memory_space<vmem>>
      %dma_wait3A_439 = arith.constant 0 : i32
      %dma_wait3A_440 = tpu.memref_slice %arg5[%add3A_21, %dma_wait3A_439] : memref<10240x128xf32, #tpu.memory_space<vmem_shared>> -> memref<128x128xf32, #tpu.memory_space<vmem_shared>>
      %dma_wait3A_441 = arith.constant 0 : i32
      %dma_wait3A_442 = tpu.memref_slice %arg5[%add3A_21, %dma_wait3A_441] : memref<10240x128xf32, #tpu.memory_space<vmem_shared>> -> memref<128x128xf32, #tpu.memory_space<vmem_shared>>
      %dma_wait3A_443 = arith.constant 0 : i32
      %dma_wait3A_444 = arith.constant 0 : i32
      %dma_wait3A_445 = tpu.memref_slice %arg8[%run_scoped3A_22, %dma_wait3A_443, %dma_wait3A_444] : memref<2x128x128xf32, #tpu.memory_space<vmem>> -> memref<1x128x128xf32, #tpu.memory_space<vmem>>
      %dma_wait3A_446 = tpu.memref_squeeze %dma_wait3A_445 : memref<1x128x128xf32, #tpu.memory_space<vmem>> -> memref<128x128xf32, #tpu.memory_space<vmem>>
      tpu.wait_dma2 semaphore(%run_scoped3A_422 : memref<!tpu.dma_semaphore, #tpu.memory_space<semaphore_mem>>) src(%dma_wait3A_446 : memref<128x128xf32, #tpu.memory_space<vmem>>) dst(%dma_wait3A_442 : memref<128x128xf32, #tpu.memory_space<vmem_shared>>)
      tpu.yield
    }) : () -> ()
    %barrier3A = arith.constant 0 : index
    tpu.barrier barrier_id(%barrier3A)
    %run_scoped3A_23 = arith.constant 0 : i32
    "tpu.region"() ({
      %run_scoped3A_422 = tpu.sem_alloc : memref<!tpu.dma_semaphore, #tpu.memory_space<semaphore_mem>>
      %dma_start3A_423 = arith.constant 0 : i32
      %dma_start3A_424 = arith.constant 0 : i32
      %dma_start3A_425 = tpu.memref_slice %arg3[%run_scoped3A_23, %add3A, %dma_start3A_423, %dma_start3A_424] : memref<2x32x80x128xi32, #tpu.memory_space<hbm>> -> memref<1x1x40x128xi32, #tpu.memory_space<hbm>>
      %dma_start3A_426 = tpu.memref_squeeze %dma_start3A_425 : memref<1x1x40x128xi32, #tpu.memory_space<hbm>> -> memref<40x128xi32, #tpu.memory_space<hbm>>
      %dma_start3A_427 = arith.constant 0 : i32
      %dma_start3A_428 = arith.constant 0 : i32
      %dma_start3A_429 = tpu.memref_slice %arg3[%run_scoped3A_23, %add3A, %dma_start3A_427, %dma_start3A_428] : memref<2x32x80x128xi32, #tpu.memory_space<hbm>> -> memref<1x1x40x128xi32, #tpu.memory_space<hbm>>
      %dma_start3A_430 = tpu.memref_squeeze %dma_start3A_429 : memref<1x1x40x128xi32, #tpu.memory_space<hbm>> -> memref<40x128xi32, #tpu.memory_space<hbm>>
      tpu.enqueue_dma source(%dma_start3A_430 : memref<40x128xi32, #tpu.memory_space<hbm>>) target(%arg6 : memref<40x128xi32, #tpu.memory_space<vmem>>) target_semaphore(%run_scoped3A_422 : memref<!tpu.dma_semaphore, #tpu.memory_space<semaphore_mem>>)
      %dma_wait3A_431 = arith.constant 0 : i32
      %dma_wait3A_432 = arith.constant 0 : i32
      %dma_wait3A_433 = tpu.memref_slice %arg3[%run_scoped3A_23, %add3A, %dma_wait3A_431, %dma_wait3A_432] : memref<2x32x80x128xi32, #tpu.memory_space<hbm>> -> memref<1x1x40x128xi32, #tpu.memory_space<hbm>>
      %dma_wait3A_434 = tpu.memref_squeeze %dma_wait3A_433 : memref<1x1x40x128xi32, #tpu.memory_space<hbm>> -> memref<40x128xi32, #tpu.memory_space<hbm>>
      %dma_wait3A_435 = arith.constant 0 : i32
      %dma_wait3A_436 = arith.constant 0 : i32
      %dma_wait3A_437 = tpu.memref_slice %arg3[%run_scoped3A_23, %add3A, %dma_wait3A_435, %dma_wait3A_436] : memref<2x32x80x128xi32, #tpu.memory_space<hbm>> -> memref<1x1x40x128xi32, #tpu.memory_space<hbm>>
      %dma_wait3A_438 = tpu.memref_squeeze %dma_wait3A_437 : memref<1x1x40x128xi32, #tpu.memory_space<hbm>> -> memref<40x128xi32, #tpu.memory_space<hbm>>
      tpu.wait_dma2 semaphore(%run_scoped3A_422 : memref<!tpu.dma_semaphore, #tpu.memory_space<semaphore_mem>>) src(%dma_wait3A_438 : memref<40x128xi32, #tpu.memory_space<hbm>>) dst(%arg6 : memref<40x128xi32, #tpu.memory_space<vmem>>)
      tpu.yield
    }) : () -> ()
    %run_scoped3A_24 = arith.constant 1 : i32
    "tpu.region"() ({
      %run_scoped3A_422 = tpu.sem_alloc : memref<!tpu.dma_semaphore, #tpu.memory_space<semaphore_mem>>
      %dma_start3A_423 = arith.constant 0 : i32
      %dma_start3A_424 = arith.constant 0 : i32
      %dma_start3A_425 = tpu.memref_slice %arg3[%run_scoped3A_24, %add3A, %dma_start3A_423, %dma_start3A_424] : memref<2x32x80x128xi32, #tpu.memory_space<hbm>> -> memref<1x1x40x128xi32, #tpu.memory_space<hbm>>
      %dma_start3A_426 = tpu.memref_squeeze %dma_start3A_425 : memref<1x1x40x128xi32, #tpu.memory_space<hbm>> -> memref<40x128xi32, #tpu.memory_space<hbm>>
      %dma_start3A_427 = arith.constant 0 : i32
      %dma_start3A_428 = arith.constant 0 : i32
      %dma_start3A_429 = tpu.memref_slice %arg3[%run_scoped3A_24, %add3A, %dma_start3A_427, %dma_start3A_428] : memref<2x32x80x128xi32, #tpu.memory_space<hbm>> -> memref<1x1x40x128xi32, #tpu.memory_space<hbm>>
      %dma_start3A_430 = tpu.memref_squeeze %dma_start3A_429 : memref<1x1x40x128xi32, #tpu.memory_space<hbm>> -> memref<40x128xi32, #tpu.memory_space<hbm>>
      tpu.enqueue_dma source(%dma_start3A_430 : memref<40x128xi32, #tpu.memory_space<hbm>>) target(%arg7 : memref<40x128xi32, #tpu.memory_space<vmem>>) target_semaphore(%run_scoped3A_422 : memref<!tpu.dma_semaphore, #tpu.memory_space<semaphore_mem>>)
      %dma_wait3A_431 = arith.constant 0 : i32
      %dma_wait3A_432 = arith.constant 0 : i32
      %dma_wait3A_433 = tpu.memref_slice %arg3[%run_scoped3A_24, %add3A, %dma_wait3A_431, %dma_wait3A_432] : memref<2x32x80x128xi32, #tpu.memory_space<hbm>> -> memref<1x1x40x128xi32, #tpu.memory_space<hbm>>
      %dma_wait3A_434 = tpu.memref_squeeze %dma_wait3A_433 : memref<1x1x40x128xi32, #tpu.memory_space<hbm>> -> memref<40x128xi32, #tpu.memory_space<hbm>>
      %dma_wait3A_435 = arith.constant 0 : i32
      %dma_wait3A_436 = arith.constant 0 : i32
      %dma_wait3A_437 = tpu.memref_slice %arg3[%run_scoped3A_24, %add3A, %dma_wait3A_435, %dma_wait3A_436] : memref<2x32x80x128xi32, #tpu.memory_space<hbm>> -> memref<1x1x40x128xi32, #tpu.memory_space<hbm>>
      %dma_wait3A_438 = tpu.memref_squeeze %dma_wait3A_437 : memref<1x1x40x128xi32, #tpu.memory_space<hbm>> -> memref<40x128xi32, #tpu.memory_space<hbm>>
      tpu.wait_dma2 semaphore(%run_scoped3A_422 : memref<!tpu.dma_semaphore, #tpu.memory_space<semaphore_mem>>) src(%dma_wait3A_438 : memref<40x128xi32, #tpu.memory_space<hbm>>) dst(%arg7 : memref<40x128xi32, #tpu.memory_space<vmem>>)
      tpu.yield
    }) : () -> ()
    %dma_start3A = arith.constant 0 : i32
    %dma_start3A_25 = arith.constant 0 : i32
    %dma_start3A_26 = arith.constant 0 : i32
    %dma_start3A_27 = arith.constant 0 : i32
    %dma_start3A_28 = tpu.memref_slice %arg8[%dma_start3A_25, %dma_start3A_26, %dma_start3A_27] : memref<2x128x128xf32, #tpu.memory_space<vmem>> -> memref<1x128x128xf32, #tpu.memory_space<vmem>>
    %dma_start3A_29 = tpu.memref_squeeze %dma_start3A_28 : memref<1x128x128xf32, #tpu.memory_space<vmem>> -> memref<128x128xf32, #tpu.memory_space<vmem>>
    %dma_start3A_30 = arith.constant 0 : i32
    %dma_start3A_31 = tpu.memref_slice %arg6[%dma_start3A, %dma_start3A_30] : memref<40x128xi32, #tpu.memory_space<vmem>> -> memref<1x128xi32, #tpu.memory_space<vmem>>
    %dma_start3A_32 = tpu.memref_squeeze %dma_start3A_31 : memref<1x128xi32, #tpu.memory_space<vmem>> -> memref<128xi32, #tpu.memory_space<vmem>>
    %dma_start3A_33 = arith.constant 0 : i32
    %dma_start3A_34 = arith.constant 0 : i32
    %dma_start3A_35 = tpu.memref_slice %arg2[%dma_start3A_33, %dma_start3A_34] : memref<10240x128xf32, #tpu.memory_space<hbm>> -> memref<10240x128xf32, #tpu.memory_space<hbm>>
    tpu.enqueue_indirect_dma source(%dma_start3A_35 : memref<10240x128xf32, #tpu.memory_space<hbm>>) target(%dma_start3A_29 : memref<128x128xf32, #tpu.memory_space<vmem>>) offsets(%dma_start3A_32 : memref<128xi32, #tpu.memory_space<vmem>>) semaphore(%arg9 : memref<!tpu.dma_semaphore, #tpu.memory_space<semaphore_mem>>)
    %dma_wait3A = arith.constant 0 : i32
    %dma_wait3A_36 = arith.constant 0 : i32
    %dma_wait3A_37 = arith.constant 0 : i32
    %dma_wait3A_38 = arith.constant 0 : i32
    %dma_wait3A_39 = tpu.memref_slice %arg8[%dma_wait3A_36, %dma_wait3A_37, %dma_wait3A_38] : memref<2x128x128xf32, #tpu.memory_space<vmem>> -> memref<1x128x128xf32, #tpu.memory_space<vmem>>
    %dma_wait3A_40 = tpu.memref_squeeze %dma_wait3A_39 : memref<1x128x128xf32, #tpu.memory_space<vmem>> -> memref<128x128xf32, #tpu.memory_space<vmem>>
    %dma_wait3A_41 = arith.constant 0 : i32
    %dma_wait3A_42 = tpu.memref_slice %arg6[%dma_wait3A, %dma_wait3A_41] : memref<40x128xi32, #tpu.memory_space<vmem>> -> memref<1x128xi32, #tpu.memory_space<vmem>>
    %dma_wait3A_43 = tpu.memref_squeeze %dma_wait3A_42 : memref<1x128xi32, #tpu.memory_space<vmem>> -> memref<128xi32, #tpu.memory_space<vmem>>
    %dma_wait3A_44 = arith.constant 0 : i32
    %dma_wait3A_45 = arith.constant 0 : i32
    %dma_wait3A_46 = tpu.memref_slice %arg2[%dma_wait3A_44, %dma_wait3A_45] : memref<10240x128xf32, #tpu.memory_space<hbm>> -> memref<10240x128xf32, #tpu.memory_space<hbm>>
    tpu.wait_indirect_dma semaphore(%arg9 : memref<!tpu.dma_semaphore, #tpu.memory_space<semaphore_mem>>) src(%dma_wait3A_46 : memref<10240x128xf32, #tpu.memory_space<hbm>>) dst(%dma_wait3A_40 : memref<128x128xf32, #tpu.memory_space<vmem>>)
    %dma_start3A_47 = arith.constant 0 : i32
    %dma_start3A_48 = arith.constant 0 : i32
    %dma_start3A_49 = arith.constant 0 : i32
    %dma_start3A_50 = arith.constant 0 : i32
    %dma_start3A_51 = tpu.memref_slice %arg8[%dma_start3A_47, %dma_start3A_49, %dma_start3A_50] : memref<2x128x128xf32, #tpu.memory_space<vmem>> -> memref<1x128x128xf32, #tpu.memory_space<vmem>>
    %dma_start3A_52 = tpu.memref_squeeze %dma_start3A_51 : memref<1x128x128xf32, #tpu.memory_space<vmem>> -> memref<128x128xf32, #tpu.memory_space<vmem>>
    %dma_start3A_53 = arith.constant 0 : i32
    %dma_start3A_54 = tpu.memref_slice %arg7[%dma_start3A_48, %dma_start3A_53] : memref<40x128xi32, #tpu.memory_space<vmem>> -> memref<1x128xi32, #tpu.memory_space<vmem>>
    %dma_start3A_55 = tpu.memref_squeeze %dma_start3A_54 : memref<1x128xi32, #tpu.memory_space<vmem>> -> memref<128xi32, #tpu.memory_space<vmem>>
    %dma_start3A_56 = arith.constant 0 : i32
    %dma_start3A_57 = arith.constant 0 : i32
    %dma_start3A_58 = tpu.memref_slice %arg5[%dma_start3A_56, %dma_start3A_57] : memref<10240x128xf32, #tpu.memory_space<vmem_shared>> -> memref<10240x128xf32, #tpu.memory_space<vmem_shared>>
    tpu.enqueue_indirect_dma source(%dma_start3A_52 : memref<128x128xf32, #tpu.memory_space<vmem>>) target(%dma_start3A_58 : memref<10240x128xf32, #tpu.memory_space<vmem_shared>>) offsets(%dma_start3A_55 : memref<128xi32, #tpu.memory_space<vmem>>) semaphore(%arg11 : memref<!tpu.dma_semaphore, #tpu.memory_space<semaphore_mem>>) {add = true}
    %dma_start3A_59 = arith.constant 1 : i32
    %dma_start3A_60 = arith.constant 1 : i32
    %dma_start3A_61 = arith.constant 0 : i32
    %dma_start3A_62 = arith.constant 0 : i32
    %dma_start3A_63 = tpu.memref_slice %arg8[%dma_start3A_60, %dma_start3A_61, %dma_start3A_62] : memref<2x128x128xf32, #tpu.memory_space<vmem>> -> memref<1x128x128xf32, #tpu.memory_space<vmem>>
    %dma_start3A_64 = tpu.memref_squeeze %dma_start3A_63 : memref<1x128x128xf32, #tpu.memory_space<vmem>> -> memref<128x128xf32, #tpu.memory_space<vmem>>
    %dma_start3A_65 = arith.constant 0 : i32
    %dma_start3A_66 = tpu.memref_slice %arg6[%dma_start3A_59, %dma_start3A_65] : memref<40x128xi32, #tpu.memory_space<vmem>> -> memref<1x128xi32, #tpu.memory_space<vmem>>
    %dma_start3A_67 = tpu.memref_squeeze %dma_start3A_66 : memref<1x128xi32, #tpu.memory_space<vmem>> -> memref<128xi32, #tpu.memory_space<vmem>>
    %dma_start3A_68 = arith.constant 0 : i32
    %dma_start3A_69 = arith.constant 0 : i32
    %dma_start3A_70 = tpu.memref_slice %arg2[%dma_start3A_68, %dma_start3A_69] : memref<10240x128xf32, #tpu.memory_space<hbm>> -> memref<10240x128xf32, #tpu.memory_space<hbm>>
    tpu.enqueue_indirect_dma source(%dma_start3A_70 : memref<10240x128xf32, #tpu.memory_space<hbm>>) target(%dma_start3A_64 : memref<128x128xf32, #tpu.memory_space<vmem>>) offsets(%dma_start3A_67 : memref<128xi32, #tpu.memory_space<vmem>>) semaphore(%arg10 : memref<!tpu.dma_semaphore, #tpu.memory_space<semaphore_mem>>)
    %dma_wait3A_71 = arith.constant 1 : i32
    %dma_wait3A_72 = arith.constant 1 : i32
    %dma_wait3A_73 = arith.constant 0 : i32
    %dma_wait3A_74 = arith.constant 0 : i32
    %dma_wait3A_75 = tpu.memref_slice %arg8[%dma_wait3A_72, %dma_wait3A_73, %dma_wait3A_74] : memref<2x128x128xf32, #tpu.memory_space<vmem>> -> memref<1x128x128xf32, #tpu.memory_space<vmem>>
    %dma_wait3A_76 = tpu.memref_squeeze %dma_wait3A_75 : memref<1x128x128xf32, #tpu.memory_space<vmem>> -> memref<128x128xf32, #tpu.memory_space<vmem>>
    %dma_wait3A_77 = arith.constant 0 : i32
    %dma_wait3A_78 = tpu.memref_slice %arg6[%dma_wait3A_71, %dma_wait3A_77] : memref<40x128xi32, #tpu.memory_space<vmem>> -> memref<1x128xi32, #tpu.memory_space<vmem>>
    %dma_wait3A_79 = tpu.memref_squeeze %dma_wait3A_78 : memref<1x128xi32, #tpu.memory_space<vmem>> -> memref<128xi32, #tpu.memory_space<vmem>>
    %dma_wait3A_80 = arith.constant 0 : i32
    %dma_wait3A_81 = arith.constant 0 : i32
    %dma_wait3A_82 = tpu.memref_slice %arg2[%dma_wait3A_80, %dma_wait3A_81] : memref<10240x128xf32, #tpu.memory_space<hbm>> -> memref<10240x128xf32, #tpu.memory_space<hbm>>
    tpu.wait_indirect_dma semaphore(%arg10 : memref<!tpu.dma_semaphore, #tpu.memory_space<semaphore_mem>>) src(%dma_wait3A_82 : memref<10240x128xf32, #tpu.memory_space<hbm>>) dst(%dma_wait3A_76 : memref<128x128xf32, #tpu.memory_space<vmem>>)
    %dma_start3A_83 = arith.constant 1 : i32
    %dma_start3A_84 = arith.constant 1 : i32
    %dma_start3A_85 = arith.constant 0 : i32
    %dma_start3A_86 = arith.constant 0 : i32
    %dma_start3A_87 = tpu.memref_slice %arg8[%dma_start3A_83, %dma_start3A_85, %dma_start3A_86] : memref<2x128x128xf32, #tpu.memory_space<vmem>> -> memref<1x128x128xf32, #tpu.memory_space<vmem>>
    %dma_start3A_88 = tpu.memref_squeeze %dma_start3A_87 : memref<1x128x128xf32, #tpu.memory_space<vmem>> -> memref<128x128xf32, #tpu.memory_space<vmem>>
    %dma_start3A_89 = arith.constant 0 : i32
    %dma_start3A_90 = tpu.memref_slice %arg7[%dma_start3A_84, %dma_start3A_89] : memref<40x128xi32, #tpu.memory_space<vmem>> -> memref<1x128xi32, #tpu.memory_space<vmem>>
    %dma_start3A_91 = tpu.memref_squeeze %dma_start3A_90 : memref<1x128xi32, #tpu.memory_space<vmem>> -> memref<128xi32, #tpu.memory_space<vmem>>
    %dma_start3A_92 = arith.constant 0 : i32
    %dma_start3A_93 = arith.constant 0 : i32
    %dma_start3A_94 = tpu.memref_slice %arg5[%dma_start3A_92, %dma_start3A_93] : memref<10240x128xf32, #tpu.memory_space<vmem_shared>> -> memref<10240x128xf32, #tpu.memory_space<vmem_shared>>
    tpu.enqueue_indirect_dma source(%dma_start3A_88 : memref<128x128xf32, #tpu.memory_space<vmem>>) target(%dma_start3A_94 : memref<10240x128xf32, #tpu.memory_space<vmem_shared>>) offsets(%dma_start3A_91 : memref<128xi32, #tpu.memory_space<vmem>>) semaphore(%arg12 : memref<!tpu.dma_semaphore, #tpu.memory_space<semaphore_mem>>) {add = true}
    %dma_wait3A_95 = arith.constant 0 : i32
    %dma_wait3A_96 = arith.constant 0 : i32
    %dma_wait3A_97 = arith.constant 0 : i32
    %dma_wait3A_98 = arith.constant 0 : i32
    %dma_wait3A_99 = tpu.memref_slice %arg8[%dma_wait3A_95, %dma_wait3A_97, %dma_wait3A_98] : memref<2x128x128xf32, #tpu.memory_space<vmem>> -> memref<1x128x128xf32, #tpu.memory_space<vmem>>
    %dma_wait3A_100 = tpu.memref_squeeze %dma_wait3A_99 : memref<1x128x128xf32, #tpu.memory_space<vmem>> -> memref<128x128xf32, #tpu.memory_space<vmem>>
    %dma_wait3A_101 = arith.constant 0 : i32
    %dma_wait3A_102 = tpu.memref_slice %arg7[%dma_wait3A_96, %dma_wait3A_101] : memref<40x128xi32, #tpu.memory_space<vmem>> -> memref<1x128xi32, #tpu.memory_space<vmem>>
    %dma_wait3A_103 = tpu.memref_squeeze %dma_wait3A_102 : memref<1x128xi32, #tpu.memory_space<vmem>> -> memref<128xi32, #tpu.memory_space<vmem>>
    %dma_wait3A_104 = arith.constant 0 : i32
    %dma_wait3A_105 = arith.constant 0 : i32
    %dma_wait3A_106 = tpu.memref_slice %arg5[%dma_wait3A_104, %dma_wait3A_105] : memref<10240x128xf32, #tpu.memory_space<vmem_shared>> -> memref<10240x128xf32, #tpu.memory_space<vmem_shared>>
    tpu.wait_indirect_dma semaphore(%arg11 : memref<!tpu.dma_semaphore, #tpu.memory_space<semaphore_mem>>) src(%dma_wait3A_100 : memref<128x128xf32, #tpu.memory_space<vmem>>) dst(%dma_wait3A_106 : memref<10240x128xf32, #tpu.memory_space<vmem_shared>>)
    %dma_start3A_107 = arith.constant 2 : i32
    %dma_start3A_108 = arith.constant 0 : i32
    %dma_start3A_109 = arith.constant 0 : i32
    %dma_start3A_110 = arith.constant 0 : i32
    %dma_start3A_111 = tpu.memref_slice %arg8[%dma_start3A_108, %dma_start3A_109, %dma_start3A_110] : memref<2x128x128xf32, #tpu.memory_space<vmem>> -> memref<1x128x128xf32, #tpu.memory_space<vmem>>
    %dma_start3A_112 = tpu.memref_squeeze %dma_start3A_111 : memref<1x128x128xf32, #tpu.memory_space<vmem>> -> memref<128x128xf32, #tpu.memory_space<vmem>>
    %dma_start3A_113 = arith.constant 0 : i32
    %dma_start3A_114 = tpu.memref_slice %arg6[%dma_start3A_107, %dma_start3A_113] : memref<40x128xi32, #tpu.memory_space<vmem>> -> memref<1x128xi32, #tpu.memory_space<vmem>>
    %dma_start3A_115 = tpu.memref_squeeze %dma_start3A_114 : memref<1x128xi32, #tpu.memory_space<vmem>> -> memref<128xi32, #tpu.memory_space<vmem>>
    %dma_start3A_116 = arith.constant 0 : i32
    %dma_start3A_117 = arith.constant 0 : i32
    %dma_start3A_118 = tpu.memref_slice %arg2[%dma_start3A_116, %dma_start3A_117] : memref<10240x128xf32, #tpu.memory_space<hbm>> -> memref<10240x128xf32, #tpu.memory_space<hbm>>
    tpu.enqueue_indirect_dma source(%dma_start3A_118 : memref<10240x128xf32, #tpu.memory_space<hbm>>) target(%dma_start3A_112 : memref<128x128xf32, #tpu.memory_space<vmem>>) offsets(%dma_start3A_115 : memref<128xi32, #tpu.memory_space<vmem>>) semaphore(%arg9 : memref<!tpu.dma_semaphore, #tpu.memory_space<semaphore_mem>>)
    %scan3A_119 = arith.constant 0 : i32
    %scan3A_120 = arith.constant 1 : i32
    %scan3A_121 = arith.constant 18 : i32
    %scan3A_122 = arith.addi %scan3A_120, %scan3A_121 : i32
    %scan3A_123 = arith.constant 1 : i32
    scf.for %scan3A_422 = %scan3A_120 to %scan3A_122 step %scan3A_123  : i32 {
      %mul3A_423 = arith.constant 2 : i32
      %mul3A_424 = arith.muli %scan3A_422, %mul3A_423 : i32
      %add3A_425 = arith.constant 0 : i32
      %add3A_426 = arith.addi %mul3A_424, %add3A_425 : i32
      %dma_wait3A_427 = arith.constant 0 : i32
      %dma_wait3A_428 = arith.constant 0 : i32
      %dma_wait3A_429 = arith.constant 0 : i32
      %dma_wait3A_430 = tpu.memref_slice %arg8[%dma_wait3A_427, %dma_wait3A_428, %dma_wait3A_429] : memref<2x128x128xf32, #tpu.memory_space<vmem>> -> memref<1x128x128xf32, #tpu.memory_space<vmem>>
      %dma_wait3A_431 = tpu.memref_squeeze %dma_wait3A_430 : memref<1x128x128xf32, #tpu.memory_space<vmem>> -> memref<128x128xf32, #tpu.memory_space<vmem>>
      %dma_wait3A_432 = arith.constant 0 : i32
      %dma_wait3A_433 = tpu.memref_slice %arg6[%add3A_426, %dma_wait3A_432] : memref<40x128xi32, #tpu.memory_space<vmem>> -> memref<1x128xi32, #tpu.memory_space<vmem>>
      %dma_wait3A_434 = tpu.memref_squeeze %dma_wait3A_433 : memref<1x128xi32, #tpu.memory_space<vmem>> -> memref<128xi32, #tpu.memory_space<vmem>>
      %dma_wait3A_435 = arith.constant 0 : i32
      %dma_wait3A_436 = arith.constant 0 : i32
      %dma_wait3A_437 = tpu.memref_slice %arg2[%dma_wait3A_435, %dma_wait3A_436] : memref<10240x128xf32, #tpu.memory_space<hbm>> -> memref<10240x128xf32, #tpu.memory_space<hbm>>
      tpu.wait_indirect_dma semaphore(%arg9 : memref<!tpu.dma_semaphore, #tpu.memory_space<semaphore_mem>>) src(%dma_wait3A_437 : memref<10240x128xf32, #tpu.memory_space<hbm>>) dst(%dma_wait3A_431 : memref<128x128xf32, #tpu.memory_space<vmem>>)
      %dma_start3A_438 = arith.constant 0 : i32
      %dma_start3A_439 = arith.constant 0 : i32
      %dma_start3A_440 = arith.constant 0 : i32
      %dma_start3A_441 = tpu.memref_slice %arg8[%dma_start3A_438, %dma_start3A_439, %dma_start3A_440] : memref<2x128x128xf32, #tpu.memory_space<vmem>> -> memref<1x128x128xf32, #tpu.memory_space<vmem>>
      %dma_start3A_442 = tpu.memref_squeeze %dma_start3A_441 : memref<1x128x128xf32, #tpu.memory_space<vmem>> -> memref<128x128xf32, #tpu.memory_space<vmem>>
      %dma_start3A_443 = arith.constant 0 : i32
      %dma_start3A_444 = tpu.memref_slice %arg7[%add3A_426, %dma_start3A_443] : memref<40x128xi32, #tpu.memory_space<vmem>> -> memref<1x128xi32, #tpu.memory_space<vmem>>
      %dma_start3A_445 = tpu.memref_squeeze %dma_start3A_444 : memref<1x128xi32, #tpu.memory_space<vmem>> -> memref<128xi32, #tpu.memory_space<vmem>>
      %dma_start3A_446 = arith.constant 0 : i32
      %dma_start3A_447 = arith.constant 0 : i32
      %dma_start3A_448 = tpu.memref_slice %arg5[%dma_start3A_446, %dma_start3A_447] : memref<10240x128xf32, #tpu.memory_space<vmem_shared>> -> memref<10240x128xf32, #tpu.memory_space<vmem_shared>>
      tpu.enqueue_indirect_dma source(%dma_start3A_442 : memref<128x128xf32, #tpu.memory_space<vmem>>) target(%dma_start3A_448 : memref<10240x128xf32, #tpu.memory_space<vmem_shared>>) offsets(%dma_start3A_445 : memref<128xi32, #tpu.memory_space<vmem>>) semaphore(%arg11 : memref<!tpu.dma_semaphore, #tpu.memory_space<semaphore_mem>>) {add = true}
      %dma_wait3A_449 = arith.constant 1 : i32
      %dma_wait3A_450 = arith.constant 0 : i32
      %dma_wait3A_451 = arith.constant 0 : i32
      %dma_wait3A_452 = arith.constant 0 : i32
      %dma_wait3A_453 = tpu.memref_slice %arg8[%dma_wait3A_449, %dma_wait3A_451, %dma_wait3A_452] : memref<2x128x128xf32, #tpu.memory_space<vmem>> -> memref<1x128x128xf32, #tpu.memory_space<vmem>>
      %dma_wait3A_454 = tpu.memref_squeeze %dma_wait3A_453 : memref<1x128x128xf32, #tpu.memory_space<vmem>> -> memref<128x128xf32, #tpu.memory_space<vmem>>
      %dma_wait3A_455 = arith.constant 0 : i32
      %dma_wait3A_456 = tpu.memref_slice %arg7[%dma_wait3A_450, %dma_wait3A_455] : memref<40x128xi32, #tpu.memory_space<vmem>> -> memref<1x128xi32, #tpu.memory_space<vmem>>
      %dma_wait3A_457 = tpu.memref_squeeze %dma_wait3A_456 : memref<1x128xi32, #tpu.memory_space<vmem>> -> memref<128xi32, #tpu.memory_space<vmem>>
      %dma_wait3A_458 = arith.constant 0 : i32
      %dma_wait3A_459 = arith.constant 0 : i32
      %dma_wait3A_460 = tpu.memref_slice %arg5[%dma_wait3A_458, %dma_wait3A_459] : memref<10240x128xf32, #tpu.memory_space<vmem_shared>> -> memref<10240x128xf32, #tpu.memory_space<vmem_shared>>
      tpu.wait_indirect_dma semaphore(%arg12 : memref<!tpu.dma_semaphore, #tpu.memory_space<semaphore_mem>>) src(%dma_wait3A_454 : memref<128x128xf32, #tpu.memory_space<vmem>>) dst(%dma_wait3A_460 : memref<10240x128xf32, #tpu.memory_space<vmem_shared>>)
      %add3A_461 = arith.constant 2 : i32
      %add3A_462 = arith.addi %add3A_426, %add3A_461 : i32
      %sub3A = arith.constant 1 : i32
      %sub3A_463 = arith.subi %add3A_462, %sub3A : i32
      %dma_start3A_464 = arith.constant 1 : i32
      %dma_start3A_465 = arith.constant 0 : i32
      %dma_start3A_466 = arith.constant 0 : i32
      %dma_start3A_467 = tpu.memref_slice %arg8[%dma_start3A_464, %dma_start3A_465, %dma_start3A_466] : memref<2x128x128xf32, #tpu.memory_space<vmem>> -> memref<1x128x128xf32, #tpu.memory_space<vmem>>
      %dma_start3A_468 = tpu.memref_squeeze %dma_start3A_467 : memref<1x128x128xf32, #tpu.memory_space<vmem>> -> memref<128x128xf32, #tpu.memory_space<vmem>>
      %dma_start3A_469 = arith.constant 0 : i32
      %dma_start3A_470 = tpu.memref_slice %arg6[%sub3A_463, %dma_start3A_469] : memref<40x128xi32, #tpu.memory_space<vmem>> -> memref<1x128xi32, #tpu.memory_space<vmem>>
      %dma_start3A_471 = tpu.memref_squeeze %dma_start3A_470 : memref<1x128xi32, #tpu.memory_space<vmem>> -> memref<128xi32, #tpu.memory_space<vmem>>
      %dma_start3A_472 = arith.constant 0 : i32
      %dma_start3A_473 = arith.constant 0 : i32
      %dma_start3A_474 = tpu.memref_slice %arg2[%dma_start3A_472, %dma_start3A_473] : memref<10240x128xf32, #tpu.memory_space<hbm>> -> memref<10240x128xf32, #tpu.memory_space<hbm>>
      tpu.enqueue_indirect_dma source(%dma_start3A_474 : memref<10240x128xf32, #tpu.memory_space<hbm>>) target(%dma_start3A_468 : memref<128x128xf32, #tpu.memory_space<vmem>>) offsets(%dma_start3A_471 : memref<128xi32, #tpu.memory_space<vmem>>) semaphore(%arg10 : memref<!tpu.dma_semaphore, #tpu.memory_space<semaphore_mem>>)
      %mul3A_475 = arith.constant 2 : i32
      %mul3A_476 = arith.muli %scan3A_422, %mul3A_475 : i32
      %add3A_477 = arith.constant 1 : i32
      %add3A_478 = arith.addi %mul3A_476, %add3A_477 : i32
      %dma_wait3A_479 = arith.constant 1 : i32
      %dma_wait3A_480 = arith.constant 0 : i32
      %dma_wait3A_481 = arith.constant 0 : i32
      %dma_wait3A_482 = tpu.memref_slice %arg8[%dma_wait3A_479, %dma_wait3A_480, %dma_wait3A_481] : memref<2x128x128xf32, #tpu.memory_space<vmem>> -> memref<1x128x128xf32, #tpu.memory_space<vmem>>
      %dma_wait3A_483 = tpu.memref_squeeze %dma_wait3A_482 : memref<1x128x128xf32, #tpu.memory_space<vmem>> -> memref<128x128xf32, #tpu.memory_space<vmem>>
      %dma_wait3A_484 = arith.constant 0 : i32
      %dma_wait3A_485 = tpu.memref_slice %arg6[%add3A_478, %dma_wait3A_484] : memref<40x128xi32, #tpu.memory_space<vmem>> -> memref<1x128xi32, #tpu.memory_space<vmem>>
      %dma_wait3A_486 = tpu.memref_squeeze %dma_wait3A_485 : memref<1x128xi32, #tpu.memory_space<vmem>> -> memref<128xi32, #tpu.memory_space<vmem>>
      %dma_wait3A_487 = arith.constant 0 : i32
      %dma_wait3A_488 = arith.constant 0 : i32
      %dma_wait3A_489 = tpu.memref_slice %arg2[%dma_wait3A_487, %dma_wait3A_488] : memref<10240x128xf32, #tpu.memory_space<hbm>> -> memref<10240x128xf32, #tpu.memory_space<hbm>>
      tpu.wait_indirect_dma semaphore(%arg10 : memref<!tpu.dma_semaphore, #tpu.memory_space<semaphore_mem>>) src(%dma_wait3A_489 : memref<10240x128xf32, #tpu.memory_space<hbm>>) dst(%dma_wait3A_483 : memref<128x128xf32, #tpu.memory_space<vmem>>)
      %dma_start3A_490 = arith.constant 1 : i32
      %dma_start3A_491 = arith.constant 0 : i32
      %dma_start3A_492 = arith.constant 0 : i32
      %dma_start3A_493 = tpu.memref_slice %arg8[%dma_start3A_490, %dma_start3A_491, %dma_start3A_492] : memref<2x128x128xf32, #tpu.memory_space<vmem>> -> memref<1x128x128xf32, #tpu.memory_space<vmem>>
      %dma_start3A_494 = tpu.memref_squeeze %dma_start3A_493 : memref<1x128x128xf32, #tpu.memory_space<vmem>> -> memref<128x128xf32, #tpu.memory_space<vmem>>
      %dma_start3A_495 = arith.constant 0 : i32
      %dma_start3A_496 = tpu.memref_slice %arg7[%add3A_478, %dma_start3A_495] : memref<40x128xi32, #tpu.memory_space<vmem>> -> memref<1x128xi32, #tpu.memory_space<vmem>>
      %dma_start3A_497 = tpu.memref_squeeze %dma_start3A_496 : memref<1x128xi32, #tpu.memory_space<vmem>> -> memref<128xi32, #tpu.memory_space<vmem>>
      %dma_start3A_498 = arith.constant 0 : i32
      %dma_start3A_499 = arith.constant 0 : i32
      %dma_start3A_500 = tpu.memref_slice %arg5[%dma_start3A_498, %dma_start3A_499] : memref<10240x128xf32, #tpu.memory_space<vmem_shared>> -> memref<10240x128xf32, #tpu.memory_space<vmem_shared>>
      tpu.enqueue_indirect_dma source(%dma_start3A_494 : memref<128x128xf32, #tpu.memory_space<vmem>>) target(%dma_start3A_500 : memref<10240x128xf32, #tpu.memory_space<vmem_shared>>) offsets(%dma_start3A_497 : memref<128xi32, #tpu.memory_space<vmem>>) semaphore(%arg12 : memref<!tpu.dma_semaphore, #tpu.memory_space<semaphore_mem>>) {add = true}
      %dma_wait3A_501 = arith.constant 0 : i32
      %dma_wait3A_502 = arith.constant 0 : i32
      %dma_wait3A_503 = arith.constant 0 : i32
      %dma_wait3A_504 = arith.constant 0 : i32
      %dma_wait3A_505 = tpu.memref_slice %arg8[%dma_wait3A_501, %dma_wait3A_503, %dma_wait3A_504] : memref<2x128x128xf32, #tpu.memory_space<vmem>> -> memref<1x128x128xf32, #tpu.memory_space<vmem>>
      %dma_wait3A_506 = tpu.memref_squeeze %dma_wait3A_505 : memref<1x128x128xf32, #tpu.memory_space<vmem>> -> memref<128x128xf32, #tpu.memory_space<vmem>>
      %dma_wait3A_507 = arith.constant 0 : i32
      %dma_wait3A_508 = tpu.memref_slice %arg7[%dma_wait3A_502, %dma_wait3A_507] : memref<40x128xi32, #tpu.memory_space<vmem>> -> memref<1x128xi32, #tpu.memory_space<vmem>>
      %dma_wait3A_509 = tpu.memref_squeeze %dma_wait3A_508 : memref<1x128xi32, #tpu.memory_space<vmem>> -> memref<128xi32, #tpu.memory_space<vmem>>
      %dma_wait3A_510 = arith.constant 0 : i32
      %dma_wait3A_511 = arith.constant 0 : i32
      %dma_wait3A_512 = tpu.memref_slice %arg5[%dma_wait3A_510, %dma_wait3A_511] : memref<10240x128xf32, #tpu.memory_space<vmem_shared>> -> memref<10240x128xf32, #tpu.memory_space<vmem_shared>>
      tpu.wait_indirect_dma semaphore(%arg11 : memref<!tpu.dma_semaphore, #tpu.memory_space<semaphore_mem>>) src(%dma_wait3A_506 : memref<128x128xf32, #tpu.memory_space<vmem>>) dst(%dma_wait3A_512 : memref<10240x128xf32, #tpu.memory_space<vmem_shared>>)
      %add3A_513 = arith.constant 2 : i32
      %add3A_514 = arith.addi %add3A_478, %add3A_513 : i32
      %sub3A_515 = arith.constant 1 : i32
      %sub3A_516 = arith.subi %add3A_514, %sub3A_515 : i32
      %dma_start3A_517 = arith.constant 0 : i32
      %dma_start3A_518 = arith.constant 0 : i32
      %dma_start3A_519 = arith.constant 0 : i32
      %dma_start3A_520 = tpu.memref_slice %arg8[%dma_start3A_517, %dma_start3A_518, %dma_start3A_519] : memref<2x128x128xf32, #tpu.memory_space<vmem>> -> memref<1x128x128xf32, #tpu.memory_space<vmem>>
      %dma_start3A_521 = tpu.memref_squeeze %dma_start3A_520 : memref<1x128x128xf32, #tpu.memory_space<vmem>> -> memref<128x128xf32, #tpu.memory_space<vmem>>
      %dma_start3A_522 = arith.constant 0 : i32
      %dma_start3A_523 = tpu.memref_slice %arg6[%sub3A_516, %dma_start3A_522] : memref<40x128xi32, #tpu.memory_space<vmem>> -> memref<1x128xi32, #tpu.memory_space<vmem>>
      %dma_start3A_524 = tpu.memref_squeeze %dma_start3A_523 : memref<1x128xi32, #tpu.memory_space<vmem>> -> memref<128xi32, #tpu.memory_space<vmem>>
      %dma_start3A_525 = arith.constant 0 : i32
      %dma_start3A_526 = arith.constant 0 : i32
      %dma_start3A_527 = tpu.memref_slice %arg2[%dma_start3A_525, %dma_start3A_526] : memref<10240x128xf32, #tpu.memory_space<hbm>> -> memref<10240x128xf32, #tpu.memory_space<hbm>>
      tpu.enqueue_indirect_dma source(%dma_start3A_527 : memref<10240x128xf32, #tpu.memory_space<hbm>>) target(%dma_start3A_521 : memref<128x128xf32, #tpu.memory_space<vmem>>) offsets(%dma_start3A_524 : memref<128xi32, #tpu.memory_space<vmem>>) semaphore(%arg9 : memref<!tpu.dma_semaphore, #tpu.memory_space<semaphore_mem>>)
    }
    %scan3A_124 = arith.constant 18 : i32
    %dma_wait3A_125 = arith.constant 38 : i32
    %dma_wait3A_126 = arith.constant 0 : i32
    %dma_wait3A_127 = arith.constant 0 : i32
    %dma_wait3A_128 = arith.constant 0 : i32
    %dma_wait3A_129 = tpu.memref_slice %arg8[%dma_wait3A_126, %dma_wait3A_127, %dma_wait3A_128] : memref<2x128x128xf32, #tpu.memory_space<vmem>> -> memref<1x128x128xf32, #tpu.memory_space<vmem>>
    %dma_wait3A_130 = tpu.memref_squeeze %dma_wait3A_129 : memref<1x128x128xf32, #tpu.memory_space<vmem>> -> memref<128x128xf32, #tpu.memory_space<vmem>>
    %dma_wait3A_131 = arith.constant 0 : i32
    %dma_wait3A_132 = tpu.memref_slice %arg6[%dma_wait3A_125, %dma_wait3A_131] : memref<40x128xi32, #tpu.memory_space<vmem>> -> memref<1x128xi32, #tpu.memory_space<vmem>>
    %dma_wait3A_133 = tpu.memref_squeeze %dma_wait3A_132 : memref<1x128xi32, #tpu.memory_space<vmem>> -> memref<128xi32, #tpu.memory_space<vmem>>
    %dma_wait3A_134 = arith.constant 0 : i32
    %dma_wait3A_135 = arith.constant 0 : i32
    %dma_wait3A_136 = tpu.memref_slice %arg2[%dma_wait3A_134, %dma_wait3A_135] : memref<10240x128xf32, #tpu.memory_space<hbm>> -> memref<10240x128xf32, #tpu.memory_space<hbm>>
    tpu.wait_indirect_dma semaphore(%arg9 : memref<!tpu.dma_semaphore, #tpu.memory_space<semaphore_mem>>) src(%dma_wait3A_136 : memref<10240x128xf32, #tpu.memory_space<hbm>>) dst(%dma_wait3A_130 : memref<128x128xf32, #tpu.memory_space<vmem>>)
    %dma_start3A_137 = arith.constant 0 : i32
    %dma_start3A_138 = arith.constant 38 : i32
    %dma_start3A_139 = arith.constant 0 : i32
    %dma_start3A_140 = arith.constant 0 : i32
    %dma_start3A_141 = tpu.memref_slice %arg8[%dma_start3A_137, %dma_start3A_139, %dma_start3A_140] : memref<2x128x128xf32, #tpu.memory_space<vmem>> -> memref<1x128x128xf32, #tpu.memory_space<vmem>>
    %dma_start3A_142 = tpu.memref_squeeze %dma_start3A_141 : memref<1x128x128xf32, #tpu.memory_space<vmem>> -> memref<128x128xf32, #tpu.memory_space<vmem>>
    %dma_start3A_143 = arith.constant 0 : i32
    %dma_start3A_144 = tpu.memref_slice %arg7[%dma_start3A_138, %dma_start3A_143] : memref<40x128xi32, #tpu.memory_space<vmem>> -> memref<1x128xi32, #tpu.memory_space<vmem>>
    %dma_start3A_145 = tpu.memref_squeeze %dma_start3A_144 : memref<1x128xi32, #tpu.memory_space<vmem>> -> memref<128xi32, #tpu.memory_space<vmem>>
    %dma_start3A_146 = arith.constant 0 : i32
    %dma_start3A_147 = arith.constant 0 : i32
    %dma_start3A_148 = tpu.memref_slice %arg5[%dma_start3A_146, %dma_start3A_147] : memref<10240x128xf32, #tpu.memory_space<vmem_shared>> -> memref<10240x128xf32, #tpu.memory_space<vmem_shared>>
    tpu.enqueue_indirect_dma source(%dma_start3A_142 : memref<128x128xf32, #tpu.memory_space<vmem>>) target(%dma_start3A_148 : memref<10240x128xf32, #tpu.memory_space<vmem_shared>>) offsets(%dma_start3A_145 : memref<128xi32, #tpu.memory_space<vmem>>) semaphore(%arg11 : memref<!tpu.dma_semaphore, #tpu.memory_space<semaphore_mem>>) {add = true}
    %dma_wait3A_149 = arith.constant 1 : i32
    %dma_wait3A_150 = arith.constant 0 : i32
    %dma_wait3A_151 = arith.constant 0 : i32
    %dma_wait3A_152 = arith.constant 0 : i32
    %dma_wait3A_153 = tpu.memref_slice %arg8[%dma_wait3A_149, %dma_wait3A_151, %dma_wait3A_152] : memref<2x128x128xf32, #tpu.memory_space<vmem>> -> memref<1x128x128xf32, #tpu.memory_space<vmem>>
    %dma_wait3A_154 = tpu.memref_squeeze %dma_wait3A_153 : memref<1x128x128xf32, #tpu.memory_space<vmem>> -> memref<128x128xf32, #tpu.memory_space<vmem>>
    %dma_wait3A_155 = arith.constant 0 : i32
    %dma_wait3A_156 = tpu.memref_slice %arg7[%dma_wait3A_150, %dma_wait3A_155] : memref<40x128xi32, #tpu.memory_space<vmem>> -> memref<1x128xi32, #tpu.memory_space<vmem>>
    %dma_wait3A_157 = tpu.memref_squeeze %dma_wait3A_156 : memref<1x128xi32, #tpu.memory_space<vmem>> -> memref<128xi32, #tpu.memory_space<vmem>>
    %dma_wait3A_158 = arith.constant 0 : i32
    %dma_wait3A_159 = arith.constant 0 : i32
    %dma_wait3A_160 = tpu.memref_slice %arg5[%dma_wait3A_158, %dma_wait3A_159] : memref<10240x128xf32, #tpu.memory_space<vmem_shared>> -> memref<10240x128xf32, #tpu.memory_space<vmem_shared>>
    tpu.wait_indirect_dma semaphore(%arg12 : memref<!tpu.dma_semaphore, #tpu.memory_space<semaphore_mem>>) src(%dma_wait3A_154 : memref<128x128xf32, #tpu.memory_space<vmem>>) dst(%dma_wait3A_160 : memref<10240x128xf32, #tpu.memory_space<vmem_shared>>)
    %dma_start3A_161 = arith.constant 39 : i32
    %dma_start3A_162 = arith.constant 1 : i32
    %dma_start3A_163 = arith.constant 0 : i32
    %dma_start3A_164 = arith.constant 0 : i32
    %dma_start3A_165 = tpu.memref_slice %arg8[%dma_start3A_162, %dma_start3A_163, %dma_start3A_164] : memref<2x128x128xf32, #tpu.memory_space<vmem>> -> memref<1x128x128xf32, #tpu.memory_space<vmem>>
    %dma_start3A_166 = tpu.memref_squeeze %dma_start3A_165 : memref<1x128x128xf32, #tpu.memory_space<vmem>> -> memref<128x128xf32, #tpu.memory_space<vmem>>
    %dma_start3A_167 = arith.constant 0 : i32
    %dma_start3A_168 = tpu.memref_slice %arg6[%dma_start3A_161, %dma_start3A_167] : memref<40x128xi32, #tpu.memory_space<vmem>> -> memref<1x128xi32, #tpu.memory_space<vmem>>
    %dma_start3A_169 = tpu.memref_squeeze %dma_start3A_168 : memref<1x128xi32, #tpu.memory_space<vmem>> -> memref<128xi32, #tpu.memory_space<vmem>>
    %dma_start3A_170 = arith.constant 0 : i32
    %dma_start3A_171 = arith.constant 0 : i32
    %dma_start3A_172 = tpu.memref_slice %arg2[%dma_start3A_170, %dma_start3A_171] : memref<10240x128xf32, #tpu.memory_space<hbm>> -> memref<10240x128xf32, #tpu.memory_space<hbm>>
    tpu.enqueue_indirect_dma source(%dma_start3A_172 : memref<10240x128xf32, #tpu.memory_space<hbm>>) target(%dma_start3A_166 : memref<128x128xf32, #tpu.memory_space<vmem>>) offsets(%dma_start3A_169 : memref<128xi32, #tpu.memory_space<vmem>>) semaphore(%arg10 : memref<!tpu.dma_semaphore, #tpu.memory_space<semaphore_mem>>)
    %dma_wait3A_173 = arith.constant 39 : i32
    %dma_wait3A_174 = arith.constant 1 : i32
    %dma_wait3A_175 = arith.constant 0 : i32
    %dma_wait3A_176 = arith.constant 0 : i32
    %dma_wait3A_177 = tpu.memref_slice %arg8[%dma_wait3A_174, %dma_wait3A_175, %dma_wait3A_176] : memref<2x128x128xf32, #tpu.memory_space<vmem>> -> memref<1x128x128xf32, #tpu.memory_space<vmem>>
    %dma_wait3A_178 = tpu.memref_squeeze %dma_wait3A_177 : memref<1x128x128xf32, #tpu.memory_space<vmem>> -> memref<128x128xf32, #tpu.memory_space<vmem>>
    %dma_wait3A_179 = arith.constant 0 : i32
    %dma_wait3A_180 = tpu.memref_slice %arg6[%dma_wait3A_173, %dma_wait3A_179] : memref<40x128xi32, #tpu.memory_space<vmem>> -> memref<1x128xi32, #tpu.memory_space<vmem>>
    %dma_wait3A_181 = tpu.memref_squeeze %dma_wait3A_180 : memref<1x128xi32, #tpu.memory_space<vmem>> -> memref<128xi32, #tpu.memory_space<vmem>>
    %dma_wait3A_182 = arith.constant 0 : i32
    %dma_wait3A_183 = arith.constant 0 : i32
    %dma_wait3A_184 = tpu.memref_slice %arg2[%dma_wait3A_182, %dma_wait3A_183] : memref<10240x128xf32, #tpu.memory_space<hbm>> -> memref<10240x128xf32, #tpu.memory_space<hbm>>
    tpu.wait_indirect_dma semaphore(%arg10 : memref<!tpu.dma_semaphore, #tpu.memory_space<semaphore_mem>>) src(%dma_wait3A_184 : memref<10240x128xf32, #tpu.memory_space<hbm>>) dst(%dma_wait3A_178 : memref<128x128xf32, #tpu.memory_space<vmem>>)
    %dma_start3A_185 = arith.constant 1 : i32
    %dma_start3A_186 = arith.constant 39 : i32
    %dma_start3A_187 = arith.constant 0 : i32
    %dma_start3A_188 = arith.constant 0 : i32
    %dma_start3A_189 = tpu.memref_slice %arg8[%dma_start3A_185, %dma_start3A_187, %dma_start3A_188] : memref<2x128x128xf32, #tpu.memory_space<vmem>> -> memref<1x128x128xf32, #tpu.memory_space<vmem>>
    %dma_start3A_190 = tpu.memref_squeeze %dma_start3A_189 : memref<1x128x128xf32, #tpu.memory_space<vmem>> -> memref<128x128xf32, #tpu.memory_space<vmem>>
    %dma_start3A_191 = arith.constant 0 : i32
    %dma_start3A_192 = tpu.memref_slice %arg7[%dma_start3A_186, %dma_start3A_191] : memref<40x128xi32, #tpu.memory_space<vmem>> -> memref<1x128xi32, #tpu.memory_space<vmem>>
    %dma_start3A_193 = tpu.memref_squeeze %dma_start3A_192 : memref<1x128xi32, #tpu.memory_space<vmem>> -> memref<128xi32, #tpu.memory_space<vmem>>
    %dma_start3A_194 = arith.constant 0 : i32
    %dma_start3A_195 = arith.constant 0 : i32
    %dma_start3A_196 = tpu.memref_slice %arg5[%dma_start3A_194, %dma_start3A_195] : memref<10240x128xf32, #tpu.memory_space<vmem_shared>> -> memref<10240x128xf32, #tpu.memory_space<vmem_shared>>
    tpu.enqueue_indirect_dma source(%dma_start3A_190 : memref<128x128xf32, #tpu.memory_space<vmem>>) target(%dma_start3A_196 : memref<10240x128xf32, #tpu.memory_space<vmem_shared>>) offsets(%dma_start3A_193 : memref<128xi32, #tpu.memory_space<vmem>>) semaphore(%arg12 : memref<!tpu.dma_semaphore, #tpu.memory_space<semaphore_mem>>) {add = true}
    %dma_wait3A_197 = arith.constant 0 : i32
    %dma_wait3A_198 = arith.constant 0 : i32
    %dma_wait3A_199 = arith.constant 0 : i32
    %dma_wait3A_200 = arith.constant 0 : i32
    %dma_wait3A_201 = tpu.memref_slice %arg8[%dma_wait3A_197, %dma_wait3A_199, %dma_wait3A_200] : memref<2x128x128xf32, #tpu.memory_space<vmem>> -> memref<1x128x128xf32, #tpu.memory_space<vmem>>
    %dma_wait3A_202 = tpu.memref_squeeze %dma_wait3A_201 : memref<1x128x128xf32, #tpu.memory_space<vmem>> -> memref<128x128xf32, #tpu.memory_space<vmem>>
    %dma_wait3A_203 = arith.constant 0 : i32
    %dma_wait3A_204 = tpu.memref_slice %arg7[%dma_wait3A_198, %dma_wait3A_203] : memref<40x128xi32, #tpu.memory_space<vmem>> -> memref<1x128xi32, #tpu.memory_space<vmem>>
    %dma_wait3A_205 = tpu.memref_squeeze %dma_wait3A_204 : memref<1x128xi32, #tpu.memory_space<vmem>> -> memref<128xi32, #tpu.memory_space<vmem>>
    %dma_wait3A_206 = arith.constant 0 : i32
    %dma_wait3A_207 = arith.constant 0 : i32
    %dma_wait3A_208 = tpu.memref_slice %arg5[%dma_wait3A_206, %dma_wait3A_207] : memref<10240x128xf32, #tpu.memory_space<vmem_shared>> -> memref<10240x128xf32, #tpu.memory_space<vmem_shared>>
    tpu.wait_indirect_dma semaphore(%arg11 : memref<!tpu.dma_semaphore, #tpu.memory_space<semaphore_mem>>) src(%dma_wait3A_202 : memref<128x128xf32, #tpu.memory_space<vmem>>) dst(%dma_wait3A_208 : memref<10240x128xf32, #tpu.memory_space<vmem_shared>>)
    %dma_wait3A_209 = arith.constant 1 : i32
    %dma_wait3A_210 = arith.constant 0 : i32
    %dma_wait3A_211 = arith.constant 0 : i32
    %dma_wait3A_212 = arith.constant 0 : i32
    %dma_wait3A_213 = tpu.memref_slice %arg8[%dma_wait3A_209, %dma_wait3A_211, %dma_wait3A_212] : memref<2x128x128xf32, #tpu.memory_space<vmem>> -> memref<1x128x128xf32, #tpu.memory_space<vmem>>
    %dma_wait3A_214 = tpu.memref_squeeze %dma_wait3A_213 : memref<1x128x128xf32, #tpu.memory_space<vmem>> -> memref<128x128xf32, #tpu.memory_space<vmem>>
    %dma_wait3A_215 = arith.constant 0 : i32
    %dma_wait3A_216 = tpu.memref_slice %arg7[%dma_wait3A_210, %dma_wait3A_215] : memref<40x128xi32, #tpu.memory_space<vmem>> -> memref<1x128xi32, #tpu.memory_space<vmem>>
    %dma_wait3A_217 = tpu.memref_squeeze %dma_wait3A_216 : memref<1x128xi32, #tpu.memory_space<vmem>> -> memref<128xi32, #tpu.memory_space<vmem>>
    %dma_wait3A_218 = arith.constant 0 : i32
    %dma_wait3A_219 = arith.constant 0 : i32
    %dma_wait3A_220 = tpu.memref_slice %arg5[%dma_wait3A_218, %dma_wait3A_219] : memref<10240x128xf32, #tpu.memory_space<vmem_shared>> -> memref<10240x128xf32, #tpu.memory_space<vmem_shared>>
    tpu.wait_indirect_dma semaphore(%arg12 : memref<!tpu.dma_semaphore, #tpu.memory_space<semaphore_mem>>) src(%dma_wait3A_214 : memref<128x128xf32, #tpu.memory_space<vmem>>) dst(%dma_wait3A_220 : memref<10240x128xf32, #tpu.memory_space<vmem_shared>>)
    %run_scoped3A_221 = arith.constant 0 : i32
    "tpu.region"() ({
      %run_scoped3A_422 = tpu.sem_alloc : memref<!tpu.dma_semaphore, #tpu.memory_space<semaphore_mem>>
      %dma_start3A_423 = arith.constant 40 : i32
      %dma_start3A_424 = arith.constant 0 : i32
      %dma_start3A_425 = tpu.memref_slice %arg3[%run_scoped3A_221, %add3A, %dma_start3A_423, %dma_start3A_424] : memref<2x32x80x128xi32, #tpu.memory_space<hbm>> -> memref<1x1x40x128xi32, #tpu.memory_space<hbm>>
      %dma_start3A_426 = tpu.memref_squeeze %dma_start3A_425 : memref<1x1x40x128xi32, #tpu.memory_space<hbm>> -> memref<40x128xi32, #tpu.memory_space<hbm>>
      %dma_start3A_427 = arith.constant 40 : i32
      %dma_start3A_428 = arith.constant 0 : i32
      %dma_start3A_429 = tpu.memref_slice %arg3[%run_scoped3A_221, %add3A, %dma_start3A_427, %dma_start3A_428] : memref<2x32x80x128xi32, #tpu.memory_space<hbm>> -> memref<1x1x40x128xi32, #tpu.memory_space<hbm>>
      %dma_start3A_430 = tpu.memref_squeeze %dma_start3A_429 : memref<1x1x40x128xi32, #tpu.memory_space<hbm>> -> memref<40x128xi32, #tpu.memory_space<hbm>>
      tpu.enqueue_dma source(%dma_start3A_430 : memref<40x128xi32, #tpu.memory_space<hbm>>) target(%arg6 : memref<40x128xi32, #tpu.memory_space<vmem>>) target_semaphore(%run_scoped3A_422 : memref<!tpu.dma_semaphore, #tpu.memory_space<semaphore_mem>>)
      %dma_wait3A_431 = arith.constant 40 : i32
      %dma_wait3A_432 = arith.constant 0 : i32
      %dma_wait3A_433 = tpu.memref_slice %arg3[%run_scoped3A_221, %add3A, %dma_wait3A_431, %dma_wait3A_432] : memref<2x32x80x128xi32, #tpu.memory_space<hbm>> -> memref<1x1x40x128xi32, #tpu.memory_space<hbm>>
      %dma_wait3A_434 = tpu.memref_squeeze %dma_wait3A_433 : memref<1x1x40x128xi32, #tpu.memory_space<hbm>> -> memref<40x128xi32, #tpu.memory_space<hbm>>
      %dma_wait3A_435 = arith.constant 40 : i32
      %dma_wait3A_436 = arith.constant 0 : i32
      %dma_wait3A_437 = tpu.memref_slice %arg3[%run_scoped3A_221, %add3A, %dma_wait3A_435, %dma_wait3A_436] : memref<2x32x80x128xi32, #tpu.memory_space<hbm>> -> memref<1x1x40x128xi32, #tpu.memory_space<hbm>>
      %dma_wait3A_438 = tpu.memref_squeeze %dma_wait3A_437 : memref<1x1x40x128xi32, #tpu.memory_space<hbm>> -> memref<40x128xi32, #tpu.memory_space<hbm>>
      tpu.wait_dma2 semaphore(%run_scoped3A_422 : memref<!tpu.dma_semaphore, #tpu.memory_space<semaphore_mem>>) src(%dma_wait3A_438 : memref<40x128xi32, #tpu.memory_space<hbm>>) dst(%arg6 : memref<40x128xi32, #tpu.memory_space<vmem>>)
      tpu.yield
    }) : () -> ()
    %run_scoped3A_222 = arith.constant 1 : i32
    "tpu.region"() ({
      %run_scoped3A_422 = tpu.sem_alloc : memref<!tpu.dma_semaphore, #tpu.memory_space<semaphore_mem>>
      %dma_start3A_423 = arith.constant 40 : i32
      %dma_start3A_424 = arith.constant 0 : i32
      %dma_start3A_425 = tpu.memref_slice %arg3[%run_scoped3A_222, %add3A, %dma_start3A_423, %dma_start3A_424] : memref<2x32x80x128xi32, #tpu.memory_space<hbm>> -> memref<1x1x40x128xi32, #tpu.memory_space<hbm>>
      %dma_start3A_426 = tpu.memref_squeeze %dma_start3A_425 : memref<1x1x40x128xi32, #tpu.memory_space<hbm>> -> memref<40x128xi32, #tpu.memory_space<hbm>>
      %dma_start3A_427 = arith.constant 40 : i32
      %dma_start3A_428 = arith.constant 0 : i32
      %dma_start3A_429 = tpu.memref_slice %arg3[%run_scoped3A_222, %add3A, %dma_start3A_427, %dma_start3A_428] : memref<2x32x80x128xi32, #tpu.memory_space<hbm>> -> memref<1x1x40x128xi32, #tpu.memory_space<hbm>>
      %dma_start3A_430 = tpu.memref_squeeze %dma_start3A_429 : memref<1x1x40x128xi32, #tpu.memory_space<hbm>> -> memref<40x128xi32, #tpu.memory_space<hbm>>
      tpu.enqueue_dma source(%dma_start3A_430 : memref<40x128xi32, #tpu.memory_space<hbm>>) target(%arg7 : memref<40x128xi32, #tpu.memory_space<vmem>>) target_semaphore(%run_scoped3A_422 : memref<!tpu.dma_semaphore, #tpu.memory_space<semaphore_mem>>)
      %dma_wait3A_431 = arith.constant 40 : i32
      %dma_wait3A_432 = arith.constant 0 : i32
      %dma_wait3A_433 = tpu.memref_slice %arg3[%run_scoped3A_222, %add3A, %dma_wait3A_431, %dma_wait3A_432] : memref<2x32x80x128xi32, #tpu.memory_space<hbm>> -> memref<1x1x40x128xi32, #tpu.memory_space<hbm>>
      %dma_wait3A_434 = tpu.memref_squeeze %dma_wait3A_433 : memref<1x1x40x128xi32, #tpu.memory_space<hbm>> -> memref<40x128xi32, #tpu.memory_space<hbm>>
      %dma_wait3A_435 = arith.constant 40 : i32
      %dma_wait3A_436 = arith.constant 0 : i32
      %dma_wait3A_437 = tpu.memref_slice %arg3[%run_scoped3A_222, %add3A, %dma_wait3A_435, %dma_wait3A_436] : memref<2x32x80x128xi32, #tpu.memory_space<hbm>> -> memref<1x1x40x128xi32, #tpu.memory_space<hbm>>
      %dma_wait3A_438 = tpu.memref_squeeze %dma_wait3A_437 : memref<1x1x40x128xi32, #tpu.memory_space<hbm>> -> memref<40x128xi32, #tpu.memory_space<hbm>>
      tpu.wait_dma2 semaphore(%run_scoped3A_422 : memref<!tpu.dma_semaphore, #tpu.memory_space<semaphore_mem>>) src(%dma_wait3A_438 : memref<40x128xi32, #tpu.memory_space<hbm>>) dst(%arg7 : memref<40x128xi32, #tpu.memory_space<vmem>>)
      tpu.yield
    }) : () -> ()
    %dma_start3A_223 = arith.constant 0 : i32
    %dma_start3A_224 = arith.constant 0 : i32
    %dma_start3A_225 = arith.constant 0 : i32
    %dma_start3A_226 = arith.constant 0 : i32
    %dma_start3A_227 = tpu.memref_slice %arg8[%dma_start3A_224, %dma_start3A_225, %dma_start3A_226] : memref<2x128x128xf32, #tpu.memory_space<vmem>> -> memref<1x128x128xf32, #tpu.memory_space<vmem>>
    %dma_start3A_228 = tpu.memref_squeeze %dma_start3A_227 : memref<1x128x128xf32, #tpu.memory_space<vmem>> -> memref<128x128xf32, #tpu.memory_space<vmem>>
    %dma_start3A_229 = arith.constant 0 : i32
    %dma_start3A_230 = tpu.memref_slice %arg6[%dma_start3A_223, %dma_start3A_229] : memref<40x128xi32, #tpu.memory_space<vmem>> -> memref<1x128xi32, #tpu.memory_space<vmem>>
    %dma_start3A_231 = tpu.memref_squeeze %dma_start3A_230 : memref<1x128xi32, #tpu.memory_space<vmem>> -> memref<128xi32, #tpu.memory_space<vmem>>
    %dma_start3A_232 = arith.constant 0 : i32
    %dma_start3A_233 = arith.constant 0 : i32
    %dma_start3A_234 = tpu.memref_slice %arg2[%dma_start3A_232, %dma_start3A_233] : memref<10240x128xf32, #tpu.memory_space<hbm>> -> memref<10240x128xf32, #tpu.memory_space<hbm>>
    tpu.enqueue_indirect_dma source(%dma_start3A_234 : memref<10240x128xf32, #tpu.memory_space<hbm>>) target(%dma_start3A_228 : memref<128x128xf32, #tpu.memory_space<vmem>>) offsets(%dma_start3A_231 : memref<128xi32, #tpu.memory_space<vmem>>) semaphore(%arg9 : memref<!tpu.dma_semaphore, #tpu.memory_space<semaphore_mem>>)
    %dma_wait3A_235 = arith.constant 0 : i32
    %dma_wait3A_236 = arith.constant 0 : i32
    %dma_wait3A_237 = arith.constant 0 : i32
    %dma_wait3A_238 = arith.constant 0 : i32
    %dma_wait3A_239 = tpu.memref_slice %arg8[%dma_wait3A_236, %dma_wait3A_237, %dma_wait3A_238] : memref<2x128x128xf32, #tpu.memory_space<vmem>> -> memref<1x128x128xf32, #tpu.memory_space<vmem>>
    %dma_wait3A_240 = tpu.memref_squeeze %dma_wait3A_239 : memref<1x128x128xf32, #tpu.memory_space<vmem>> -> memref<128x128xf32, #tpu.memory_space<vmem>>
    %dma_wait3A_241 = arith.constant 0 : i32
    %dma_wait3A_242 = tpu.memref_slice %arg6[%dma_wait3A_235, %dma_wait3A_241] : memref<40x128xi32, #tpu.memory_space<vmem>> -> memref<1x128xi32, #tpu.memory_space<vmem>>
    %dma_wait3A_243 = tpu.memref_squeeze %dma_wait3A_242 : memref<1x128xi32, #tpu.memory_space<vmem>> -> memref<128xi32, #tpu.memory_space<vmem>>
    %dma_wait3A_244 = arith.constant 0 : i32
    %dma_wait3A_245 = arith.constant 0 : i32
    %dma_wait3A_246 = tpu.memref_slice %arg2[%dma_wait3A_244, %dma_wait3A_245] : memref<10240x128xf32, #tpu.memory_space<hbm>> -> memref<10240x128xf32, #tpu.memory_space<hbm>>
    tpu.wait_indirect_dma semaphore(%arg9 : memref<!tpu.dma_semaphore, #tpu.memory_space<semaphore_mem>>) src(%dma_wait3A_246 : memref<10240x128xf32, #tpu.memory_space<hbm>>) dst(%dma_wait3A_240 : memref<128x128xf32, #tpu.memory_space<vmem>>)
    %dma_start3A_247 = arith.constant 0 : i32
    %dma_start3A_248 = arith.constant 0 : i32
    %dma_start3A_249 = arith.constant 0 : i32
    %dma_start3A_250 = arith.constant 0 : i32
    %dma_start3A_251 = tpu.memref_slice %arg8[%dma_start3A_247, %dma_start3A_249, %dma_start3A_250] : memref<2x128x128xf32, #tpu.memory_space<vmem>> -> memref<1x128x128xf32, #tpu.memory_space<vmem>>
    %dma_start3A_252 = tpu.memref_squeeze %dma_start3A_251 : memref<1x128x128xf32, #tpu.memory_space<vmem>> -> memref<128x128xf32, #tpu.memory_space<vmem>>
    %dma_start3A_253 = arith.constant 0 : i32
    %dma_start3A_254 = tpu.memref_slice %arg7[%dma_start3A_248, %dma_start3A_253] : memref<40x128xi32, #tpu.memory_space<vmem>> -> memref<1x128xi32, #tpu.memory_space<vmem>>
    %dma_start3A_255 = tpu.memref_squeeze %dma_start3A_254 : memref<1x128xi32, #tpu.memory_space<vmem>> -> memref<128xi32, #tpu.memory_space<vmem>>
    %dma_start3A_256 = arith.constant 0 : i32
    %dma_start3A_257 = arith.constant 0 : i32
    %dma_start3A_258 = tpu.memref_slice %arg5[%dma_start3A_256, %dma_start3A_257] : memref<10240x128xf32, #tpu.memory_space<vmem_shared>> -> memref<10240x128xf32, #tpu.memory_space<vmem_shared>>
    tpu.enqueue_indirect_dma source(%dma_start3A_252 : memref<128x128xf32, #tpu.memory_space<vmem>>) target(%dma_start3A_258 : memref<10240x128xf32, #tpu.memory_space<vmem_shared>>) offsets(%dma_start3A_255 : memref<128xi32, #tpu.memory_space<vmem>>) semaphore(%arg11 : memref<!tpu.dma_semaphore, #tpu.memory_space<semaphore_mem>>) {add = true}
    %dma_start3A_259 = arith.constant 1 : i32
    %dma_start3A_260 = arith.constant 1 : i32
    %dma_start3A_261 = arith.constant 0 : i32
    %dma_start3A_262 = arith.constant 0 : i32
    %dma_start3A_263 = tpu.memref_slice %arg8[%dma_start3A_260, %dma_start3A_261, %dma_start3A_262] : memref<2x128x128xf32, #tpu.memory_space<vmem>> -> memref<1x128x128xf32, #tpu.memory_space<vmem>>
    %dma_start3A_264 = tpu.memref_squeeze %dma_start3A_263 : memref<1x128x128xf32, #tpu.memory_space<vmem>> -> memref<128x128xf32, #tpu.memory_space<vmem>>
    %dma_start3A_265 = arith.constant 0 : i32
    %dma_start3A_266 = tpu.memref_slice %arg6[%dma_start3A_259, %dma_start3A_265] : memref<40x128xi32, #tpu.memory_space<vmem>> -> memref<1x128xi32, #tpu.memory_space<vmem>>
    %dma_start3A_267 = tpu.memref_squeeze %dma_start3A_266 : memref<1x128xi32, #tpu.memory_space<vmem>> -> memref<128xi32, #tpu.memory_space<vmem>>
    %dma_start3A_268 = arith.constant 0 : i32
    %dma_start3A_269 = arith.constant 0 : i32
    %dma_start3A_270 = tpu.memref_slice %arg2[%dma_start3A_268, %dma_start3A_269] : memref<10240x128xf32, #tpu.memory_space<hbm>> -> memref<10240x128xf32, #tpu.memory_space<hbm>>
    tpu.enqueue_indirect_dma source(%dma_start3A_270 : memref<10240x128xf32, #tpu.memory_space<hbm>>) target(%dma_start3A_264 : memref<128x128xf32, #tpu.memory_space<vmem>>) offsets(%dma_start3A_267 : memref<128xi32, #tpu.memory_space<vmem>>) semaphore(%arg10 : memref<!tpu.dma_semaphore, #tpu.memory_space<semaphore_mem>>)
    %dma_wait3A_271 = arith.constant 1 : i32
    %dma_wait3A_272 = arith.constant 1 : i32
    %dma_wait3A_273 = arith.constant 0 : i32
    %dma_wait3A_274 = arith.constant 0 : i32
    %dma_wait3A_275 = tpu.memref_slice %arg8[%dma_wait3A_272, %dma_wait3A_273, %dma_wait3A_274] : memref<2x128x128xf32, #tpu.memory_space<vmem>> -> memref<1x128x128xf32, #tpu.memory_space<vmem>>
    %dma_wait3A_276 = tpu.memref_squeeze %dma_wait3A_275 : memref<1x128x128xf32, #tpu.memory_space<vmem>> -> memref<128x128xf32, #tpu.memory_space<vmem>>
    %dma_wait3A_277 = arith.constant 0 : i32
    %dma_wait3A_278 = tpu.memref_slice %arg6[%dma_wait3A_271, %dma_wait3A_277] : memref<40x128xi32, #tpu.memory_space<vmem>> -> memref<1x128xi32, #tpu.memory_space<vmem>>
    %dma_wait3A_279 = tpu.memref_squeeze %dma_wait3A_278 : memref<1x128xi32, #tpu.memory_space<vmem>> -> memref<128xi32, #tpu.memory_space<vmem>>
    %dma_wait3A_280 = arith.constant 0 : i32
    %dma_wait3A_281 = arith.constant 0 : i32
    %dma_wait3A_282 = tpu.memref_slice %arg2[%dma_wait3A_280, %dma_wait3A_281] : memref<10240x128xf32, #tpu.memory_space<hbm>> -> memref<10240x128xf32, #tpu.memory_space<hbm>>
    tpu.wait_indirect_dma semaphore(%arg10 : memref<!tpu.dma_semaphore, #tpu.memory_space<semaphore_mem>>) src(%dma_wait3A_282 : memref<10240x128xf32, #tpu.memory_space<hbm>>) dst(%dma_wait3A_276 : memref<128x128xf32, #tpu.memory_space<vmem>>)
    %dma_start3A_283 = arith.constant 1 : i32
    %dma_start3A_284 = arith.constant 1 : i32
    %dma_start3A_285 = arith.constant 0 : i32
    %dma_start3A_286 = arith.constant 0 : i32
    %dma_start3A_287 = tpu.memref_slice %arg8[%dma_start3A_283, %dma_start3A_285, %dma_start3A_286] : memref<2x128x128xf32, #tpu.memory_space<vmem>> -> memref<1x128x128xf32, #tpu.memory_space<vmem>>
    %dma_start3A_288 = tpu.memref_squeeze %dma_start3A_287 : memref<1x128x128xf32, #tpu.memory_space<vmem>> -> memref<128x128xf32, #tpu.memory_space<vmem>>
    %dma_start3A_289 = arith.constant 0 : i32
    %dma_start3A_290 = tpu.memref_slice %arg7[%dma_start3A_284, %dma_start3A_289] : memref<40x128xi32, #tpu.memory_space<vmem>> -> memref<1x128xi32, #tpu.memory_space<vmem>>
    %dma_start3A_291 = tpu.memref_squeeze %dma_start3A_290 : memref<1x128xi32, #tpu.memory_space<vmem>> -> memref<128xi32, #tpu.memory_space<vmem>>
    %dma_start3A_292 = arith.constant 0 : i32
    %dma_start3A_293 = arith.constant 0 : i32
    %dma_start3A_294 = tpu.memref_slice %arg5[%dma_start3A_292, %dma_start3A_293] : memref<10240x128xf32, #tpu.memory_space<vmem_shared>> -> memref<10240x128xf32, #tpu.memory_space<vmem_shared>>
    tpu.enqueue_indirect_dma source(%dma_start3A_288 : memref<128x128xf32, #tpu.memory_space<vmem>>) target(%dma_start3A_294 : memref<10240x128xf32, #tpu.memory_space<vmem_shared>>) offsets(%dma_start3A_291 : memref<128xi32, #tpu.memory_space<vmem>>) semaphore(%arg12 : memref<!tpu.dma_semaphore, #tpu.memory_space<semaphore_mem>>) {add = true}
    %dma_wait3A_295 = arith.constant 0 : i32
    %dma_wait3A_296 = arith.constant 0 : i32
    %dma_wait3A_297 = arith.constant 0 : i32
    %dma_wait3A_298 = arith.constant 0 : i32
    %dma_wait3A_299 = tpu.memref_slice %arg8[%dma_wait3A_295, %dma_wait3A_297, %dma_wait3A_298] : memref<2x128x128xf32, #tpu.memory_space<vmem>> -> memref<1x128x128xf32, #tpu.memory_space<vmem>>
    %dma_wait3A_300 = tpu.memref_squeeze %dma_wait3A_299 : memref<1x128x128xf32, #tpu.memory_space<vmem>> -> memref<128x128xf32, #tpu.memory_space<vmem>>
    %dma_wait3A_301 = arith.constant 0 : i32
    %dma_wait3A_302 = tpu.memref_slice %arg7[%dma_wait3A_296, %dma_wait3A_301] : memref<40x128xi32, #tpu.memory_space<vmem>> -> memref<1x128xi32, #tpu.memory_space<vmem>>
    %dma_wait3A_303 = tpu.memref_squeeze %dma_wait3A_302 : memref<1x128xi32, #tpu.memory_space<vmem>> -> memref<128xi32, #tpu.memory_space<vmem>>
    %dma_wait3A_304 = arith.constant 0 : i32
    %dma_wait3A_305 = arith.constant 0 : i32
    %dma_wait3A_306 = tpu.memref_slice %arg5[%dma_wait3A_304, %dma_wait3A_305] : memref<10240x128xf32, #tpu.memory_space<vmem_shared>> -> memref<10240x128xf32, #tpu.memory_space<vmem_shared>>
    tpu.wait_indirect_dma semaphore(%arg11 : memref<!tpu.dma_semaphore, #tpu.memory_space<semaphore_mem>>) src(%dma_wait3A_300 : memref<128x128xf32, #tpu.memory_space<vmem>>) dst(%dma_wait3A_306 : memref<10240x128xf32, #tpu.memory_space<vmem_shared>>)
    %dma_start3A_307 = arith.constant 2 : i32
    %dma_start3A_308 = arith.constant 0 : i32
    %dma_start3A_309 = arith.constant 0 : i32
    %dma_start3A_310 = arith.constant 0 : i32
    %dma_start3A_311 = tpu.memref_slice %arg8[%dma_start3A_308, %dma_start3A_309, %dma_start3A_310] : memref<2x128x128xf32, #tpu.memory_space<vmem>> -> memref<1x128x128xf32, #tpu.memory_space<vmem>>
    %dma_start3A_312 = tpu.memref_squeeze %dma_start3A_311 : memref<1x128x128xf32, #tpu.memory_space<vmem>> -> memref<128x128xf32, #tpu.memory_space<vmem>>
    %dma_start3A_313 = arith.constant 0 : i32
    %dma_start3A_314 = tpu.memref_slice %arg6[%dma_start3A_307, %dma_start3A_313] : memref<40x128xi32, #tpu.memory_space<vmem>> -> memref<1x128xi32, #tpu.memory_space<vmem>>
    %dma_start3A_315 = tpu.memref_squeeze %dma_start3A_314 : memref<1x128xi32, #tpu.memory_space<vmem>> -> memref<128xi32, #tpu.memory_space<vmem>>
    %dma_start3A_316 = arith.constant 0 : i32
    %dma_start3A_317 = arith.constant 0 : i32
    %dma_start3A_318 = tpu.memref_slice %arg2[%dma_start3A_316, %dma_start3A_317] : memref<10240x128xf32, #tpu.memory_space<hbm>> -> memref<10240x128xf32, #tpu.memory_space<hbm>>
    tpu.enqueue_indirect_dma source(%dma_start3A_318 : memref<10240x128xf32, #tpu.memory_space<hbm>>) target(%dma_start3A_312 : memref<128x128xf32, #tpu.memory_space<vmem>>) offsets(%dma_start3A_315 : memref<128xi32, #tpu.memory_space<vmem>>) semaphore(%arg9 : memref<!tpu.dma_semaphore, #tpu.memory_space<semaphore_mem>>)
    %scan3A_319 = arith.constant 0 : i32
    %scan3A_320 = arith.constant 1 : i32
    %scan3A_321 = arith.constant 18 : i32
    %scan3A_322 = arith.addi %scan3A_320, %scan3A_321 : i32
    %scan3A_323 = arith.constant 1 : i32
    scf.for %scan3A_422 = %scan3A_320 to %scan3A_322 step %scan3A_323  : i32 {
      %mul3A_423 = arith.constant 2 : i32
      %mul3A_424 = arith.muli %scan3A_422, %mul3A_423 : i32
      %add3A_425 = arith.constant 0 : i32
      %add3A_426 = arith.addi %mul3A_424, %add3A_425 : i32
      %dma_wait3A_427 = arith.constant 0 : i32
      %dma_wait3A_428 = arith.constant 0 : i32
      %dma_wait3A_429 = arith.constant 0 : i32
      %dma_wait3A_430 = tpu.memref_slice %arg8[%dma_wait3A_427, %dma_wait3A_428, %dma_wait3A_429] : memref<2x128x128xf32, #tpu.memory_space<vmem>> -> memref<1x128x128xf32, #tpu.memory_space<vmem>>
      %dma_wait3A_431 = tpu.memref_squeeze %dma_wait3A_430 : memref<1x128x128xf32, #tpu.memory_space<vmem>> -> memref<128x128xf32, #tpu.memory_space<vmem>>
      %dma_wait3A_432 = arith.constant 0 : i32
      %dma_wait3A_433 = tpu.memref_slice %arg6[%add3A_426, %dma_wait3A_432] : memref<40x128xi32, #tpu.memory_space<vmem>> -> memref<1x128xi32, #tpu.memory_space<vmem>>
      %dma_wait3A_434 = tpu.memref_squeeze %dma_wait3A_433 : memref<1x128xi32, #tpu.memory_space<vmem>> -> memref<128xi32, #tpu.memory_space<vmem>>
      %dma_wait3A_435 = arith.constant 0 : i32
      %dma_wait3A_436 = arith.constant 0 : i32
      %dma_wait3A_437 = tpu.memref_slice %arg2[%dma_wait3A_435, %dma_wait3A_436] : memref<10240x128xf32, #tpu.memory_space<hbm>> -> memref<10240x128xf32, #tpu.memory_space<hbm>>
      tpu.wait_indirect_dma semaphore(%arg9 : memref<!tpu.dma_semaphore, #tpu.memory_space<semaphore_mem>>) src(%dma_wait3A_437 : memref<10240x128xf32, #tpu.memory_space<hbm>>) dst(%dma_wait3A_431 : memref<128x128xf32, #tpu.memory_space<vmem>>)
      %dma_start3A_438 = arith.constant 0 : i32
      %dma_start3A_439 = arith.constant 0 : i32
      %dma_start3A_440 = arith.constant 0 : i32
      %dma_start3A_441 = tpu.memref_slice %arg8[%dma_start3A_438, %dma_start3A_439, %dma_start3A_440] : memref<2x128x128xf32, #tpu.memory_space<vmem>> -> memref<1x128x128xf32, #tpu.memory_space<vmem>>
      %dma_start3A_442 = tpu.memref_squeeze %dma_start3A_441 : memref<1x128x128xf32, #tpu.memory_space<vmem>> -> memref<128x128xf32, #tpu.memory_space<vmem>>
      %dma_start3A_443 = arith.constant 0 : i32
      %dma_start3A_444 = tpu.memref_slice %arg7[%add3A_426, %dma_start3A_443] : memref<40x128xi32, #tpu.memory_space<vmem>> -> memref<1x128xi32, #tpu.memory_space<vmem>>
      %dma_start3A_445 = tpu.memref_squeeze %dma_start3A_444 : memref<1x128xi32, #tpu.memory_space<vmem>> -> memref<128xi32, #tpu.memory_space<vmem>>
      %dma_start3A_446 = arith.constant 0 : i32
      %dma_start3A_447 = arith.constant 0 : i32
      %dma_start3A_448 = tpu.memref_slice %arg5[%dma_start3A_446, %dma_start3A_447] : memref<10240x128xf32, #tpu.memory_space<vmem_shared>> -> memref<10240x128xf32, #tpu.memory_space<vmem_shared>>
      tpu.enqueue_indirect_dma source(%dma_start3A_442 : memref<128x128xf32, #tpu.memory_space<vmem>>) target(%dma_start3A_448 : memref<10240x128xf32, #tpu.memory_space<vmem_shared>>) offsets(%dma_start3A_445 : memref<128xi32, #tpu.memory_space<vmem>>) semaphore(%arg11 : memref<!tpu.dma_semaphore, #tpu.memory_space<semaphore_mem>>) {add = true}
      %dma_wait3A_449 = arith.constant 1 : i32
      %dma_wait3A_450 = arith.constant 0 : i32
      %dma_wait3A_451 = arith.constant 0 : i32
      %dma_wait3A_452 = arith.constant 0 : i32
      %dma_wait3A_453 = tpu.memref_slice %arg8[%dma_wait3A_449, %dma_wait3A_451, %dma_wait3A_452] : memref<2x128x128xf32, #tpu.memory_space<vmem>> -> memref<1x128x128xf32, #tpu.memory_space<vmem>>
      %dma_wait3A_454 = tpu.memref_squeeze %dma_wait3A_453 : memref<1x128x128xf32, #tpu.memory_space<vmem>> -> memref<128x128xf32, #tpu.memory_space<vmem>>
      %dma_wait3A_455 = arith.constant 0 : i32
      %dma_wait3A_456 = tpu.memref_slice %arg7[%dma_wait3A_450, %dma_wait3A_455] : memref<40x128xi32, #tpu.memory_space<vmem>> -> memref<1x128xi32, #tpu.memory_space<vmem>>
      %dma_wait3A_457 = tpu.memref_squeeze %dma_wait3A_456 : memref<1x128xi32, #tpu.memory_space<vmem>> -> memref<128xi32, #tpu.memory_space<vmem>>
      %dma_wait3A_458 = arith.constant 0 : i32
      %dma_wait3A_459 = arith.constant 0 : i32
      %dma_wait3A_460 = tpu.memref_slice %arg5[%dma_wait3A_458, %dma_wait3A_459] : memref<10240x128xf32, #tpu.memory_space<vmem_shared>> -> memref<10240x128xf32, #tpu.memory_space<vmem_shared>>
      tpu.wait_indirect_dma semaphore(%arg12 : memref<!tpu.dma_semaphore, #tpu.memory_space<semaphore_mem>>) src(%dma_wait3A_454 : memref<128x128xf32, #tpu.memory_space<vmem>>) dst(%dma_wait3A_460 : memref<10240x128xf32, #tpu.memory_space<vmem_shared>>)
      %add3A_461 = arith.constant 2 : i32
      %add3A_462 = arith.addi %add3A_426, %add3A_461 : i32
      %sub3A = arith.constant 1 : i32
      %sub3A_463 = arith.subi %add3A_462, %sub3A : i32
      %dma_start3A_464 = arith.constant 1 : i32
      %dma_start3A_465 = arith.constant 0 : i32
      %dma_start3A_466 = arith.constant 0 : i32
      %dma_start3A_467 = tpu.memref_slice %arg8[%dma_start3A_464, %dma_start3A_465, %dma_start3A_466] : memref<2x128x128xf32, #tpu.memory_space<vmem>> -> memref<1x128x128xf32, #tpu.memory_space<vmem>>
      %dma_start3A_468 = tpu.memref_squeeze %dma_start3A_467 : memref<1x128x128xf32, #tpu.memory_space<vmem>> -> memref<128x128xf32, #tpu.memory_space<vmem>>
      %dma_start3A_469 = arith.constant 0 : i32
      %dma_start3A_470 = tpu.memref_slice %arg6[%sub3A_463, %dma_start3A_469] : memref<40x128xi32, #tpu.memory_space<vmem>> -> memref<1x128xi32, #tpu.memory_space<vmem>>
      %dma_start3A_471 = tpu.memref_squeeze %dma_start3A_470 : memref<1x128xi32, #tpu.memory_space<vmem>> -> memref<128xi32, #tpu.memory_space<vmem>>
      %dma_start3A_472 = arith.constant 0 : i32
      %dma_start3A_473 = arith.constant 0 : i32
      %dma_start3A_474 = tpu.memref_slice %arg2[%dma_start3A_472, %dma_start3A_473] : memref<10240x128xf32, #tpu.memory_space<hbm>> -> memref<10240x128xf32, #tpu.memory_space<hbm>>
      tpu.enqueue_indirect_dma source(%dma_start3A_474 : memref<10240x128xf32, #tpu.memory_space<hbm>>) target(%dma_start3A_468 : memref<128x128xf32, #tpu.memory_space<vmem>>) offsets(%dma_start3A_471 : memref<128xi32, #tpu.memory_space<vmem>>) semaphore(%arg10 : memref<!tpu.dma_semaphore, #tpu.memory_space<semaphore_mem>>)
      %mul3A_475 = arith.constant 2 : i32
      %mul3A_476 = arith.muli %scan3A_422, %mul3A_475 : i32
      %add3A_477 = arith.constant 1 : i32
      %add3A_478 = arith.addi %mul3A_476, %add3A_477 : i32
      %dma_wait3A_479 = arith.constant 1 : i32
      %dma_wait3A_480 = arith.constant 0 : i32
      %dma_wait3A_481 = arith.constant 0 : i32
      %dma_wait3A_482 = tpu.memref_slice %arg8[%dma_wait3A_479, %dma_wait3A_480, %dma_wait3A_481] : memref<2x128x128xf32, #tpu.memory_space<vmem>> -> memref<1x128x128xf32, #tpu.memory_space<vmem>>
      %dma_wait3A_483 = tpu.memref_squeeze %dma_wait3A_482 : memref<1x128x128xf32, #tpu.memory_space<vmem>> -> memref<128x128xf32, #tpu.memory_space<vmem>>
      %dma_wait3A_484 = arith.constant 0 : i32
      %dma_wait3A_485 = tpu.memref_slice %arg6[%add3A_478, %dma_wait3A_484] : memref<40x128xi32, #tpu.memory_space<vmem>> -> memref<1x128xi32, #tpu.memory_space<vmem>>
      %dma_wait3A_486 = tpu.memref_squeeze %dma_wait3A_485 : memref<1x128xi32, #tpu.memory_space<vmem>> -> memref<128xi32, #tpu.memory_space<vmem>>
      %dma_wait3A_487 = arith.constant 0 : i32
      %dma_wait3A_488 = arith.constant 0 : i32
      %dma_wait3A_489 = tpu.memref_slice %arg2[%dma_wait3A_487, %dma_wait3A_488] : memref<10240x128xf32, #tpu.memory_space<hbm>> -> memref<10240x128xf32, #tpu.memory_space<hbm>>
      tpu.wait_indirect_dma semaphore(%arg10 : memref<!tpu.dma_semaphore, #tpu.memory_space<semaphore_mem>>) src(%dma_wait3A_489 : memref<10240x128xf32, #tpu.memory_space<hbm>>) dst(%dma_wait3A_483 : memref<128x128xf32, #tpu.memory_space<vmem>>)
      %dma_start3A_490 = arith.constant 1 : i32
      %dma_start3A_491 = arith.constant 0 : i32
      %dma_start3A_492 = arith.constant 0 : i32
      %dma_start3A_493 = tpu.memref_slice %arg8[%dma_start3A_490, %dma_start3A_491, %dma_start3A_492] : memref<2x128x128xf32, #tpu.memory_space<vmem>> -> memref<1x128x128xf32, #tpu.memory_space<vmem>>
      %dma_start3A_494 = tpu.memref_squeeze %dma_start3A_493 : memref<1x128x128xf32, #tpu.memory_space<vmem>> -> memref<128x128xf32, #tpu.memory_space<vmem>>
      %dma_start3A_495 = arith.constant 0 : i32
      %dma_start3A_496 = tpu.memref_slice %arg7[%add3A_478, %dma_start3A_495] : memref<40x128xi32, #tpu.memory_space<vmem>> -> memref<1x128xi32, #tpu.memory_space<vmem>>
      %dma_start3A_497 = tpu.memref_squeeze %dma_start3A_496 : memref<1x128xi32, #tpu.memory_space<vmem>> -> memref<128xi32, #tpu.memory_space<vmem>>
      %dma_start3A_498 = arith.constant 0 : i32
      %dma_start3A_499 = arith.constant 0 : i32
      %dma_start3A_500 = tpu.memref_slice %arg5[%dma_start3A_498, %dma_start3A_499] : memref<10240x128xf32, #tpu.memory_space<vmem_shared>> -> memref<10240x128xf32, #tpu.memory_space<vmem_shared>>
      tpu.enqueue_indirect_dma source(%dma_start3A_494 : memref<128x128xf32, #tpu.memory_space<vmem>>) target(%dma_start3A_500 : memref<10240x128xf32, #tpu.memory_space<vmem_shared>>) offsets(%dma_start3A_497 : memref<128xi32, #tpu.memory_space<vmem>>) semaphore(%arg12 : memref<!tpu.dma_semaphore, #tpu.memory_space<semaphore_mem>>) {add = true}
      %dma_wait3A_501 = arith.constant 0 : i32
      %dma_wait3A_502 = arith.constant 0 : i32
      %dma_wait3A_503 = arith.constant 0 : i32
      %dma_wait3A_504 = arith.constant 0 : i32
      %dma_wait3A_505 = tpu.memref_slice %arg8[%dma_wait3A_501, %dma_wait3A_503, %dma_wait3A_504] : memref<2x128x128xf32, #tpu.memory_space<vmem>> -> memref<1x128x128xf32, #tpu.memory_space<vmem>>
      %dma_wait3A_506 = tpu.memref_squeeze %dma_wait3A_505 : memref<1x128x128xf32, #tpu.memory_space<vmem>> -> memref<128x128xf32, #tpu.memory_space<vmem>>
      %dma_wait3A_507 = arith.constant 0 : i32
      %dma_wait3A_508 = tpu.memref_slice %arg7[%dma_wait3A_502, %dma_wait3A_507] : memref<40x128xi32, #tpu.memory_space<vmem>> -> memref<1x128xi32, #tpu.memory_space<vmem>>
      %dma_wait3A_509 = tpu.memref_squeeze %dma_wait3A_508 : memref<1x128xi32, #tpu.memory_space<vmem>> -> memref<128xi32, #tpu.memory_space<vmem>>
      %dma_wait3A_510 = arith.constant 0 : i32
      %dma_wait3A_511 = arith.constant 0 : i32
      %dma_wait3A_512 = tpu.memref_slice %arg5[%dma_wait3A_510, %dma_wait3A_511] : memref<10240x128xf32, #tpu.memory_space<vmem_shared>> -> memref<10240x128xf32, #tpu.memory_space<vmem_shared>>
      tpu.wait_indirect_dma semaphore(%arg11 : memref<!tpu.dma_semaphore, #tpu.memory_space<semaphore_mem>>) src(%dma_wait3A_506 : memref<128x128xf32, #tpu.memory_space<vmem>>) dst(%dma_wait3A_512 : memref<10240x128xf32, #tpu.memory_space<vmem_shared>>)
      %add3A_513 = arith.constant 2 : i32
      %add3A_514 = arith.addi %add3A_478, %add3A_513 : i32
      %sub3A_515 = arith.constant 1 : i32
      %sub3A_516 = arith.subi %add3A_514, %sub3A_515 : i32
      %dma_start3A_517 = arith.constant 0 : i32
      %dma_start3A_518 = arith.constant 0 : i32
      %dma_start3A_519 = arith.constant 0 : i32
      %dma_start3A_520 = tpu.memref_slice %arg8[%dma_start3A_517, %dma_start3A_518, %dma_start3A_519] : memref<2x128x128xf32, #tpu.memory_space<vmem>> -> memref<1x128x128xf32, #tpu.memory_space<vmem>>
      %dma_start3A_521 = tpu.memref_squeeze %dma_start3A_520 : memref<1x128x128xf32, #tpu.memory_space<vmem>> -> memref<128x128xf32, #tpu.memory_space<vmem>>
      %dma_start3A_522 = arith.constant 0 : i32
      %dma_start3A_523 = tpu.memref_slice %arg6[%sub3A_516, %dma_start3A_522] : memref<40x128xi32, #tpu.memory_space<vmem>> -> memref<1x128xi32, #tpu.memory_space<vmem>>
      %dma_start3A_524 = tpu.memref_squeeze %dma_start3A_523 : memref<1x128xi32, #tpu.memory_space<vmem>> -> memref<128xi32, #tpu.memory_space<vmem>>
      %dma_start3A_525 = arith.constant 0 : i32
      %dma_start3A_526 = arith.constant 0 : i32
      %dma_start3A_527 = tpu.memref_slice %arg2[%dma_start3A_525, %dma_start3A_526] : memref<10240x128xf32, #tpu.memory_space<hbm>> -> memref<10240x128xf32, #tpu.memory_space<hbm>>
      tpu.enqueue_indirect_dma source(%dma_start3A_527 : memref<10240x128xf32, #tpu.memory_space<hbm>>) target(%dma_start3A_521 : memref<128x128xf32, #tpu.memory_space<vmem>>) offsets(%dma_start3A_524 : memref<128xi32, #tpu.memory_space<vmem>>) semaphore(%arg9 : memref<!tpu.dma_semaphore, #tpu.memory_space<semaphore_mem>>)
    }
    %scan3A_324 = arith.constant 18 : i32
    %dma_wait3A_325 = arith.constant 38 : i32
    %dma_wait3A_326 = arith.constant 0 : i32
    %dma_wait3A_327 = arith.constant 0 : i32
    %dma_wait3A_328 = arith.constant 0 : i32
    %dma_wait3A_329 = tpu.memref_slice %arg8[%dma_wait3A_326, %dma_wait3A_327, %dma_wait3A_328] : memref<2x128x128xf32, #tpu.memory_space<vmem>> -> memref<1x128x128xf32, #tpu.memory_space<vmem>>
    %dma_wait3A_330 = tpu.memref_squeeze %dma_wait3A_329 : memref<1x128x128xf32, #tpu.memory_space<vmem>> -> memref<128x128xf32, #tpu.memory_space<vmem>>
    %dma_wait3A_331 = arith.constant 0 : i32
    %dma_wait3A_332 = tpu.memref_slice %arg6[%dma_wait3A_325, %dma_wait3A_331] : memref<40x128xi32, #tpu.memory_space<vmem>> -> memref<1x128xi32, #tpu.memory_space<vmem>>
    %dma_wait3A_333 = tpu.memref_squeeze %dma_wait3A_332 : memref<1x128xi32, #tpu.memory_space<vmem>> -> memref<128xi32, #tpu.memory_space<vmem>>
    %dma_wait3A_334 = arith.constant 0 : i32
    %dma_wait3A_335 = arith.constant 0 : i32
    %dma_wait3A_336 = tpu.memref_slice %arg2[%dma_wait3A_334, %dma_wait3A_335] : memref<10240x128xf32, #tpu.memory_space<hbm>> -> memref<10240x128xf32, #tpu.memory_space<hbm>>
    tpu.wait_indirect_dma semaphore(%arg9 : memref<!tpu.dma_semaphore, #tpu.memory_space<semaphore_mem>>) src(%dma_wait3A_336 : memref<10240x128xf32, #tpu.memory_space<hbm>>) dst(%dma_wait3A_330 : memref<128x128xf32, #tpu.memory_space<vmem>>)
    %dma_start3A_337 = arith.constant 0 : i32
    %dma_start3A_338 = arith.constant 38 : i32
    %dma_start3A_339 = arith.constant 0 : i32
    %dma_start3A_340 = arith.constant 0 : i32
    %dma_start3A_341 = tpu.memref_slice %arg8[%dma_start3A_337, %dma_start3A_339, %dma_start3A_340] : memref<2x128x128xf32, #tpu.memory_space<vmem>> -> memref<1x128x128xf32, #tpu.memory_space<vmem>>
    %dma_start3A_342 = tpu.memref_squeeze %dma_start3A_341 : memref<1x128x128xf32, #tpu.memory_space<vmem>> -> memref<128x128xf32, #tpu.memory_space<vmem>>
    %dma_start3A_343 = arith.constant 0 : i32
    %dma_start3A_344 = tpu.memref_slice %arg7[%dma_start3A_338, %dma_start3A_343] : memref<40x128xi32, #tpu.memory_space<vmem>> -> memref<1x128xi32, #tpu.memory_space<vmem>>
    %dma_start3A_345 = tpu.memref_squeeze %dma_start3A_344 : memref<1x128xi32, #tpu.memory_space<vmem>> -> memref<128xi32, #tpu.memory_space<vmem>>
    %dma_start3A_346 = arith.constant 0 : i32
    %dma_start3A_347 = arith.constant 0 : i32
    %dma_start3A_348 = tpu.memref_slice %arg5[%dma_start3A_346, %dma_start3A_347] : memref<10240x128xf32, #tpu.memory_space<vmem_shared>> -> memref<10240x128xf32, #tpu.memory_space<vmem_shared>>
    tpu.enqueue_indirect_dma source(%dma_start3A_342 : memref<128x128xf32, #tpu.memory_space<vmem>>) target(%dma_start3A_348 : memref<10240x128xf32, #tpu.memory_space<vmem_shared>>) offsets(%dma_start3A_345 : memref<128xi32, #tpu.memory_space<vmem>>) semaphore(%arg11 : memref<!tpu.dma_semaphore, #tpu.memory_space<semaphore_mem>>) {add = true}
    %dma_wait3A_349 = arith.constant 1 : i32
    %dma_wait3A_350 = arith.constant 0 : i32
    %dma_wait3A_351 = arith.constant 0 : i32
    %dma_wait3A_352 = arith.constant 0 : i32
    %dma_wait3A_353 = tpu.memref_slice %arg8[%dma_wait3A_349, %dma_wait3A_351, %dma_wait3A_352] : memref<2x128x128xf32, #tpu.memory_space<vmem>> -> memref<1x128x128xf32, #tpu.memory_space<vmem>>
    %dma_wait3A_354 = tpu.memref_squeeze %dma_wait3A_353 : memref<1x128x128xf32, #tpu.memory_space<vmem>> -> memref<128x128xf32, #tpu.memory_space<vmem>>
    %dma_wait3A_355 = arith.constant 0 : i32
    %dma_wait3A_356 = tpu.memref_slice %arg7[%dma_wait3A_350, %dma_wait3A_355] : memref<40x128xi32, #tpu.memory_space<vmem>> -> memref<1x128xi32, #tpu.memory_space<vmem>>
    %dma_wait3A_357 = tpu.memref_squeeze %dma_wait3A_356 : memref<1x128xi32, #tpu.memory_space<vmem>> -> memref<128xi32, #tpu.memory_space<vmem>>
    %dma_wait3A_358 = arith.constant 0 : i32
    %dma_wait3A_359 = arith.constant 0 : i32
    %dma_wait3A_360 = tpu.memref_slice %arg5[%dma_wait3A_358, %dma_wait3A_359] : memref<10240x128xf32, #tpu.memory_space<vmem_shared>> -> memref<10240x128xf32, #tpu.memory_space<vmem_shared>>
    tpu.wait_indirect_dma semaphore(%arg12 : memref<!tpu.dma_semaphore, #tpu.memory_space<semaphore_mem>>) src(%dma_wait3A_354 : memref<128x128xf32, #tpu.memory_space<vmem>>) dst(%dma_wait3A_360 : memref<10240x128xf32, #tpu.memory_space<vmem_shared>>)
    %dma_start3A_361 = arith.constant 39 : i32
    %dma_start3A_362 = arith.constant 1 : i32
    %dma_start3A_363 = arith.constant 0 : i32
    %dma_start3A_364 = arith.constant 0 : i32
    %dma_start3A_365 = tpu.memref_slice %arg8[%dma_start3A_362, %dma_start3A_363, %dma_start3A_364] : memref<2x128x128xf32, #tpu.memory_space<vmem>> -> memref<1x128x128xf32, #tpu.memory_space<vmem>>
    %dma_start3A_366 = tpu.memref_squeeze %dma_start3A_365 : memref<1x128x128xf32, #tpu.memory_space<vmem>> -> memref<128x128xf32, #tpu.memory_space<vmem>>
    %dma_start3A_367 = arith.constant 0 : i32
    %dma_start3A_368 = tpu.memref_slice %arg6[%dma_start3A_361, %dma_start3A_367] : memref<40x128xi32, #tpu.memory_space<vmem>> -> memref<1x128xi32, #tpu.memory_space<vmem>>
    %dma_start3A_369 = tpu.memref_squeeze %dma_start3A_368 : memref<1x128xi32, #tpu.memory_space<vmem>> -> memref<128xi32, #tpu.memory_space<vmem>>
    %dma_start3A_370 = arith.constant 0 : i32
    %dma_start3A_371 = arith.constant 0 : i32
    %dma_start3A_372 = tpu.memref_slice %arg2[%dma_start3A_370, %dma_start3A_371] : memref<10240x128xf32, #tpu.memory_space<hbm>> -> memref<10240x128xf32, #tpu.memory_space<hbm>>
    tpu.enqueue_indirect_dma source(%dma_start3A_372 : memref<10240x128xf32, #tpu.memory_space<hbm>>) target(%dma_start3A_366 : memref<128x128xf32, #tpu.memory_space<vmem>>) offsets(%dma_start3A_369 : memref<128xi32, #tpu.memory_space<vmem>>) semaphore(%arg10 : memref<!tpu.dma_semaphore, #tpu.memory_space<semaphore_mem>>)
    %dma_wait3A_373 = arith.constant 39 : i32
    %dma_wait3A_374 = arith.constant 1 : i32
    %dma_wait3A_375 = arith.constant 0 : i32
    %dma_wait3A_376 = arith.constant 0 : i32
    %dma_wait3A_377 = tpu.memref_slice %arg8[%dma_wait3A_374, %dma_wait3A_375, %dma_wait3A_376] : memref<2x128x128xf32, #tpu.memory_space<vmem>> -> memref<1x128x128xf32, #tpu.memory_space<vmem>>
    %dma_wait3A_378 = tpu.memref_squeeze %dma_wait3A_377 : memref<1x128x128xf32, #tpu.memory_space<vmem>> -> memref<128x128xf32, #tpu.memory_space<vmem>>
    %dma_wait3A_379 = arith.constant 0 : i32
    %dma_wait3A_380 = tpu.memref_slice %arg6[%dma_wait3A_373, %dma_wait3A_379] : memref<40x128xi32, #tpu.memory_space<vmem>> -> memref<1x128xi32, #tpu.memory_space<vmem>>
    %dma_wait3A_381 = tpu.memref_squeeze %dma_wait3A_380 : memref<1x128xi32, #tpu.memory_space<vmem>> -> memref<128xi32, #tpu.memory_space<vmem>>
    %dma_wait3A_382 = arith.constant 0 : i32
    %dma_wait3A_383 = arith.constant 0 : i32
    %dma_wait3A_384 = tpu.memref_slice %arg2[%dma_wait3A_382, %dma_wait3A_383] : memref<10240x128xf32, #tpu.memory_space<hbm>> -> memref<10240x128xf32, #tpu.memory_space<hbm>>
    tpu.wait_indirect_dma semaphore(%arg10 : memref<!tpu.dma_semaphore, #tpu.memory_space<semaphore_mem>>) src(%dma_wait3A_384 : memref<10240x128xf32, #tpu.memory_space<hbm>>) dst(%dma_wait3A_378 : memref<128x128xf32, #tpu.memory_space<vmem>>)
    %dma_start3A_385 = arith.constant 1 : i32
    %dma_start3A_386 = arith.constant 39 : i32
    %dma_start3A_387 = arith.constant 0 : i32
    %dma_start3A_388 = arith.constant 0 : i32
    %dma_start3A_389 = tpu.memref_slice %arg8[%dma_start3A_385, %dma_start3A_387, %dma_start3A_388] : memref<2x128x128xf32, #tpu.memory_space<vmem>> -> memref<1x128x128xf32, #tpu.memory_space<vmem>>
    %dma_start3A_390 = tpu.memref_squeeze %dma_start3A_389 : memref<1x128x128xf32, #tpu.memory_space<vmem>> -> memref<128x128xf32, #tpu.memory_space<vmem>>
    %dma_start3A_391 = arith.constant 0 : i32
    %dma_start3A_392 = tpu.memref_slice %arg7[%dma_start3A_386, %dma_start3A_391] : memref<40x128xi32, #tpu.memory_space<vmem>> -> memref<1x128xi32, #tpu.memory_space<vmem>>
    %dma_start3A_393 = tpu.memref_squeeze %dma_start3A_392 : memref<1x128xi32, #tpu.memory_space<vmem>> -> memref<128xi32, #tpu.memory_space<vmem>>
    %dma_start3A_394 = arith.constant 0 : i32
    %dma_start3A_395 = arith.constant 0 : i32
    %dma_start3A_396 = tpu.memref_slice %arg5[%dma_start3A_394, %dma_start3A_395] : memref<10240x128xf32, #tpu.memory_space<vmem_shared>> -> memref<10240x128xf32, #tpu.memory_space<vmem_shared>>
    tpu.enqueue_indirect_dma source(%dma_start3A_390 : memref<128x128xf32, #tpu.memory_space<vmem>>) target(%dma_start3A_396 : memref<10240x128xf32, #tpu.memory_space<vmem_shared>>) offsets(%dma_start3A_393 : memref<128xi32, #tpu.memory_space<vmem>>) semaphore(%arg12 : memref<!tpu.dma_semaphore, #tpu.memory_space<semaphore_mem>>) {add = true}
    %dma_wait3A_397 = arith.constant 0 : i32
    %dma_wait3A_398 = arith.constant 0 : i32
    %dma_wait3A_399 = arith.constant 0 : i32
    %dma_wait3A_400 = arith.constant 0 : i32
    %dma_wait3A_401 = tpu.memref_slice %arg8[%dma_wait3A_397, %dma_wait3A_399, %dma_wait3A_400] : memref<2x128x128xf32, #tpu.memory_space<vmem>> -> memref<1x128x128xf32, #tpu.memory_space<vmem>>
    %dma_wait3A_402 = tpu.memref_squeeze %dma_wait3A_401 : memref<1x128x128xf32, #tpu.memory_space<vmem>> -> memref<128x128xf32, #tpu.memory_space<vmem>>
    %dma_wait3A_403 = arith.constant 0 : i32
    %dma_wait3A_404 = tpu.memref_slice %arg7[%dma_wait3A_398, %dma_wait3A_403] : memref<40x128xi32, #tpu.memory_space<vmem>> -> memref<1x128xi32, #tpu.memory_space<vmem>>
    %dma_wait3A_405 = tpu.memref_squeeze %dma_wait3A_404 : memref<1x128xi32, #tpu.memory_space<vmem>> -> memref<128xi32, #tpu.memory_space<vmem>>
    %dma_wait3A_406 = arith.constant 0 : i32
    %dma_wait3A_407 = arith.constant 0 : i32
    %dma_wait3A_408 = tpu.memref_slice %arg5[%dma_wait3A_406, %dma_wait3A_407] : memref<10240x128xf32, #tpu.memory_space<vmem_shared>> -> memref<10240x128xf32, #tpu.memory_space<vmem_shared>>
    tpu.wait_indirect_dma semaphore(%arg11 : memref<!tpu.dma_semaphore, #tpu.memory_space<semaphore_mem>>) src(%dma_wait3A_402 : memref<128x128xf32, #tpu.memory_space<vmem>>) dst(%dma_wait3A_408 : memref<10240x128xf32, #tpu.memory_space<vmem_shared>>)
    %dma_wait3A_409 = arith.constant 1 : i32
    %dma_wait3A_410 = arith.constant 0 : i32
    %dma_wait3A_411 = arith.constant 0 : i32
    %dma_wait3A_412 = arith.constant 0 : i32
    %dma_wait3A_413 = tpu.memref_slice %arg8[%dma_wait3A_409, %dma_wait3A_411, %dma_wait3A_412] : memref<2x128x128xf32, #tpu.memory_space<vmem>> -> memref<1x128x128xf32, #tpu.memory_space<vmem>>
    %dma_wait3A_414 = tpu.memref_squeeze %dma_wait3A_413 : memref<1x128x128xf32, #tpu.memory_space<vmem>> -> memref<128x128xf32, #tpu.memory_space<vmem>>
    %dma_wait3A_415 = arith.constant 0 : i32
    %dma_wait3A_416 = tpu.memref_slice %arg7[%dma_wait3A_410, %dma_wait3A_415] : memref<40x128xi32, #tpu.memory_space<vmem>> -> memref<1x128xi32, #tpu.memory_space<vmem>>
    %dma_wait3A_417 = tpu.memref_squeeze %dma_wait3A_416 : memref<1x128xi32, #tpu.memory_space<vmem>> -> memref<128xi32, #tpu.memory_space<vmem>>
    %dma_wait3A_418 = arith.constant 0 : i32
    %dma_wait3A_419 = arith.constant 0 : i32
    %dma_wait3A_420 = tpu.memref_slice %arg5[%dma_wait3A_418, %dma_wait3A_419] : memref<10240x128xf32, #tpu.memory_space<vmem_shared>> -> memref<10240x128xf32, #tpu.memory_space<vmem_shared>>
    tpu.wait_indirect_dma semaphore(%arg12 : memref<!tpu.dma_semaphore, #tpu.memory_space<semaphore_mem>>) src(%dma_wait3A_414 : memref<128x128xf32, #tpu.memory_space<vmem>>) dst(%dma_wait3A_420 : memref<10240x128xf32, #tpu.memory_space<vmem_shared>>)
    %barrier3A_421 = arith.constant 0 : index
    tpu.barrier barrier_id(%barrier3A_421)
    "tpu.region"() ({
      %run_scoped3A_422 = tpu.sem_alloc : memref<!tpu.dma_semaphore, #tpu.memory_space<semaphore_mem>>
      %dma_start3A_423 = arith.constant 0 : i32
      %dma_start3A_424 = tpu.memref_slice %arg4[%arg0, %mul3A_8, %dma_start3A_423] : memref<2x10240x128xf32, #tpu.memory_space<hbm>> -> memref<1x640x128xf32, #tpu.memory_space<hbm>>
      %dma_start3A_425 = tpu.memref_squeeze %dma_start3A_424 : memref<1x640x128xf32, #tpu.memory_space<hbm>> -> memref<640x128xf32, #tpu.memory_space<hbm>>
      %dma_start3A_426 = arith.constant 0 : i32
      %dma_start3A_427 = tpu.memref_slice %arg5[%mul3A_8, %dma_start3A_426] : memref<10240x128xf32, #tpu.memory_space<vmem_shared>> -> memref<640x128xf32, #tpu.memory_space<vmem_shared>>
      tpu.enqueue_dma source(%dma_start3A_427 : memref<640x128xf32, #tpu.memory_space<vmem_shared>>) target(%dma_start3A_425 : memref<640x128xf32, #tpu.memory_space<hbm>>) target_semaphore(%run_scoped3A_422 : memref<!tpu.dma_semaphore, #tpu.memory_space<semaphore_mem>>)
      %dma_wait3A_428 = arith.constant 0 : i32
      %dma_wait3A_429 = tpu.memref_slice %arg4[%arg0, %mul3A_8, %dma_wait3A_428] : memref<2x10240x128xf32, #tpu.memory_space<hbm>> -> memref<1x640x128xf32, #tpu.memory_space<hbm>>
      %dma_wait3A_430 = tpu.memref_squeeze %dma_wait3A_429 : memref<1x640x128xf32, #tpu.memory_space<hbm>> -> memref<640x128xf32, #tpu.memory_space<hbm>>
      %dma_wait3A_431 = arith.constant 0 : i32
      %dma_wait3A_432 = tpu.memref_slice %arg5[%mul3A_8, %dma_wait3A_431] : memref<10240x128xf32, #tpu.memory_space<vmem_shared>> -> memref<640x128xf32, #tpu.memory_space<vmem_shared>>
      tpu.wait_dma2 semaphore(%run_scoped3A_422 : memref<!tpu.dma_semaphore, #tpu.memory_space<semaphore_mem>>) src(%dma_wait3A_432 : memref<640x128xf32, #tpu.memory_space<vmem_shared>>) dst(%dma_wait3A_430 : memref<640x128xf32, #tpu.memory_space<hbm>>)
      tpu.yield
    }) : () -> ()
    return
  }
}

#map = affine_map<(d0, d1) -> (0, 0)>
#map1 = affine_map<(d0, d1) -> (0, 0, 0, 0)>
#map2 = affine_map<(d0, d1) -> (0, 0, 0)>
module attributes {stable_mosaic.version = 14 : i64} {
  func.func @agg_body(%arg0: i32, %arg1: i32, %arg2: memref<10240x128xf32, #tpu.memory_space<hbm>>, %arg3: memref<2x32x80x128xi32, #tpu.memory_space<hbm>>, %arg4: memref<2x10240x128xf32, #tpu.memory_space<hbm>>, %arg5: memref<10240x128xf32, #tpu.memory_space<vmem_shared>>, %arg6: memref<40x128xi32, #tpu.memory_space<vmem>>, %arg7: memref<40x128xi32, #tpu.memory_space<vmem>>, %arg8: memref<2x128x128xf32, #tpu.memory_space<vmem>>, %arg9: memref<!tpu.dma_semaphore, #tpu.memory_space<semaphore_mem>>, %arg10: memref<!tpu.dma_semaphore, #tpu.memory_space<semaphore_mem>>, %arg11: memref<!tpu.dma_semaphore, #tpu.memory_space<semaphore_mem>>, %arg12: memref<!tpu.dma_semaphore, #tpu.memory_space<semaphore_mem>>) attributes {dimension_semantics = [#tpu.dimension_semantics<core_parallel>, #tpu.dimension_semantics<subcore_parallel>], iteration_bounds = array<i64: 2, 16>, scalar_prefetch = 0 : i64, scratch_operands = 8 : i64, tpu.core_type = #tpu.core_type<sc_vector_subcore>, window_params = [{transform_indices = #map}, {transform_indices = #map1}, {transform_indices = #map2}]} {
    %mul3A = arith.constant 16 : i32
    %mul3A_0 = arith.muli %arg0, %mul3A : i32
    %add3A = arith.addi %mul3A_0, %arg1 : i32
    %broadcast_in_dim3A = arith.constant 0.000000e+00 : f32
    %broadcast_in_dim3A_1 = vector.broadcast %broadcast_in_dim3A : f32 to vector<16xf32>
    %scan3A = arith.constant 0 : i32
    %scan3A_2 = arith.constant 0 : i32
    %scan3A_3 = arith.constant 128 : i32
    %scan3A_4 = arith.addi %scan3A_2, %scan3A_3 : i32
    %scan3A_5 = arith.constant 1 : i32
    scf.for %scan3A_422 = %scan3A_2 to %scan3A_4 step %scan3A_5  : i32 {
      %swap3A = arith.constant 0 : i32
      %swap3A_423 = arith.index_cast %swap3A : i32 to index
      %swap3A_424 = arith.index_cast %scan3A_422 : i32 to index
      %swap3A_425 = arith.constant 0 : index
      %swap3A_426 = tpu.vector_load %arg8[%swap3A_423, %swap3A_424, %swap3A_425] {strides = array<i32>} : memref<2x128x128xf32, #tpu.memory_space<vmem>>, vector<1x1x16xf32>,
      %swap3A_427 = vector.shape_cast %swap3A_426 : vector<1x1x16xf32> to vector<16xf32>
      %swap3A_428 = vector.shape_cast %broadcast_in_dim3A_1 : vector<16xf32> to vector<1x1x16xf32>
      tpu.vector_store %arg8[%swap3A_423, %swap3A_424, %swap3A_425], %swap3A_428 {strides = array<i32>} : memref<2x128x128xf32, #tpu.memory_space<vmem>>, vector<1x1x16xf32>,
      %swap3A_429 = arith.constant 0 : i32
      %swap3A_430 = arith.index_cast %swap3A_429 : i32 to index
      %swap3A_431 = arith.index_cast %scan3A_422 : i32 to index
      %swap3A_432 = arith.constant 16 : index
      %swap3A_433 = tpu.vector_load %arg8[%swap3A_430, %swap3A_431, %swap3A_432] {strides = array<i32>} : memref<2x128x128xf32, #tpu.memory_space<vmem>>, vector<1x1x16xf32>,
      %swap3A_434 = vector.shape_cast %swap3A_433 : vector<1x1x16xf32> to vector<16xf32>
      %swap3A_435 = vector.shape_cast %broadcast_in_dim3A_1 : vector<16xf32> to vector<1x1x16xf32>
      tpu.vector_store %arg8[%swap3A_430, %swap3A_431, %swap3A_432], %swap3A_435 {strides = array<i32>} : memref<2x128x128xf32, #tpu.memory_space<vmem>>, vector<1x1x16xf32>,
      %swap3A_436 = arith.constant 0 : i32
      %swap3A_437 = arith.index_cast %swap3A_436 : i32 to index
      %swap3A_438 = arith.index_cast %scan3A_422 : i32 to index
      %swap3A_439 = arith.constant 32 : index
      %swap3A_440 = tpu.vector_load %arg8[%swap3A_437, %swap3A_438, %swap3A_439] {strides = array<i32>} : memref<2x128x128xf32, #tpu.memory_space<vmem>>, vector<1x1x16xf32>,
      %swap3A_441 = vector.shape_cast %swap3A_440 : vector<1x1x16xf32> to vector<16xf32>
      %swap3A_442 = vector.shape_cast %broadcast_in_dim3A_1 : vector<16xf32> to vector<1x1x16xf32>
      tpu.vector_store %arg8[%swap3A_437, %swap3A_438, %swap3A_439], %swap3A_442 {strides = array<i32>} : memref<2x128x128xf32, #tpu.memory_space<vmem>>, vector<1x1x16xf32>,
      %swap3A_443 = arith.constant 0 : i32
      %swap3A_444 = arith.index_cast %swap3A_443 : i32 to index
      %swap3A_445 = arith.index_cast %scan3A_422 : i32 to index
      %swap3A_446 = arith.constant 48 : index
      %swap3A_447 = tpu.vector_load %arg8[%swap3A_444, %swap3A_445, %swap3A_446] {strides = array<i32>} : memref<2x128x128xf32, #tpu.memory_space<vmem>>, vector<1x1x16xf32>,
      %swap3A_448 = vector.shape_cast %swap3A_447 : vector<1x1x16xf32> to vector<16xf32>
      %swap3A_449 = vector.shape_cast %broadcast_in_dim3A_1 : vector<16xf32> to vector<1x1x16xf32>
      tpu.vector_store %arg8[%swap3A_444, %swap3A_445, %swap3A_446], %swap3A_449 {strides = array<i32>} : memref<2x128x128xf32, #tpu.memory_space<vmem>>, vector<1x1x16xf32>,
      %swap3A_450 = arith.constant 0 : i32
      %swap3A_451 = arith.index_cast %swap3A_450 : i32 to index
      %swap3A_452 = arith.index_cast %scan3A_422 : i32 to index
      %swap3A_453 = arith.constant 64 : index
      %swap3A_454 = tpu.vector_load %arg8[%swap3A_451, %swap3A_452, %swap3A_453] {strides = array<i32>} : memref<2x128x128xf32, #tpu.memory_space<vmem>>, vector<1x1x16xf32>,
      %swap3A_455 = vector.shape_cast %swap3A_454 : vector<1x1x16xf32> to vector<16xf32>
      %swap3A_456 = vector.shape_cast %broadcast_in_dim3A_1 : vector<16xf32> to vector<1x1x16xf32>
      tpu.vector_store %arg8[%swap3A_451, %swap3A_452, %swap3A_453], %swap3A_456 {strides = array<i32>} : memref<2x128x128xf32, #tpu.memory_space<vmem>>, vector<1x1x16xf32>,
      %swap3A_457 = arith.constant 0 : i32
      %swap3A_458 = arith.index_cast %swap3A_457 : i32 to index
      %swap3A_459 = arith.index_cast %scan3A_422 : i32 to index
      %swap3A_460 = arith.constant 80 : index
      %swap3A_461 = tpu.vector_load %arg8[%swap3A_458, %swap3A_459, %swap3A_460] {strides = array<i32>} : memref<2x128x128xf32, #tpu.memory_space<vmem>>, vector<1x1x16xf32>,
      %swap3A_462 = vector.shape_cast %swap3A_461 : vector<1x1x16xf32> to vector<16xf32>
      %swap3A_463 = vector.shape_cast %broadcast_in_dim3A_1 : vector<16xf32> to vector<1x1x16xf32>
      tpu.vector_store %arg8[%swap3A_458, %swap3A_459, %swap3A_460], %swap3A_463 {strides = array<i32>} : memref<2x128x128xf32, #tpu.memory_space<vmem>>, vector<1x1x16xf32>,
      %swap3A_464 = arith.constant 0 : i32
      %swap3A_465 = arith.index_cast %swap3A_464 : i32 to index
      %swap3A_466 = arith.index_cast %scan3A_422 : i32 to index
      %swap3A_467 = arith.constant 96 : index
      %swap3A_468 = tpu.vector_load %arg8[%swap3A_465, %swap3A_466, %swap3A_467] {strides = array<i32>} : memref<2x128x128xf32, #tpu.memory_space<vmem>>, vector<1x1x16xf32>,
      %swap3A_469 = vector.shape_cast %swap3A_468 : vector<1x1x16xf32> to vector<16xf32>
      %swap3A_470 = vector.shape_cast %broadcast_in_dim3A_1 : vector<16xf32> to vector<1x1x16xf32>
      tpu.vector_store %arg8[%swap3A_465, %swap3A_466, %swap3A_467], %swap3A_470 {strides = array<i32>} : memref<2x128x128xf32, #tpu.memory_space<vmem>>, vector<1x1x16xf32>,
      %swap3A_471 = arith.constant 0 : i32
      %swap3A_472 = arith.index_cast %swap3A_471 : i32 to index
      %swap3A_473 = arith.index_cast %scan3A_422 : i32 to index
      %swap3A_474 = arith.constant 112 : index
      %swap3A_475 = tpu.vector_load %arg8[%swap3A_472, %swap3A_473, %swap3A_474] {strides = array<i32>} : memref<2x128x128xf32, #tpu.memory_space<vmem>>, vector<1x1x16xf32>,
      %swap3A_476 = vector.shape_cast %swap3A_475 : vector<1x1x16xf32> to vector<16xf32>
      %swap3A_477 = vector.shape_cast %broadcast_in_dim3A_1 : vector<16xf32> to vector<1x1x16xf32>
      tpu.vector_store %arg8[%swap3A_472, %swap3A_473, %swap3A_474], %swap3A_477 {strides = array<i32>} : memref<2x128x128xf32, #tpu.memory_space<vmem>>, vector<1x1x16xf32>,
    }
    %scan3A_6 = arith.constant 128 : i32
    %mul3A_7 = arith.constant 640 : i32
    %mul3A_8 = arith.muli %arg1, %mul3A_7 : i32
    %add3A_9 = arith.constant 0 : i32
    %add3A_10 = arith.addi %mul3A_8, %add3A_9 : i32
    %run_scoped3A = arith.constant 0 : i32
    "tpu.region"() ({
      %run_scoped3A_422 = tpu.sem_alloc : memref<!tpu.dma_semaphore, #tpu.memory_space<semaphore_mem>>
      %dma_start3A_423 = arith.constant 0 : i32
      %dma_start3A_424 = arith.constant 0 : i32
      %dma_start3A_425 = tpu.memref_slice %arg8[%run_scoped3A, %dma_start3A_423, %dma_start3A_424] : memref<2x128x128xf32, #tpu.memory_space<vmem>> -> memref<1x128x128xf32, #tpu.memory_space<vmem>>
      %dma_start3A_426 = tpu.memref_squeeze %dma_start3A_425 : memref<1x128x128xf32, #tpu.memory_space<vmem>> -> memref<128x128xf32, #tpu.memory_space<vmem>>
      %dma_start3A_427 = arith.constant 0 : i32
      %dma_start3A_428 = tpu.memref_slice %arg5[%add3A_10, %dma_start3A_427] : memref<10240x128xf32, #tpu.memory_space<vmem_shared>> -> memref<128x128xf32, #tpu.memory_space<vmem_shared>>
      %dma_start3A_429 = arith.constant 0 : i32
      %dma_start3A_430 = tpu.memref_slice %arg5[%add3A_10, %dma_start3A_429] : memref<10240x128xf32, #tpu.memory_space<vmem_shared>> -> memref<128x128xf32, #tpu.memory_space<vmem_shared>>
      %dma_start3A_431 = arith.constant 0 : i32
      %dma_start3A_432 = arith.constant 0 : i32
      %dma_start3A_433 = tpu.memref_slice %arg8[%run_scoped3A, %dma_start3A_431, %dma_start3A_432] : memref<2x128x128xf32, #tpu.memory_space<vmem>> -> memref<1x128x128xf32, #tpu.memory_space<vmem>>
      %dma_start3A_434 = tpu.memref_squeeze %dma_start3A_433 : memref<1x128x128xf32, #tpu.memory_space<vmem>> -> memref<128x128xf32, #tpu.memory_space<vmem>>
      tpu.enqueue_dma source(%dma_start3A_434 : memref<128x128xf32, #tpu.memory_space<vmem>>) target(%dma_start3A_430 : memref<128x128xf32, #tpu.memory_space<vmem_shared>>) target_semaphore(%run_scoped3A_422 : memref<!tpu.dma_semaphore, #tpu.memory_space<semaphore_mem>>)
      %dma_wait3A_435 = arith.constant 0 : i32
      %dma_wait3A_436 = arith.constant 0 : i32
      %dma_wait3A_437 = tpu.memref_slice %arg8[%run_scoped3A, %dma_wait3A_435, %dma_wait3A_436] : memref<2x128x128xf32, #tpu.memory_space<vmem>> -> memref<1x128x128xf32, #tpu.memory_space<vmem>>
      %dma_wait3A_438 = tpu.memref_squeeze %dma_wait3A_437 : memref<1x128x128xf32, #tpu.memory_space<vmem>> -> memref<128x128xf32, #tpu.memory_space<vmem>>
      %dma_wait3A_439 = arith.constant 0 : i32
      %dma_wait3A_440 = tpu.memref_slice %arg5[%add3A_10, %dma_wait3A_439] : memref<10240x128xf32, #tpu.memory_space<vmem_shared>> -> memref<128x128xf32, #tpu.memory_space<vmem_shared>>
      %dma_wait3A_441 = arith.constant 0 : i32
      %dma_wait3A_442 = tpu.memref_slice %arg5[%add3A_10, %dma_wait3A_441] : memref<10240x128xf32, #tpu.memory_space<vmem_shared>> -> memref<128x128xf32, #tpu.memory_space<vmem_shared>>
      %dma_wait3A_443 = arith.constant 0 : i32
      %dma_wait3A_444 = arith.constant 0 : i32
      %dma_wait3A_445 = tpu.memref_slice %arg8[%run_scoped3A, %dma_wait3A_443, %dma_wait3A_444] : memref<2x128x128xf32, #tpu.memory_space<vmem>> -> memref<1x128x128xf32, #tpu.memory_space<vmem>>
      %dma_wait3A_446 = tpu.memref_squeeze %dma_wait3A_445 : memref<1x128x128xf32, #tpu.memory_space<vmem>> -> memref<128x128xf32, #tpu.memory_space<vmem>>
      tpu.wait_dma2 semaphore(%run_scoped3A_422 : memref<!tpu.dma_semaphore, #tpu.memory_space<semaphore_mem>>) src(%dma_wait3A_446 : memref<128x128xf32, #tpu.memory_space<vmem>>) dst(%dma_wait3A_442 : memref<128x128xf32, #tpu.memory_space<vmem_shared>>)
      tpu.yield
    }) : () -> ()
    %add3A_11 = arith.constant 128 : i32
    %add3A_12 = arith.addi %mul3A_8, %add3A_11 : i32
    %run_scoped3A_13 = arith.constant 0 : i32
    "tpu.region"() ({
      %run_scoped3A_422 = tpu.sem_alloc : memref<!tpu.dma_semaphore, #tpu.memory_space<semaphore_mem>>
      %dma_start3A_423 = arith.constant 0 : i32
      %dma_start3A_424 = arith.constant 0 : i32
      %dma_start3A_425 = tpu.memref_slice %arg8[%run_scoped3A_13, %dma_start3A_423, %dma_start3A_424] : memref<2x128x128xf32, #tpu.memory_space<vmem>> -> memref<1x128x128xf32, #tpu.memory_space<vmem>>
      %dma_start3A_426 = tpu.memref_squeeze %dma_start3A_425 : memref<1x128x128xf32, #tpu.memory_space<vmem>> -> memref<128x128xf32, #tpu.memory_space<vmem>>
      %dma_start3A_427 = arith.constant 0 : i32
      %dma_start3A_428 = tpu.memref_slice %arg5[%add3A_12, %dma_start3A_427] : memref<10240x128xf32, #tpu.memory_space<vmem_shared>> -> memref<128x128xf32, #tpu.memory_space<vmem_shared>>
      %dma_start3A_429 = arith.constant 0 : i32
      %dma_start3A_430 = tpu.memref_slice %arg5[%add3A_12, %dma_start3A_429] : memref<10240x128xf32, #tpu.memory_space<vmem_shared>> -> memref<128x128xf32, #tpu.memory_space<vmem_shared>>
      %dma_start3A_431 = arith.constant 0 : i32
      %dma_start3A_432 = arith.constant 0 : i32
      %dma_start3A_433 = tpu.memref_slice %arg8[%run_scoped3A_13, %dma_start3A_431, %dma_start3A_432] : memref<2x128x128xf32, #tpu.memory_space<vmem>> -> memref<1x128x128xf32, #tpu.memory_space<vmem>>
      %dma_start3A_434 = tpu.memref_squeeze %dma_start3A_433 : memref<1x128x128xf32, #tpu.memory_space<vmem>> -> memref<128x128xf32, #tpu.memory_space<vmem>>
      tpu.enqueue_dma source(%dma_start3A_434 : memref<128x128xf32, #tpu.memory_space<vmem>>) target(%dma_start3A_430 : memref<128x128xf32, #tpu.memory_space<vmem_shared>>) target_semaphore(%run_scoped3A_422 : memref<!tpu.dma_semaphore, #tpu.memory_space<semaphore_mem>>)
      %dma_wait3A_435 = arith.constant 0 : i32
      %dma_wait3A_436 = arith.constant 0 : i32
      %dma_wait3A_437 = tpu.memref_slice %arg8[%run_scoped3A_13, %dma_wait3A_435, %dma_wait3A_436] : memref<2x128x128xf32, #tpu.memory_space<vmem>> -> memref<1x128x128xf32, #tpu.memory_space<vmem>>
      %dma_wait3A_438 = tpu.memref_squeeze %dma_wait3A_437 : memref<1x128x128xf32, #tpu.memory_space<vmem>> -> memref<128x128xf32, #tpu.memory_space<vmem>>
      %dma_wait3A_439 = arith.constant 0 : i32
      %dma_wait3A_440 = tpu.memref_slice %arg5[%add3A_12, %dma_wait3A_439] : memref<10240x128xf32, #tpu.memory_space<vmem_shared>> -> memref<128x128xf32, #tpu.memory_space<vmem_shared>>
      %dma_wait3A_441 = arith.constant 0 : i32
      %dma_wait3A_442 = tpu.memref_slice %arg5[%add3A_12, %dma_wait3A_441] : memref<10240x128xf32, #tpu.memory_space<vmem_shared>> -> memref<128x128xf32, #tpu.memory_space<vmem_shared>>
      %dma_wait3A_443 = arith.constant 0 : i32
      %dma_wait3A_444 = arith.constant 0 : i32
      %dma_wait3A_445 = tpu.memref_slice %arg8[%run_scoped3A_13, %dma_wait3A_443, %dma_wait3A_444] : memref<2x128x128xf32, #tpu.memory_space<vmem>> -> memref<1x128x128xf32, #tpu.memory_space<vmem>>
      %dma_wait3A_446 = tpu.memref_squeeze %dma_wait3A_445 : memref<1x128x128xf32, #tpu.memory_space<vmem>> -> memref<128x128xf32, #tpu.memory_space<vmem>>
      tpu.wait_dma2 semaphore(%run_scoped3A_422 : memref<!tpu.dma_semaphore, #tpu.memory_space<semaphore_mem>>) src(%dma_wait3A_446 : memref<128x128xf32, #tpu.memory_space<vmem>>) dst(%dma_wait3A_442 : memref<128x128xf32, #tpu.memory_space<vmem_shared>>)
      tpu.yield
    }) : () -> ()
    %add3A_14 = arith.constant 256 : i32
    %add3A_15 = arith.addi %mul3A_8, %add3A_14 : i32
    %run_scoped3A_16 = arith.constant 0 : i32
    "tpu.region"() ({
      %run_scoped3A_422 = tpu.sem_alloc : memref<!tpu.dma_semaphore, #tpu.memory_space<semaphore_mem>>
      %dma_start3A_423 = arith.constant 0 : i32
      %dma_start3A_424 = arith.constant 0 : i32
      %dma_start3A_425 = tpu.memref_slice %arg8[%run_scoped3A_16, %dma_start3A_423, %dma_start3A_424] : memref<2x128x128xf32, #tpu.memory_space<vmem>> -> memref<1x128x128xf32, #tpu.memory_space<vmem>>
      %dma_start3A_426 = tpu.memref_squeeze %dma_start3A_425 : memref<1x128x128xf32, #tpu.memory_space<vmem>> -> memref<128x128xf32, #tpu.memory_space<vmem>>
      %dma_start3A_427 = arith.constant 0 : i32
      %dma_start3A_428 = tpu.memref_slice %arg5[%add3A_15, %dma_start3A_427] : memref<10240x128xf32, #tpu.memory_space<vmem_shared>> -> memref<128x128xf32, #tpu.memory_space<vmem_shared>>
      %dma_start3A_429 = arith.constant 0 : i32
      %dma_start3A_430 = tpu.memref_slice %arg5[%add3A_15, %dma_start3A_429] : memref<10240x128xf32, #tpu.memory_space<vmem_shared>> -> memref<128x128xf32, #tpu.memory_space<vmem_shared>>
      %dma_start3A_431 = arith.constant 0 : i32
      %dma_start3A_432 = arith.constant 0 : i32
      %dma_start3A_433 = tpu.memref_slice %arg8[%run_scoped3A_16, %dma_start3A_431, %dma_start3A_432] : memref<2x128x128xf32, #tpu.memory_space<vmem>> -> memref<1x128x128xf32, #tpu.memory_space<vmem>>
      %dma_start3A_434 = tpu.memref_squeeze %dma_start3A_433 : memref<1x128x128xf32, #tpu.memory_space<vmem>> -> memref<128x128xf32, #tpu.memory_space<vmem>>
      tpu.enqueue_dma source(%dma_start3A_434 : memref<128x128xf32, #tpu.memory_space<vmem>>) target(%dma_start3A_430 : memref<128x128xf32, #tpu.memory_space<vmem_shared>>) target_semaphore(%run_scoped3A_422 : memref<!tpu.dma_semaphore, #tpu.memory_space<semaphore_mem>>)
      %dma_wait3A_435 = arith.constant 0 : i32
      %dma_wait3A_436 = arith.constant 0 : i32
      %dma_wait3A_437 = tpu.memref_slice %arg8[%run_scoped3A_16, %dma_wait3A_435, %dma_wait3A_436] : memref<2x128x128xf32, #tpu.memory_space<vmem>> -> memref<1x128x128xf32, #tpu.memory_space<vmem>>
      %dma_wait3A_438 = tpu.memref_squeeze %dma_wait3A_437 : memref<1x128x128xf32, #tpu.memory_space<vmem>> -> memref<128x128xf32, #tpu.memory_space<vmem>>
      %dma_wait3A_439 = arith.constant 0 : i32
      %dma_wait3A_440 = tpu.memref_slice %arg5[%add3A_15, %dma_wait3A_439] : memref<10240x128xf32, #tpu.memory_space<vmem_shared>> -> memref<128x128xf32, #tpu.memory_space<vmem_shared>>
      %dma_wait3A_441 = arith.constant 0 : i32
      %dma_wait3A_442 = tpu.memref_slice %arg5[%add3A_15, %dma_wait3A_441] : memref<10240x128xf32, #tpu.memory_space<vmem_shared>> -> memref<128x128xf32, #tpu.memory_space<vmem_shared>>
      %dma_wait3A_443 = arith.constant 0 : i32
      %dma_wait3A_444 = arith.constant 0 : i32
      %dma_wait3A_445 = tpu.memref_slice %arg8[%run_scoped3A_16, %dma_wait3A_443, %dma_wait3A_444] : memref<2x128x128xf32, #tpu.memory_space<vmem>> -> memref<1x128x128xf32, #tpu.memory_space<vmem>>
      %dma_wait3A_446 = tpu.memref_squeeze %dma_wait3A_445 : memref<1x128x128xf32, #tpu.memory_space<vmem>> -> memref<128x128xf32, #tpu.memory_space<vmem>>
      tpu.wait_dma2 semaphore(%run_scoped3A_422 : memref<!tpu.dma_semaphore, #tpu.memory_space<semaphore_mem>>) src(%dma_wait3A_446 : memref<128x128xf32, #tpu.memory_space<vmem>>) dst(%dma_wait3A_442 : memref<128x128xf32, #tpu.memory_space<vmem_shared>>)
      tpu.yield
    }) : () -> ()
    %add3A_17 = arith.constant 384 : i32
    %add3A_18 = arith.addi %mul3A_8, %add3A_17 : i32
    %run_scoped3A_19 = arith.constant 0 : i32
    "tpu.region"() ({
      %run_scoped3A_422 = tpu.sem_alloc : memref<!tpu.dma_semaphore, #tpu.memory_space<semaphore_mem>>
      %dma_start3A_423 = arith.constant 0 : i32
      %dma_start3A_424 = arith.constant 0 : i32
      %dma_start3A_425 = tpu.memref_slice %arg8[%run_scoped3A_19, %dma_start3A_423, %dma_start3A_424] : memref<2x128x128xf32, #tpu.memory_space<vmem>> -> memref<1x128x128xf32, #tpu.memory_space<vmem>>
      %dma_start3A_426 = tpu.memref_squeeze %dma_start3A_425 : memref<1x128x128xf32, #tpu.memory_space<vmem>> -> memref<128x128xf32, #tpu.memory_space<vmem>>
      %dma_start3A_427 = arith.constant 0 : i32
      %dma_start3A_428 = tpu.memref_slice %arg5[%add3A_18, %dma_start3A_427] : memref<10240x128xf32, #tpu.memory_space<vmem_shared>> -> memref<128x128xf32, #tpu.memory_space<vmem_shared>>
      %dma_start3A_429 = arith.constant 0 : i32
      %dma_start3A_430 = tpu.memref_slice %arg5[%add3A_18, %dma_start3A_429] : memref<10240x128xf32, #tpu.memory_space<vmem_shared>> -> memref<128x128xf32, #tpu.memory_space<vmem_shared>>
      %dma_start3A_431 = arith.constant 0 : i32
      %dma_start3A_432 = arith.constant 0 : i32
      %dma_start3A_433 = tpu.memref_slice %arg8[%run_scoped3A_19, %dma_start3A_431, %dma_start3A_432] : memref<2x128x128xf32, #tpu.memory_space<vmem>> -> memref<1x128x128xf32, #tpu.memory_space<vmem>>
      %dma_start3A_434 = tpu.memref_squeeze %dma_start3A_433 : memref<1x128x128xf32, #tpu.memory_space<vmem>> -> memref<128x128xf32, #tpu.memory_space<vmem>>
      tpu.enqueue_dma source(%dma_start3A_434 : memref<128x128xf32, #tpu.memory_space<vmem>>) target(%dma_start3A_430 : memref<128x128xf32, #tpu.memory_space<vmem_shared>>) target_semaphore(%run_scoped3A_422 : memref<!tpu.dma_semaphore, #tpu.memory_space<semaphore_mem>>)
      %dma_wait3A_435 = arith.constant 0 : i32
      %dma_wait3A_436 = arith.constant 0 : i32
      %dma_wait3A_437 = tpu.memref_slice %arg8[%run_scoped3A_19, %dma_wait3A_435, %dma_wait3A_436] : memref<2x128x128xf32, #tpu.memory_space<vmem>> -> memref<1x128x128xf32, #tpu.memory_space<vmem>>
      %dma_wait3A_438 = tpu.memref_squeeze %dma_wait3A_437 : memref<1x128x128xf32, #tpu.memory_space<vmem>> -> memref<128x128xf32, #tpu.memory_space<vmem>>
      %dma_wait3A_439 = arith.constant 0 : i32
      %dma_wait3A_440 = tpu.memref_slice %arg5[%add3A_18, %dma_wait3A_439] : memref<10240x128xf32, #tpu.memory_space<vmem_shared>> -> memref<128x128xf32, #tpu.memory_space<vmem_shared>>
      %dma_wait3A_441 = arith.constant 0 : i32
      %dma_wait3A_442 = tpu.memref_slice %arg5[%add3A_18, %dma_wait3A_441] : memref<10240x128xf32, #tpu.memory_space<vmem_shared>> -> memref<128x128xf32, #tpu.memory_space<vmem_shared>>
      %dma_wait3A_443 = arith.constant 0 : i32
      %dma_wait3A_444 = arith.constant 0 : i32
      %dma_wait3A_445 = tpu.memref_slice %arg8[%run_scoped3A_19, %dma_wait3A_443, %dma_wait3A_444] : memref<2x128x128xf32, #tpu.memory_space<vmem>> -> memref<1x128x128xf32, #tpu.memory_space<vmem>>
      %dma_wait3A_446 = tpu.memref_squeeze %dma_wait3A_445 : memref<1x128x128xf32, #tpu.memory_space<vmem>> -> memref<128x128xf32, #tpu.memory_space<vmem>>
      tpu.wait_dma2 semaphore(%run_scoped3A_422 : memref<!tpu.dma_semaphore, #tpu.memory_space<semaphore_mem>>) src(%dma_wait3A_446 : memref<128x128xf32, #tpu.memory_space<vmem>>) dst(%dma_wait3A_442 : memref<128x128xf32, #tpu.memory_space<vmem_shared>>)
      tpu.yield
    }) : () -> ()
    %add3A_20 = arith.constant 512 : i32
    %add3A_21 = arith.addi %mul3A_8, %add3A_20 : i32
    %run_scoped3A_22 = arith.constant 0 : i32
    "tpu.region"() ({
      %run_scoped3A_422 = tpu.sem_alloc : memref<!tpu.dma_semaphore, #tpu.memory_space<semaphore_mem>>
      %dma_start3A_423 = arith.constant 0 : i32
      %dma_start3A_424 = arith.constant 0 : i32
      %dma_start3A_425 = tpu.memref_slice %arg8[%run_scoped3A_22, %dma_start3A_423, %dma_start3A_424] : memref<2x128x128xf32, #tpu.memory_space<vmem>> -> memref<1x128x128xf32, #tpu.memory_space<vmem>>
      %dma_start3A_426 = tpu.memref_squeeze %dma_start3A_425 : memref<1x128x128xf32, #tpu.memory_space<vmem>> -> memref<128x128xf32, #tpu.memory_space<vmem>>
      %dma_start3A_427 = arith.constant 0 : i32
      %dma_start3A_428 = tpu.memref_slice %arg5[%add3A_21, %dma_start3A_427] : memref<10240x128xf32, #tpu.memory_space<vmem_shared>> -> memref<128x128xf32, #tpu.memory_space<vmem_shared>>
      %dma_start3A_429 = arith.constant 0 : i32
      %dma_start3A_430 = tpu.memref_slice %arg5[%add3A_21, %dma_start3A_429] : memref<10240x128xf32, #tpu.memory_space<vmem_shared>> -> memref<128x128xf32, #tpu.memory_space<vmem_shared>>
      %dma_start3A_431 = arith.constant 0 : i32
      %dma_start3A_432 = arith.constant 0 : i32
      %dma_start3A_433 = tpu.memref_slice %arg8[%run_scoped3A_22, %dma_start3A_431, %dma_start3A_432] : memref<2x128x128xf32, #tpu.memory_space<vmem>> -> memref<1x128x128xf32, #tpu.memory_space<vmem>>
      %dma_start3A_434 = tpu.memref_squeeze %dma_start3A_433 : memref<1x128x128xf32, #tpu.memory_space<vmem>> -> memref<128x128xf32, #tpu.memory_space<vmem>>
      tpu.enqueue_dma source(%dma_start3A_434 : memref<128x128xf32, #tpu.memory_space<vmem>>) target(%dma_start3A_430 : memref<128x128xf32, #tpu.memory_space<vmem_shared>>) target_semaphore(%run_scoped3A_422 : memref<!tpu.dma_semaphore, #tpu.memory_space<semaphore_mem>>)
      %dma_wait3A_435 = arith.constant 0 : i32
      %dma_wait3A_436 = arith.constant 0 : i32
      %dma_wait3A_437 = tpu.memref_slice %arg8[%run_scoped3A_22, %dma_wait3A_435, %dma_wait3A_436] : memref<2x128x128xf32, #tpu.memory_space<vmem>> -> memref<1x128x128xf32, #tpu.memory_space<vmem>>
      %dma_wait3A_438 = tpu.memref_squeeze %dma_wait3A_437 : memref<1x128x128xf32, #tpu.memory_space<vmem>> -> memref<128x128xf32, #tpu.memory_space<vmem>>
      %dma_wait3A_439 = arith.constant 0 : i32
      %dma_wait3A_440 = tpu.memref_slice %arg5[%add3A_21, %dma_wait3A_439] : memref<10240x128xf32, #tpu.memory_space<vmem_shared>> -> memref<128x128xf32, #tpu.memory_space<vmem_shared>>
      %dma_wait3A_441 = arith.constant 0 : i32
      %dma_wait3A_442 = tpu.memref_slice %arg5[%add3A_21, %dma_wait3A_441] : memref<10240x128xf32, #tpu.memory_space<vmem_shared>> -> memref<128x128xf32, #tpu.memory_space<vmem_shared>>
      %dma_wait3A_443 = arith.constant 0 : i32
      %dma_wait3A_444 = arith.constant 0 : i32
      %dma_wait3A_445 = tpu.memref_slice %arg8[%run_scoped3A_22, %dma_wait3A_443, %dma_wait3A_444] : memref<2x128x128xf32, #tpu.memory_space<vmem>> -> memref<1x128x128xf32, #tpu.memory_space<vmem>>
      %dma_wait3A_446 = tpu.memref_squeeze %dma_wait3A_445 : memref<1x128x128xf32, #tpu.memory_space<vmem>> -> memref<128x128xf32, #tpu.memory_space<vmem>>
      tpu.wait_dma2 semaphore(%run_scoped3A_422 : memref<!tpu.dma_semaphore, #tpu.memory_space<semaphore_mem>>) src(%dma_wait3A_446 : memref<128x128xf32, #tpu.memory_space<vmem>>) dst(%dma_wait3A_442 : memref<128x128xf32, #tpu.memory_space<vmem_shared>>)
      tpu.yield
    }) : () -> ()
    %barrier3A = arith.constant 0 : index
    tpu.barrier barrier_id(%barrier3A)
    %run_scoped3A_23 = arith.constant 0 : i32
    "tpu.region"() ({
      %run_scoped3A_422 = tpu.sem_alloc : memref<!tpu.dma_semaphore, #tpu.memory_space<semaphore_mem>>
      %dma_start3A_423 = arith.constant 0 : i32
      %dma_start3A_424 = arith.constant 0 : i32
      %dma_start3A_425 = tpu.memref_slice %arg3[%run_scoped3A_23, %add3A, %dma_start3A_423, %dma_start3A_424] : memref<2x32x80x128xi32, #tpu.memory_space<hbm>> -> memref<1x1x40x128xi32, #tpu.memory_space<hbm>>
      %dma_start3A_426 = tpu.memref_squeeze %dma_start3A_425 : memref<1x1x40x128xi32, #tpu.memory_space<hbm>> -> memref<40x128xi32, #tpu.memory_space<hbm>>
      %dma_start3A_427 = arith.constant 0 : i32
      %dma_start3A_428 = arith.constant 0 : i32
      %dma_start3A_429 = tpu.memref_slice %arg3[%run_scoped3A_23, %add3A, %dma_start3A_427, %dma_start3A_428] : memref<2x32x80x128xi32, #tpu.memory_space<hbm>> -> memref<1x1x40x128xi32, #tpu.memory_space<hbm>>
      %dma_start3A_430 = tpu.memref_squeeze %dma_start3A_429 : memref<1x1x40x128xi32, #tpu.memory_space<hbm>> -> memref<40x128xi32, #tpu.memory_space<hbm>>
      tpu.enqueue_dma source(%dma_start3A_430 : memref<40x128xi32, #tpu.memory_space<hbm>>) target(%arg6 : memref<40x128xi32, #tpu.memory_space<vmem>>) target_semaphore(%run_scoped3A_422 : memref<!tpu.dma_semaphore, #tpu.memory_space<semaphore_mem>>)
      %dma_wait3A_431 = arith.constant 0 : i32
      %dma_wait3A_432 = arith.constant 0 : i32
      %dma_wait3A_433 = tpu.memref_slice %arg3[%run_scoped3A_23, %add3A, %dma_wait3A_431, %dma_wait3A_432] : memref<2x32x80x128xi32, #tpu.memory_space<hbm>> -> memref<1x1x40x128xi32, #tpu.memory_space<hbm>>
      %dma_wait3A_434 = tpu.memref_squeeze %dma_wait3A_433 : memref<1x1x40x128xi32, #tpu.memory_space<hbm>> -> memref<40x128xi32, #tpu.memory_space<hbm>>
      %dma_wait3A_435 = arith.constant 0 : i32
      %dma_wait3A_436 = arith.constant 0 : i32
      %dma_wait3A_437 = tpu.memref_slice %arg3[%run_scoped3A_23, %add3A, %dma_wait3A_435, %dma_wait3A_436] : memref<2x32x80x128xi32, #tpu.memory_space<hbm>> -> memref<1x1x40x128xi32, #tpu.memory_space<hbm>>
      %dma_wait3A_438 = tpu.memref_squeeze %dma_wait3A_437 : memref<1x1x40x128xi32, #tpu.memory_space<hbm>> -> memref<40x128xi32, #tpu.memory_space<hbm>>
      tpu.wait_dma2 semaphore(%run_scoped3A_422 : memref<!tpu.dma_semaphore, #tpu.memory_space<semaphore_mem>>) src(%dma_wait3A_438 : memref<40x128xi32, #tpu.memory_space<hbm>>) dst(%arg6 : memref<40x128xi32, #tpu.memory_space<vmem>>)
      tpu.yield
    }) : () -> ()
    %run_scoped3A_24 = arith.constant 1 : i32
    "tpu.region"() ({
      %run_scoped3A_422 = tpu.sem_alloc : memref<!tpu.dma_semaphore, #tpu.memory_space<semaphore_mem>>
      %dma_start3A_423 = arith.constant 0 : i32
      %dma_start3A_424 = arith.constant 0 : i32
      %dma_start3A_425 = tpu.memref_slice %arg3[%run_scoped3A_24, %add3A, %dma_start3A_423, %dma_start3A_424] : memref<2x32x80x128xi32, #tpu.memory_space<hbm>> -> memref<1x1x40x128xi32, #tpu.memory_space<hbm>>
      %dma_start3A_426 = tpu.memref_squeeze %dma_start3A_425 : memref<1x1x40x128xi32, #tpu.memory_space<hbm>> -> memref<40x128xi32, #tpu.memory_space<hbm>>
      %dma_start3A_427 = arith.constant 0 : i32
      %dma_start3A_428 = arith.constant 0 : i32
      %dma_start3A_429 = tpu.memref_slice %arg3[%run_scoped3A_24, %add3A, %dma_start3A_427, %dma_start3A_428] : memref<2x32x80x128xi32, #tpu.memory_space<hbm>> -> memref<1x1x40x128xi32, #tpu.memory_space<hbm>>
      %dma_start3A_430 = tpu.memref_squeeze %dma_start3A_429 : memref<1x1x40x128xi32, #tpu.memory_space<hbm>> -> memref<40x128xi32, #tpu.memory_space<hbm>>
      tpu.enqueue_dma source(%dma_start3A_430 : memref<40x128xi32, #tpu.memory_space<hbm>>) target(%arg7 : memref<40x128xi32, #tpu.memory_space<vmem>>) target_semaphore(%run_scoped3A_422 : memref<!tpu.dma_semaphore, #tpu.memory_space<semaphore_mem>>)
      %dma_wait3A_431 = arith.constant 0 : i32
      %dma_wait3A_432 = arith.constant 0 : i32
      %dma_wait3A_433 = tpu.memref_slice %arg3[%run_scoped3A_24, %add3A, %dma_wait3A_431, %dma_wait3A_432] : memref<2x32x80x128xi32, #tpu.memory_space<hbm>> -> memref<1x1x40x128xi32, #tpu.memory_space<hbm>>
      %dma_wait3A_434 = tpu.memref_squeeze %dma_wait3A_433 : memref<1x1x40x128xi32, #tpu.memory_space<hbm>> -> memref<40x128xi32, #tpu.memory_space<hbm>>
      %dma_wait3A_435 = arith.constant 0 : i32
      %dma_wait3A_436 = arith.constant 0 : i32
      %dma_wait3A_437 = tpu.memref_slice %arg3[%run_scoped3A_24, %add3A, %dma_wait3A_435, %dma_wait3A_436] : memref<2x32x80x128xi32, #tpu.memory_space<hbm>> -> memref<1x1x40x128xi32, #tpu.memory_space<hbm>>
      %dma_wait3A_438 = tpu.memref_squeeze %dma_wait3A_437 : memref<1x1x40x128xi32, #tpu.memory_space<hbm>> -> memref<40x128xi32, #tpu.memory_space<hbm>>
      tpu.wait_dma2 semaphore(%run_scoped3A_422 : memref<!tpu.dma_semaphore, #tpu.memory_space<semaphore_mem>>) src(%dma_wait3A_438 : memref<40x128xi32, #tpu.memory_space<hbm>>) dst(%arg7 : memref<40x128xi32, #tpu.memory_space<vmem>>)
      tpu.yield
    }) : () -> ()
    %dma_start3A = arith.constant 0 : i32
    %dma_start3A_25 = arith.constant 0 : i32
    %dma_start3A_26 = arith.constant 0 : i32
    %dma_start3A_27 = arith.constant 0 : i32
    %dma_start3A_28 = tpu.memref_slice %arg8[%dma_start3A_25, %dma_start3A_26, %dma_start3A_27] : memref<2x128x128xf32, #tpu.memory_space<vmem>> -> memref<1x128x128xf32, #tpu.memory_space<vmem>>
    %dma_start3A_29 = tpu.memref_squeeze %dma_start3A_28 : memref<1x128x128xf32, #tpu.memory_space<vmem>> -> memref<128x128xf32, #tpu.memory_space<vmem>>
    %dma_start3A_30 = arith.constant 0 : i32
    %dma_start3A_31 = tpu.memref_slice %arg6[%dma_start3A, %dma_start3A_30] : memref<40x128xi32, #tpu.memory_space<vmem>> -> memref<1x128xi32, #tpu.memory_space<vmem>>
    %dma_start3A_32 = tpu.memref_squeeze %dma_start3A_31 : memref<1x128xi32, #tpu.memory_space<vmem>> -> memref<128xi32, #tpu.memory_space<vmem>>
    %dma_start3A_33 = arith.constant 0 : i32
    %dma_start3A_34 = arith.constant 0 : i32
    %dma_start3A_35 = tpu.memref_slice %arg2[%dma_start3A_33, %dma_start3A_34] : memref<10240x128xf32, #tpu.memory_space<hbm>> -> memref<10240x128xf32, #tpu.memory_space<hbm>>
    tpu.enqueue_indirect_dma source(%dma_start3A_35 : memref<10240x128xf32, #tpu.memory_space<hbm>>) target(%dma_start3A_29 : memref<128x128xf32, #tpu.memory_space<vmem>>) offsets(%dma_start3A_32 : memref<128xi32, #tpu.memory_space<vmem>>) semaphore(%arg9 : memref<!tpu.dma_semaphore, #tpu.memory_space<semaphore_mem>>)
    %dma_wait3A = arith.constant 0 : i32
    %dma_wait3A_36 = arith.constant 0 : i32
    %dma_wait3A_37 = arith.constant 0 : i32
    %dma_wait3A_38 = arith.constant 0 : i32
    %dma_wait3A_39 = tpu.memref_slice %arg8[%dma_wait3A_36, %dma_wait3A_37, %dma_wait3A_38] : memref<2x128x128xf32, #tpu.memory_space<vmem>> -> memref<1x128x128xf32, #tpu.memory_space<vmem>>
    %dma_wait3A_40 = tpu.memref_squeeze %dma_wait3A_39 : memref<1x128x128xf32, #tpu.memory_space<vmem>> -> memref<128x128xf32, #tpu.memory_space<vmem>>
    %dma_wait3A_41 = arith.constant 0 : i32
    %dma_wait3A_42 = tpu.memref_slice %arg6[%dma_wait3A, %dma_wait3A_41] : memref<40x128xi32, #tpu.memory_space<vmem>> -> memref<1x128xi32, #tpu.memory_space<vmem>>
    %dma_wait3A_43 = tpu.memref_squeeze %dma_wait3A_42 : memref<1x128xi32, #tpu.memory_space<vmem>> -> memref<128xi32, #tpu.memory_space<vmem>>
    %dma_wait3A_44 = arith.constant 0 : i32
    %dma_wait3A_45 = arith.constant 0 : i32
    %dma_wait3A_46 = tpu.memref_slice %arg2[%dma_wait3A_44, %dma_wait3A_45] : memref<10240x128xf32, #tpu.memory_space<hbm>> -> memref<10240x128xf32, #tpu.memory_space<hbm>>
    tpu.wait_indirect_dma semaphore(%arg9 : memref<!tpu.dma_semaphore, #tpu.memory_space<semaphore_mem>>) src(%dma_wait3A_46 : memref<10240x128xf32, #tpu.memory_space<hbm>>) dst(%dma_wait3A_40 : memref<128x128xf32, #tpu.memory_space<vmem>>)
    %dma_start3A_47 = arith.constant 0 : i32
    %dma_start3A_48 = arith.constant 0 : i32
    %dma_start3A_49 = arith.constant 0 : i32
    %dma_start3A_50 = arith.constant 0 : i32
    %dma_start3A_51 = tpu.memref_slice %arg8[%dma_start3A_47, %dma_start3A_49, %dma_start3A_50] : memref<2x128x128xf32, #tpu.memory_space<vmem>> -> memref<1x128x128xf32, #tpu.memory_space<vmem>>
    %dma_start3A_52 = tpu.memref_squeeze %dma_start3A_51 : memref<1x128x128xf32, #tpu.memory_space<vmem>> -> memref<128x128xf32, #tpu.memory_space<vmem>>
    %dma_start3A_53 = arith.constant 0 : i32
    %dma_start3A_54 = tpu.memref_slice %arg7[%dma_start3A_48, %dma_start3A_53] : memref<40x128xi32, #tpu.memory_space<vmem>> -> memref<1x128xi32, #tpu.memory_space<vmem>>
    %dma_start3A_55 = tpu.memref_squeeze %dma_start3A_54 : memref<1x128xi32, #tpu.memory_space<vmem>> -> memref<128xi32, #tpu.memory_space<vmem>>
    %dma_start3A_56 = arith.constant 0 : i32
    %dma_start3A_57 = arith.constant 0 : i32
    %dma_start3A_58 = tpu.memref_slice %arg5[%dma_start3A_56, %dma_start3A_57] : memref<10240x128xf32, #tpu.memory_space<vmem_shared>> -> memref<10240x128xf32, #tpu.memory_space<vmem_shared>>
    tpu.enqueue_indirect_dma source(%dma_start3A_52 : memref<128x128xf32, #tpu.memory_space<vmem>>) target(%dma_start3A_58 : memref<10240x128xf32, #tpu.memory_space<vmem_shared>>) offsets(%dma_start3A_55 : memref<128xi32, #tpu.memory_space<vmem>>) semaphore(%arg11 : memref<!tpu.dma_semaphore, #tpu.memory_space<semaphore_mem>>) {add = true}
    %dma_start3A_59 = arith.constant 1 : i32
    %dma_start3A_60 = arith.constant 1 : i32
    %dma_start3A_61 = arith.constant 0 : i32
    %dma_start3A_62 = arith.constant 0 : i32
    %dma_start3A_63 = tpu.memref_slice %arg8[%dma_start3A_60, %dma_start3A_61, %dma_start3A_62] : memref<2x128x128xf32, #tpu.memory_space<vmem>> -> memref<1x128x128xf32, #tpu.memory_space<vmem>>
    %dma_start3A_64 = tpu.memref_squeeze %dma_start3A_63 : memref<1x128x128xf32, #tpu.memory_space<vmem>> -> memref<128x128xf32, #tpu.memory_space<vmem>>
    %dma_start3A_65 = arith.constant 0 : i32
    %dma_start3A_66 = tpu.memref_slice %arg6[%dma_start3A_59, %dma_start3A_65] : memref<40x128xi32, #tpu.memory_space<vmem>> -> memref<1x128xi32, #tpu.memory_space<vmem>>
    %dma_start3A_67 = tpu.memref_squeeze %dma_start3A_66 : memref<1x128xi32, #tpu.memory_space<vmem>> -> memref<128xi32, #tpu.memory_space<vmem>>
    %dma_start3A_68 = arith.constant 0 : i32
    %dma_start3A_69 = arith.constant 0 : i32
    %dma_start3A_70 = tpu.memref_slice %arg2[%dma_start3A_68, %dma_start3A_69] : memref<10240x128xf32, #tpu.memory_space<hbm>> -> memref<10240x128xf32, #tpu.memory_space<hbm>>
    tpu.enqueue_indirect_dma source(%dma_start3A_70 : memref<10240x128xf32, #tpu.memory_space<hbm>>) target(%dma_start3A_64 : memref<128x128xf32, #tpu.memory_space<vmem>>) offsets(%dma_start3A_67 : memref<128xi32, #tpu.memory_space<vmem>>) semaphore(%arg10 : memref<!tpu.dma_semaphore, #tpu.memory_space<semaphore_mem>>)
    %dma_wait3A_71 = arith.constant 1 : i32
    %dma_wait3A_72 = arith.constant 1 : i32
    %dma_wait3A_73 = arith.constant 0 : i32
    %dma_wait3A_74 = arith.constant 0 : i32
    %dma_wait3A_75 = tpu.memref_slice %arg8[%dma_wait3A_72, %dma_wait3A_73, %dma_wait3A_74] : memref<2x128x128xf32, #tpu.memory_space<vmem>> -> memref<1x128x128xf32, #tpu.memory_space<vmem>>
    %dma_wait3A_76 = tpu.memref_squeeze %dma_wait3A_75 : memref<1x128x128xf32, #tpu.memory_space<vmem>> -> memref<128x128xf32, #tpu.memory_space<vmem>>
    %dma_wait3A_77 = arith.constant 0 : i32
    %dma_wait3A_78 = tpu.memref_slice %arg6[%dma_wait3A_71, %dma_wait3A_77] : memref<40x128xi32, #tpu.memory_space<vmem>> -> memref<1x128xi32, #tpu.memory_space<vmem>>
    %dma_wait3A_79 = tpu.memref_squeeze %dma_wait3A_78 : memref<1x128xi32, #tpu.memory_space<vmem>> -> memref<128xi32, #tpu.memory_space<vmem>>
    %dma_wait3A_80 = arith.constant 0 : i32
    %dma_wait3A_81 = arith.constant 0 : i32
    %dma_wait3A_82 = tpu.memref_slice %arg2[%dma_wait3A_80, %dma_wait3A_81] : memref<10240x128xf32, #tpu.memory_space<hbm>> -> memref<10240x128xf32, #tpu.memory_space<hbm>>
    tpu.wait_indirect_dma semaphore(%arg10 : memref<!tpu.dma_semaphore, #tpu.memory_space<semaphore_mem>>) src(%dma_wait3A_82 : memref<10240x128xf32, #tpu.memory_space<hbm>>) dst(%dma_wait3A_76 : memref<128x128xf32, #tpu.memory_space<vmem>>)
    %dma_start3A_83 = arith.constant 1 : i32
    %dma_start3A_84 = arith.constant 1 : i32
    %dma_start3A_85 = arith.constant 0 : i32
    %dma_start3A_86 = arith.constant 0 : i32
    %dma_start3A_87 = tpu.memref_slice %arg8[%dma_start3A_83, %dma_start3A_85, %dma_start3A_86] : memref<2x128x128xf32, #tpu.memory_space<vmem>> -> memref<1x128x128xf32, #tpu.memory_space<vmem>>
    %dma_start3A_88 = tpu.memref_squeeze %dma_start3A_87 : memref<1x128x128xf32, #tpu.memory_space<vmem>> -> memref<128x128xf32, #tpu.memory_space<vmem>>
    %dma_start3A_89 = arith.constant 0 : i32
    %dma_start3A_90 = tpu.memref_slice %arg7[%dma_start3A_84, %dma_start3A_89] : memref<40x128xi32, #tpu.memory_space<vmem>> -> memref<1x128xi32, #tpu.memory_space<vmem>>
    %dma_start3A_91 = tpu.memref_squeeze %dma_start3A_90 : memref<1x128xi32, #tpu.memory_space<vmem>> -> memref<128xi32, #tpu.memory_space<vmem>>
    %dma_start3A_92 = arith.constant 0 : i32
    %dma_start3A_93 = arith.constant 0 : i32
    %dma_start3A_94 = tpu.memref_slice %arg5[%dma_start3A_92, %dma_start3A_93] : memref<10240x128xf32, #tpu.memory_space<vmem_shared>> -> memref<10240x128xf32, #tpu.memory_space<vmem_shared>>
    tpu.enqueue_indirect_dma source(%dma_start3A_88 : memref<128x128xf32, #tpu.memory_space<vmem>>) target(%dma_start3A_94 : memref<10240x128xf32, #tpu.memory_space<vmem_shared>>) offsets(%dma_start3A_91 : memref<128xi32, #tpu.memory_space<vmem>>) semaphore(%arg12 : memref<!tpu.dma_semaphore, #tpu.memory_space<semaphore_mem>>) {add = true}
    %dma_wait3A_95 = arith.constant 0 : i32
    %dma_wait3A_96 = arith.constant 0 : i32
    %dma_wait3A_97 = arith.constant 0 : i32
    %dma_wait3A_98 = arith.constant 0 : i32
    %dma_wait3A_99 = tpu.memref_slice %arg8[%dma_wait3A_95, %dma_wait3A_97, %dma_wait3A_98] : memref<2x128x128xf32, #tpu.memory_space<vmem>> -> memref<1x128x128xf32, #tpu.memory_space<vmem>>
    %dma_wait3A_100 = tpu.memref_squeeze %dma_wait3A_99 : memref<1x128x128xf32, #tpu.memory_space<vmem>> -> memref<128x128xf32, #tpu.memory_space<vmem>>
    %dma_wait3A_101 = arith.constant 0 : i32
    %dma_wait3A_102 = tpu.memref_slice %arg7[%dma_wait3A_96, %dma_wait3A_101] : memref<40x128xi32, #tpu.memory_space<vmem>> -> memref<1x128xi32, #tpu.memory_space<vmem>>
    %dma_wait3A_103 = tpu.memref_squeeze %dma_wait3A_102 : memref<1x128xi32, #tpu.memory_space<vmem>> -> memref<128xi32, #tpu.memory_space<vmem>>
    %dma_wait3A_104 = arith.constant 0 : i32
    %dma_wait3A_105 = arith.constant 0 : i32
    %dma_wait3A_106 = tpu.memref_slice %arg5[%dma_wait3A_104, %dma_wait3A_105] : memref<10240x128xf32, #tpu.memory_space<vmem_shared>> -> memref<10240x128xf32, #tpu.memory_space<vmem_shared>>
    tpu.wait_indirect_dma semaphore(%arg11 : memref<!tpu.dma_semaphore, #tpu.memory_space<semaphore_mem>>) src(%dma_wait3A_100 : memref<128x128xf32, #tpu.memory_space<vmem>>) dst(%dma_wait3A_106 : memref<10240x128xf32, #tpu.memory_space<vmem_shared>>)
    %dma_start3A_107 = arith.constant 2 : i32
    %dma_start3A_108 = arith.constant 0 : i32
    %dma_start3A_109 = arith.constant 0 : i32
    %dma_start3A_110 = arith.constant 0 : i32
    %dma_start3A_111 = tpu.memref_slice %arg8[%dma_start3A_108, %dma_start3A_109, %dma_start3A_110] : memref<2x128x128xf32, #tpu.memory_space<vmem>> -> memref<1x128x128xf32, #tpu.memory_space<vmem>>
    %dma_start3A_112 = tpu.memref_squeeze %dma_start3A_111 : memref<1x128x128xf32, #tpu.memory_space<vmem>> -> memref<128x128xf32, #tpu.memory_space<vmem>>
    %dma_start3A_113 = arith.constant 0 : i32
    %dma_start3A_114 = tpu.memref_slice %arg6[%dma_start3A_107, %dma_start3A_113] : memref<40x128xi32, #tpu.memory_space<vmem>> -> memref<1x128xi32, #tpu.memory_space<vmem>>
    %dma_start3A_115 = tpu.memref_squeeze %dma_start3A_114 : memref<1x128xi32, #tpu.memory_space<vmem>> -> memref<128xi32, #tpu.memory_space<vmem>>
    %dma_start3A_116 = arith.constant 0 : i32
    %dma_start3A_117 = arith.constant 0 : i32
    %dma_start3A_118 = tpu.memref_slice %arg2[%dma_start3A_116, %dma_start3A_117] : memref<10240x128xf32, #tpu.memory_space<hbm>> -> memref<10240x128xf32, #tpu.memory_space<hbm>>
    tpu.enqueue_indirect_dma source(%dma_start3A_118 : memref<10240x128xf32, #tpu.memory_space<hbm>>) target(%dma_start3A_112 : memref<128x128xf32, #tpu.memory_space<vmem>>) offsets(%dma_start3A_115 : memref<128xi32, #tpu.memory_space<vmem>>) semaphore(%arg9 : memref<!tpu.dma_semaphore, #tpu.memory_space<semaphore_mem>>)
    %scan3A_119 = arith.constant 0 : i32
    %scan3A_120 = arith.constant 1 : i32
    %scan3A_121 = arith.constant 18 : i32
    %scan3A_122 = arith.addi %scan3A_120, %scan3A_121 : i32
    %scan3A_123 = arith.constant 1 : i32
    scf.for %scan3A_422 = %scan3A_120 to %scan3A_122 step %scan3A_123  : i32 {
      %mul3A_423 = arith.constant 2 : i32
      %mul3A_424 = arith.muli %scan3A_422, %mul3A_423 : i32
      %add3A_425 = arith.constant 0 : i32
      %add3A_426 = arith.addi %mul3A_424, %add3A_425 : i32
      %dma_wait3A_427 = arith.constant 0 : i32
      %dma_wait3A_428 = arith.constant 0 : i32
      %dma_wait3A_429 = arith.constant 0 : i32
      %dma_wait3A_430 = tpu.memref_slice %arg8[%dma_wait3A_427, %dma_wait3A_428, %dma_wait3A_429] : memref<2x128x128xf32, #tpu.memory_space<vmem>> -> memref<1x128x128xf32, #tpu.memory_space<vmem>>
      %dma_wait3A_431 = tpu.memref_squeeze %dma_wait3A_430 : memref<1x128x128xf32, #tpu.memory_space<vmem>> -> memref<128x128xf32, #tpu.memory_space<vmem>>
      %dma_wait3A_432 = arith.constant 0 : i32
      %dma_wait3A_433 = tpu.memref_slice %arg6[%add3A_426, %dma_wait3A_432] : memref<40x128xi32, #tpu.memory_space<vmem>> -> memref<1x128xi32, #tpu.memory_space<vmem>>
      %dma_wait3A_434 = tpu.memref_squeeze %dma_wait3A_433 : memref<1x128xi32, #tpu.memory_space<vmem>> -> memref<128xi32, #tpu.memory_space<vmem>>
      %dma_wait3A_435 = arith.constant 0 : i32
      %dma_wait3A_436 = arith.constant 0 : i32
      %dma_wait3A_437 = tpu.memref_slice %arg2[%dma_wait3A_435, %dma_wait3A_436] : memref<10240x128xf32, #tpu.memory_space<hbm>> -> memref<10240x128xf32, #tpu.memory_space<hbm>>
      tpu.wait_indirect_dma semaphore(%arg9 : memref<!tpu.dma_semaphore, #tpu.memory_space<semaphore_mem>>) src(%dma_wait3A_437 : memref<10240x128xf32, #tpu.memory_space<hbm>>) dst(%dma_wait3A_431 : memref<128x128xf32, #tpu.memory_space<vmem>>)
      %dma_start3A_438 = arith.constant 0 : i32
      %dma_start3A_439 = arith.constant 0 : i32
      %dma_start3A_440 = arith.constant 0 : i32
      %dma_start3A_441 = tpu.memref_slice %arg8[%dma_start3A_438, %dma_start3A_439, %dma_start3A_440] : memref<2x128x128xf32, #tpu.memory_space<vmem>> -> memref<1x128x128xf32, #tpu.memory_space<vmem>>
      %dma_start3A_442 = tpu.memref_squeeze %dma_start3A_441 : memref<1x128x128xf32, #tpu.memory_space<vmem>> -> memref<128x128xf32, #tpu.memory_space<vmem>>
      %dma_start3A_443 = arith.constant 0 : i32
      %dma_start3A_444 = tpu.memref_slice %arg7[%add3A_426, %dma_start3A_443] : memref<40x128xi32, #tpu.memory_space<vmem>> -> memref<1x128xi32, #tpu.memory_space<vmem>>
      %dma_start3A_445 = tpu.memref_squeeze %dma_start3A_444 : memref<1x128xi32, #tpu.memory_space<vmem>> -> memref<128xi32, #tpu.memory_space<vmem>>
      %dma_start3A_446 = arith.constant 0 : i32
      %dma_start3A_447 = arith.constant 0 : i32
      %dma_start3A_448 = tpu.memref_slice %arg5[%dma_start3A_446, %dma_start3A_447] : memref<10240x128xf32, #tpu.memory_space<vmem_shared>> -> memref<10240x128xf32, #tpu.memory_space<vmem_shared>>
      tpu.enqueue_indirect_dma source(%dma_start3A_442 : memref<128x128xf32, #tpu.memory_space<vmem>>) target(%dma_start3A_448 : memref<10240x128xf32, #tpu.memory_space<vmem_shared>>) offsets(%dma_start3A_445 : memref<128xi32, #tpu.memory_space<vmem>>) semaphore(%arg11 : memref<!tpu.dma_semaphore, #tpu.memory_space<semaphore_mem>>) {add = true}
      %dma_wait3A_449 = arith.constant 1 : i32
      %dma_wait3A_450 = arith.constant 0 : i32
      %dma_wait3A_451 = arith.constant 0 : i32
      %dma_wait3A_452 = arith.constant 0 : i32
      %dma_wait3A_453 = tpu.memref_slice %arg8[%dma_wait3A_449, %dma_wait3A_451, %dma_wait3A_452] : memref<2x128x128xf32, #tpu.memory_space<vmem>> -> memref<1x128x128xf32, #tpu.memory_space<vmem>>
      %dma_wait3A_454 = tpu.memref_squeeze %dma_wait3A_453 : memref<1x128x128xf32, #tpu.memory_space<vmem>> -> memref<128x128xf32, #tpu.memory_space<vmem>>
      %dma_wait3A_455 = arith.constant 0 : i32
      %dma_wait3A_456 = tpu.memref_slice %arg7[%dma_wait3A_450, %dma_wait3A_455] : memref<40x128xi32, #tpu.memory_space<vmem>> -> memref<1x128xi32, #tpu.memory_space<vmem>>
      %dma_wait3A_457 = tpu.memref_squeeze %dma_wait3A_456 : memref<1x128xi32, #tpu.memory_space<vmem>> -> memref<128xi32, #tpu.memory_space<vmem>>
      %dma_wait3A_458 = arith.constant 0 : i32
      %dma_wait3A_459 = arith.constant 0 : i32
      %dma_wait3A_460 = tpu.memref_slice %arg5[%dma_wait3A_458, %dma_wait3A_459] : memref<10240x128xf32, #tpu.memory_space<vmem_shared>> -> memref<10240x128xf32, #tpu.memory_space<vmem_shared>>
      tpu.wait_indirect_dma semaphore(%arg12 : memref<!tpu.dma_semaphore, #tpu.memory_space<semaphore_mem>>) src(%dma_wait3A_454 : memref<128x128xf32, #tpu.memory_space<vmem>>) dst(%dma_wait3A_460 : memref<10240x128xf32, #tpu.memory_space<vmem_shared>>)
      %add3A_461 = arith.constant 2 : i32
      %add3A_462 = arith.addi %add3A_426, %add3A_461 : i32
      %sub3A = arith.constant 1 : i32
      %sub3A_463 = arith.subi %add3A_462, %sub3A : i32
      %dma_start3A_464 = arith.constant 1 : i32
      %dma_start3A_465 = arith.constant 0 : i32
      %dma_start3A_466 = arith.constant 0 : i32
      %dma_start3A_467 = tpu.memref_slice %arg8[%dma_start3A_464, %dma_start3A_465, %dma_start3A_466] : memref<2x128x128xf32, #tpu.memory_space<vmem>> -> memref<1x128x128xf32, #tpu.memory_space<vmem>>
      %dma_start3A_468 = tpu.memref_squeeze %dma_start3A_467 : memref<1x128x128xf32, #tpu.memory_space<vmem>> -> memref<128x128xf32, #tpu.memory_space<vmem>>
      %dma_start3A_469 = arith.constant 0 : i32
      %dma_start3A_470 = tpu.memref_slice %arg6[%sub3A_463, %dma_start3A_469] : memref<40x128xi32, #tpu.memory_space<vmem>> -> memref<1x128xi32, #tpu.memory_space<vmem>>
      %dma_start3A_471 = tpu.memref_squeeze %dma_start3A_470 : memref<1x128xi32, #tpu.memory_space<vmem>> -> memref<128xi32, #tpu.memory_space<vmem>>
      %dma_start3A_472 = arith.constant 0 : i32
      %dma_start3A_473 = arith.constant 0 : i32
      %dma_start3A_474 = tpu.memref_slice %arg2[%dma_start3A_472, %dma_start3A_473] : memref<10240x128xf32, #tpu.memory_space<hbm>> -> memref<10240x128xf32, #tpu.memory_space<hbm>>
      tpu.enqueue_indirect_dma source(%dma_start3A_474 : memref<10240x128xf32, #tpu.memory_space<hbm>>) target(%dma_start3A_468 : memref<128x128xf32, #tpu.memory_space<vmem>>) offsets(%dma_start3A_471 : memref<128xi32, #tpu.memory_space<vmem>>) semaphore(%arg10 : memref<!tpu.dma_semaphore, #tpu.memory_space<semaphore_mem>>)
      %mul3A_475 = arith.constant 2 : i32
      %mul3A_476 = arith.muli %scan3A_422, %mul3A_475 : i32
      %add3A_477 = arith.constant 1 : i32
      %add3A_478 = arith.addi %mul3A_476, %add3A_477 : i32
      %dma_wait3A_479 = arith.constant 1 : i32
      %dma_wait3A_480 = arith.constant 0 : i32
      %dma_wait3A_481 = arith.constant 0 : i32
      %dma_wait3A_482 = tpu.memref_slice %arg8[%dma_wait3A_479, %dma_wait3A_480, %dma_wait3A_481] : memref<2x128x128xf32, #tpu.memory_space<vmem>> -> memref<1x128x128xf32, #tpu.memory_space<vmem>>
      %dma_wait3A_483 = tpu.memref_squeeze %dma_wait3A_482 : memref<1x128x128xf32, #tpu.memory_space<vmem>> -> memref<128x128xf32, #tpu.memory_space<vmem>>
      %dma_wait3A_484 = arith.constant 0 : i32
      %dma_wait3A_485 = tpu.memref_slice %arg6[%add3A_478, %dma_wait3A_484] : memref<40x128xi32, #tpu.memory_space<vmem>> -> memref<1x128xi32, #tpu.memory_space<vmem>>
      %dma_wait3A_486 = tpu.memref_squeeze %dma_wait3A_485 : memref<1x128xi32, #tpu.memory_space<vmem>> -> memref<128xi32, #tpu.memory_space<vmem>>
      %dma_wait3A_487 = arith.constant 0 : i32
      %dma_wait3A_488 = arith.constant 0 : i32
      %dma_wait3A_489 = tpu.memref_slice %arg2[%dma_wait3A_487, %dma_wait3A_488] : memref<10240x128xf32, #tpu.memory_space<hbm>> -> memref<10240x128xf32, #tpu.memory_space<hbm>>
      tpu.wait_indirect_dma semaphore(%arg10 : memref<!tpu.dma_semaphore, #tpu.memory_space<semaphore_mem>>) src(%dma_wait3A_489 : memref<10240x128xf32, #tpu.memory_space<hbm>>) dst(%dma_wait3A_483 : memref<128x128xf32, #tpu.memory_space<vmem>>)
      %dma_start3A_490 = arith.constant 1 : i32
      %dma_start3A_491 = arith.constant 0 : i32
      %dma_start3A_492 = arith.constant 0 : i32
      %dma_start3A_493 = tpu.memref_slice %arg8[%dma_start3A_490, %dma_start3A_491, %dma_start3A_492] : memref<2x128x128xf32, #tpu.memory_space<vmem>> -> memref<1x128x128xf32, #tpu.memory_space<vmem>>
      %dma_start3A_494 = tpu.memref_squeeze %dma_start3A_493 : memref<1x128x128xf32, #tpu.memory_space<vmem>> -> memref<128x128xf32, #tpu.memory_space<vmem>>
      %dma_start3A_495 = arith.constant 0 : i32
      %dma_start3A_496 = tpu.memref_slice %arg7[%add3A_478, %dma_start3A_495] : memref<40x128xi32, #tpu.memory_space<vmem>> -> memref<1x128xi32, #tpu.memory_space<vmem>>
      %dma_start3A_497 = tpu.memref_squeeze %dma_start3A_496 : memref<1x128xi32, #tpu.memory_space<vmem>> -> memref<128xi32, #tpu.memory_space<vmem>>
      %dma_start3A_498 = arith.constant 0 : i32
      %dma_start3A_499 = arith.constant 0 : i32
      %dma_start3A_500 = tpu.memref_slice %arg5[%dma_start3A_498, %dma_start3A_499] : memref<10240x128xf32, #tpu.memory_space<vmem_shared>> -> memref<10240x128xf32, #tpu.memory_space<vmem_shared>>
      tpu.enqueue_indirect_dma source(%dma_start3A_494 : memref<128x128xf32, #tpu.memory_space<vmem>>) target(%dma_start3A_500 : memref<10240x128xf32, #tpu.memory_space<vmem_shared>>) offsets(%dma_start3A_497 : memref<128xi32, #tpu.memory_space<vmem>>) semaphore(%arg12 : memref<!tpu.dma_semaphore, #tpu.memory_space<semaphore_mem>>) {add = true}
      %dma_wait3A_501 = arith.constant 0 : i32
      %dma_wait3A_502 = arith.constant 0 : i32
      %dma_wait3A_503 = arith.constant 0 : i32
      %dma_wait3A_504 = arith.constant 0 : i32
      %dma_wait3A_505 = tpu.memref_slice %arg8[%dma_wait3A_501, %dma_wait3A_503, %dma_wait3A_504] : memref<2x128x128xf32, #tpu.memory_space<vmem>> -> memref<1x128x128xf32, #tpu.memory_space<vmem>>
      %dma_wait3A_506 = tpu.memref_squeeze %dma_wait3A_505 : memref<1x128x128xf32, #tpu.memory_space<vmem>> -> memref<128x128xf32, #tpu.memory_space<vmem>>
      %dma_wait3A_507 = arith.constant 0 : i32
      %dma_wait3A_508 = tpu.memref_slice %arg7[%dma_wait3A_502, %dma_wait3A_507] : memref<40x128xi32, #tpu.memory_space<vmem>> -> memref<1x128xi32, #tpu.memory_space<vmem>>
      %dma_wait3A_509 = tpu.memref_squeeze %dma_wait3A_508 : memref<1x128xi32, #tpu.memory_space<vmem>> -> memref<128xi32, #tpu.memory_space<vmem>>
      %dma_wait3A_510 = arith.constant 0 : i32
      %dma_wait3A_511 = arith.constant 0 : i32
      %dma_wait3A_512 = tpu.memref_slice %arg5[%dma_wait3A_510, %dma_wait3A_511] : memref<10240x128xf32, #tpu.memory_space<vmem_shared>> -> memref<10240x128xf32, #tpu.memory_space<vmem_shared>>
      tpu.wait_indirect_dma semaphore(%arg11 : memref<!tpu.dma_semaphore, #tpu.memory_space<semaphore_mem>>) src(%dma_wait3A_506 : memref<128x128xf32, #tpu.memory_space<vmem>>) dst(%dma_wait3A_512 : memref<10240x128xf32, #tpu.memory_space<vmem_shared>>)
      %add3A_513 = arith.constant 2 : i32
      %add3A_514 = arith.addi %add3A_478, %add3A_513 : i32
      %sub3A_515 = arith.constant 1 : i32
      %sub3A_516 = arith.subi %add3A_514, %sub3A_515 : i32
      %dma_start3A_517 = arith.constant 0 : i32
      %dma_start3A_518 = arith.constant 0 : i32
      %dma_start3A_519 = arith.constant 0 : i32
      %dma_start3A_520 = tpu.memref_slice %arg8[%dma_start3A_517, %dma_start3A_518, %dma_start3A_519] : memref<2x128x128xf32, #tpu.memory_space<vmem>> -> memref<1x128x128xf32, #tpu.memory_space<vmem>>
      %dma_start3A_521 = tpu.memref_squeeze %dma_start3A_520 : memref<1x128x128xf32, #tpu.memory_space<vmem>> -> memref<128x128xf32, #tpu.memory_space<vmem>>
      %dma_start3A_522 = arith.constant 0 : i32
      %dma_start3A_523 = tpu.memref_slice %arg6[%sub3A_516, %dma_start3A_522] : memref<40x128xi32, #tpu.memory_space<vmem>> -> memref<1x128xi32, #tpu.memory_space<vmem>>
      %dma_start3A_524 = tpu.memref_squeeze %dma_start3A_523 : memref<1x128xi32, #tpu.memory_space<vmem>> -> memref<128xi32, #tpu.memory_space<vmem>>
      %dma_start3A_525 = arith.constant 0 : i32
      %dma_start3A_526 = arith.constant 0 : i32
      %dma_start3A_527 = tpu.memref_slice %arg2[%dma_start3A_525, %dma_start3A_526] : memref<10240x128xf32, #tpu.memory_space<hbm>> -> memref<10240x128xf32, #tpu.memory_space<hbm>>
      tpu.enqueue_indirect_dma source(%dma_start3A_527 : memref<10240x128xf32, #tpu.memory_space<hbm>>) target(%dma_start3A_521 : memref<128x128xf32, #tpu.memory_space<vmem>>) offsets(%dma_start3A_524 : memref<128xi32, #tpu.memory_space<vmem>>) semaphore(%arg9 : memref<!tpu.dma_semaphore, #tpu.memory_space<semaphore_mem>>)
    }
    %scan3A_124 = arith.constant 18 : i32
    %dma_wait3A_125 = arith.constant 38 : i32
    %dma_wait3A_126 = arith.constant 0 : i32
    %dma_wait3A_127 = arith.constant 0 : i32
    %dma_wait3A_128 = arith.constant 0 : i32
    %dma_wait3A_129 = tpu.memref_slice %arg8[%dma_wait3A_126, %dma_wait3A_127, %dma_wait3A_128] : memref<2x128x128xf32, #tpu.memory_space<vmem>> -> memref<1x128x128xf32, #tpu.memory_space<vmem>>
    %dma_wait3A_130 = tpu.memref_squeeze %dma_wait3A_129 : memref<1x128x128xf32, #tpu.memory_space<vmem>> -> memref<128x128xf32, #tpu.memory_space<vmem>>
    %dma_wait3A_131 = arith.constant 0 : i32
    %dma_wait3A_132 = tpu.memref_slice %arg6[%dma_wait3A_125, %dma_wait3A_131] : memref<40x128xi32, #tpu.memory_space<vmem>> -> memref<1x128xi32, #tpu.memory_space<vmem>>
    %dma_wait3A_133 = tpu.memref_squeeze %dma_wait3A_132 : memref<1x128xi32, #tpu.memory_space<vmem>> -> memref<128xi32, #tpu.memory_space<vmem>>
    %dma_wait3A_134 = arith.constant 0 : i32
    %dma_wait3A_135 = arith.constant 0 : i32
    %dma_wait3A_136 = tpu.memref_slice %arg2[%dma_wait3A_134, %dma_wait3A_135] : memref<10240x128xf32, #tpu.memory_space<hbm>> -> memref<10240x128xf32, #tpu.memory_space<hbm>>
    tpu.wait_indirect_dma semaphore(%arg9 : memref<!tpu.dma_semaphore, #tpu.memory_space<semaphore_mem>>) src(%dma_wait3A_136 : memref<10240x128xf32, #tpu.memory_space<hbm>>) dst(%dma_wait3A_130 : memref<128x128xf32, #tpu.memory_space<vmem>>)
    %dma_start3A_137 = arith.constant 0 : i32
    %dma_start3A_138 = arith.constant 38 : i32
    %dma_start3A_139 = arith.constant 0 : i32
    %dma_start3A_140 = arith.constant 0 : i32
    %dma_start3A_141 = tpu.memref_slice %arg8[%dma_start3A_137, %dma_start3A_139, %dma_start3A_140] : memref<2x128x128xf32, #tpu.memory_space<vmem>> -> memref<1x128x128xf32, #tpu.memory_space<vmem>>
    %dma_start3A_142 = tpu.memref_squeeze %dma_start3A_141 : memref<1x128x128xf32, #tpu.memory_space<vmem>> -> memref<128x128xf32, #tpu.memory_space<vmem>>
    %dma_start3A_143 = arith.constant 0 : i32
    %dma_start3A_144 = tpu.memref_slice %arg7[%dma_start3A_138, %dma_start3A_143] : memref<40x128xi32, #tpu.memory_space<vmem>> -> memref<1x128xi32, #tpu.memory_space<vmem>>
    %dma_start3A_145 = tpu.memref_squeeze %dma_start3A_144 : memref<1x128xi32, #tpu.memory_space<vmem>> -> memref<128xi32, #tpu.memory_space<vmem>>
    %dma_start3A_146 = arith.constant 0 : i32
    %dma_start3A_147 = arith.constant 0 : i32
    %dma_start3A_148 = tpu.memref_slice %arg5[%dma_start3A_146, %dma_start3A_147] : memref<10240x128xf32, #tpu.memory_space<vmem_shared>> -> memref<10240x128xf32, #tpu.memory_space<vmem_shared>>
    tpu.enqueue_indirect_dma source(%dma_start3A_142 : memref<128x128xf32, #tpu.memory_space<vmem>>) target(%dma_start3A_148 : memref<10240x128xf32, #tpu.memory_space<vmem_shared>>) offsets(%dma_start3A_145 : memref<128xi32, #tpu.memory_space<vmem>>) semaphore(%arg11 : memref<!tpu.dma_semaphore, #tpu.memory_space<semaphore_mem>>) {add = true}
    %dma_wait3A_149 = arith.constant 1 : i32
    %dma_wait3A_150 = arith.constant 0 : i32
    %dma_wait3A_151 = arith.constant 0 : i32
    %dma_wait3A_152 = arith.constant 0 : i32
    %dma_wait3A_153 = tpu.memref_slice %arg8[%dma_wait3A_149, %dma_wait3A_151, %dma_wait3A_152] : memref<2x128x128xf32, #tpu.memory_space<vmem>> -> memref<1x128x128xf32, #tpu.memory_space<vmem>>
    %dma_wait3A_154 = tpu.memref_squeeze %dma_wait3A_153 : memref<1x128x128xf32, #tpu.memory_space<vmem>> -> memref<128x128xf32, #tpu.memory_space<vmem>>
    %dma_wait3A_155 = arith.constant 0 : i32
    %dma_wait3A_156 = tpu.memref_slice %arg7[%dma_wait3A_150, %dma_wait3A_155] : memref<40x128xi32, #tpu.memory_space<vmem>> -> memref<1x128xi32, #tpu.memory_space<vmem>>
    %dma_wait3A_157 = tpu.memref_squeeze %dma_wait3A_156 : memref<1x128xi32, #tpu.memory_space<vmem>> -> memref<128xi32, #tpu.memory_space<vmem>>
    %dma_wait3A_158 = arith.constant 0 : i32
    %dma_wait3A_159 = arith.constant 0 : i32
    %dma_wait3A_160 = tpu.memref_slice %arg5[%dma_wait3A_158, %dma_wait3A_159] : memref<10240x128xf32, #tpu.memory_space<vmem_shared>> -> memref<10240x128xf32, #tpu.memory_space<vmem_shared>>
    tpu.wait_indirect_dma semaphore(%arg12 : memref<!tpu.dma_semaphore, #tpu.memory_space<semaphore_mem>>) src(%dma_wait3A_154 : memref<128x128xf32, #tpu.memory_space<vmem>>) dst(%dma_wait3A_160 : memref<10240x128xf32, #tpu.memory_space<vmem_shared>>)
    %dma_start3A_161 = arith.constant 39 : i32
    %dma_start3A_162 = arith.constant 1 : i32
    %dma_start3A_163 = arith.constant 0 : i32
    %dma_start3A_164 = arith.constant 0 : i32
    %dma_start3A_165 = tpu.memref_slice %arg8[%dma_start3A_162, %dma_start3A_163, %dma_start3A_164] : memref<2x128x128xf32, #tpu.memory_space<vmem>> -> memref<1x128x128xf32, #tpu.memory_space<vmem>>
    %dma_start3A_166 = tpu.memref_squeeze %dma_start3A_165 : memref<1x128x128xf32, #tpu.memory_space<vmem>> -> memref<128x128xf32, #tpu.memory_space<vmem>>
    %dma_start3A_167 = arith.constant 0 : i32
    %dma_start3A_168 = tpu.memref_slice %arg6[%dma_start3A_161, %dma_start3A_167] : memref<40x128xi32, #tpu.memory_space<vmem>> -> memref<1x128xi32, #tpu.memory_space<vmem>>
    %dma_start3A_169 = tpu.memref_squeeze %dma_start3A_168 : memref<1x128xi32, #tpu.memory_space<vmem>> -> memref<128xi32, #tpu.memory_space<vmem>>
    %dma_start3A_170 = arith.constant 0 : i32
    %dma_start3A_171 = arith.constant 0 : i32
    %dma_start3A_172 = tpu.memref_slice %arg2[%dma_start3A_170, %dma_start3A_171] : memref<10240x128xf32, #tpu.memory_space<hbm>> -> memref<10240x128xf32, #tpu.memory_space<hbm>>
    tpu.enqueue_indirect_dma source(%dma_start3A_172 : memref<10240x128xf32, #tpu.memory_space<hbm>>) target(%dma_start3A_166 : memref<128x128xf32, #tpu.memory_space<vmem>>) offsets(%dma_start3A_169 : memref<128xi32, #tpu.memory_space<vmem>>) semaphore(%arg10 : memref<!tpu.dma_semaphore, #tpu.memory_space<semaphore_mem>>)
    %dma_wait3A_173 = arith.constant 39 : i32
    %dma_wait3A_174 = arith.constant 1 : i32
    %dma_wait3A_175 = arith.constant 0 : i32
    %dma_wait3A_176 = arith.constant 0 : i32
    %dma_wait3A_177 = tpu.memref_slice %arg8[%dma_wait3A_174, %dma_wait3A_175, %dma_wait3A_176] : memref<2x128x128xf32, #tpu.memory_space<vmem>> -> memref<1x128x128xf32, #tpu.memory_space<vmem>>
    %dma_wait3A_178 = tpu.memref_squeeze %dma_wait3A_177 : memref<1x128x128xf32, #tpu.memory_space<vmem>> -> memref<128x128xf32, #tpu.memory_space<vmem>>
    %dma_wait3A_179 = arith.constant 0 : i32
    %dma_wait3A_180 = tpu.memref_slice %arg6[%dma_wait3A_173, %dma_wait3A_179] : memref<40x128xi32, #tpu.memory_space<vmem>> -> memref<1x128xi32, #tpu.memory_space<vmem>>
    %dma_wait3A_181 = tpu.memref_squeeze %dma_wait3A_180 : memref<1x128xi32, #tpu.memory_space<vmem>> -> memref<128xi32, #tpu.memory_space<vmem>>
    %dma_wait3A_182 = arith.constant 0 : i32
    %dma_wait3A_183 = arith.constant 0 : i32
    %dma_wait3A_184 = tpu.memref_slice %arg2[%dma_wait3A_182, %dma_wait3A_183] : memref<10240x128xf32, #tpu.memory_space<hbm>> -> memref<10240x128xf32, #tpu.memory_space<hbm>>
    tpu.wait_indirect_dma semaphore(%arg10 : memref<!tpu.dma_semaphore, #tpu.memory_space<semaphore_mem>>) src(%dma_wait3A_184 : memref<10240x128xf32, #tpu.memory_space<hbm>>) dst(%dma_wait3A_178 : memref<128x128xf32, #tpu.memory_space<vmem>>)
    %dma_start3A_185 = arith.constant 1 : i32
    %dma_start3A_186 = arith.constant 39 : i32
    %dma_start3A_187 = arith.constant 0 : i32
    %dma_start3A_188 = arith.constant 0 : i32
    %dma_start3A_189 = tpu.memref_slice %arg8[%dma_start3A_185, %dma_start3A_187, %dma_start3A_188] : memref<2x128x128xf32, #tpu.memory_space<vmem>> -> memref<1x128x128xf32, #tpu.memory_space<vmem>>
    %dma_start3A_190 = tpu.memref_squeeze %dma_start3A_189 : memref<1x128x128xf32, #tpu.memory_space<vmem>> -> memref<128x128xf32, #tpu.memory_space<vmem>>
    %dma_start3A_191 = arith.constant 0 : i32
    %dma_start3A_192 = tpu.memref_slice %arg7[%dma_start3A_186, %dma_start3A_191] : memref<40x128xi32, #tpu.memory_space<vmem>> -> memref<1x128xi32, #tpu.memory_space<vmem>>
    %dma_start3A_193 = tpu.memref_squeeze %dma_start3A_192 : memref<1x128xi32, #tpu.memory_space<vmem>> -> memref<128xi32, #tpu.memory_space<vmem>>
    %dma_start3A_194 = arith.constant 0 : i32
    %dma_start3A_195 = arith.constant 0 : i32
    %dma_start3A_196 = tpu.memref_slice %arg5[%dma_start3A_194, %dma_start3A_195] : memref<10240x128xf32, #tpu.memory_space<vmem_shared>> -> memref<10240x128xf32, #tpu.memory_space<vmem_shared>>
    tpu.enqueue_indirect_dma source(%dma_start3A_190 : memref<128x128xf32, #tpu.memory_space<vmem>>) target(%dma_start3A_196 : memref<10240x128xf32, #tpu.memory_space<vmem_shared>>) offsets(%dma_start3A_193 : memref<128xi32, #tpu.memory_space<vmem>>) semaphore(%arg12 : memref<!tpu.dma_semaphore, #tpu.memory_space<semaphore_mem>>) {add = true}
    %dma_wait3A_197 = arith.constant 0 : i32
    %dma_wait3A_198 = arith.constant 0 : i32
    %dma_wait3A_199 = arith.constant 0 : i32
    %dma_wait3A_200 = arith.constant 0 : i32
    %dma_wait3A_201 = tpu.memref_slice %arg8[%dma_wait3A_197, %dma_wait3A_199, %dma_wait3A_200] : memref<2x128x128xf32, #tpu.memory_space<vmem>> -> memref<1x128x128xf32, #tpu.memory_space<vmem>>
    %dma_wait3A_202 = tpu.memref_squeeze %dma_wait3A_201 : memref<1x128x128xf32, #tpu.memory_space<vmem>> -> memref<128x128xf32, #tpu.memory_space<vmem>>
    %dma_wait3A_203 = arith.constant 0 : i32
    %dma_wait3A_204 = tpu.memref_slice %arg7[%dma_wait3A_198, %dma_wait3A_203] : memref<40x128xi32, #tpu.memory_space<vmem>> -> memref<1x128xi32, #tpu.memory_space<vmem>>
    %dma_wait3A_205 = tpu.memref_squeeze %dma_wait3A_204 : memref<1x128xi32, #tpu.memory_space<vmem>> -> memref<128xi32, #tpu.memory_space<vmem>>
    %dma_wait3A_206 = arith.constant 0 : i32
    %dma_wait3A_207 = arith.constant 0 : i32
    %dma_wait3A_208 = tpu.memref_slice %arg5[%dma_wait3A_206, %dma_wait3A_207] : memref<10240x128xf32, #tpu.memory_space<vmem_shared>> -> memref<10240x128xf32, #tpu.memory_space<vmem_shared>>
    tpu.wait_indirect_dma semaphore(%arg11 : memref<!tpu.dma_semaphore, #tpu.memory_space<semaphore_mem>>) src(%dma_wait3A_202 : memref<128x128xf32, #tpu.memory_space<vmem>>) dst(%dma_wait3A_208 : memref<10240x128xf32, #tpu.memory_space<vmem_shared>>)
    %dma_wait3A_209 = arith.constant 1 : i32
    %dma_wait3A_210 = arith.constant 0 : i32
    %dma_wait3A_211 = arith.constant 0 : i32
    %dma_wait3A_212 = arith.constant 0 : i32
    %dma_wait3A_213 = tpu.memref_slice %arg8[%dma_wait3A_209, %dma_wait3A_211, %dma_wait3A_212] : memref<2x128x128xf32, #tpu.memory_space<vmem>> -> memref<1x128x128xf32, #tpu.memory_space<vmem>>
    %dma_wait3A_214 = tpu.memref_squeeze %dma_wait3A_213 : memref<1x128x128xf32, #tpu.memory_space<vmem>> -> memref<128x128xf32, #tpu.memory_space<vmem>>
    %dma_wait3A_215 = arith.constant 0 : i32
    %dma_wait3A_216 = tpu.memref_slice %arg7[%dma_wait3A_210, %dma_wait3A_215] : memref<40x128xi32, #tpu.memory_space<vmem>> -> memref<1x128xi32, #tpu.memory_space<vmem>>
    %dma_wait3A_217 = tpu.memref_squeeze %dma_wait3A_216 : memref<1x128xi32, #tpu.memory_space<vmem>> -> memref<128xi32, #tpu.memory_space<vmem>>
    %dma_wait3A_218 = arith.constant 0 : i32
    %dma_wait3A_219 = arith.constant 0 : i32
    %dma_wait3A_220 = tpu.memref_slice %arg5[%dma_wait3A_218, %dma_wait3A_219] : memref<10240x128xf32, #tpu.memory_space<vmem_shared>> -> memref<10240x128xf32, #tpu.memory_space<vmem_shared>>
    tpu.wait_indirect_dma semaphore(%arg12 : memref<!tpu.dma_semaphore, #tpu.memory_space<semaphore_mem>>) src(%dma_wait3A_214 : memref<128x128xf32, #tpu.memory_space<vmem>>) dst(%dma_wait3A_220 : memref<10240x128xf32, #tpu.memory_space<vmem_shared>>)
    %run_scoped3A_221 = arith.constant 0 : i32
    "tpu.region"() ({
      %run_scoped3A_422 = tpu.sem_alloc : memref<!tpu.dma_semaphore, #tpu.memory_space<semaphore_mem>>
      %dma_start3A_423 = arith.constant 40 : i32
      %dma_start3A_424 = arith.constant 0 : i32
      %dma_start3A_425 = tpu.memref_slice %arg3[%run_scoped3A_221, %add3A, %dma_start3A_423, %dma_start3A_424] : memref<2x32x80x128xi32, #tpu.memory_space<hbm>> -> memref<1x1x40x128xi32, #tpu.memory_space<hbm>>
      %dma_start3A_426 = tpu.memref_squeeze %dma_start3A_425 : memref<1x1x40x128xi32, #tpu.memory_space<hbm>> -> memref<40x128xi32, #tpu.memory_space<hbm>>
      %dma_start3A_427 = arith.constant 40 : i32
      %dma_start3A_428 = arith.constant 0 : i32
      %dma_start3A_429 = tpu.memref_slice %arg3[%run_scoped3A_221, %add3A, %dma_start3A_427, %dma_start3A_428] : memref<2x32x80x128xi32, #tpu.memory_space<hbm>> -> memref<1x1x40x128xi32, #tpu.memory_space<hbm>>
      %dma_start3A_430 = tpu.memref_squeeze %dma_start3A_429 : memref<1x1x40x128xi32, #tpu.memory_space<hbm>> -> memref<40x128xi32, #tpu.memory_space<hbm>>
      tpu.enqueue_dma source(%dma_start3A_430 : memref<40x128xi32, #tpu.memory_space<hbm>>) target(%arg6 : memref<40x128xi32, #tpu.memory_space<vmem>>) target_semaphore(%run_scoped3A_422 : memref<!tpu.dma_semaphore, #tpu.memory_space<semaphore_mem>>)
      %dma_wait3A_431 = arith.constant 40 : i32
      %dma_wait3A_432 = arith.constant 0 : i32
      %dma_wait3A_433 = tpu.memref_slice %arg3[%run_scoped3A_221, %add3A, %dma_wait3A_431, %dma_wait3A_432] : memref<2x32x80x128xi32, #tpu.memory_space<hbm>> -> memref<1x1x40x128xi32, #tpu.memory_space<hbm>>
      %dma_wait3A_434 = tpu.memref_squeeze %dma_wait3A_433 : memref<1x1x40x128xi32, #tpu.memory_space<hbm>> -> memref<40x128xi32, #tpu.memory_space<hbm>>
      %dma_wait3A_435 = arith.constant 40 : i32
      %dma_wait3A_436 = arith.constant 0 : i32
      %dma_wait3A_437 = tpu.memref_slice %arg3[%run_scoped3A_221, %add3A, %dma_wait3A_435, %dma_wait3A_436] : memref<2x32x80x128xi32, #tpu.memory_space<hbm>> -> memref<1x1x40x128xi32, #tpu.memory_space<hbm>>
      %dma_wait3A_438 = tpu.memref_squeeze %dma_wait3A_437 : memref<1x1x40x128xi32, #tpu.memory_space<hbm>> -> memref<40x128xi32, #tpu.memory_space<hbm>>
      tpu.wait_dma2 semaphore(%run_scoped3A_422 : memref<!tpu.dma_semaphore, #tpu.memory_space<semaphore_mem>>) src(%dma_wait3A_438 : memref<40x128xi32, #tpu.memory_space<hbm>>) dst(%arg6 : memref<40x128xi32, #tpu.memory_space<vmem>>)
      tpu.yield
    }) : () -> ()
    %run_scoped3A_222 = arith.constant 1 : i32
    "tpu.region"() ({
      %run_scoped3A_422 = tpu.sem_alloc : memref<!tpu.dma_semaphore, #tpu.memory_space<semaphore_mem>>
      %dma_start3A_423 = arith.constant 40 : i32
      %dma_start3A_424 = arith.constant 0 : i32
      %dma_start3A_425 = tpu.memref_slice %arg3[%run_scoped3A_222, %add3A, %dma_start3A_423, %dma_start3A_424] : memref<2x32x80x128xi32, #tpu.memory_space<hbm>> -> memref<1x1x40x128xi32, #tpu.memory_space<hbm>>
      %dma_start3A_426 = tpu.memref_squeeze %dma_start3A_425 : memref<1x1x40x128xi32, #tpu.memory_space<hbm>> -> memref<40x128xi32, #tpu.memory_space<hbm>>
      %dma_start3A_427 = arith.constant 40 : i32
      %dma_start3A_428 = arith.constant 0 : i32
      %dma_start3A_429 = tpu.memref_slice %arg3[%run_scoped3A_222, %add3A, %dma_start3A_427, %dma_start3A_428] : memref<2x32x80x128xi32, #tpu.memory_space<hbm>> -> memref<1x1x40x128xi32, #tpu.memory_space<hbm>>
      %dma_start3A_430 = tpu.memref_squeeze %dma_start3A_429 : memref<1x1x40x128xi32, #tpu.memory_space<hbm>> -> memref<40x128xi32, #tpu.memory_space<hbm>>
      tpu.enqueue_dma source(%dma_start3A_430 : memref<40x128xi32, #tpu.memory_space<hbm>>) target(%arg7 : memref<40x128xi32, #tpu.memory_space<vmem>>) target_semaphore(%run_scoped3A_422 : memref<!tpu.dma_semaphore, #tpu.memory_space<semaphore_mem>>)
      %dma_wait3A_431 = arith.constant 40 : i32
      %dma_wait3A_432 = arith.constant 0 : i32
      %dma_wait3A_433 = tpu.memref_slice %arg3[%run_scoped3A_222, %add3A, %dma_wait3A_431, %dma_wait3A_432] : memref<2x32x80x128xi32, #tpu.memory_space<hbm>> -> memref<1x1x40x128xi32, #tpu.memory_space<hbm>>
      %dma_wait3A_434 = tpu.memref_squeeze %dma_wait3A_433 : memref<1x1x40x128xi32, #tpu.memory_space<hbm>> -> memref<40x128xi32, #tpu.memory_space<hbm>>
      %dma_wait3A_435 = arith.constant 40 : i32
      %dma_wait3A_436 = arith.constant 0 : i32
      %dma_wait3A_437 = tpu.memref_slice %arg3[%run_scoped3A_222, %add3A, %dma_wait3A_435, %dma_wait3A_436] : memref<2x32x80x128xi32, #tpu.memory_space<hbm>> -> memref<1x1x40x128xi32, #tpu.memory_space<hbm>>
      %dma_wait3A_438 = tpu.memref_squeeze %dma_wait3A_437 : memref<1x1x40x128xi32, #tpu.memory_space<hbm>> -> memref<40x128xi32, #tpu.memory_space<hbm>>
      tpu.wait_dma2 semaphore(%run_scoped3A_422 : memref<!tpu.dma_semaphore, #tpu.memory_space<semaphore_mem>>) src(%dma_wait3A_438 : memref<40x128xi32, #tpu.memory_space<hbm>>) dst(%arg7 : memref<40x128xi32, #tpu.memory_space<vmem>>)
      tpu.yield
    }) : () -> ()
    %dma_start3A_223 = arith.constant 0 : i32
    %dma_start3A_224 = arith.constant 0 : i32
    %dma_start3A_225 = arith.constant 0 : i32
    %dma_start3A_226 = arith.constant 0 : i32
    %dma_start3A_227 = tpu.memref_slice %arg8[%dma_start3A_224, %dma_start3A_225, %dma_start3A_226] : memref<2x128x128xf32, #tpu.memory_space<vmem>> -> memref<1x128x128xf32, #tpu.memory_space<vmem>>
    %dma_start3A_228 = tpu.memref_squeeze %dma_start3A_227 : memref<1x128x128xf32, #tpu.memory_space<vmem>> -> memref<128x128xf32, #tpu.memory_space<vmem>>
    %dma_start3A_229 = arith.constant 0 : i32
    %dma_start3A_230 = tpu.memref_slice %arg6[%dma_start3A_223, %dma_start3A_229] : memref<40x128xi32, #tpu.memory_space<vmem>> -> memref<1x128xi32, #tpu.memory_space<vmem>>
    %dma_start3A_231 = tpu.memref_squeeze %dma_start3A_230 : memref<1x128xi32, #tpu.memory_space<vmem>> -> memref<128xi32, #tpu.memory_space<vmem>>
    %dma_start3A_232 = arith.constant 0 : i32
    %dma_start3A_233 = arith.constant 0 : i32
    %dma_start3A_234 = tpu.memref_slice %arg2[%dma_start3A_232, %dma_start3A_233] : memref<10240x128xf32, #tpu.memory_space<hbm>> -> memref<10240x128xf32, #tpu.memory_space<hbm>>
    tpu.enqueue_indirect_dma source(%dma_start3A_234 : memref<10240x128xf32, #tpu.memory_space<hbm>>) target(%dma_start3A_228 : memref<128x128xf32, #tpu.memory_space<vmem>>) offsets(%dma_start3A_231 : memref<128xi32, #tpu.memory_space<vmem>>) semaphore(%arg9 : memref<!tpu.dma_semaphore, #tpu.memory_space<semaphore_mem>>)
    %dma_wait3A_235 = arith.constant 0 : i32
    %dma_wait3A_236 = arith.constant 0 : i32
    %dma_wait3A_237 = arith.constant 0 : i32
    %dma_wait3A_238 = arith.constant 0 : i32
    %dma_wait3A_239 = tpu.memref_slice %arg8[%dma_wait3A_236, %dma_wait3A_237, %dma_wait3A_238] : memref<2x128x128xf32, #tpu.memory_space<vmem>> -> memref<1x128x128xf32, #tpu.memory_space<vmem>>
    %dma_wait3A_240 = tpu.memref_squeeze %dma_wait3A_239 : memref<1x128x128xf32, #tpu.memory_space<vmem>> -> memref<128x128xf32, #tpu.memory_space<vmem>>
    %dma_wait3A_241 = arith.constant 0 : i32
    %dma_wait3A_242 = tpu.memref_slice %arg6[%dma_wait3A_235, %dma_wait3A_241] : memref<40x128xi32, #tpu.memory_space<vmem>> -> memref<1x128xi32, #tpu.memory_space<vmem>>
    %dma_wait3A_243 = tpu.memref_squeeze %dma_wait3A_242 : memref<1x128xi32, #tpu.memory_space<vmem>> -> memref<128xi32, #tpu.memory_space<vmem>>
    %dma_wait3A_244 = arith.constant 0 : i32
    %dma_wait3A_245 = arith.constant 0 : i32
    %dma_wait3A_246 = tpu.memref_slice %arg2[%dma_wait3A_244, %dma_wait3A_245] : memref<10240x128xf32, #tpu.memory_space<hbm>> -> memref<10240x128xf32, #tpu.memory_space<hbm>>
    tpu.wait_indirect_dma semaphore(%arg9 : memref<!tpu.dma_semaphore, #tpu.memory_space<semaphore_mem>>) src(%dma_wait3A_246 : memref<10240x128xf32, #tpu.memory_space<hbm>>) dst(%dma_wait3A_240 : memref<128x128xf32, #tpu.memory_space<vmem>>)
    %dma_start3A_247 = arith.constant 0 : i32
    %dma_start3A_248 = arith.constant 0 : i32
    %dma_start3A_249 = arith.constant 0 : i32
    %dma_start3A_250 = arith.constant 0 : i32
    %dma_start3A_251 = tpu.memref_slice %arg8[%dma_start3A_247, %dma_start3A_249, %dma_start3A_250] : memref<2x128x128xf32, #tpu.memory_space<vmem>> -> memref<1x128x128xf32, #tpu.memory_space<vmem>>
    %dma_start3A_252 = tpu.memref_squeeze %dma_start3A_251 : memref<1x128x128xf32, #tpu.memory_space<vmem>> -> memref<128x128xf32, #tpu.memory_space<vmem>>
    %dma_start3A_253 = arith.constant 0 : i32
    %dma_start3A_254 = tpu.memref_slice %arg7[%dma_start3A_248, %dma_start3A_253] : memref<40x128xi32, #tpu.memory_space<vmem>> -> memref<1x128xi32, #tpu.memory_space<vmem>>
    %dma_start3A_255 = tpu.memref_squeeze %dma_start3A_254 : memref<1x128xi32, #tpu.memory_space<vmem>> -> memref<128xi32, #tpu.memory_space<vmem>>
    %dma_start3A_256 = arith.constant 0 : i32
    %dma_start3A_257 = arith.constant 0 : i32
    %dma_start3A_258 = tpu.memref_slice %arg5[%dma_start3A_256, %dma_start3A_257] : memref<10240x128xf32, #tpu.memory_space<vmem_shared>> -> memref<10240x128xf32, #tpu.memory_space<vmem_shared>>
    tpu.enqueue_indirect_dma source(%dma_start3A_252 : memref<128x128xf32, #tpu.memory_space<vmem>>) target(%dma_start3A_258 : memref<10240x128xf32, #tpu.memory_space<vmem_shared>>) offsets(%dma_start3A_255 : memref<128xi32, #tpu.memory_space<vmem>>) semaphore(%arg11 : memref<!tpu.dma_semaphore, #tpu.memory_space<semaphore_mem>>) {add = true}
    %dma_start3A_259 = arith.constant 1 : i32
    %dma_start3A_260 = arith.constant 1 : i32
    %dma_start3A_261 = arith.constant 0 : i32
    %dma_start3A_262 = arith.constant 0 : i32
    %dma_start3A_263 = tpu.memref_slice %arg8[%dma_start3A_260, %dma_start3A_261, %dma_start3A_262] : memref<2x128x128xf32, #tpu.memory_space<vmem>> -> memref<1x128x128xf32, #tpu.memory_space<vmem>>
    %dma_start3A_264 = tpu.memref_squeeze %dma_start3A_263 : memref<1x128x128xf32, #tpu.memory_space<vmem>> -> memref<128x128xf32, #tpu.memory_space<vmem>>
    %dma_start3A_265 = arith.constant 0 : i32
    %dma_start3A_266 = tpu.memref_slice %arg6[%dma_start3A_259, %dma_start3A_265] : memref<40x128xi32, #tpu.memory_space<vmem>> -> memref<1x128xi32, #tpu.memory_space<vmem>>
    %dma_start3A_267 = tpu.memref_squeeze %dma_start3A_266 : memref<1x128xi32, #tpu.memory_space<vmem>> -> memref<128xi32, #tpu.memory_space<vmem>>
    %dma_start3A_268 = arith.constant 0 : i32
    %dma_start3A_269 = arith.constant 0 : i32
    %dma_start3A_270 = tpu.memref_slice %arg2[%dma_start3A_268, %dma_start3A_269] : memref<10240x128xf32, #tpu.memory_space<hbm>> -> memref<10240x128xf32, #tpu.memory_space<hbm>>
    tpu.enqueue_indirect_dma source(%dma_start3A_270 : memref<10240x128xf32, #tpu.memory_space<hbm>>) target(%dma_start3A_264 : memref<128x128xf32, #tpu.memory_space<vmem>>) offsets(%dma_start3A_267 : memref<128xi32, #tpu.memory_space<vmem>>) semaphore(%arg10 : memref<!tpu.dma_semaphore, #tpu.memory_space<semaphore_mem>>)
    %dma_wait3A_271 = arith.constant 1 : i32
    %dma_wait3A_272 = arith.constant 1 : i32
    %dma_wait3A_273 = arith.constant 0 : i32
    %dma_wait3A_274 = arith.constant 0 : i32
    %dma_wait3A_275 = tpu.memref_slice %arg8[%dma_wait3A_272, %dma_wait3A_273, %dma_wait3A_274] : memref<2x128x128xf32, #tpu.memory_space<vmem>> -> memref<1x128x128xf32, #tpu.memory_space<vmem>>
    %dma_wait3A_276 = tpu.memref_squeeze %dma_wait3A_275 : memref<1x128x128xf32, #tpu.memory_space<vmem>> -> memref<128x128xf32, #tpu.memory_space<vmem>>
    %dma_wait3A_277 = arith.constant 0 : i32
    %dma_wait3A_278 = tpu.memref_slice %arg6[%dma_wait3A_271, %dma_wait3A_277] : memref<40x128xi32, #tpu.memory_space<vmem>> -> memref<1x128xi32, #tpu.memory_space<vmem>>
    %dma_wait3A_279 = tpu.memref_squeeze %dma_wait3A_278 : memref<1x128xi32, #tpu.memory_space<vmem>> -> memref<128xi32, #tpu.memory_space<vmem>>
    %dma_wait3A_280 = arith.constant 0 : i32
    %dma_wait3A_281 = arith.constant 0 : i32
    %dma_wait3A_282 = tpu.memref_slice %arg2[%dma_wait3A_280, %dma_wait3A_281] : memref<10240x128xf32, #tpu.memory_space<hbm>> -> memref<10240x128xf32, #tpu.memory_space<hbm>>
    tpu.wait_indirect_dma semaphore(%arg10 : memref<!tpu.dma_semaphore, #tpu.memory_space<semaphore_mem>>) src(%dma_wait3A_282 : memref<10240x128xf32, #tpu.memory_space<hbm>>) dst(%dma_wait3A_276 : memref<128x128xf32, #tpu.memory_space<vmem>>)
    %dma_start3A_283 = arith.constant 1 : i32
    %dma_start3A_284 = arith.constant 1 : i32
    %dma_start3A_285 = arith.constant 0 : i32
    %dma_start3A_286 = arith.constant 0 : i32
    %dma_start3A_287 = tpu.memref_slice %arg8[%dma_start3A_283, %dma_start3A_285, %dma_start3A_286] : memref<2x128x128xf32, #tpu.memory_space<vmem>> -> memref<1x128x128xf32, #tpu.memory_space<vmem>>
    %dma_start3A_288 = tpu.memref_squeeze %dma_start3A_287 : memref<1x128x128xf32, #tpu.memory_space<vmem>> -> memref<128x128xf32, #tpu.memory_space<vmem>>
    %dma_start3A_289 = arith.constant 0 : i32
    %dma_start3A_290 = tpu.memref_slice %arg7[%dma_start3A_284, %dma_start3A_289] : memref<40x128xi32, #tpu.memory_space<vmem>> -> memref<1x128xi32, #tpu.memory_space<vmem>>
    %dma_start3A_291 = tpu.memref_squeeze %dma_start3A_290 : memref<1x128xi32, #tpu.memory_space<vmem>> -> memref<128xi32, #tpu.memory_space<vmem>>
    %dma_start3A_292 = arith.constant 0 : i32
    %dma_start3A_293 = arith.constant 0 : i32
    %dma_start3A_294 = tpu.memref_slice %arg5[%dma_start3A_292, %dma_start3A_293] : memref<10240x128xf32, #tpu.memory_space<vmem_shared>> -> memref<10240x128xf32, #tpu.memory_space<vmem_shared>>
    tpu.enqueue_indirect_dma source(%dma_start3A_288 : memref<128x128xf32, #tpu.memory_space<vmem>>) target(%dma_start3A_294 : memref<10240x128xf32, #tpu.memory_space<vmem_shared>>) offsets(%dma_start3A_291 : memref<128xi32, #tpu.memory_space<vmem>>) semaphore(%arg12 : memref<!tpu.dma_semaphore, #tpu.memory_space<semaphore_mem>>) {add = true}
    %dma_wait3A_295 = arith.constant 0 : i32
    %dma_wait3A_296 = arith.constant 0 : i32
    %dma_wait3A_297 = arith.constant 0 : i32
    %dma_wait3A_298 = arith.constant 0 : i32
    %dma_wait3A_299 = tpu.memref_slice %arg8[%dma_wait3A_295, %dma_wait3A_297, %dma_wait3A_298] : memref<2x128x128xf32, #tpu.memory_space<vmem>> -> memref<1x128x128xf32, #tpu.memory_space<vmem>>
    %dma_wait3A_300 = tpu.memref_squeeze %dma_wait3A_299 : memref<1x128x128xf32, #tpu.memory_space<vmem>> -> memref<128x128xf32, #tpu.memory_space<vmem>>
    %dma_wait3A_301 = arith.constant 0 : i32
    %dma_wait3A_302 = tpu.memref_slice %arg7[%dma_wait3A_296, %dma_wait3A_301] : memref<40x128xi32, #tpu.memory_space<vmem>> -> memref<1x128xi32, #tpu.memory_space<vmem>>
    %dma_wait3A_303 = tpu.memref_squeeze %dma_wait3A_302 : memref<1x128xi32, #tpu.memory_space<vmem>> -> memref<128xi32, #tpu.memory_space<vmem>>
    %dma_wait3A_304 = arith.constant 0 : i32
    %dma_wait3A_305 = arith.constant 0 : i32
    %dma_wait3A_306 = tpu.memref_slice %arg5[%dma_wait3A_304, %dma_wait3A_305] : memref<10240x128xf32, #tpu.memory_space<vmem_shared>> -> memref<10240x128xf32, #tpu.memory_space<vmem_shared>>
    tpu.wait_indirect_dma semaphore(%arg11 : memref<!tpu.dma_semaphore, #tpu.memory_space<semaphore_mem>>) src(%dma_wait3A_300 : memref<128x128xf32, #tpu.memory_space<vmem>>) dst(%dma_wait3A_306 : memref<10240x128xf32, #tpu.memory_space<vmem_shared>>)
    %dma_start3A_307 = arith.constant 2 : i32
    %dma_start3A_308 = arith.constant 0 : i32
    %dma_start3A_309 = arith.constant 0 : i32
    %dma_start3A_310 = arith.constant 0 : i32
    %dma_start3A_311 = tpu.memref_slice %arg8[%dma_start3A_308, %dma_start3A_309, %dma_start3A_310] : memref<2x128x128xf32, #tpu.memory_space<vmem>> -> memref<1x128x128xf32, #tpu.memory_space<vmem>>
    %dma_start3A_312 = tpu.memref_squeeze %dma_start3A_311 : memref<1x128x128xf32, #tpu.memory_space<vmem>> -> memref<128x128xf32, #tpu.memory_space<vmem>>
    %dma_start3A_313 = arith.constant 0 : i32
    %dma_start3A_314 = tpu.memref_slice %arg6[%dma_start3A_307, %dma_start3A_313] : memref<40x128xi32, #tpu.memory_space<vmem>> -> memref<1x128xi32, #tpu.memory_space<vmem>>
    %dma_start3A_315 = tpu.memref_squeeze %dma_start3A_314 : memref<1x128xi32, #tpu.memory_space<vmem>> -> memref<128xi32, #tpu.memory_space<vmem>>
    %dma_start3A_316 = arith.constant 0 : i32
    %dma_start3A_317 = arith.constant 0 : i32
    %dma_start3A_318 = tpu.memref_slice %arg2[%dma_start3A_316, %dma_start3A_317] : memref<10240x128xf32, #tpu.memory_space<hbm>> -> memref<10240x128xf32, #tpu.memory_space<hbm>>
    tpu.enqueue_indirect_dma source(%dma_start3A_318 : memref<10240x128xf32, #tpu.memory_space<hbm>>) target(%dma_start3A_312 : memref<128x128xf32, #tpu.memory_space<vmem>>) offsets(%dma_start3A_315 : memref<128xi32, #tpu.memory_space<vmem>>) semaphore(%arg9 : memref<!tpu.dma_semaphore, #tpu.memory_space<semaphore_mem>>)
    %scan3A_319 = arith.constant 0 : i32
    %scan3A_320 = arith.constant 1 : i32
    %scan3A_321 = arith.constant 18 : i32
    %scan3A_322 = arith.addi %scan3A_320, %scan3A_321 : i32
    %scan3A_323 = arith.constant 1 : i32
    scf.for %scan3A_422 = %scan3A_320 to %scan3A_322 step %scan3A_323  : i32 {
      %mul3A_423 = arith.constant 2 : i32
      %mul3A_424 = arith.muli %scan3A_422, %mul3A_423 : i32
      %add3A_425 = arith.constant 0 : i32
      %add3A_426 = arith.addi %mul3A_424, %add3A_425 : i32
      %dma_wait3A_427 = arith.constant 0 : i32
      %dma_wait3A_428 = arith.constant 0 : i32
      %dma_wait3A_429 = arith.constant 0 : i32
      %dma_wait3A_430 = tpu.memref_slice %arg8[%dma_wait3A_427, %dma_wait3A_428, %dma_wait3A_429] : memref<2x128x128xf32, #tpu.memory_space<vmem>> -> memref<1x128x128xf32, #tpu.memory_space<vmem>>
      %dma_wait3A_431 = tpu.memref_squeeze %dma_wait3A_430 : memref<1x128x128xf32, #tpu.memory_space<vmem>> -> memref<128x128xf32, #tpu.memory_space<vmem>>
      %dma_wait3A_432 = arith.constant 0 : i32
      %dma_wait3A_433 = tpu.memref_slice %arg6[%add3A_426, %dma_wait3A_432] : memref<40x128xi32, #tpu.memory_space<vmem>> -> memref<1x128xi32, #tpu.memory_space<vmem>>
      %dma_wait3A_434 = tpu.memref_squeeze %dma_wait3A_433 : memref<1x128xi32, #tpu.memory_space<vmem>> -> memref<128xi32, #tpu.memory_space<vmem>>
      %dma_wait3A_435 = arith.constant 0 : i32
      %dma_wait3A_436 = arith.constant 0 : i32
      %dma_wait3A_437 = tpu.memref_slice %arg2[%dma_wait3A_435, %dma_wait3A_436] : memref<10240x128xf32, #tpu.memory_space<hbm>> -> memref<10240x128xf32, #tpu.memory_space<hbm>>
      tpu.wait_indirect_dma semaphore(%arg9 : memref<!tpu.dma_semaphore, #tpu.memory_space<semaphore_mem>>) src(%dma_wait3A_437 : memref<10240x128xf32, #tpu.memory_space<hbm>>) dst(%dma_wait3A_431 : memref<128x128xf32, #tpu.memory_space<vmem>>)
      %dma_start3A_438 = arith.constant 0 : i32
      %dma_start3A_439 = arith.constant 0 : i32
      %dma_start3A_440 = arith.constant 0 : i32
      %dma_start3A_441 = tpu.memref_slice %arg8[%dma_start3A_438, %dma_start3A_439, %dma_start3A_440] : memref<2x128x128xf32, #tpu.memory_space<vmem>> -> memref<1x128x128xf32, #tpu.memory_space<vmem>>
      %dma_start3A_442 = tpu.memref_squeeze %dma_start3A_441 : memref<1x128x128xf32, #tpu.memory_space<vmem>> -> memref<128x128xf32, #tpu.memory_space<vmem>>
      %dma_start3A_443 = arith.constant 0 : i32
      %dma_start3A_444 = tpu.memref_slice %arg7[%add3A_426, %dma_start3A_443] : memref<40x128xi32, #tpu.memory_space<vmem>> -> memref<1x128xi32, #tpu.memory_space<vmem>>
      %dma_start3A_445 = tpu.memref_squeeze %dma_start3A_444 : memref<1x128xi32, #tpu.memory_space<vmem>> -> memref<128xi32, #tpu.memory_space<vmem>>
      %dma_start3A_446 = arith.constant 0 : i32
      %dma_start3A_447 = arith.constant 0 : i32
      %dma_start3A_448 = tpu.memref_slice %arg5[%dma_start3A_446, %dma_start3A_447] : memref<10240x128xf32, #tpu.memory_space<vmem_shared>> -> memref<10240x128xf32, #tpu.memory_space<vmem_shared>>
      tpu.enqueue_indirect_dma source(%dma_start3A_442 : memref<128x128xf32, #tpu.memory_space<vmem>>) target(%dma_start3A_448 : memref<10240x128xf32, #tpu.memory_space<vmem_shared>>) offsets(%dma_start3A_445 : memref<128xi32, #tpu.memory_space<vmem>>) semaphore(%arg11 : memref<!tpu.dma_semaphore, #tpu.memory_space<semaphore_mem>>) {add = true}
      %dma_wait3A_449 = arith.constant 1 : i32
      %dma_wait3A_450 = arith.constant 0 : i32
      %dma_wait3A_451 = arith.constant 0 : i32
      %dma_wait3A_452 = arith.constant 0 : i32
      %dma_wait3A_453 = tpu.memref_slice %arg8[%dma_wait3A_449, %dma_wait3A_451, %dma_wait3A_452] : memref<2x128x128xf32, #tpu.memory_space<vmem>> -> memref<1x128x128xf32, #tpu.memory_space<vmem>>
      %dma_wait3A_454 = tpu.memref_squeeze %dma_wait3A_453 : memref<1x128x128xf32, #tpu.memory_space<vmem>> -> memref<128x128xf32, #tpu.memory_space<vmem>>
      %dma_wait3A_455 = arith.constant 0 : i32
      %dma_wait3A_456 = tpu.memref_slice %arg7[%dma_wait3A_450, %dma_wait3A_455] : memref<40x128xi32, #tpu.memory_space<vmem>> -> memref<1x128xi32, #tpu.memory_space<vmem>>
      %dma_wait3A_457 = tpu.memref_squeeze %dma_wait3A_456 : memref<1x128xi32, #tpu.memory_space<vmem>> -> memref<128xi32, #tpu.memory_space<vmem>>
      %dma_wait3A_458 = arith.constant 0 : i32
      %dma_wait3A_459 = arith.constant 0 : i32
      %dma_wait3A_460 = tpu.memref_slice %arg5[%dma_wait3A_458, %dma_wait3A_459] : memref<10240x128xf32, #tpu.memory_space<vmem_shared>> -> memref<10240x128xf32, #tpu.memory_space<vmem_shared>>
      tpu.wait_indirect_dma semaphore(%arg12 : memref<!tpu.dma_semaphore, #tpu.memory_space<semaphore_mem>>) src(%dma_wait3A_454 : memref<128x128xf32, #tpu.memory_space<vmem>>) dst(%dma_wait3A_460 : memref<10240x128xf32, #tpu.memory_space<vmem_shared>>)
      %add3A_461 = arith.constant 2 : i32
      %add3A_462 = arith.addi %add3A_426, %add3A_461 : i32
      %sub3A = arith.constant 1 : i32
      %sub3A_463 = arith.subi %add3A_462, %sub3A : i32
      %dma_start3A_464 = arith.constant 1 : i32
      %dma_start3A_465 = arith.constant 0 : i32
      %dma_start3A_466 = arith.constant 0 : i32
      %dma_start3A_467 = tpu.memref_slice %arg8[%dma_start3A_464, %dma_start3A_465, %dma_start3A_466] : memref<2x128x128xf32, #tpu.memory_space<vmem>> -> memref<1x128x128xf32, #tpu.memory_space<vmem>>
      %dma_start3A_468 = tpu.memref_squeeze %dma_start3A_467 : memref<1x128x128xf32, #tpu.memory_space<vmem>> -> memref<128x128xf32, #tpu.memory_space<vmem>>
      %dma_start3A_469 = arith.constant 0 : i32
      %dma_start3A_470 = tpu.memref_slice %arg6[%sub3A_463, %dma_start3A_469] : memref<40x128xi32, #tpu.memory_space<vmem>> -> memref<1x128xi32, #tpu.memory_space<vmem>>
      %dma_start3A_471 = tpu.memref_squeeze %dma_start3A_470 : memref<1x128xi32, #tpu.memory_space<vmem>> -> memref<128xi32, #tpu.memory_space<vmem>>
      %dma_start3A_472 = arith.constant 0 : i32
      %dma_start3A_473 = arith.constant 0 : i32
      %dma_start3A_474 = tpu.memref_slice %arg2[%dma_start3A_472, %dma_start3A_473] : memref<10240x128xf32, #tpu.memory_space<hbm>> -> memref<10240x128xf32, #tpu.memory_space<hbm>>
      tpu.enqueue_indirect_dma source(%dma_start3A_474 : memref<10240x128xf32, #tpu.memory_space<hbm>>) target(%dma_start3A_468 : memref<128x128xf32, #tpu.memory_space<vmem>>) offsets(%dma_start3A_471 : memref<128xi32, #tpu.memory_space<vmem>>) semaphore(%arg10 : memref<!tpu.dma_semaphore, #tpu.memory_space<semaphore_mem>>)
      %mul3A_475 = arith.constant 2 : i32
      %mul3A_476 = arith.muli %scan3A_422, %mul3A_475 : i32
      %add3A_477 = arith.constant 1 : i32
      %add3A_478 = arith.addi %mul3A_476, %add3A_477 : i32
      %dma_wait3A_479 = arith.constant 1 : i32
      %dma_wait3A_480 = arith.constant 0 : i32
      %dma_wait3A_481 = arith.constant 0 : i32
      %dma_wait3A_482 = tpu.memref_slice %arg8[%dma_wait3A_479, %dma_wait3A_480, %dma_wait3A_481] : memref<2x128x128xf32, #tpu.memory_space<vmem>> -> memref<1x128x128xf32, #tpu.memory_space<vmem>>
      %dma_wait3A_483 = tpu.memref_squeeze %dma_wait3A_482 : memref<1x128x128xf32, #tpu.memory_space<vmem>> -> memref<128x128xf32, #tpu.memory_space<vmem>>
      %dma_wait3A_484 = arith.constant 0 : i32
      %dma_wait3A_485 = tpu.memref_slice %arg6[%add3A_478, %dma_wait3A_484] : memref<40x128xi32, #tpu.memory_space<vmem>> -> memref<1x128xi32, #tpu.memory_space<vmem>>
      %dma_wait3A_486 = tpu.memref_squeeze %dma_wait3A_485 : memref<1x128xi32, #tpu.memory_space<vmem>> -> memref<128xi32, #tpu.memory_space<vmem>>
      %dma_wait3A_487 = arith.constant 0 : i32
      %dma_wait3A_488 = arith.constant 0 : i32
      %dma_wait3A_489 = tpu.memref_slice %arg2[%dma_wait3A_487, %dma_wait3A_488] : memref<10240x128xf32, #tpu.memory_space<hbm>> -> memref<10240x128xf32, #tpu.memory_space<hbm>>
      tpu.wait_indirect_dma semaphore(%arg10 : memref<!tpu.dma_semaphore, #tpu.memory_space<semaphore_mem>>) src(%dma_wait3A_489 : memref<10240x128xf32, #tpu.memory_space<hbm>>) dst(%dma_wait3A_483 : memref<128x128xf32, #tpu.memory_space<vmem>>)
      %dma_start3A_490 = arith.constant 1 : i32
      %dma_start3A_491 = arith.constant 0 : i32
      %dma_start3A_492 = arith.constant 0 : i32
      %dma_start3A_493 = tpu.memref_slice %arg8[%dma_start3A_490, %dma_start3A_491, %dma_start3A_492] : memref<2x128x128xf32, #tpu.memory_space<vmem>> -> memref<1x128x128xf32, #tpu.memory_space<vmem>>
      %dma_start3A_494 = tpu.memref_squeeze %dma_start3A_493 : memref<1x128x128xf32, #tpu.memory_space<vmem>> -> memref<128x128xf32, #tpu.memory_space<vmem>>
      %dma_start3A_495 = arith.constant 0 : i32
      %dma_start3A_496 = tpu.memref_slice %arg7[%add3A_478, %dma_start3A_495] : memref<40x128xi32, #tpu.memory_space<vmem>> -> memref<1x128xi32, #tpu.memory_space<vmem>>
      %dma_start3A_497 = tpu.memref_squeeze %dma_start3A_496 : memref<1x128xi32, #tpu.memory_space<vmem>> -> memref<128xi32, #tpu.memory_space<vmem>>
      %dma_start3A_498 = arith.constant 0 : i32
      %dma_start3A_499 = arith.constant 0 : i32
      %dma_start3A_500 = tpu.memref_slice %arg5[%dma_start3A_498, %dma_start3A_499] : memref<10240x128xf32, #tpu.memory_space<vmem_shared>> -> memref<10240x128xf32, #tpu.memory_space<vmem_shared>>
      tpu.enqueue_indirect_dma source(%dma_start3A_494 : memref<128x128xf32, #tpu.memory_space<vmem>>) target(%dma_start3A_500 : memref<10240x128xf32, #tpu.memory_space<vmem_shared>>) offsets(%dma_start3A_497 : memref<128xi32, #tpu.memory_space<vmem>>) semaphore(%arg12 : memref<!tpu.dma_semaphore, #tpu.memory_space<semaphore_mem>>) {add = true}
      %dma_wait3A_501 = arith.constant 0 : i32
      %dma_wait3A_502 = arith.constant 0 : i32
      %dma_wait3A_503 = arith.constant 0 : i32
      %dma_wait3A_504 = arith.constant 0 : i32
      %dma_wait3A_505 = tpu.memref_slice %arg8[%dma_wait3A_501, %dma_wait3A_503, %dma_wait3A_504] : memref<2x128x128xf32, #tpu.memory_space<vmem>> -> memref<1x128x128xf32, #tpu.memory_space<vmem>>
      %dma_wait3A_506 = tpu.memref_squeeze %dma_wait3A_505 : memref<1x128x128xf32, #tpu.memory_space<vmem>> -> memref<128x128xf32, #tpu.memory_space<vmem>>
      %dma_wait3A_507 = arith.constant 0 : i32
      %dma_wait3A_508 = tpu.memref_slice %arg7[%dma_wait3A_502, %dma_wait3A_507] : memref<40x128xi32, #tpu.memory_space<vmem>> -> memref<1x128xi32, #tpu.memory_space<vmem>>
      %dma_wait3A_509 = tpu.memref_squeeze %dma_wait3A_508 : memref<1x128xi32, #tpu.memory_space<vmem>> -> memref<128xi32, #tpu.memory_space<vmem>>
      %dma_wait3A_510 = arith.constant 0 : i32
      %dma_wait3A_511 = arith.constant 0 : i32
      %dma_wait3A_512 = tpu.memref_slice %arg5[%dma_wait3A_510, %dma_wait3A_511] : memref<10240x128xf32, #tpu.memory_space<vmem_shared>> -> memref<10240x128xf32, #tpu.memory_space<vmem_shared>>
      tpu.wait_indirect_dma semaphore(%arg11 : memref<!tpu.dma_semaphore, #tpu.memory_space<semaphore_mem>>) src(%dma_wait3A_506 : memref<128x128xf32, #tpu.memory_space<vmem>>) dst(%dma_wait3A_512 : memref<10240x128xf32, #tpu.memory_space<vmem_shared>>)
      %add3A_513 = arith.constant 2 : i32
      %add3A_514 = arith.addi %add3A_478, %add3A_513 : i32
      %sub3A_515 = arith.constant 1 : i32
      %sub3A_516 = arith.subi %add3A_514, %sub3A_515 : i32
      %dma_start3A_517 = arith.constant 0 : i32
      %dma_start3A_518 = arith.constant 0 : i32
      %dma_start3A_519 = arith.constant 0 : i32
      %dma_start3A_520 = tpu.memref_slice %arg8[%dma_start3A_517, %dma_start3A_518, %dma_start3A_519] : memref<2x128x128xf32, #tpu.memory_space<vmem>> -> memref<1x128x128xf32, #tpu.memory_space<vmem>>
      %dma_start3A_521 = tpu.memref_squeeze %dma_start3A_520 : memref<1x128x128xf32, #tpu.memory_space<vmem>> -> memref<128x128xf32, #tpu.memory_space<vmem>>
      %dma_start3A_522 = arith.constant 0 : i32
      %dma_start3A_523 = tpu.memref_slice %arg6[%sub3A_516, %dma_start3A_522] : memref<40x128xi32, #tpu.memory_space<vmem>> -> memref<1x128xi32, #tpu.memory_space<vmem>>
      %dma_start3A_524 = tpu.memref_squeeze %dma_start3A_523 : memref<1x128xi32, #tpu.memory_space<vmem>> -> memref<128xi32, #tpu.memory_space<vmem>>
      %dma_start3A_525 = arith.constant 0 : i32
      %dma_start3A_526 = arith.constant 0 : i32
      %dma_start3A_527 = tpu.memref_slice %arg2[%dma_start3A_525, %dma_start3A_526] : memref<10240x128xf32, #tpu.memory_space<hbm>> -> memref<10240x128xf32, #tpu.memory_space<hbm>>
      tpu.enqueue_indirect_dma source(%dma_start3A_527 : memref<10240x128xf32, #tpu.memory_space<hbm>>) target(%dma_start3A_521 : memref<128x128xf32, #tpu.memory_space<vmem>>) offsets(%dma_start3A_524 : memref<128xi32, #tpu.memory_space<vmem>>) semaphore(%arg9 : memref<!tpu.dma_semaphore, #tpu.memory_space<semaphore_mem>>)
    }
    %scan3A_324 = arith.constant 18 : i32
    %dma_wait3A_325 = arith.constant 38 : i32
    %dma_wait3A_326 = arith.constant 0 : i32
    %dma_wait3A_327 = arith.constant 0 : i32
    %dma_wait3A_328 = arith.constant 0 : i32
    %dma_wait3A_329 = tpu.memref_slice %arg8[%dma_wait3A_326, %dma_wait3A_327, %dma_wait3A_328] : memref<2x128x128xf32, #tpu.memory_space<vmem>> -> memref<1x128x128xf32, #tpu.memory_space<vmem>>
    %dma_wait3A_330 = tpu.memref_squeeze %dma_wait3A_329 : memref<1x128x128xf32, #tpu.memory_space<vmem>> -> memref<128x128xf32, #tpu.memory_space<vmem>>
    %dma_wait3A_331 = arith.constant 0 : i32
    %dma_wait3A_332 = tpu.memref_slice %arg6[%dma_wait3A_325, %dma_wait3A_331] : memref<40x128xi32, #tpu.memory_space<vmem>> -> memref<1x128xi32, #tpu.memory_space<vmem>>
    %dma_wait3A_333 = tpu.memref_squeeze %dma_wait3A_332 : memref<1x128xi32, #tpu.memory_space<vmem>> -> memref<128xi32, #tpu.memory_space<vmem>>
    %dma_wait3A_334 = arith.constant 0 : i32
    %dma_wait3A_335 = arith.constant 0 : i32
    %dma_wait3A_336 = tpu.memref_slice %arg2[%dma_wait3A_334, %dma_wait3A_335] : memref<10240x128xf32, #tpu.memory_space<hbm>> -> memref<10240x128xf32, #tpu.memory_space<hbm>>
    tpu.wait_indirect_dma semaphore(%arg9 : memref<!tpu.dma_semaphore, #tpu.memory_space<semaphore_mem>>) src(%dma_wait3A_336 : memref<10240x128xf32, #tpu.memory_space<hbm>>) dst(%dma_wait3A_330 : memref<128x128xf32, #tpu.memory_space<vmem>>)
    %dma_start3A_337 = arith.constant 0 : i32
    %dma_start3A_338 = arith.constant 38 : i32
    %dma_start3A_339 = arith.constant 0 : i32
    %dma_start3A_340 = arith.constant 0 : i32
    %dma_start3A_341 = tpu.memref_slice %arg8[%dma_start3A_337, %dma_start3A_339, %dma_start3A_340] : memref<2x128x128xf32, #tpu.memory_space<vmem>> -> memref<1x128x128xf32, #tpu.memory_space<vmem>>
    %dma_start3A_342 = tpu.memref_squeeze %dma_start3A_341 : memref<1x128x128xf32, #tpu.memory_space<vmem>> -> memref<128x128xf32, #tpu.memory_space<vmem>>
    %dma_start3A_343 = arith.constant 0 : i32
    %dma_start3A_344 = tpu.memref_slice %arg7[%dma_start3A_338, %dma_start3A_343] : memref<40x128xi32, #tpu.memory_space<vmem>> -> memref<1x128xi32, #tpu.memory_space<vmem>>
    %dma_start3A_345 = tpu.memref_squeeze %dma_start3A_344 : memref<1x128xi32, #tpu.memory_space<vmem>> -> memref<128xi32, #tpu.memory_space<vmem>>
    %dma_start3A_346 = arith.constant 0 : i32
    %dma_start3A_347 = arith.constant 0 : i32
    %dma_start3A_348 = tpu.memref_slice %arg5[%dma_start3A_346, %dma_start3A_347] : memref<10240x128xf32, #tpu.memory_space<vmem_shared>> -> memref<10240x128xf32, #tpu.memory_space<vmem_shared>>
    tpu.enqueue_indirect_dma source(%dma_start3A_342 : memref<128x128xf32, #tpu.memory_space<vmem>>) target(%dma_start3A_348 : memref<10240x128xf32, #tpu.memory_space<vmem_shared>>) offsets(%dma_start3A_345 : memref<128xi32, #tpu.memory_space<vmem>>) semaphore(%arg11 : memref<!tpu.dma_semaphore, #tpu.memory_space<semaphore_mem>>) {add = true}
    %dma_wait3A_349 = arith.constant 1 : i32
    %dma_wait3A_350 = arith.constant 0 : i32
    %dma_wait3A_351 = arith.constant 0 : i32
    %dma_wait3A_352 = arith.constant 0 : i32
    %dma_wait3A_353 = tpu.memref_slice %arg8[%dma_wait3A_349, %dma_wait3A_351, %dma_wait3A_352] : memref<2x128x128xf32, #tpu.memory_space<vmem>> -> memref<1x128x128xf32, #tpu.memory_space<vmem>>
    %dma_wait3A_354 = tpu.memref_squeeze %dma_wait3A_353 : memref<1x128x128xf32, #tpu.memory_space<vmem>> -> memref<128x128xf32, #tpu.memory_space<vmem>>
    %dma_wait3A_355 = arith.constant 0 : i32
    %dma_wait3A_356 = tpu.memref_slice %arg7[%dma_wait3A_350, %dma_wait3A_355] : memref<40x128xi32, #tpu.memory_space<vmem>> -> memref<1x128xi32, #tpu.memory_space<vmem>>
    %dma_wait3A_357 = tpu.memref_squeeze %dma_wait3A_356 : memref<1x128xi32, #tpu.memory_space<vmem>> -> memref<128xi32, #tpu.memory_space<vmem>>
    %dma_wait3A_358 = arith.constant 0 : i32
    %dma_wait3A_359 = arith.constant 0 : i32
    %dma_wait3A_360 = tpu.memref_slice %arg5[%dma_wait3A_358, %dma_wait3A_359] : memref<10240x128xf32, #tpu.memory_space<vmem_shared>> -> memref<10240x128xf32, #tpu.memory_space<vmem_shared>>
    tpu.wait_indirect_dma semaphore(%arg12 : memref<!tpu.dma_semaphore, #tpu.memory_space<semaphore_mem>>) src(%dma_wait3A_354 : memref<128x128xf32, #tpu.memory_space<vmem>>) dst(%dma_wait3A_360 : memref<10240x128xf32, #tpu.memory_space<vmem_shared>>)
    %dma_start3A_361 = arith.constant 39 : i32
    %dma_start3A_362 = arith.constant 1 : i32
    %dma_start3A_363 = arith.constant 0 : i32
    %dma_start3A_364 = arith.constant 0 : i32
    %dma_start3A_365 = tpu.memref_slice %arg8[%dma_start3A_362, %dma_start3A_363, %dma_start3A_364] : memref<2x128x128xf32, #tpu.memory_space<vmem>> -> memref<1x128x128xf32, #tpu.memory_space<vmem>>
    %dma_start3A_366 = tpu.memref_squeeze %dma_start3A_365 : memref<1x128x128xf32, #tpu.memory_space<vmem>> -> memref<128x128xf32, #tpu.memory_space<vmem>>
    %dma_start3A_367 = arith.constant 0 : i32
    %dma_start3A_368 = tpu.memref_slice %arg6[%dma_start3A_361, %dma_start3A_367] : memref<40x128xi32, #tpu.memory_space<vmem>> -> memref<1x128xi32, #tpu.memory_space<vmem>>
    %dma_start3A_369 = tpu.memref_squeeze %dma_start3A_368 : memref<1x128xi32, #tpu.memory_space<vmem>> -> memref<128xi32, #tpu.memory_space<vmem>>
    %dma_start3A_370 = arith.constant 0 : i32
    %dma_start3A_371 = arith.constant 0 : i32
    %dma_start3A_372 = tpu.memref_slice %arg2[%dma_start3A_370, %dma_start3A_371] : memref<10240x128xf32, #tpu.memory_space<hbm>> -> memref<10240x128xf32, #tpu.memory_space<hbm>>
    tpu.enqueue_indirect_dma source(%dma_start3A_372 : memref<10240x128xf32, #tpu.memory_space<hbm>>) target(%dma_start3A_366 : memref<128x128xf32, #tpu.memory_space<vmem>>) offsets(%dma_start3A_369 : memref<128xi32, #tpu.memory_space<vmem>>) semaphore(%arg10 : memref<!tpu.dma_semaphore, #tpu.memory_space<semaphore_mem>>)
    %dma_wait3A_373 = arith.constant 39 : i32
    %dma_wait3A_374 = arith.constant 1 : i32
    %dma_wait3A_375 = arith.constant 0 : i32
    %dma_wait3A_376 = arith.constant 0 : i32
    %dma_wait3A_377 = tpu.memref_slice %arg8[%dma_wait3A_374, %dma_wait3A_375, %dma_wait3A_376] : memref<2x128x128xf32, #tpu.memory_space<vmem>> -> memref<1x128x128xf32, #tpu.memory_space<vmem>>
    %dma_wait3A_378 = tpu.memref_squeeze %dma_wait3A_377 : memref<1x128x128xf32, #tpu.memory_space<vmem>> -> memref<128x128xf32, #tpu.memory_space<vmem>>
    %dma_wait3A_379 = arith.constant 0 : i32
    %dma_wait3A_380 = tpu.memref_slice %arg6[%dma_wait3A_373, %dma_wait3A_379] : memref<40x128xi32, #tpu.memory_space<vmem>> -> memref<1x128xi32, #tpu.memory_space<vmem>>
    %dma_wait3A_381 = tpu.memref_squeeze %dma_wait3A_380 : memref<1x128xi32, #tpu.memory_space<vmem>> -> memref<128xi32, #tpu.memory_space<vmem>>
    %dma_wait3A_382 = arith.constant 0 : i32
    %dma_wait3A_383 = arith.constant 0 : i32
    %dma_wait3A_384 = tpu.memref_slice %arg2[%dma_wait3A_382, %dma_wait3A_383] : memref<10240x128xf32, #tpu.memory_space<hbm>> -> memref<10240x128xf32, #tpu.memory_space<hbm>>
    tpu.wait_indirect_dma semaphore(%arg10 : memref<!tpu.dma_semaphore, #tpu.memory_space<semaphore_mem>>) src(%dma_wait3A_384 : memref<10240x128xf32, #tpu.memory_space<hbm>>) dst(%dma_wait3A_378 : memref<128x128xf32, #tpu.memory_space<vmem>>)
    %dma_start3A_385 = arith.constant 1 : i32
    %dma_start3A_386 = arith.constant 39 : i32
    %dma_start3A_387 = arith.constant 0 : i32
    %dma_start3A_388 = arith.constant 0 : i32
    %dma_start3A_389 = tpu.memref_slice %arg8[%dma_start3A_385, %dma_start3A_387, %dma_start3A_388] : memref<2x128x128xf32, #tpu.memory_space<vmem>> -> memref<1x128x128xf32, #tpu.memory_space<vmem>>
    %dma_start3A_390 = tpu.memref_squeeze %dma_start3A_389 : memref<1x128x128xf32, #tpu.memory_space<vmem>> -> memref<128x128xf32, #tpu.memory_space<vmem>>
    %dma_start3A_391 = arith.constant 0 : i32
    %dma_start3A_392 = tpu.memref_slice %arg7[%dma_start3A_386, %dma_start3A_391] : memref<40x128xi32, #tpu.memory_space<vmem>> -> memref<1x128xi32, #tpu.memory_space<vmem>>
    %dma_start3A_393 = tpu.memref_squeeze %dma_start3A_392 : memref<1x128xi32, #tpu.memory_space<vmem>> -> memref<128xi32, #tpu.memory_space<vmem>>
    %dma_start3A_394 = arith.constant 0 : i32
    %dma_start3A_395 = arith.constant 0 : i32
    %dma_start3A_396 = tpu.memref_slice %arg5[%dma_start3A_394, %dma_start3A_395] : memref<10240x128xf32, #tpu.memory_space<vmem_shared>> -> memref<10240x128xf32, #tpu.memory_space<vmem_shared>>
    tpu.enqueue_indirect_dma source(%dma_start3A_390 : memref<128x128xf32, #tpu.memory_space<vmem>>) target(%dma_start3A_396 : memref<10240x128xf32, #tpu.memory_space<vmem_shared>>) offsets(%dma_start3A_393 : memref<128xi32, #tpu.memory_space<vmem>>) semaphore(%arg12 : memref<!tpu.dma_semaphore, #tpu.memory_space<semaphore_mem>>) {add = true}
    %dma_wait3A_397 = arith.constant 0 : i32
    %dma_wait3A_398 = arith.constant 0 : i32
    %dma_wait3A_399 = arith.constant 0 : i32
    %dma_wait3A_400 = arith.constant 0 : i32
    %dma_wait3A_401 = tpu.memref_slice %arg8[%dma_wait3A_397, %dma_wait3A_399, %dma_wait3A_400] : memref<2x128x128xf32, #tpu.memory_space<vmem>> -> memref<1x128x128xf32, #tpu.memory_space<vmem>>
    %dma_wait3A_402 = tpu.memref_squeeze %dma_wait3A_401 : memref<1x128x128xf32, #tpu.memory_space<vmem>> -> memref<128x128xf32, #tpu.memory_space<vmem>>
    %dma_wait3A_403 = arith.constant 0 : i32
    %dma_wait3A_404 = tpu.memref_slice %arg7[%dma_wait3A_398, %dma_wait3A_403] : memref<40x128xi32, #tpu.memory_space<vmem>> -> memref<1x128xi32, #tpu.memory_space<vmem>>
    %dma_wait3A_405 = tpu.memref_squeeze %dma_wait3A_404 : memref<1x128xi32, #tpu.memory_space<vmem>> -> memref<128xi32, #tpu.memory_space<vmem>>
    %dma_wait3A_406 = arith.constant 0 : i32
    %dma_wait3A_407 = arith.constant 0 : i32
    %dma_wait3A_408 = tpu.memref_slice %arg5[%dma_wait3A_406, %dma_wait3A_407] : memref<10240x128xf32, #tpu.memory_space<vmem_shared>> -> memref<10240x128xf32, #tpu.memory_space<vmem_shared>>
    tpu.wait_indirect_dma semaphore(%arg11 : memref<!tpu.dma_semaphore, #tpu.memory_space<semaphore_mem>>) src(%dma_wait3A_402 : memref<128x128xf32, #tpu.memory_space<vmem>>) dst(%dma_wait3A_408 : memref<10240x128xf32, #tpu.memory_space<vmem_shared>>)
    %dma_wait3A_409 = arith.constant 1 : i32
    %dma_wait3A_410 = arith.constant 0 : i32
    %dma_wait3A_411 = arith.constant 0 : i32
    %dma_wait3A_412 = arith.constant 0 : i32
    %dma_wait3A_413 = tpu.memref_slice %arg8[%dma_wait3A_409, %dma_wait3A_411, %dma_wait3A_412] : memref<2x128x128xf32, #tpu.memory_space<vmem>> -> memref<1x128x128xf32, #tpu.memory_space<vmem>>
    %dma_wait3A_414 = tpu.memref_squeeze %dma_wait3A_413 : memref<1x128x128xf32, #tpu.memory_space<vmem>> -> memref<128x128xf32, #tpu.memory_space<vmem>>
    %dma_wait3A_415 = arith.constant 0 : i32
    %dma_wait3A_416 = tpu.memref_slice %arg7[%dma_wait3A_410, %dma_wait3A_415] : memref<40x128xi32, #tpu.memory_space<vmem>> -> memref<1x128xi32, #tpu.memory_space<vmem>>
    %dma_wait3A_417 = tpu.memref_squeeze %dma_wait3A_416 : memref<1x128xi32, #tpu.memory_space<vmem>> -> memref<128xi32, #tpu.memory_space<vmem>>
    %dma_wait3A_418 = arith.constant 0 : i32
    %dma_wait3A_419 = arith.constant 0 : i32
    %dma_wait3A_420 = tpu.memref_slice %arg5[%dma_wait3A_418, %dma_wait3A_419] : memref<10240x128xf32, #tpu.memory_space<vmem_shared>> -> memref<10240x128xf32, #tpu.memory_space<vmem_shared>>
    tpu.wait_indirect_dma semaphore(%arg12 : memref<!tpu.dma_semaphore, #tpu.memory_space<semaphore_mem>>) src(%dma_wait3A_414 : memref<128x128xf32, #tpu.memory_space<vmem>>) dst(%dma_wait3A_420 : memref<10240x128xf32, #tpu.memory_space<vmem_shared>>)
    %barrier3A_421 = arith.constant 0 : index
    tpu.barrier barrier_id(%barrier3A_421)
    "tpu.region"() ({
      %run_scoped3A_422 = tpu.sem_alloc : memref<!tpu.dma_semaphore, #tpu.memory_space<semaphore_mem>>
      %dma_start3A_423 = arith.constant 0 : i32
      %dma_start3A_424 = tpu.memref_slice %arg4[%arg0, %mul3A_8, %dma_start3A_423] : memref<2x10240x128xf32, #tpu.memory_space<hbm>> -> memref<1x640x128xf32, #tpu.memory_space<hbm>>
      %dma_start3A_425 = tpu.memref_squeeze %dma_start3A_424 : memref<1x640x128xf32, #tpu.memory_space<hbm>> -> memref<640x128xf32, #tpu.memory_space<hbm>>
      %dma_start3A_426 = arith.constant 0 : i32
      %dma_start3A_427 = tpu.memref_slice %arg5[%mul3A_8, %dma_start3A_426] : memref<10240x128xf32, #tpu.memory_space<vmem_shared>> -> memref<640x128xf32, #tpu.memory_space<vmem_shared>>
      tpu.enqueue_dma source(%dma_start3A_427 : memref<640x128xf32, #tpu.memory_space<vmem_shared>>) target(%dma_start3A_425 : memref<640x128xf32, #tpu.memory_space<hbm>>) target_semaphore(%run_scoped3A_422 : memref<!tpu.dma_semaphore, #tpu.memory_space<semaphore_mem>>)
      %dma_wait3A_428 = arith.constant 0 : i32
      %dma_wait3A_429 = tpu.memref_slice %arg4[%arg0, %mul3A_8, %dma_wait3A_428] : memref<2x10240x128xf32, #tpu.memory_space<hbm>> -> memref<1x640x128xf32, #tpu.memory_space<hbm>>
      %dma_wait3A_430 = tpu.memref_squeeze %dma_wait3A_429 : memref<1x640x128xf32, #tpu.memory_space<hbm>> -> memref<640x128xf32, #tpu.memory_space<hbm>>
      %dma_wait3A_431 = arith.constant 0 : i32
      %dma_wait3A_432 = tpu.memref_slice %arg5[%mul3A_8, %dma_wait3A_431] : memref<10240x128xf32, #tpu.memory_space<vmem_shared>> -> memref<640x128xf32, #tpu.memory_space<vmem_shared>>
      tpu.wait_dma2 semaphore(%run_scoped3A_422 : memref<!tpu.dma_semaphore, #tpu.memory_space<semaphore_mem>>) src(%dma_wait3A_432 : memref<640x128xf32, #tpu.memory_space<vmem_shared>>) dst(%dma_wait3A_430 : memref<640x128xf32, #tpu.memory_space<hbm>>)
      tpu.yield
    }) : () -> ()
    return
  }
}

module attributes {stable_mosaic.version = 14 : i64} {
  func.func @mm1_body(%arg0: i32, %arg1: memref<1024x128xf32, #tpu.memory_space<vmem>>, %arg2: memref<128x128xf32, #tpu.memory_space<vmem>>, %arg3: memref<32x1024xf32, #tpu.memory_space<vmem>>, %arg4: memref<1024x128xf32, #tpu.memory_space<vmem>>) attributes {dimension_semantics = [#tpu.dimension_semantics<arbitrary>], iteration_bounds = array<i64: 10>, scalar_prefetch = 0 : i64, scratch_operands = 0 : i64, tpu.core_type = #tpu.core_type<tc>, window_params = [{transform_indices = @transform_0, window_bounds = array<i64: 1024, 128>}, {pipeline_mode = #tpu.pipeline_mode<synchronous>, transform_indices = @transform_1, window_bounds = array<i64: 128, 128>}, {transform_indices = @transform_2, window_bounds = array<i64: 32, 1024>}, {transform_indices = @transform_3, window_bounds = array<i64: 1024, 128>}]} {
    %mul3A = arith.constant 1024 : i32
    %mul3A_0 = arith.muli %arg0, %mul3A : i32
    %get3A = arith.constant 0 : index
    %get3A_1 = arith.constant 0 : index
    %get3A_2 = vector.load %arg3[%get3A, %get3A_1] : memref<32x1024xf32, #tpu.memory_space<vmem>>, vector<32x1024xf32>
    %reduce_sum3A = arith.constant dense<0.000000e+00> : vector<1024xf32>
    %reduce_sum3A_3 = vector.multi_reduction <add>, %get3A_2, %reduce_sum3A [0] : vector<32x1024xf32> to vector<1024xf32>
    %add3A = arith.constant 1.000000e+00 : f32
    %add3A_4 = vector.broadcast %add3A : f32 to vector<1024xf32>
    %add3A_5 = arith.addf %reduce_sum3A_3, %add3A_4 : vector<1024xf32>
    %rsqrt3A = math.rsqrt %add3A_5 : vector<1024xf32>
    %iota3A = tpu.iota {dimensions = array<i32: 1>} : vector<1x1024xi32>
    %iota3A_6 = vector.shape_cast %iota3A : vector<1x1024xi32> to vector<1024xi32>
    %add3A_7 = vector.broadcast %mul3A_0 : i32 to vector<1024xi32>
    %add3A_8 = arith.addi %iota3A_6, %add3A_7 : vector<1024xi32>
    %lt3A = arith.constant 10000 : i32
    %lt3A_9 = vector.broadcast %lt3A : i32 to vector<1024xi32>
    %lt3A_10 = arith.cmpi slt, %add3A_8, %lt3A_9 : vector<1024xi32>
    %jit3A = arith.constant 0.000000e+00 : f32
    %broadcast_in_dim3A = vector.broadcast %jit3A : f32 to vector<1024xf32>
    %select_n3A = arith.select %lt3A_10, %rsqrt3A, %broadcast_in_dim3A : vector<1024xi1>, vector<1024xf32>
    %broadcast_in_dim3A_11 = vector.shape_cast %select_n3A : vector<1024xf32> to vector<1024x1xf32>
    %get3A_12 = arith.constant 0 : index
    %get3A_13 = arith.constant 0 : index
    %get3A_14 = vector.load %arg1[%get3A_12, %get3A_13] : memref<1024x128xf32, #tpu.memory_space<vmem>>, vector<1024x128xf32>
    %get3A_15 = arith.constant 0 : index
    %get3A_16 = arith.constant 0 : index
    %get3A_17 = vector.load %arg2[%get3A_15, %get3A_16] : memref<128x128xf32, #tpu.memory_space<vmem>>, vector<128x128xf32>
    %dot_general3A = arith.constant dense<0.000000e+00> : vector<1024x128xf32>
    %dot_general3A_18 = tpu.matmul %get3A_14, %get3A_17, %dot_general3A {dimension_numbers = #tpu.dot_dimension_numbers<[1], [0], [0], [1], [0, 0, 1, 1], [], []>, transpose_lhs_hint = false} : vector<1024x128xf32>, vector<128x128xf32>, vector<1024x128xf32> -> vector<1024x128xf32>
    %mul3A_19 = vector.broadcast %broadcast_in_dim3A_11 : vector<1024x1xf32> to vector<1024x128xf32>
    %mul3A_20 = arith.mulf %dot_general3A_18, %mul3A_19 : vector<1024x128xf32>
    %swap3A = arith.constant 0 : index
    %swap3A_21 = arith.constant 0 : index
    %swap3A_22 = vector.load %arg4[%swap3A, %swap3A_21] : memref<1024x128xf32, #tpu.memory_space<vmem>>, vector<1024x128xf32>
    tpu.vector_store %arg4[%swap3A, %swap3A_21], %mul3A_20 {strides = array<i32>} : memref<1024x128xf32, #tpu.memory_space<vmem>>, vector<1024x128xf32>,
    return
  }
  func.func @transform_0(%arg0: i32) -> (i32, i32) {
    %c0_i32 = arith.constant 0 : i32
    %c0_i32_0 = arith.constant 0 : i32
    return %arg0, %c0_i32 : i32, i32
  }
  func.func @transform_1(%arg0: i32) -> (i32, i32) {
    %c0_i32 = arith.constant 0 : i32
    %c0_i32_0 = arith.constant 0 : i32
    %c0_i32_1 = arith.constant 0 : i32
    return %c0_i32, %c0_i32_0 : i32, i32
  }
  func.func @transform_2(%arg0: i32) -> (i32, i32) {
    %c0_i32 = arith.constant 0 : i32
    %c0_i32_0 = arith.constant 0 : i32
    return %c0_i32, %arg0 : i32, i32
  }
  func.func @transform_3(%arg0: i32) -> (i32, i32) {
    %c0_i32 = arith.constant 0 : i32
    %c0_i32_0 = arith.constant 0 : i32
    return %arg0, %c0_i32 : i32, i32
  }
}

module attributes {stable_mosaic.version = 14 : i64} {
  func.func @mid_body(%arg0: i32, %arg1: memref<2x1024x128xf32, #tpu.memory_space<vmem>>, %arg2: memref<1024x128xf32, #tpu.memory_space<vmem>>, %arg3: memref<32x1024xf32, #tpu.memory_space<vmem>>, %arg4: memref<1x128xf32, #tpu.memory_space<vmem>>, %arg5: memref<128x128xf32, #tpu.memory_space<vmem>>, %arg6: memref<1024x128xf32, #tpu.memory_space<vmem>>) attributes {dimension_semantics = [#tpu.dimension_semantics<arbitrary>], iteration_bounds = array<i64: 10>, scalar_prefetch = 0 : i64, scratch_operands = 0 : i64, tpu.core_type = #tpu.core_type<tc>, window_params = [{transform_indices = @transform_0, window_bounds = array<i64: 2, 1024, 128>}, {transform_indices = @transform_1, window_bounds = array<i64: 1024, 128>}, {transform_indices = @transform_2, window_bounds = array<i64: 32, 1024>}, {pipeline_mode = #tpu.pipeline_mode<synchronous>, transform_indices = @transform_3, window_bounds = array<i64: 1, 128>}, {pipeline_mode = #tpu.pipeline_mode<synchronous>, transform_indices = @transform_4, window_bounds = array<i64: 128, 128>}, {transform_indices = @transform_5, window_bounds = array<i64: 1024, 128>}]} {
    %mul3A = arith.constant 1024 : i32
    %mul3A_0 = arith.muli %arg0, %mul3A : i32
    %get3A = arith.constant 0 : index
    %get3A_1 = arith.constant 0 : index
    %get3A_2 = vector.load %arg3[%get3A, %get3A_1] : memref<32x1024xf32, #tpu.memory_space<vmem>>, vector<32x1024xf32>
    %reduce_sum3A = arith.constant dense<0.000000e+00> : vector<1024xf32>
    %reduce_sum3A_3 = vector.multi_reduction <add>, %get3A_2, %reduce_sum3A [0] : vector<32x1024xf32> to vector<1024xf32>
    %add3A = arith.constant 1.000000e+00 : f32
    %add3A_4 = vector.broadcast %add3A : f32 to vector<1024xf32>
    %add3A_5 = arith.addf %reduce_sum3A_3, %add3A_4 : vector<1024xf32>
    %rsqrt3A = math.rsqrt %add3A_5 : vector<1024xf32>
    %iota3A = tpu.iota {dimensions = array<i32: 1>} : vector<1x1024xi32>
    %iota3A_6 = vector.shape_cast %iota3A : vector<1x1024xi32> to vector<1024xi32>
    %add3A_7 = vector.broadcast %mul3A_0 : i32 to vector<1024xi32>
    %add3A_8 = arith.addi %iota3A_6, %add3A_7 : vector<1024xi32>
    %lt3A = arith.constant 10000 : i32
    %lt3A_9 = vector.broadcast %lt3A : i32 to vector<1024xi32>
    %lt3A_10 = arith.cmpi slt, %add3A_8, %lt3A_9 : vector<1024xi32>
    %jit3A = arith.constant 0.000000e+00 : f32
    %broadcast_in_dim3A = vector.broadcast %jit3A : f32 to vector<1024xf32>
    %select_n3A = arith.select %lt3A_10, %rsqrt3A, %broadcast_in_dim3A : vector<1024xi1>, vector<1024xf32>
    %broadcast_in_dim3A_11 = vector.shape_cast %select_n3A : vector<1024xf32> to vector<1024x1xf32>
    %get3A_12 = arith.constant 0 : index
    %get3A_13 = arith.constant 0 : index
    %get3A_14 = arith.constant 0 : index
    %get3A_15 = vector.load %arg1[%get3A_12, %get3A_13, %get3A_14] : memref<2x1024x128xf32, #tpu.memory_space<vmem>>, vector<1x1024x128xf32>
    %get3A_16 = vector.shape_cast %get3A_15 : vector<1x1024x128xf32> to vector<1024x128xf32>
    %get3A_17 = arith.constant 1 : index
    %get3A_18 = arith.constant 0 : index
    %get3A_19 = arith.constant 0 : index
    %get3A_20 = vector.load %arg1[%get3A_17, %get3A_18, %get3A_19] : memref<2x1024x128xf32, #tpu.memory_space<vmem>>, vector<1x1024x128xf32>
    %get3A_21 = vector.shape_cast %get3A_20 : vector<1x1024x128xf32> to vector<1024x128xf32>
    %add3A_22 = arith.addf %get3A_16, %get3A_21 : vector<1024x128xf32>
    %get3A_23 = arith.constant 0 : index
    %get3A_24 = arith.constant 0 : index
    %get3A_25 = vector.load %arg2[%get3A_23, %get3A_24] : memref<1024x128xf32, #tpu.memory_space<vmem>>, vector<1024x128xf32>
    %add3A_26 = arith.addf %add3A_22, %get3A_25 : vector<1024x128xf32>
    %mul3A_27 = vector.broadcast %broadcast_in_dim3A_11 : vector<1024x1xf32> to vector<1024x128xf32>
    %mul3A_28 = arith.mulf %add3A_26, %mul3A_27 : vector<1024x128xf32>
    %get3A_29 = arith.constant 0 : index
    %get3A_30 = arith.constant 0 : index
    %get3A_31 = vector.load %arg4[%get3A_29, %get3A_30] : memref<1x128xf32, #tpu.memory_space<vmem>>, vector<1x128xf32>
    %add3A_32 = vector.broadcast %get3A_31 : vector<1x128xf32> to vector<1024x128xf32>
    %add3A_33 = arith.addf %mul3A_28, %add3A_32 : vector<1024x128xf32>
    %mul3A_34 = arith.mulf %add3A_33, %add3A_33 : vector<1024x128xf32>
    %reduce_sum3A_35 = arith.constant dense<0.000000e+00> : vector<1024xf32>
    %reduce_sum3A_36 = vector.multi_reduction <add>, %mul3A_34, %reduce_sum3A_35 [1] : vector<1024x128xf32> to vector<1024xf32>
    %broadcast_in_dim3A_37 = vector.shape_cast %reduce_sum3A_36 : vector<1024xf32> to vector<1024x1xf32>
    %sqrt3A = math.sqrt %broadcast_in_dim3A_37 : vector<1024x1xf32>
    %max3A = arith.constant 9.99999996E-13 : f32
    %max3A_38 = vector.broadcast %max3A : f32 to vector<1024x1xf32>
    %max3A_39 = arith.maximumf %sqrt3A, %max3A_38 : vector<1024x1xf32>
    %div3A = vector.broadcast %max3A_39 : vector<1024x1xf32> to vector<1024x128xf32>
    %div3A_40 = arith.divf %add3A_33, %div3A : vector<1024x128xf32>
    %max3A_41 = arith.constant 0.000000e+00 : f32
    %max3A_42 = vector.broadcast %max3A_41 : f32 to vector<1024x128xf32>
    %max3A_43 = arith.maximumf %div3A_40, %max3A_42 : vector<1024x128xf32>
    %get3A_44 = arith.constant 0 : index
    %get3A_45 = arith.constant 0 : index
    %get3A_46 = vector.load %arg5[%get3A_44, %get3A_45] : memref<128x128xf32, #tpu.memory_space<vmem>>, vector<128x128xf32>
    %dot_general3A = arith.constant dense<0.000000e+00> : vector<1024x128xf32>
    %dot_general3A_47 = tpu.matmul %max3A_43, %get3A_46, %dot_general3A {dimension_numbers = #tpu.dot_dimension_numbers<[1], [0], [0], [1], [0, 0, 1, 1], [], []>, transpose_lhs_hint = false} : vector<1024x128xf32>, vector<128x128xf32>, vector<1024x128xf32> -> vector<1024x128xf32>
    %mul3A_48 = vector.broadcast %broadcast_in_dim3A_11 : vector<1024x1xf32> to vector<1024x128xf32>
    %mul3A_49 = arith.mulf %dot_general3A_47, %mul3A_48 : vector<1024x128xf32>
    %swap3A = arith.constant 0 : index
    %swap3A_50 = arith.constant 0 : index
    %swap3A_51 = vector.load %arg6[%swap3A, %swap3A_50] : memref<1024x128xf32, #tpu.memory_space<vmem>>, vector<1024x128xf32>
    tpu.vector_store %arg6[%swap3A, %swap3A_50], %mul3A_49 {strides = array<i32>} : memref<1024x128xf32, #tpu.memory_space<vmem>>, vector<1024x128xf32>,
    return
  }
  func.func @transform_0(%arg0: i32) -> (i32, i32, i32) {
    %c0_i32 = arith.constant 0 : i32
    %c0_i32_0 = arith.constant 0 : i32
    %c0_i32_1 = arith.constant 0 : i32
    return %c0_i32, %arg0, %c0_i32_0 : i32, i32, i32
  }
  func.func @transform_1(%arg0: i32) -> (i32, i32) {
    %c0_i32 = arith.constant 0 : i32
    %c0_i32_0 = arith.constant 0 : i32
    return %arg0, %c0_i32 : i32, i32
  }
  func.func @transform_2(%arg0: i32) -> (i32, i32) {
    %c0_i32 = arith.constant 0 : i32
    %c0_i32_0 = arith.constant 0 : i32
    return %c0_i32, %arg0 : i32, i32
  }
  func.func @transform_3(%arg0: i32) -> (i32, i32) {
    %c0_i32 = arith.constant 0 : i32
    %c0_i32_0 = arith.constant 0 : i32
    %c0_i32_1 = arith.constant 0 : i32
    return %c0_i32, %c0_i32_0 : i32, i32
  }
  func.func @transform_4(%arg0: i32) -> (i32, i32) {
    %c0_i32 = arith.constant 0 : i32
    %c0_i32_0 = arith.constant 0 : i32
    %c0_i32_1 = arith.constant 0 : i32
    return %c0_i32, %c0_i32_0 : i32, i32
  }
  func.func @transform_5(%arg0: i32) -> (i32, i32) {
    %c0_i32 = arith.constant 0 : i32
    %c0_i32_0 = arith.constant 0 : i32
    return %arg0, %c0_i32 : i32, i32
  }
}

module attributes {stable_mosaic.version = 14 : i64} {
  func.func @fin_body(%arg0: i32, %arg1: memref<2x1024x128xf32, #tpu.memory_space<vmem>>, %arg2: memref<1024x128xf32, #tpu.memory_space<vmem>>, %arg3: memref<32x1024xf32, #tpu.memory_space<vmem>>, %arg4: memref<1x128xf32, #tpu.memory_space<vmem>>, %arg5: memref<1024x128xf32, #tpu.memory_space<vmem>>) attributes {dimension_semantics = [#tpu.dimension_semantics<arbitrary>], iteration_bounds = array<i64: 10>, scalar_prefetch = 0 : i64, scratch_operands = 0 : i64, tpu.core_type = #tpu.core_type<tc>, window_params = [{transform_indices = @transform_0, window_bounds = array<i64: 2, 1024, 128>}, {transform_indices = @transform_1, window_bounds = array<i64: 1024, 128>}, {transform_indices = @transform_2, window_bounds = array<i64: 32, 1024>}, {pipeline_mode = #tpu.pipeline_mode<synchronous>, transform_indices = @transform_3, window_bounds = array<i64: 1, 128>}, {transform_indices = @transform_4, window_bounds = array<i64: 1024, 128>}]} {
    %get3A = arith.constant 0 : index
    %get3A_0 = arith.constant 0 : index
    %get3A_1 = vector.load %arg3[%get3A, %get3A_0] : memref<32x1024xf32, #tpu.memory_space<vmem>>, vector<32x1024xf32>
    %reduce_sum3A = arith.constant dense<0.000000e+00> : vector<1024xf32>
    %reduce_sum3A_2 = vector.multi_reduction <add>, %get3A_1, %reduce_sum3A [0] : vector<32x1024xf32> to vector<1024xf32>
    %add3A = arith.constant 1.000000e+00 : f32
    %add3A_3 = vector.broadcast %add3A : f32 to vector<1024xf32>
    %add3A_4 = arith.addf %reduce_sum3A_2, %add3A_3 : vector<1024xf32>
    %rsqrt3A = math.rsqrt %add3A_4 : vector<1024xf32>
    %broadcast_in_dim3A = vector.shape_cast %rsqrt3A : vector<1024xf32> to vector<1024x1xf32>
    %get3A_5 = arith.constant 0 : index
    %get3A_6 = arith.constant 0 : index
    %get3A_7 = arith.constant 0 : index
    %get3A_8 = vector.load %arg1[%get3A_5, %get3A_6, %get3A_7] : memref<2x1024x128xf32, #tpu.memory_space<vmem>>, vector<1x1024x128xf32>
    %get3A_9 = vector.shape_cast %get3A_8 : vector<1x1024x128xf32> to vector<1024x128xf32>
    %get3A_10 = arith.constant 1 : index
    %get3A_11 = arith.constant 0 : index
    %get3A_12 = arith.constant 0 : index
    %get3A_13 = vector.load %arg1[%get3A_10, %get3A_11, %get3A_12] : memref<2x1024x128xf32, #tpu.memory_space<vmem>>, vector<1x1024x128xf32>
    %get3A_14 = vector.shape_cast %get3A_13 : vector<1x1024x128xf32> to vector<1024x128xf32>
    %add3A_15 = arith.addf %get3A_9, %get3A_14 : vector<1024x128xf32>
    %get3A_16 = arith.constant 0 : index
    %get3A_17 = arith.constant 0 : index
    %get3A_18 = vector.load %arg2[%get3A_16, %get3A_17] : memref<1024x128xf32, #tpu.memory_space<vmem>>, vector<1024x128xf32>
    %add3A_19 = arith.addf %add3A_15, %get3A_18 : vector<1024x128xf32>
    %mul3A = vector.broadcast %broadcast_in_dim3A : vector<1024x1xf32> to vector<1024x128xf32>
    %mul3A_20 = arith.mulf %add3A_19, %mul3A : vector<1024x128xf32>
    %get3A_21 = arith.constant 0 : index
    %get3A_22 = arith.constant 0 : index
    %get3A_23 = vector.load %arg4[%get3A_21, %get3A_22] : memref<1x128xf32, #tpu.memory_space<vmem>>, vector<1x128xf32>
    %add3A_24 = vector.broadcast %get3A_23 : vector<1x128xf32> to vector<1024x128xf32>
    %add3A_25 = arith.addf %mul3A_20, %add3A_24 : vector<1024x128xf32>
    %swap3A = arith.constant 0 : index
    %swap3A_26 = arith.constant 0 : index
    %swap3A_27 = vector.load %arg5[%swap3A, %swap3A_26] : memref<1024x128xf32, #tpu.memory_space<vmem>>, vector<1024x128xf32>
    tpu.vector_store %arg5[%swap3A, %swap3A_26], %add3A_25 {strides = array<i32>} : memref<1024x128xf32, #tpu.memory_space<vmem>>, vector<1024x128xf32>,
    return
  }
  func.func @transform_0(%arg0: i32) -> (i32, i32, i32) {
    %c0_i32 = arith.constant 0 : i32
    %c0_i32_0 = arith.constant 0 : i32
    %c0_i32_1 = arith.constant 0 : i32
    return %c0_i32, %arg0, %c0_i32_0 : i32, i32, i32
  }
  func.func @transform_1(%arg0: i32) -> (i32, i32) {
    %c0_i32 = arith.constant 0 : i32
    %c0_i32_0 = arith.constant 0 : i32
    return %arg0, %c0_i32 : i32, i32
  }
  func.func @transform_2(%arg0: i32) -> (i32, i32) {
    %c0_i32 = arith.constant 0 : i32
    %c0_i32_0 = arith.constant 0 : i32
    return %c0_i32, %arg0 : i32, i32
  }
  func.func @transform_3(%arg0: i32) -> (i32, i32) {
    %c0_i32 = arith.constant 0 : i32
    %c0_i32_0 = arith.constant 0 : i32
    %c0_i32_1 = arith.constant 0 : i32
    return %c0_i32, %c0_i32_0 : i32, i32
  }
  func.func @transform_4(%arg0: i32) -> (i32, i32) {
    %c0_i32 = arith.constant 0 : i32
    %c0_i32_0 = arith.constant 0 : i32
    return %arg0, %c0_i32 : i32, i32
  }
}

</mosaic_0001>

<sc_bundles>
// kernel: kernel.10.cloned.1.call-start
scs
__scs_entry_jumppad:
0x0: {  	(pc) =	sbr.rel $0x88, $3  }
0x1: {  	(tag) =	ssettag $0x0;
	lr =	simm.s32 $0x1  }
0x2: {  	[smem:$0x3F99] =	sst lr;
	_ =	strace $0xD0000000  }
0x3: {  	_ = 	snop  }
0x4: {  	_ = 	snop  }
0x5: {  	_ = 	snop  }
0x6: {  	_ = 	snop  }
0x7: {  	_ = 	snop  }
__scs_overlays_trampoline_lowered:
0x8: {  	[smem:$0x3FA8] =	sst s0  }
0x9: {  	[smem:$0x3FA9] =	sst s1  }
0xa: {  	[smem:$0x3FAA] =	sst s2  }
0xb: {  	[smem:$0x3FAB] =	sst s3  }
0xc: {  	[smem:$0x3FAC] =	sst s4  }
0xd: {  	[smem:$0x3FAD] =	sst s5  }
0xe: {  	[smem:$0x3FAE] =	sst s6  }
0xf: {  	[smem:$0x3FAF] =	sst s7  }
0x10: {  	[smem:$0x3FB0] =	sst s8  }
0x11: {  	[smem:$0x3FB1] =	sst s9;
	s0 =	simm.s32 @!p0 $0x0  }
0x12: {  	s1 =	sld [smem:$0x3F97];
	s0 =	simm.s32 @p0 $0x1  }
0x13: {  	[smem:$0x3FB2] =	sst s0;
	s0 =	simm.s32 @!p1 $0x0  }
0x14: {  	s2 =	sld [smem:$0x3F96];
	s0 =	simm.s32 @p1 $0x1  }
0x15: {  	[smem:$0x3FB3] =	sst s0;
	s0 =	simm.s32 @!p2 $0x0  }
0x16: {  	s3 =	sld [smem:$0x3FDB];
	s0 =	simm.s32 @p2 $0x1  }
0x17: {  	s4 =	simm.s32 $0x1BF5;
	[smem:$0x3FB5] =	sst s0  }
0x18: {  	s0 =	sld [smem:$0x3F98];
	_ =	swait.ge [sflag:s4], $0x0  }
0x19: {  	s7 =	sld [smem:$0x3F99]  }
0x1a: {  	s8 =	sadd.s32 $0xFFFFE003, lr  }
0x1b: {  	s9 =	sadd.s32 $0xFFFFFEF7, lr;
	s5 =	simm.s32 $0xFFFFFFFF;
	p2 =	slt.u32 s8, $0xFFFFF086  }
0x1c: {  	p1 =	slt.u32 s9, $0xF7A;
	s5 =	simm.s32 @!p2 $0x0  }
0x1d: {  	s5 =	simm.s32 @p1 $0x1;
	p0 =	seq.s32 s7, s2  }
0x1e: {  	s7 =	smul.u32 @!p0 $0xF7A, s2;
	p2 =	seq.s32 @!p0 s5, $0x0  }
0x1f: {  	s9 =	smul.u32 $0xF7A, s1;
	s8 =	simm.s32 @!p0 $0x1BF5;
	p2 =	por !p2, p0  }
0x20: {  	[sflag:s8] =	ssyncset.s32 @!p0 $0xFFFFF086;
	s6 =	sadd.s32 @!p0 s3, s7;
	s7 =	simm.s32 @!p0 $0x108  }
0x21: {  	s3 =	sadd.s32 s3, s9;
	s6 =	sadd.s32 @!p0 $0x88, s6;
	s7 =	simm.s32 @p2 $0x1082  }
0x22: {  	[simem:s7], [sflag:s8] =	dma.local @!p0 [hbm:s6], $0xF7A  }
0x23: {  	s9 =	sor.u32 $0xD0000000, s2;
	s6 =	simm.s32 $0x108;
	_ =	swait.ge @!p0 [sflag:s8], $0x0  }
0x24: {  	s3 =	sadd.s32 $0x88, s3;
	s6 =	simm.s32 @!p1 $0x1082;
	[sflag:s4] =	ssyncset.s32 $0xFFFFF086  }
0x25: {  	[simem:s6], [sflag:s4] =	dma.local [hbm:s3], $0xF7A  }
0x26: {  	[smem:$0x3F99] =	sst s1;
	(tag) =	ssettag s2;
	_ =	strace s9  }
0x27: {  	s1 =	sld [smem:$0x3FA9]  }
0x28: {  	s2 =	sld [smem:$0x3FAA]  }
0x29: {  	s4 =	sld [smem:$0x3FAC]  }
0x2a: {  	p0 =	seq.s32 s5, $0x0;
	s5 =	sld [smem:$0x3FAD]  }
0x2b: {  	s6 =	sld [smem:$0x3FAE]  }
0x2c: {  	s7 =	sld [smem:$0x3FAF]  }
0x2d: {  	s3 =	simm.s32 $0x108;
	s8 =	sld [smem:$0x3FB0]  }
0x2e: {  	s3 =	simm.s32 @!p0 $0x1082;
	s9 =	sld [smem:$0x3FB1]  }
0x2f: {  	lr =	sadd.s32 s0, s3;
	s0 =	sld [smem:$0x3FA8]  }
0x30: {  	s3 =	sld [smem:$0x3FAB]  }
0x31: {  	[smem:$0x3FB4] =	sst s10  }
0x32: {  	s10 =	sld [smem:$0x3FB2];
	_ =	sdelay $0x3  }
0x33: {  	p0 =	seq.s32 s10, $0x1;
	s10 =	sld [smem:$0x3FB4];
	_ =	sdelay $0x3  }
0x34: {  	[smem:$0x3FB4] =	sst s10  }
0x35: {  	s10 =	sld [smem:$0x3FB3];
	_ =	sdelay $0x3  }
0x36: {  	p1 =	seq.s32 s10, $0x1;
	s10 =	sld [smem:$0x3FB4];
	_ =	sdelay $0x3  }
0x37: {  	[smem:$0x3FB4] =	sst s10  }
0x38: {  	s10 =	sld [smem:$0x3FB5]  }
0x39: {  	_ = 	snop;
	(pc) =	sbr.ind lr, $3  }
0x3a: {  	_ = 	snop  }
0x3b: {  	_ = 	snop  }
0x3c: {  	p2 =	seq.s32 s10, $0x1;
	s10 =	sld [smem:$0x3FB4]  }
0x3d: {  	_ =	shalt  }
0x3e: {  	_ =	shalt  }
0x3f: {  	_ =	shalt  }
0x40: {  	_ =	shalt  }
0x41: {  	_ =	shalt  }
0x42: {  	_ =	shalt  }
0x43: {  	_ =	shalt  }
0x44: {  	_ =	shalt  }
0x45: {  	_ =	shalt  }
0x46: {  	_ =	shalt  }
0x47: {  	_ =	shalt  }
0x48: {  	_ =	shalt  }
0x49: {  	_ =	shalt  }
0x4a: {  	_ =	shalt  }
0x4b: {  	_ =	shalt  }
0x4c: {  	_ =	shalt  }
0x4d: {  	_ =	shalt  }
0x4e: {  	_ =	shalt  }
0x4f: {  	_ =	shalt  }
0x50: {  	_ =	shalt  }
0x51: {  	_ =	shalt  }
0x52: {  	_ =	shalt  }
0x53: {  	_ =	shalt  }
0x54: {  	_ =	shalt  }
0x55: {  	_ =	shalt  }
0x56: {  	_ =	shalt  }
0x57: {  	_ =	shalt  }
0x58: {  	_ =	shalt  }
0x59: {  	_ =	shalt  }
0x5a: {  	_ =	shalt  }
0x5b: {  	_ =	shalt  }
0x5c: {  	_ =	shalt  }
0x5d: {  	_ =	shalt  }
0x5e: {  	_ =	shalt  }
0x5f: {  	_ =	shalt  }
0x60: {  	_ =	shalt  }
0x61: {  	_ =	shalt  }
0x62: {  	_ =	shalt  }
0x63: {  	_ =	shalt  }
0x64: {  	_ =	shalt  }
0x65: {  	_ =	shalt  }
0x66: {  	_ =	shalt  }
0x67: {  	_ =	shalt  }
0x68: {  	_ =	shalt  }
0x69: {  	_ =	shalt  }
0x6a: {  	_ =	shalt  }
0x6b: {  	_ =	shalt  }
0x6c: {  	_ =	shalt  }
0x6d: {  	_ =	shalt  }
0x6e: {  	_ =	shalt  }
0x6f: {  	_ =	shalt  }
0x70: {  	_ =	shalt  }
0x71: {  	_ =	shalt  }
0x72: {  	_ =	shalt  }
0x73: {  	_ =	shalt  }
0x74: {  	_ =	shalt  }
0x75: {  	_ =	shalt  }
0x76: {  	_ =	shalt  }
0x77: {  	_ =	shalt  }
0x78: {  	_ =	shalt  }
0x79: {  	_ =	shalt  }
0x7a: {  	_ =	shalt  }
0x7b: {  	_ =	shalt  }
0x7c: {  	_ =	shalt  }
0x7d: {  	_ =	shalt  }
0x7e: {  	_ =	shalt  }
0x7f: {  	_ =	shalt  }
0x80: {  	_ =	shalt  }
0x81: {  	_ =	shalt  }
0x82: {  	_ =	shalt  }
0x83: {  	_ =	shalt  }
0x84: {  	_ =	shalt  }
0x85: {  	_ =	shalt  }
0x86: {  	_ =	shalt  }
0x87: {  	_ =	shalt  }
.Lfunc_end0:
.L_simem_size_0:
called_computation_lowered:
.L_overlay_start_0:
0x88: {  	s2 =	sld [smem:$0x3FD9]  }
0x89: {  	s3 =	sld [smem:$0x3FFE];
	_ =	sdelay $0x1  }
0x8a: {  	s1 =	srdreg.scid  }
0x8b: {  	s0 =	sand.u32 $0x1, s1  }
0x8c: {  	s17 =	sshll.u32 s0, $0xA;
	s2 =	sadd.s32 s3, s2  }
0x8d: {  	s2 =	sadd.s32 s2, s17  }
0x8e: {  	[smem:$0x3FC0] =	sst s2  }
0x8f: {  	_ = 	snop  }
0x90: {  	s2 =	sld [smem:$0x3FD0];
	(tm) =	ssettm $0x1  }
0x91: {  	s18 =	sld [smem:$0x3FFB];
	_ =	sdelay $0x3  }
0x92: {  	_ =	strace s18  }
0x93: {  	s3 =	sld [smem:$0x3FFC];
	_ =	sdelay $0x3  }
0x94: {  	_ =	strace s3  }
0x95: {  	s3 =	sld [smem:$0x3FFD];
	_ =	sdelay $0x3  }
0x96: {  	_ =	strace s3  }
0x97: {  	_ =	strace $0x8FFFFFFF  }
0x98: {  	s19 =	sld [smem:$0x3FDB];
	_ =	sdelay $0x1  }
0x99: {  	s4 =	simm.s32 $_scs_section_size  }
0x9a: {  	s5 =	simm.s32 $_size__tile_overlayer_lowered;
	s6 =	simm.s32 $_tile_overlayer_lowered  }
0x9b: {  	s22 =	simm.s32 $0x1BFF;
	s21 =	sshll.u32 s6, $0x1;
	s3 =	sadd.s32 s4, s19  }
0x9c: {  	s7 =	simm.s32 $0x0;
	s20 =	sshll.u32 s5, $0x1;
	s5 =	sadd.s32 s21, s3  }
0x9d: {  	[timem:s7], [sflag:s22] =	dma.local [hbm:s5], s20  }
0x9e: {  	_ =	swait.ge [sflag:s22], s20  }
0x9f: {  	s4 =	ssub.s32 $0x0, s20;
	[sflag:s22] =	ssyncset.done $0x0  }
0xa0: {  	[sflag:s22] =	ssyncadd.s32 s4;
	_ =	sdelay $0x1  }
0xa1: {  	s23 =	simm.s32 $0x1B8B  }
0xa2: {  	_ =	swait.ge [sflag:s23], $0x1  }
0xa3: {  	[sflag:s23] =	ssyncset.done $0x0  }
0xa4: {  	s25 =	simm.s32 $0x1B8E;
	s24 =	sld [smem:$0x3FFE];
	[sflag:s23] =	ssyncadd.s32 $0xFFFFFFFF  }
0xa5: {  	s26 =	simm.s32 $execute0_lowered;
	[smem:$0x3FD2] =	sst s25  }
0xa6: {  	s5 =	sshll.u32 s26, $0x1;
	_ =	strace $0x80000046;
	[dreg:$0x1] =	wrdreg $0xFFFFFFFF  }
0xa7: {  	s28 =	simm.s32 $_size_execute0_lowered;
	s3 =	sadd.s32 s3, s5;
	[dreg:$0x0] =	wrdreg $0x0  }
0xa8: {  	s5 =	sshll.u32 s28, $0x1;
	[dreg:$0x2] =	wrdreg s3  }
0xa9: {  	[dreg:$0x3] =	wrdreg s5  }
0xaa: {  	[dreg:$0x4] =	wrdreg $0xC0  }
0xab: {  	_ =	task [dreg:s7], $0x5FFFF  }
0xac: {  	[dreg:$0x1] =	wrdreg $0xFFFFFFFF  }
0xad: {  	[dreg:$0x0] =	wrdreg $0x60  }
0xae: {  	[dreg:$0x2] =	wrdreg s2  }
0xaf: {  	[dreg:$0x3] =	wrdreg s24  }
0xb0: {  	[dreg:$0x4] =	wrdreg $0x9  }
0xb1: {  	_ =	task.clear_ibuf [dreg:s7], $0x5FFFF;
	_ =	strace $0x90000046  }
0xb2: {  	s29 =	simm.s32 $0x9;
	_ =	strace $0x80000048  }
0xb3: {  	_ =	swait.ge [sflag:s29], $0x1  }
0xb4: {  	[sflag:s29] =	ssyncadd.s32 $0xFFFFFFFF  }
0xb5: {  	_ =	strace $0x90000048  }
0xb6: {  	_ =	sfence  }
0xb7: {  	s30 =	sld [smem:$0x0];
	_ =	sdelay $0x2  }
0xb8: {  	s31 =	sshll.u32 s1, $0xD;
	s1 =	sshrl.u32 s1, $0x2  }
0xb9: {  	s3 =	sand.u32 $0x4000, s31;
	s1 =	sadd.s32 s1, s30  }
0xba: {  	s0 =	sor.u32 s3, s0;
	s1 =	sshll.u32 s1, $0x11  }
0xbb: {  	s0 =	sor.u32 s1, s0  }
0xbc: {  	s0 =	sadd.s32 $0x8F2B, s0  }
0xbd: {  	[sflag:s0] =	ssyncadd.remote.s32 $0x1  }
0xbe: {  	_ =	sfence.sel $0xFFFF  }
0xbf: {  	[dreg:$0x0] =	wrdreg $0xFFFFFFFF;
	(pc) =	sbr.abs _section_cstart, $3  }
0xc0: {  	[dreg:$0x1] =	wrdreg $0xFFFFFFFF  }
0xc1: {  	_ =	task.clear_ibuf [dreg:s7], $0x2FFFF;
	_ =	strace $0x9FFFFFFF  }
0xc2: {  	(tm) =	ssettm $0x7FFFFFFF  }
0xc3: {  	_ =	shalt  }
tec
execute0_lowered:
.L_overlay_start_1:
0x0: {  	(tag) =	ssettag $0x1  }
0x1: {  	s0 =	srdreg.scid  }
0x2: {  	s3 =	sand.u32 $0x1, s0  }
0x3: {  	s0 =	stileid.u32;
	s1 =	sshll.u32 s3, $0x4  }
0x4: {  	s4 =	rddreg [dreg:$0x0];
	s6 =	sor.u32 s0, s1  }
0x5: {  	s5 =	rddreg [dreg:$0x1];
	s2 =	simm.s32 $0x0;
	s6 =	smul.u32 $0x2800, s6  }
0x6: {  	s8 =	simm.s32 $0x0;
	[smem:$0x7FF] =	sst s2;
	s3 =	ssub.s32 $0x2, s3  }
0x7: {  	s1 =	rddreg [dreg:$0x2];
	s7 =	sshrl.u32 s3, $0x1;
	s6 =	sshrl.u32 s6, $0x3  }
0x8: {  	_ =	strace $0x80000047;
	s7 =	ssub.s32 s3, s7;
	s31 =	sadd.s32 s4, s6  }
0x9: {  	s5 =	sadd.s32 s6, s5;
	s6 =	simm.s32 $0x1;
	s3 =	sadd.s32 $0xA000, s31  }
0xa: {  	v0 =	vimm.f32 $0.0e+00;
	v1 =	vimm.f32 $1.000000000e+00;
	s4 =	sadd.s32 $0x3000, s5;
	s5 =	smax.u32 s7, $0x1;
	s7 =	simm.s32 $0x2800  }
.LBB2_1:
0xb: {  	[tilespmem:s2], [sflag:$0x1] =	stream.linear.gather [hbm4b:s3+s2], $0x2800, $0x38;
	[tilespmem:$0x5000] =	vst v63  }
0xc: {  	_ =	swait.ge [sflag:s6], $0x2800  }
0xd: {  	[sflag:s6] =	ssyncset.done $0x0  }
0xe: {  	s9 =	simm.s32 $0x0;
	[sflag:s6] =	ssyncadd.s32 $0xFFFFD800  }
.LBB2_2:
0xf: {  	p0 =	sne.s32 s9, $0x9FC0  }
.Ltmp0:
0x10: {  	_ = 	snop;
	(pc) =	sbr.rel @p0 .LBB2_2-.Ltmp0, $3  }
0x11: {  	_ =	sdelay $0x1  }
0x12: {  	s10 =	sshra.s32 s9, $0x2  }
0x13: {  	s9 =	sadd.s32 $0x40, s9;
	[tilespmem:s10+$0x2800] =	vst v0  }
0x14: {  	s9 =	simm.s32 $0x0  }
.LBB2_4:
0x15: {  	s10 =	sshra.s32 s9, $0x2  }
0x16: {  	v2 =	vld [tilespmem:s10+$0x0];
	_ =	sdelay $0x7  }
0x17: {  	[tilespmem:v2+s7+$0x0] =	vst.idx.add.f32.msk $0xffff, v1  }
0x18: {  	v2 =	vld [tilespmem:s10+$0x10];
	_ =	sdelay $0x7  }
0x19: {  	[tilespmem:v2+s7+$0x0] =	vst.idx.add.f32.msk $0xffff, v1  }
0x1a: {  	v2 =	vld [tilespmem:s10+$0x20];
	_ =	sdelay $0x7  }
0x1b: {  	[tilespmem:v2+s7+$0x0] =	vst.idx.add.f32.msk $0xffff, v1  }
0x1c: {  	v2 =	vld [tilespmem:s10+$0x30];
	_ =	sdelay $0x7  }
0x1d: {  	[tilespmem:v2+s7+$0x0] =	vst.idx.add.f32.msk $0xffff, v1  }
0x1e: {  	v2 =	vld [tilespmem:s10+$0x40];
	_ =	sdelay $0x7  }
0x1f: {  	[tilespmem:v2+s7+$0x0] =	vst.idx.add.f32.msk $0xffff, v1  }
0x20: {  	v2 =	vld [tilespmem:s10+$0x50];
	_ =	sdelay $0x7  }
0x21: {  	[tilespmem:v2+s7+$0x0] =	vst.idx.add.f32.msk $0xffff, v1  }
0x22: {  	v2 =	vld [tilespmem:s10+$0x60];
	_ =	sdelay $0x7  }
0x23: {  	[tilespmem:v2+s7+$0x0] =	vst.idx.add.f32.msk $0xffff, v1  }
0x24: {  	v2 =	vld [tilespmem:s10+$0x70];
	_ =	sdelay $0x2  }
0x25: {  	p0 =	sne.s32 s9, $0x9E00  }
.Ltmp1:
0x26: {  	_ = 	snop;
	(pc) =	sbr.rel @p0 .LBB2_4-.Ltmp1, $2  }
0x27: {  	_ =	sdelay $0x2  }
0x28: {  	s9 =	sadd.s32 $0x200, s9;
	[tilespmem:v2+s7+$0x0] =	vst.idx.add.f32.msk $0xffff, v1  }
0x29: {  	s8 =	sadd.s32 $0x1, s8  }
0x2a: {  	p0 =	sne.s32 s8, s5  }
.Ltmp2:
0x2b: {  	_ = 	snop;
	(pc) =	sbr.rel @p0 .LBB2_1-.Ltmp2, $4  }
0x2c: {  	[hbm4b:s4+s2] =	stream.linear.scatter [tilespmem:s7], [sflag:$0x1], $0x2800, $0x38;
	[tilespmem:$0x5000] =	vst v63  }
0x2d: {  	_ =	swait.ge [sflag:s6], $0x2800  }
0x2e: {  	[sflag:s6] =	ssyncset.done $0x0  }
0x2f: {  	[sflag:s6] =	ssyncadd.s32 $0xFFFFD800  }
0x30: {  	_ =	sfence.sel $0x180000  }
0x31: {  	[bflag:$0x0] =	sbarrier.arrive $0xFFFF  }
0x32: {  	p0 =	sne.s32 s0, $0x0;
	_ =	strace $0x90000047  }
0x33: {  	s0 =	sadd.s32 @!p0 $0x100000, s1;
	[bflag:$0x2] =	sbarrier.arrive $0xFFFF  }
0x34: {  	[sflag:s0] =	ssyncadd.tile.s32 @!p0 $0x1;
	_ =	shalt  }
.Lfunc_end2:
_tile_overlayer_lowered:
.L_overlay_start_2:
0x35: {  	(tag) =	ssettag $0x2  }
0x36: {  	s0 =	rddreg [dreg:$0x0];
	s2 =	stileid.u32  }
0x37: {  	s1 =	rddreg [dreg:$0x1];
	p0 =	sne.s32 s2, $0x0  }
0x38: {  	s3 =	rddreg [dreg:$0x2];
	[bflag:$0x3] =	sbarrier.arrive $0xFFFF;
	s2 =	simm.s32 @!p0 $0x1C01  }
0x39: {  	[timem:s3], [sflag:s2] =	dma.local @!p0 [hbm:s0], s1  }
0x3a: {  	s0 =	simm.s32 @!p0 $0x1  }
0x3b: {  	_ =	swait.ge @!p0 [sflag:s0], s1  }
0x3c: {  	s1 =	ssub.s32 @!p0 $0x0, s1;
	[sflag:s0] =	ssyncset.done @!p0 $0x0  }
0x3d: {  	[sflag:s0] =	ssyncadd.s32 @!p0 s1  }
0x3e: {  	[bflag:$0x3] =	sbarrier.arrive $0xFFFF  }
0x3f: {  	_ =	shalt  }

// kernel: kernel.13.cloned.1.call-start
scs
__scs_entry_jumppad:
0x0: {  	(pc) =	sbr.rel $0x88, $3  }
0x1: {  	(tag) =	ssettag $0x0;
	lr =	simm.s32 $0x1  }
0x2: {  	[smem:$0x3F99] =	sst lr;
	_ =	strace $0xD0000000  }
0x3: {  	_ = 	snop  }
0x4: {  	_ = 	snop  }
0x5: {  	_ = 	snop  }
0x6: {  	_ = 	snop  }
0x7: {  	_ = 	snop  }
__scs_overlays_trampoline_lowered:
0x8: {  	[smem:$0x3FA8] =	sst s0  }
0x9: {  	[smem:$0x3FA9] =	sst s1  }
0xa: {  	[smem:$0x3FAA] =	sst s2  }
0xb: {  	[smem:$0x3FAB] =	sst s3  }
0xc: {  	[smem:$0x3FAC] =	sst s4  }
0xd: {  	[smem:$0x3FAD] =	sst s5  }
0xe: {  	[smem:$0x3FAE] =	sst s6  }
0xf: {  	[smem:$0x3FAF] =	sst s7  }
0x10: {  	[smem:$0x3FB0] =	sst s8  }
0x11: {  	[smem:$0x3FB1] =	sst s9;
	s0 =	simm.s32 @!p0 $0x0  }
0x12: {  	s1 =	sld [smem:$0x3F97];
	s0 =	simm.s32 @p0 $0x1  }
0x13: {  	[smem:$0x3FB2] =	sst s0;
	s0 =	simm.s32 @!p1 $0x0  }
0x14: {  	s2 =	sld [smem:$0x3F96];
	s0 =	simm.s32 @p1 $0x1  }
0x15: {  	[smem:$0x3FB3] =	sst s0;
	s0 =	simm.s32 @!p2 $0x0  }
0x16: {  	s3 =	sld [smem:$0x3FDB];
	s0 =	simm.s32 @p2 $0x1  }
0x17: {  	s4 =	simm.s32 $0x1BF5;
	[smem:$0x3FB5] =	sst s0  }
0x18: {  	s0 =	sld [smem:$0x3F98];
	_ =	swait.ge [sflag:s4], $0x0  }
0x19: {  	s7 =	sld [smem:$0x3F99]  }
0x1a: {  	s8 =	sadd.s32 $0xFFFFE003, lr  }
0x1b: {  	s9 =	sadd.s32 $0xFFFFFEF7, lr;
	s5 =	simm.s32 $0xFFFFFFFF;
	p2 =	slt.u32 s8, $0xFFFFF086  }
0x1c: {  	p1 =	slt.u32 s9, $0xF7A;
	s5 =	simm.s32 @!p2 $0x0  }
0x1d: {  	s5 =	simm.s32 @p1 $0x1;
	p0 =	seq.s32 s7, s2  }
0x1e: {  	s7 =	smul.u32 @!p0 $0xF7A, s2;
	p2 =	seq.s32 @!p0 s5, $0x0  }
0x1f: {  	s9 =	smul.u32 $0xF7A, s1;
	s8 =	simm.s32 @!p0 $0x1BF5;
	p2 =	por !p2, p0  }
0x20: {  	[sflag:s8] =	ssyncset.s32 @!p0 $0xFFFFF086;
	s6 =	sadd.s32 @!p0 s3, s7;
	s7 =	simm.s32 @!p0 $0x108  }
0x21: {  	s3 =	sadd.s32 s3, s9;
	s6 =	sadd.s32 @!p0 $0x88, s6;
	s7 =	simm.s32 @p2 $0x1082  }
0x22: {  	[simem:s7], [sflag:s8] =	dma.local @!p0 [hbm:s6], $0xF7A  }
0x23: {  	s9 =	sor.u32 $0xD0000000, s2;
	s6 =	simm.s32 $0x108;
	_ =	swait.ge @!p0 [sflag:s8], $0x0  }
0x24: {  	s3 =	sadd.s32 $0x88, s3;
	s6 =	simm.s32 @!p1 $0x1082;
	[sflag:s4] =	ssyncset.s32 $0xFFFFF086  }
0x25: {  	[simem:s6], [sflag:s4] =	dma.local [hbm:s3], $0xF7A  }
0x26: {  	[smem:$0x3F99] =	sst s1;
	(tag) =	ssettag s2;
	_ =	strace s9  }
0x27: {  	s1 =	sld [smem:$0x3FA9]  }
0x28: {  	s2 =	sld [smem:$0x3FAA]  }
0x29: {  	s4 =	sld [smem:$0x3FAC]  }
0x2a: {  	p0 =	seq.s32 s5, $0x0;
	s5 =	sld [smem:$0x3FAD]  }
0x2b: {  	s6 =	sld [smem:$0x3FAE]  }
0x2c: {  	s7 =	sld [smem:$0x3FAF]  }
0x2d: {  	s3 =	simm.s32 $0x108;
	s8 =	sld [smem:$0x3FB0]  }
0x2e: {  	s3 =	simm.s32 @!p0 $0x1082;
	s9 =	sld [smem:$0x3FB1]  }
0x2f: {  	lr =	sadd.s32 s0, s3;
	s0 =	sld [smem:$0x3FA8]  }
0x30: {  	s3 =	sld [smem:$0x3FAB]  }
0x31: {  	[smem:$0x3FB4] =	sst s10  }
0x32: {  	s10 =	sld [smem:$0x3FB2];
	_ =	sdelay $0x3  }
0x33: {  	p0 =	seq.s32 s10, $0x1;
	s10 =	sld [smem:$0x3FB4];
	_ =	sdelay $0x3  }
0x34: {  	[smem:$0x3FB4] =	sst s10  }
0x35: {  	s10 =	sld [smem:$0x3FB3];
	_ =	sdelay $0x3  }
0x36: {  	p1 =	seq.s32 s10, $0x1;
	s10 =	sld [smem:$0x3FB4];
	_ =	sdelay $0x3  }
0x37: {  	[smem:$0x3FB4] =	sst s10  }
0x38: {  	s10 =	sld [smem:$0x3FB5]  }
0x39: {  	_ = 	snop;
	(pc) =	sbr.ind lr, $3  }
0x3a: {  	_ = 	snop  }
0x3b: {  	_ = 	snop  }
0x3c: {  	p2 =	seq.s32 s10, $0x1;
	s10 =	sld [smem:$0x3FB4]  }
0x3d: {  	_ =	shalt  }
0x3e: {  	_ =	shalt  }
0x3f: {  	_ =	shalt  }
0x40: {  	_ =	shalt  }
0x41: {  	_ =	shalt  }
0x42: {  	_ =	shalt  }
0x43: {  	_ =	shalt  }
0x44: {  	_ =	shalt  }
0x45: {  	_ =	shalt  }
0x46: {  	_ =	shalt  }
0x47: {  	_ =	shalt  }
0x48: {  	_ =	shalt  }
0x49: {  	_ =	shalt  }
0x4a: {  	_ =	shalt  }
0x4b: {  	_ =	shalt  }
0x4c: {  	_ =	shalt  }
0x4d: {  	_ =	shalt  }
0x4e: {  	_ =	shalt  }
0x4f: {  	_ =	shalt  }
0x50: {  	_ =	shalt  }
0x51: {  	_ =	shalt  }
0x52: {  	_ =	shalt  }
0x53: {  	_ =	shalt  }
0x54: {  	_ =	shalt  }
0x55: {  	_ =	shalt  }
0x56: {  	_ =	shalt  }
0x57: {  	_ =	shalt  }
0x58: {  	_ =	shalt  }
0x59: {  	_ =	shalt  }
0x5a: {  	_ =	shalt  }
0x5b: {  	_ =	shalt  }
0x5c: {  	_ =	shalt  }
0x5d: {  	_ =	shalt  }
0x5e: {  	_ =	shalt  }
0x5f: {  	_ =	shalt  }
0x60: {  	_ =	shalt  }
0x61: {  	_ =	shalt  }
0x62: {  	_ =	shalt  }
0x63: {  	_ =	shalt  }
0x64: {  	_ =	shalt  }
0x65: {  	_ =	shalt  }
0x66: {  	_ =	shalt  }
0x67: {  	_ =	shalt  }
0x68: {  	_ =	shalt  }
0x69: {  	_ =	shalt  }
0x6a: {  	_ =	shalt  }
0x6b: {  	_ =	shalt  }
0x6c: {  	_ =	shalt  }
0x6d: {  	_ =	shalt  }
0x6e: {  	_ =	shalt  }
0x6f: {  	_ =	shalt  }
0x70: {  	_ =	shalt  }
0x71: {  	_ =	shalt  }
0x72: {  	_ =	shalt  }
0x73: {  	_ =	shalt  }
0x74: {  	_ =	shalt  }
0x75: {  	_ =	shalt  }
0x76: {  	_ =	shalt  }
0x77: {  	_ =	shalt  }
0x78: {  	_ =	shalt  }
0x79: {  	_ =	shalt  }
0x7a: {  	_ =	shalt  }
0x7b: {  	_ =	shalt  }
0x7c: {  	_ =	shalt  }
0x7d: {  	_ =	shalt  }
0x7e: {  	_ =	shalt  }
0x7f: {  	_ =	shalt  }
0x80: {  	_ =	shalt  }
0x81: {  	_ =	shalt  }
0x82: {  	_ =	shalt  }
0x83: {  	_ =	shalt  }
0x84: {  	_ =	shalt  }
0x85: {  	_ =	shalt  }
0x86: {  	_ =	shalt  }
0x87: {  	_ =	shalt  }
.Lfunc_end0:
.L_simem_size_0:
called_computation.1_lowered:
.L_overlay_start_0:
0x88: {  	s2 =	sld [smem:$0x3FD9]  }
0x89: {  	s3 =	sld [smem:$0x3FFE];
	_ =	sdelay $0x1  }
0x8a: {  	s1 =	srdreg.scid  }
0x8b: {  	s0 =	sand.u32 $0x1, s1  }
0x8c: {  	s17 =	sshll.u32 s0, $0xA;
	s2 =	sadd.s32 s3, s2  }
0x8d: {  	s2 =	sadd.s32 s2, s17  }
0x8e: {  	[smem:$0x3FC0] =	sst s2  }
0x8f: {  	_ = 	snop  }
0x90: {  	s2 =	sld [smem:$0x3FD0];
	(tm) =	ssettm $0x1  }
0x91: {  	s18 =	sld [smem:$0x3FFB];
	_ =	sdelay $0x3  }
0x92: {  	_ =	strace s18  }
0x93: {  	s3 =	sld [smem:$0x3FFC];
	_ =	sdelay $0x3  }
0x94: {  	_ =	strace s3  }
0x95: {  	s3 =	sld [smem:$0x3FFD];
	_ =	sdelay $0x3  }
0x96: {  	_ =	strace s3  }
0x97: {  	_ =	strace $0x8FFFFFFF  }
0x98: {  	s19 =	sld [smem:$0x3FDB];
	_ =	sdelay $0x1  }
0x99: {  	s4 =	simm.s32 $_scs_section_size  }
0x9a: {  	s5 =	simm.s32 $_size__tile_overlayer_lowered;
	s6 =	simm.s32 $_tile_overlayer_lowered  }
0x9b: {  	s22 =	simm.s32 $0x1BFF;
	s21 =	sshll.u32 s6, $0x1;
	s3 =	sadd.s32 s4, s19  }
0x9c: {  	s7 =	simm.s32 $0x0;
	s20 =	sshll.u32 s5, $0x1;
	s5 =	sadd.s32 s21, s3  }
0x9d: {  	[timem:s7], [sflag:s22] =	dma.local [hbm:s5], s20  }
0x9e: {  	_ =	swait.ge [sflag:s22], s20  }
0x9f: {  	s4 =	ssub.s32 $0x0, s20;
	[sflag:s22] =	ssyncset.done $0x0  }
0xa0: {  	[sflag:s22] =	ssyncadd.s32 s4;
	_ =	sdelay $0x1  }
0xa1: {  	s23 =	simm.s32 $0x1B8B  }
0xa2: {  	_ =	swait.ge [sflag:s23], $0x1  }
0xa3: {  	[sflag:s23] =	ssyncset.done $0x0  }
0xa4: {  	s25 =	simm.s32 $0x1B8E;
	s24 =	sld [smem:$0x3FFE];
	[sflag:s23] =	ssyncadd.s32 $0xFFFFFFFF  }
0xa5: {  	s26 =	simm.s32 $execute0_lowered;
	[smem:$0x3FD2] =	sst s25  }
0xa6: {  	s5 =	sshll.u32 s26, $0x1;
	_ =	strace $0x80000049;
	[dreg:$0x1] =	wrdreg $0xFFFFFFFF  }
0xa7: {  	s28 =	simm.s32 $_size_execute0_lowered;
	s3 =	sadd.s32 s3, s5;
	[dreg:$0x0] =	wrdreg $0x0  }
0xa8: {  	s5 =	sshll.u32 s28, $0x1;
	[dreg:$0x2] =	wrdreg s3  }
0xa9: {  	[dreg:$0x3] =	wrdreg s5  }
0xaa: {  	[dreg:$0x4] =	wrdreg $0xC0  }
0xab: {  	_ =	task [dreg:s7], $0x5FFFF  }
0xac: {  	[dreg:$0x1] =	wrdreg $0xFFFFFFFF  }
0xad: {  	[dreg:$0x0] =	wrdreg $0x60  }
0xae: {  	[dreg:$0x2] =	wrdreg s24  }
0xaf: {  	[dreg:$0x3] =	wrdreg s2  }
0xb0: {  	[dreg:$0x4] =	wrdreg $0x0  }
0xb1: {  	[dreg:$0x5] =	wrdreg $0x9  }
0xb2: {  	_ =	task.clear_ibuf [dreg:s7], $0x6FFFF;
	_ =	strace $0x90000049  }
0xb3: {  	s29 =	simm.s32 $0x9;
	_ =	strace $0x8000004B  }
0xb4: {  	_ =	swait.ge [sflag:s29], $0x1  }
0xb5: {  	[sflag:s29] =	ssyncadd.s32 $0xFFFFFFFF  }
0xb6: {  	_ =	strace $0x9000004B  }
0xb7: {  	_ =	sfence  }
0xb8: {  	s30 =	sld [smem:$0x0];
	_ =	sdelay $0x2  }
0xb9: {  	s31 =	sshll.u32 s1, $0xD;
	s1 =	sshrl.u32 s1, $0x2  }
0xba: {  	s3 =	sand.u32 $0x4000, s31;
	s1 =	sadd.s32 s1, s30  }
0xbb: {  	s0 =	sor.u32 s3, s0;
	s1 =	sshll.u32 s1, $0x11  }
0xbc: {  	s0 =	sor.u32 s1, s0  }
0xbd: {  	s0 =	sadd.s32 $0x8F2B, s0  }
0xbe: {  	[sflag:s0] =	ssyncadd.remote.s32 $0x1  }
0xbf: {  	_ =	sfence.sel $0xFFFF  }
0xc0: {  	[dreg:$0x0] =	wrdreg $0xFFFFFFFF;
	(pc) =	sbr.abs _section_cstart, $3  }
0xc1: {  	[dreg:$0x1] =	wrdreg $0xFFFFFFFF  }
0xc2: {  	_ =	task.clear_ibuf [dreg:s7], $0x2FFFF;
	_ =	strace $0x9FFFFFFF  }
0xc3: {  	(tm) =	ssettm $0x7FFFFFFF  }
tec
execute0_lowered:
.L_overlay_start_1:
0x0: {  	(tag) =	ssettag $0x1  }
0x1: {  	s0 =	rddreg [dreg:$0x0]  }
0x2: {  	s2 =	rddreg [dreg:$0x1]  }
0x3: {  	s1 =	rddreg [dreg:$0x2];
	s3 =	srdreg.scid  }
0x4: {  	s9 =	stileid.u32;
	s16 =	simm.s32 $0x16800;
	s17 =	simm.s32 $0x5  }
0x5: {  	s18 =	simm.s32 $0x14000;
	s19 =	simm.s32 $0x15400;
	s20 =	simm.s32 $0x80  }
0x6: {  	s21 =	simm.s32 $0x1;
	s28 =	simm.s32 $0x14100;
	s29 =	simm.s32 $0x4  }
0x7: {  	s30 =	simm.s32 $0x16700;
	s31 =	simm.s32 $0x15380;
	s7 =	smul.u32 $0x14000, s9  }
0x8: {  	s5 =	sand.u32 $0x1, s3;
	s3 =	simm.s32 $0x0;
	s23 =	smul.u32 $0x50000, s9  }
0x9: {  	s4 =	sadd.s32 $0x3000, s0;
	s6 =	smul.u32 $0x140000, s5;
	[smem:$0x7FF] =	sst s3  }
0xa: {  	s8 =	sshll.u32 s5, $0x4;
	s5 =	ssub.s32 $0x2, s5;
	_ =	strace $0x8000004A  }
0xb: {  	s22 =	sor.u32 s9, s8;
	s24 =	sshrl.u32 s5, $0x1;
	s6 =	sadd.s32 s7, s6  }
0xc: {  	s8 =	sshrl.u32 s23, $0x2;
	s7 =	smul.u32 $0x2800, s22;
	s6 =	sshrl.u32 s6, $0x3  }
0xd: {  	s23 =	simm.s32 $0x1A800;
	s22 =	simm.s32 $0x14080;
	s0 =	sadd.s32 s6, s0  }
0xe: {  	s6 =	ssub.s32 s5, s24;
	s5 =	sadd.s32 s8, s1;
	s7 =	sshrl.u32 s7, $0x3  }
0xf: {  	s24 =	simm.s32 $0x2;
	s8 =	sadd.s32 $0x4000, s5;
	s25 =	sadd.s32 $0x8000, s5  }
0x10: {  	s26 =	sadd.s32 $0xC000, s5;
	s10 =	sadd.s32 $0x10000, s5;
	[dreg:$0x4] =	wrdreg s8  }
0x11: {  	s14 =	sadd.s32 $0x2B000, s0;
	s15 =	smax.u32 s6, $0x1;
	[dreg:$0x5] =	wrdreg s25  }
0x12: {  	s0 =	simm.s32 $0x16780;
	s8 =	sadd.s32 s2, s7;
	[dreg:$0x6] =	wrdreg s26  }
0x13: {  	s25 =	simm.s32 $0x15480;
	s26 =	simm.s32 $0x3;
	s2 =	simm.s32 $0x0  }
0x14: {  	v0 =	vimm.f32 $0.0e+00;
	s11 =	sadd.s32 $0xA000, s8;
	s12 =	sadd.s32 $0x280, s8;
	s13 =	sadd.s32 $0xA280, s8  }
.LBB2_1:
0x15: {  	s6 =	simm.s32 $0x0;
	s7 =	simm.s32 $0x200  }
.LBB2_2:
0x16: {  	p0 =	sne.s32 s7, $0xFE00;
	[tilespmem:s6+$0x16870] =	vst v0  }
0x17: {  	[tilespmem:s6+$0x16800] =	vst v0  }
0x18: {  	[tilespmem:s6+$0x16810] =	vst v0  }
.Ltmp0:
0x19: {  	[tilespmem:s6+$0x16820] =	vst v0;
	(pc) =	sbr.rel @p0 .LBB2_2-.Ltmp0, $4  }
0x1a: {  	[tilespmem:s6+$0x16830] =	vst v0  }
0x1b: {  	[tilespmem:s6+$0x16840] =	vst v0  }
0x1c: {  	[tilespmem:s6+$0x16850] =	vst v0  }
0x1d: {  	[tilespmem:s6+$0x16860] =	vst v0;
	s6 =	sshra.s32 s7, $0x2;
	s7 =	sadd.s32 $0x200, s7  }
0x1e: {  	[tilespmem:s6+$0x16870] =	vst v0  }
0x1f: {  	[tilespmem:s6+$0x16800] =	vst v0  }
0x20: {  	[tilespmem:s6+$0x16810] =	vst v0  }
0x21: {  	[tilespmem:s6+$0x16820] =	vst v0  }
0x22: {  	[tilespmem:s6+$0x16830] =	vst v0  }
0x23: {  	[tilespmem:s6+$0x16840] =	vst v0  }
0x24: {  	[tilespmem:s6+$0x16850] =	vst v0  }
0x25: {  	[tilespmem:s6+$0x16860] =	vst v0  }
0x26: {  	[spmem:s5] =	stream.linear.scatter [tilespmem:s16], [sflag:$0x5], $0x4000, $0x38;
	[tilespmem:$0x1E800] =	vst v63  }
0x27: {  	_ =	swait.ge [sflag:s17], $0x4000  }
0x28: {  	[sflag:s17] =	ssyncset.done $0x0  }
0x29: {  	s7 =	rddreg [dreg:$0x4];
	[sflag:s17] =	ssyncadd.s32 $0xFFFFC000  }
0x2a: {  	[spmem:s7] =	stream.linear.scatter [tilespmem:s16], [sflag:$0x5], $0x4000, $0x38;
	[tilespmem:$0x1E800] =	vst v63  }
0x2b: {  	_ =	swait.ge [sflag:s17], $0x4000  }
0x2c: {  	[sflag:s17] =	ssyncset.done $0x0  }
0x2d: {  	s9 =	rddreg [dreg:$0x5];
	[sflag:s17] =	ssyncadd.s32 $0xFFFFC000  }
0x2e: {  	[spmem:s9] =	stream.linear.scatter [tilespmem:s16], [sflag:$0x5], $0x4000, $0x38;
	[tilespmem:$0x1E800] =	vst v63  }
0x2f: {  	_ =	swait.ge [sflag:s17], $0x4000  }
0x30: {  	[sflag:s17] =	ssyncset.done $0x0  }
0x31: {  	s7 =	rddreg [dreg:$0x6];
	[sflag:s17] =	ssyncadd.s32 $0xFFFFC000  }
0x32: {  	[spmem:s7] =	stream.linear.scatter [tilespmem:s16], [sflag:$0x5], $0x4000, $0x38;
	[tilespmem:$0x1E800] =	vst v63  }
0x33: {  	_ =	swait.ge [sflag:s17], $0x4000  }
0x34: {  	[sflag:s17] =	ssyncset.done $0x0  }
0x35: {  	[sflag:s17] =	ssyncadd.s32 $0xFFFFC000  }
0x36: {  	[spmem:s10] =	stream.linear.scatter [tilespmem:s16], [sflag:$0x5], $0x4000, $0x38;
	[tilespmem:$0x1E800] =	vst v63  }
0x37: {  	_ =	swait.ge [sflag:s17], $0x4000  }
0x38: {  	[sflag:s17] =	ssyncset.done $0x0  }
0x39: {  	[sflag:s17] =	ssyncadd.s32 $0xFFFFC000  }
0x3a: {  	[bflag:$0x0] =	sbarrier.arrive $0xFFFF  }
0x3b: {  	[tilespmem:s18], [sflag:$0x5] =	stream.linear.gather [hbm4b:s8+s3], $0x1400, $0x38;
	[tilespmem:$0x1E800] =	vst v63  }
0x3c: {  	_ =	swait.ge [sflag:s17], $0x1400  }
0x3d: {  	[sflag:s17] =	ssyncset.done $0x0  }
0x3e: {  	[sflag:s17] =	ssyncadd.s32 $0xFFFFEC00  }
0x3f: {  	[tilespmem:s19], [sflag:$0x5] =	stream.linear.gather [hbm4b:s11+s3], $0x1400, $0x38;
	[tilespmem:$0x1E800] =	vst v63  }
0x40: {  	_ =	swait.ge [sflag:s17], $0x1400  }
0x41: {  	[sflag:s17] =	ssyncset.done $0x0  }
0x42: {  	[sflag:s17] =	ssyncadd.s32 $0xFFFFEC00  }
0x43: {  	[tilespmem:s16], [sflag:$0x1] =	stream.indirect.gather [hbm4b:s4+s20], $0x80, s18, s20, $0xb8;
	[tilespmem:$0x1E800] =	vst v63  }
0x44: {  	_ =	swait.ge [sflag:s21], $0x4000  }
0x45: {  	[sflag:s21] =	ssyncset.done $0x0  }
0x46: {  	[sflag:s21] =	ssyncadd.s32 $0xFFFFC000  }
0x47: {  	[spmem:s1] =	stream.indirect.scatter.add.f32 [tilespmem:s16], [sflag:$0x3], $0x80, s19, s20, $0xb8;
	[tilespmem:$0x1E800] =	vst v63  }
0x48: {  	_ = 	snop  }
0x49: {  	[tilespmem:s23], [sflag:$0x2] =	stream.indirect.gather [hbm4b:s4+s20], $0x80, s22, s20, $0xb8;
	[tilespmem:$0x1E800] =	vst v63  }
0x4a: {  	_ =	swait.ge [sflag:s24], $0x4000  }
0x4b: {  	[sflag:s24] =	ssyncset.done $0x0  }
0x4c: {  	[sflag:s24] =	ssyncadd.s32 $0xFFFFC000  }
0x4d: {  	[spmem:s1] =	stream.indirect.scatter.add.f32 [tilespmem:s23], [sflag:$0x4], $0x80, s25, s20, $0xb8;
	[tilespmem:$0x1E800] =	vst v63  }
0x4e: {  	_ =	swait.ge [sflag:s26], $0x4000  }
0x4f: {  	[sflag:s26] =	ssyncset.done $0x0  }
0x50: {  	[sflag:s26] =	ssyncadd.s32 $0xFFFFC000  }
0x51: {  	[tilespmem:s16], [sflag:$0x1] =	stream.indirect.gather [hbm4b:s4+s20], $0x80, s28, s20, $0xb8;
	[tilespmem:$0x1E800] =	vst v63  }
0x52: {  	_ =	swait.ge [sflag:s21], $0x4000  }
0x53: {  	[sflag:s21] =	ssyncset.done $0x0  }
0x54: {  	s9 =	simm.s32 $0x15500;
	[sflag:s21] =	ssyncadd.s32 $0xFFFFC000  }
0x55: {  	[spmem:s1] =	stream.indirect.scatter.add.f32 [tilespmem:s16], [sflag:$0x3], $0x80, s9, s20, $0xb8;
	[tilespmem:$0x1E800] =	vst v63  }
0x56: {  	_ =	swait.ge [sflag:s29], $0x4000  }
0x57: {  	[sflag:s29] =	ssyncset.done $0x0  }
0x58: {  	s7 =	simm.s32 $0x14180;
	[sflag:s29] =	ssyncadd.s32 $0xFFFFC000  }
0x59: {  	[tilespmem:s23], [sflag:$0x2] =	stream.indirect.gather [hbm4b:s4+s20], $0x80, s7, s20, $0xb8;
	[tilespmem:$0x1E800] =	vst v63  }
0x5a: {  	_ =	swait.ge [sflag:s24], $0x4000  }
0x5b: {  	[sflag:s24] =	ssyncset.done $0x0  }
0x5c: {  	s9 =	simm.s32 $0x15580;
	[sflag:s24] =	ssyncadd.s32 $0xFFFFC000  }
0x5d: {  	[spmem:s1] =	stream.indirect.scatter.add.f32 [tilespmem:s23], [sflag:$0x4], $0x80, s9, s20, $0xb8;
	[tilespmem:$0x1E800] =	vst v63  }
0x5e: {  	_ =	swait.ge [sflag:s26], $0x4000  }
0x5f: {  	[sflag:s26] =	ssyncset.done $0x0  }
0x60: {  	s6 =	simm.s32 $0xFFFFBC00;
	s7 =	simm.s32 $0x14200;
	[sflag:s26] =	ssyncadd.s32 $0xFFFFC000  }
.LBB2_4:
0x61: {  	[tilespmem:s16], [sflag:$0x1] =	stream.indirect.gather [hbm4b:s4+s20], $0x80, s7, s20, $0xb8;
	[tilespmem:$0x1E800] =	vst v63  }
0x62: {  	s7 =	smov.u32 s6  }
0x63: {  	p0 =	sne.s32 s6, $0xFFFFFC00;
	s6 =	sadd.s32 $0x400, s6;
	_ =	swait.ge [sflag:s21], $0x4000  }
0x64: {  	s7 =	sshra.s32 s7, $0x2;
	[sflag:s21] =	ssyncset.done $0x0  }
0x65: {  	s9 =	sadd.s32 $0x16700, s7;
	[sflag:s21] =	ssyncadd.s32 $0xFFFFC000  }
0x66: {  	[spmem:s1] =	stream.indirect.scatter.add.f32 [tilespmem:s16], [sflag:$0x3], $0x80, s9, s20, $0xb8;
	[tilespmem:$0x1E800] =	vst v63  }
0x67: {  	_ =	swait.ge [sflag:s29], $0x4000  }
0x68: {  	[sflag:s29] =	ssyncset.done $0x0  }
0x69: {  	s9 =	sadd.s32 $0x15380, s7;
	[sflag:s29] =	ssyncadd.s32 $0xFFFFC000  }
0x6a: {  	[tilespmem:s23], [sflag:$0x2] =	stream.indirect.gather [hbm4b:s4+s20], $0x80, s9, s20, $0xb8;
	[tilespmem:$0x1E800] =	vst v63  }
0x6b: {  	_ =	swait.ge [sflag:s24], $0x4000  }
0x6c: {  	[sflag:s24] =	ssyncset.done $0x0  }
.Ltmp1:
0x6d: {  	s9 =	sadd.s32 $0x16780, s7;
	[sflag:s24] =	ssyncadd.s32 $0xFFFFC000;
	(pc) =	sbr.rel @p0 .LBB2_4-.Ltmp1, $4  }
0x6e: {  	[spmem:s1] =	stream.indirect.scatter.add.f32 [tilespmem:s23], [sflag:$0x4], $0x80, s9, s20, $0xb8;
	[tilespmem:$0x1E800] =	vst v63  }
0x6f: {  	_ =	swait.ge [sflag:s26], $0x4000  }
0x70: {  	[sflag:s26] =	ssyncset.done $0x0  }
0x71: {  	s7 =	sadd.s32 $0x15400, s7;
	[sflag:s26] =	ssyncadd.s32 $0xFFFFC000  }
0x72: {  	[tilespmem:s16], [sflag:$0x1] =	stream.indirect.gather [hbm4b:s4+s20], $0x80, s7, s20, $0xb8;
	[tilespmem:$0x1E800] =	vst v63  }
0x73: {  	_ =	swait.ge [sflag:s21], $0x4000  }
0x74: {  	[sflag:s21] =	ssyncset.done $0x0  }
0x75: {  	[sflag:s21] =	ssyncadd.s32 $0xFFFFC000  }
0x76: {  	[spmem:s1] =	stream.indirect.scatter.add.f32 [tilespmem:s16], [sflag:$0x3], $0x80, s30, s20, $0xb8;
	[tilespmem:$0x1E800] =	vst v63  }
0x77: {  	_ =	swait.ge [sflag:s29], $0x4000  }
0x78: {  	[sflag:s29] =	ssyncset.done $0x0  }
0x79: {  	[sflag:s29] =	ssyncadd.s32 $0xFFFFC000  }
0x7a: {  	[tilespmem:s23], [sflag:$0x2] =	stream.indirect.gather [hbm4b:s4+s20], $0x80, s31, s20, $0xb8;
	[tilespmem:$0x1E800] =	vst v63  }
0x7b: {  	_ =	swait.ge [sflag:s24], $0x4000  }
0x7c: {  	[sflag:s24] =	ssyncset.done $0x0  }
0x7d: {  	[sflag:s24] =	ssyncadd.s32 $0xFFFFC000  }
0x7e: {  	[spmem:s1] =	stream.indirect.scatter.add.f32 [tilespmem:s23], [sflag:$0x4], $0x80, s0, s20, $0xb8;
	[tilespmem:$0x1E800] =	vst v63  }
0x7f: {  	_ =	swait.ge [sflag:s26], $0x4000  }
0x80: {  	[sflag:s26] =	ssyncset.done $0x0  }
0x81: {  	[sflag:s26] =	ssyncadd.s32 $0xFFFFC000  }
0x82: {  	_ =	swait.ge [sflag:s29], $0x4000  }
0x83: {  	[sflag:s29] =	ssyncset.done $0x0  }
0x84: {  	[sflag:s29] =	ssyncadd.s32 $0xFFFFC000  }
0x85: {  	[tilespmem:s18], [sflag:$0x5] =	stream.linear.gather [hbm4b:s12+s3], $0x1400, $0x38;
	[tilespmem:$0x1E800] =	vst v63  }
0x86: {  	_ =	swait.ge [sflag:s17], $0x1400  }
0x87: {  	[sflag:s17] =	ssyncset.done $0x0  }
0x88: {  	[sflag:s17] =	ssyncadd.s32 $0xFFFFEC00  }
0x89: {  	[tilespmem:s19], [sflag:$0x5] =	stream.linear.gather [hbm4b:s13+s3], $0x1400, $0x38;
	[tilespmem:$0x1E800] =	vst v63  }
0x8a: {  	_ =	swait.ge [sflag:s17], $0x1400  }
0x8b: {  	[sflag:s17] =	ssyncset.done $0x0  }
0x8c: {  	[sflag:s17] =	ssyncadd.s32 $0xFFFFEC00  }
0x8d: {  	[tilespmem:s16], [sflag:$0x1] =	stream.indirect.gather [hbm4b:s4+s20], $0x80, s18, s20, $0xb8;
	[tilespmem:$0x1E800] =	vst v63  }
0x8e: {  	_ =	swait.ge [sflag:s21], $0x4000  }
0x8f: {  	[sflag:s21] =	ssyncset.done $0x0  }
0x90: {  	[sflag:s21] =	ssyncadd.s32 $0xFFFFC000  }
0x91: {  	[spmem:s1] =	stream.indirect.scatter.add.f32 [tilespmem:s16], [sflag:$0x3], $0x80, s19, s20, $0xb8;
	[tilespmem:$0x1E800] =	vst v63  }
0x92: {  	_ = 	snop  }
0x93: {  	[tilespmem:s23], [sflag:$0x2] =	stream.indirect.gather [hbm4b:s4+s20], $0x80, s22, s20, $0xb8;
	[tilespmem:$0x1E800] =	vst v63  }
0x94: {  	_ =	swait.ge [sflag:s24], $0x4000  }
0x95: {  	[sflag:s24] =	ssyncset.done $0x0  }
0x96: {  	[sflag:s24] =	ssyncadd.s32 $0xFFFFC000  }
0x97: {  	[spmem:s1] =	stream.indirect.scatter.add.f32 [tilespmem:s23], [sflag:$0x4], $0x80, s25, s20, $0xb8;
	[tilespmem:$0x1E800] =	vst v63  }
0x98: {  	_ =	swait.ge [sflag:s26], $0x4000  }
0x99: {  	[sflag:s26] =	ssyncset.done $0x0  }
0x9a: {  	[sflag:s26] =	ssyncadd.s32 $0xFFFFC000  }
0x9b: {  	[tilespmem:s16], [sflag:$0x1] =	stream.indirect.gather [hbm4b:s4+s20], $0x80, s28, s20, $0xb8;
	[tilespmem:$0x1E800] =	vst v63  }
0x9c: {  	_ =	swait.ge [sflag:s21], $0x4000  }
0x9d: {  	[sflag:s21] =	ssyncset.done $0x0  }
0x9e: {  	s6 =	simm.s32 $0x15500;
	[sflag:s21] =	ssyncadd.s32 $0xFFFFC000  }
0x9f: {  	[spmem:s1] =	stream.indirect.scatter.add.f32 [tilespmem:s16], [sflag:$0x3], $0x80, s6, s20, $0xb8;
	[tilespmem:$0x1E800] =	vst v63  }
0xa0: {  	_ =	swait.ge [sflag:s29], $0x4000  }
0xa1: {  	[sflag:s29] =	ssyncset.done $0x0  }
0xa2: {  	s7 =	simm.s32 $0x14180;
	[sflag:s29] =	ssyncadd.s32 $0xFFFFC000  }
0xa3: {  	[tilespmem:s23], [sflag:$0x2] =	stream.indirect.gather [hbm4b:s4+s20], $0x80, s7, s20, $0xb8;
	[tilespmem:$0x1E800] =	vst v63  }
0xa4: {  	_ =	swait.ge [sflag:s24], $0x4000  }
0xa5: {  	[sflag:s24] =	ssyncset.done $0x0  }
0xa6: {  	s9 =	simm.s32 $0x15580;
	[sflag:s24] =	ssyncadd.s32 $0xFFFFC000  }
0xa7: {  	[spmem:s1] =	stream.indirect.scatter.add.f32 [tilespmem:s23], [sflag:$0x4], $0x80, s9, s20, $0xb8;
	[tilespmem:$0x1E800] =	vst v63  }
0xa8: {  	_ =	swait.ge [sflag:s26], $0x4000  }
0xa9: {  	[sflag:s26] =	ssyncset.done $0x0  }
0xaa: {  	s6 =	simm.s32 $0xFFFFBC00;
	s7 =	simm.s32 $0x14200;
	[sflag:s26] =	ssyncadd.s32 $0xFFFFC000  }
.LBB2_6:
0xab: {  	[tilespmem:s16], [sflag:$0x1] =	stream.indirect.gather [hbm4b:s4+s20], $0x80, s7, s20, $0xb8;
	[tilespmem:$0x1E800] =	vst v63  }
0xac: {  	s7 =	smov.u32 s6  }
0xad: {  	p0 =	sne.s32 s6, $0xFFFFFC00;
	s6 =	sadd.s32 $0x400, s6;
	_ =	swait.ge [sflag:s21], $0x4000  }
0xae: {  	s7 =	sshra.s32 s7, $0x2;
	[sflag:s21] =	ssyncset.done $0x0  }
0xaf: {  	s9 =	sadd.s32 $0x16700, s7;
	[sflag:s21] =	ssyncadd.s32 $0xFFFFC000  }
0xb0: {  	[spmem:s1] =	stream.indirect.scatter.add.f32 [tilespmem:s16], [sflag:$0x3], $0x80, s9, s20, $0xb8;
	[tilespmem:$0x1E800] =	vst v63  }
0xb1: {  	_ =	swait.ge [sflag:s29], $0x4000  }
0xb2: {  	[sflag:s29] =	ssyncset.done $0x0  }
0xb3: {  	s9 =	sadd.s32 $0x15380, s7;
	[sflag:s29] =	ssyncadd.s32 $0xFFFFC000  }
0xb4: {  	[tilespmem:s23], [sflag:$0x2] =	stream.indirect.gather [hbm4b:s4+s20], $0x80, s9, s20, $0xb8;
	[tilespmem:$0x1E800] =	vst v63  }
0xb5: {  	_ =	swait.ge [sflag:s24], $0x4000  }
0xb6: {  	[sflag:s24] =	ssyncset.done $0x0  }
.Ltmp2:
0xb7: {  	s9 =	sadd.s32 $0x16780, s7;
	[sflag:s24] =	ssyncadd.s32 $0xFFFFC000;
	(pc) =	sbr.rel @p0 .LBB2_6-.Ltmp2, $4  }
0xb8: {  	[spmem:s1] =	stream.indirect.scatter.add.f32 [tilespmem:s23], [sflag:$0x4], $0x80, s9, s20, $0xb8;
	[tilespmem:$0x1E800] =	vst v63  }
0xb9: {  	_ =	swait.ge [sflag:s26], $0x4000  }
0xba: {  	[sflag:s26] =	ssyncset.done $0x0  }
0xbb: {  	s7 =	sadd.s32 $0x15400, s7;
	[sflag:s26] =	ssyncadd.s32 $0xFFFFC000  }
0xbc: {  	[tilespmem:s16], [sflag:$0x1] =	stream.indirect.gather [hbm4b:s4+s20], $0x80, s7, s20, $0xb8;
	[tilespmem:$0x1E800] =	vst v63  }
0xbd: {  	_ =	swait.ge [sflag:s21], $0x4000  }
0xbe: {  	[sflag:s21] =	ssyncset.done $0x0  }
0xbf: {  	[sflag:s21] =	ssyncadd.s32 $0xFFFFC000  }
0xc0: {  	[spmem:s1] =	stream.indirect.scatter.add.f32 [tilespmem:s16], [sflag:$0x3], $0x80, s30, s20, $0xb8;
	[tilespmem:$0x1E800] =	vst v63  }
0xc1: {  	_ =	swait.ge [sflag:s29], $0x4000  }
0xc2: {  	[sflag:s29] =	ssyncset.done $0x0  }
0xc3: {  	[sflag:s29] =	ssyncadd.s32 $0xFFFFC000  }
0xc4: {  	[tilespmem:s23], [sflag:$0x2] =	stream.indirect.gather [hbm4b:s4+s20], $0x80, s31, s20, $0xb8;
	[tilespmem:$0x1E800] =	vst v63  }
0xc5: {  	_ =	swait.ge [sflag:s24], $0x4000  }
0xc6: {  	[sflag:s24] =	ssyncset.done $0x0  }
0xc7: {  	[sflag:s24] =	ssyncadd.s32 $0xFFFFC000  }
0xc8: {  	[spmem:s1] =	stream.indirect.scatter.add.f32 [tilespmem:s23], [sflag:$0x4], $0x80, s0, s20, $0xb8;
	[tilespmem:$0x1E800] =	vst v63  }
0xc9: {  	_ =	swait.ge [sflag:s26], $0x4000  }
0xca: {  	[sflag:s26] =	ssyncset.done $0x0  }
0xcb: {  	[sflag:s26] =	ssyncadd.s32 $0xFFFFC000  }
0xcc: {  	s6 =	stileid.u32;
	_ =	swait.ge [sflag:s29], $0x4000  }
0xcd: {  	s9 =	sshrl.u32 s5, $0x3;
	s2 =	sadd.s32 $0x1, s2;
	[sflag:s29] =	ssyncset.done $0x0  }
0xce: {  	s6 =	sshll.u32 s6, $0x6;
	p0 =	sne.s32 s2, s15;
	[sflag:s29] =	ssyncadd.s32 $0xFFFFC000  }
.Ltmp3:
0xcf: {  	s6 =	sor.u32 $0x1C05, s6;
	[bflag:$0x0] =	sbarrier.arrive $0xFFFF;
	(pc) =	sbr.rel @p0 .LBB2_1-.Ltmp3, $4  }
0xd0: {  	[hbm:s14], [sflag:s6] =	dma.local [spmem:s9], $0x2800  }
0xd1: {  	_ =	swait.ge [sflag:s17], $0x2800  }
0xd2: {  	[sflag:s17] =	ssyncset.done $0x0  }
0xd3: {  	[sflag:s17] =	ssyncadd.s32 $0xFFFFD800  }
0xd4: {  	_ =	sfence.sel $0x180000  }
0xd5: {  	[bflag:$0x0] =	sbarrier.arrive $0xFFFF  }
0xd6: {  	_ =	strace $0x9000004A  }
0xd7: {  	s0 =	stileid.u32;
	[bflag:$0x2] =	sbarrier.arrive $0xFFFF  }
0xd8: {  	p0 =	sne.s32 s0, $0x0;
	s0 =	rddreg [dreg:$0x3]  }
0xd9: {  	s0 =	sadd.s32 @!p0 $0x100000, s0  }
0xda: {  	[sflag:s0] =	ssyncadd.tile.s32 @!p0 $0x1;
	_ =	shalt  }
.Lfunc_end2:
_tile_overlayer_lowered:
.L_overlay_start_2:
0xdb: {  	(tag) =	ssettag $0x2  }
0xdc: {  	s0 =	rddreg [dreg:$0x0];
	s2 =	stileid.u32  }
0xdd: {  	s1 =	rddreg [dreg:$0x1];
	p0 =	sne.s32 s2, $0x0  }
0xde: {  	s3 =	rddreg [dreg:$0x2];
	[bflag:$0x3] =	sbarrier.arrive $0xFFFF;
	s2 =	simm.s32 @!p0 $0x1C05  }
0xdf: {  	[timem:s3], [sflag:s2] =	dma.local @!p0 [hbm:s0], s1  }
0xe0: {  	s0 =	simm.s32 @!p0 $0x5  }
0xe1: {  	_ =	swait.ge @!p0 [sflag:s0], s1  }
0xe2: {  	s1 =	ssub.s32 @!p0 $0x0, s1;
	[sflag:s0] =	ssyncset.done @!p0 $0x0  }
0xe3: {  	[sflag:s0] =	ssyncadd.s32 @!p0 s1  }
0xe4: {  	[bflag:$0x3] =	sbarrier.arrive $0xFFFF  }
0xe5: {  	_ =	shalt  }

// kernel: kernel.16.cloned.1.call-start
scs
__scs_entry_jumppad:
0x0: {  	(pc) =	sbr.rel $0x88, $3  }
0x1: {  	(tag) =	ssettag $0x0;
	lr =	simm.s32 $0x1  }
0x2: {  	[smem:$0x3F99] =	sst lr;
	_ =	strace $0xD0000000  }
0x3: {  	_ = 	snop  }
0x4: {  	_ = 	snop  }
0x5: {  	_ = 	snop  }
0x6: {  	_ = 	snop  }
0x7: {  	_ = 	snop  }
__scs_overlays_trampoline_lowered:
0x8: {  	[smem:$0x3FA8] =	sst s0  }
0x9: {  	[smem:$0x3FA9] =	sst s1  }
0xa: {  	[smem:$0x3FAA] =	sst s2  }
0xb: {  	[smem:$0x3FAB] =	sst s3  }
0xc: {  	[smem:$0x3FAC] =	sst s4  }
0xd: {  	[smem:$0x3FAD] =	sst s5  }
0xe: {  	[smem:$0x3FAE] =	sst s6  }
0xf: {  	[smem:$0x3FAF] =	sst s7  }
0x10: {  	[smem:$0x3FB0] =	sst s8  }
0x11: {  	[smem:$0x3FB1] =	sst s9;
	s0 =	simm.s32 @!p0 $0x0  }
0x12: {  	s1 =	sld [smem:$0x3F97];
	s0 =	simm.s32 @p0 $0x1  }
0x13: {  	[smem:$0x3FB2] =	sst s0;
	s0 =	simm.s32 @!p1 $0x0  }
0x14: {  	s2 =	sld [smem:$0x3F96];
	s0 =	simm.s32 @p1 $0x1  }
0x15: {  	[smem:$0x3FB3] =	sst s0;
	s0 =	simm.s32 @!p2 $0x0  }
0x16: {  	s3 =	sld [smem:$0x3FDB];
	s0 =	simm.s32 @p2 $0x1  }
0x17: {  	s4 =	simm.s32 $0x1BF5;
	[smem:$0x3FB5] =	sst s0  }
0x18: {  	s0 =	sld [smem:$0x3F98];
	_ =	swait.ge [sflag:s4], $0x0  }
0x19: {  	s7 =	sld [smem:$0x3F99]  }
0x1a: {  	s8 =	sadd.s32 $0xFFFFE003, lr  }
0x1b: {  	s9 =	sadd.s32 $0xFFFFFEF7, lr;
	s5 =	simm.s32 $0xFFFFFFFF;
	p2 =	slt.u32 s8, $0xFFFFF086  }
0x1c: {  	p1 =	slt.u32 s9, $0xF7A;
	s5 =	simm.s32 @!p2 $0x0  }
0x1d: {  	s5 =	simm.s32 @p1 $0x1;
	p0 =	seq.s32 s7, s2  }
0x1e: {  	s7 =	smul.u32 @!p0 $0xF7A, s2;
	p2 =	seq.s32 @!p0 s5, $0x0  }
0x1f: {  	s9 =	smul.u32 $0xF7A, s1;
	s8 =	simm.s32 @!p0 $0x1BF5;
	p2 =	por !p2, p0  }
0x20: {  	[sflag:s8] =	ssyncset.s32 @!p0 $0xFFFFF086;
	s6 =	sadd.s32 @!p0 s3, s7;
	s7 =	simm.s32 @!p0 $0x108  }
0x21: {  	s3 =	sadd.s32 s3, s9;
	s6 =	sadd.s32 @!p0 $0x88, s6;
	s7 =	simm.s32 @p2 $0x1082  }
0x22: {  	[simem:s7], [sflag:s8] =	dma.local @!p0 [hbm:s6], $0xF7A  }
0x23: {  	s9 =	sor.u32 $0xD0000000, s2;
	s6 =	simm.s32 $0x108;
	_ =	swait.ge @!p0 [sflag:s8], $0x0  }
0x24: {  	s3 =	sadd.s32 $0x88, s3;
	s6 =	simm.s32 @!p1 $0x1082;
	[sflag:s4] =	ssyncset.s32 $0xFFFFF086  }
0x25: {  	[simem:s6], [sflag:s4] =	dma.local [hbm:s3], $0xF7A  }
0x26: {  	[smem:$0x3F99] =	sst s1;
	(tag) =	ssettag s2;
	_ =	strace s9  }
0x27: {  	s1 =	sld [smem:$0x3FA9]  }
0x28: {  	s2 =	sld [smem:$0x3FAA]  }
0x29: {  	s4 =	sld [smem:$0x3FAC]  }
0x2a: {  	p0 =	seq.s32 s5, $0x0;
	s5 =	sld [smem:$0x3FAD]  }
0x2b: {  	s6 =	sld [smem:$0x3FAE]  }
0x2c: {  	s7 =	sld [smem:$0x3FAF]  }
0x2d: {  	s3 =	simm.s32 $0x108;
	s8 =	sld [smem:$0x3FB0]  }
0x2e: {  	s3 =	simm.s32 @!p0 $0x1082;
	s9 =	sld [smem:$0x3FB1]  }
0x2f: {  	lr =	sadd.s32 s0, s3;
	s0 =	sld [smem:$0x3FA8]  }
0x30: {  	s3 =	sld [smem:$0x3FAB]  }
0x31: {  	[smem:$0x3FB4] =	sst s10  }
0x32: {  	s10 =	sld [smem:$0x3FB2];
	_ =	sdelay $0x3  }
0x33: {  	p0 =	seq.s32 s10, $0x1;
	s10 =	sld [smem:$0x3FB4];
	_ =	sdelay $0x3  }
0x34: {  	[smem:$0x3FB4] =	sst s10  }
0x35: {  	s10 =	sld [smem:$0x3FB3];
	_ =	sdelay $0x3  }
0x36: {  	p1 =	seq.s32 s10, $0x1;
	s10 =	sld [smem:$0x3FB4];
	_ =	sdelay $0x3  }
0x37: {  	[smem:$0x3FB4] =	sst s10  }
0x38: {  	s10 =	sld [smem:$0x3FB5]  }
0x39: {  	_ = 	snop;
	(pc) =	sbr.ind lr, $3  }
0x3a: {  	_ = 	snop  }
0x3b: {  	_ = 	snop  }
0x3c: {  	p2 =	seq.s32 s10, $0x1;
	s10 =	sld [smem:$0x3FB4]  }
0x3d: {  	_ =	shalt  }
0x3e: {  	_ =	shalt  }
0x3f: {  	_ =	shalt  }
0x40: {  	_ =	shalt  }
0x41: {  	_ =	shalt  }
0x42: {  	_ =	shalt  }
0x43: {  	_ =	shalt  }
0x44: {  	_ =	shalt  }
0x45: {  	_ =	shalt  }
0x46: {  	_ =	shalt  }
0x47: {  	_ =	shalt  }
0x48: {  	_ =	shalt  }
0x49: {  	_ =	shalt  }
0x4a: {  	_ =	shalt  }
0x4b: {  	_ =	shalt  }
0x4c: {  	_ =	shalt  }
0x4d: {  	_ =	shalt  }
0x4e: {  	_ =	shalt  }
0x4f: {  	_ =	shalt  }
0x50: {  	_ =	shalt  }
0x51: {  	_ =	shalt  }
0x52: {  	_ =	shalt  }
0x53: {  	_ =	shalt  }
0x54: {  	_ =	shalt  }
0x55: {  	_ =	shalt  }
0x56: {  	_ =	shalt  }
0x57: {  	_ =	shalt  }
0x58: {  	_ =	shalt  }
0x59: {  	_ =	shalt  }
0x5a: {  	_ =	shalt  }
0x5b: {  	_ =	shalt  }
0x5c: {  	_ =	shalt  }
0x5d: {  	_ =	shalt  }
0x5e: {  	_ =	shalt  }
0x5f: {  	_ =	shalt  }
0x60: {  	_ =	shalt  }
0x61: {  	_ =	shalt  }
0x62: {  	_ =	shalt  }
0x63: {  	_ =	shalt  }
0x64: {  	_ =	shalt  }
0x65: {  	_ =	shalt  }
0x66: {  	_ =	shalt  }
0x67: {  	_ =	shalt  }
0x68: {  	_ =	shalt  }
0x69: {  	_ =	shalt  }
0x6a: {  	_ =	shalt  }
0x6b: {  	_ =	shalt  }
0x6c: {  	_ =	shalt  }
0x6d: {  	_ =	shalt  }
0x6e: {  	_ =	shalt  }
0x6f: {  	_ =	shalt  }
0x70: {  	_ =	shalt  }
0x71: {  	_ =	shalt  }
0x72: {  	_ =	shalt  }
0x73: {  	_ =	shalt  }
0x74: {  	_ =	shalt  }
0x75: {  	_ =	shalt  }
0x76: {  	_ =	shalt  }
0x77: {  	_ =	shalt  }
0x78: {  	_ =	shalt  }
0x79: {  	_ =	shalt  }
0x7a: {  	_ =	shalt  }
0x7b: {  	_ =	shalt  }
0x7c: {  	_ =	shalt  }
0x7d: {  	_ =	shalt  }
0x7e: {  	_ =	shalt  }
0x7f: {  	_ =	shalt  }
0x80: {  	_ =	shalt  }
0x81: {  	_ =	shalt  }
0x82: {  	_ =	shalt  }
0x83: {  	_ =	shalt  }
0x84: {  	_ =	shalt  }
0x85: {  	_ =	shalt  }
0x86: {  	_ =	shalt  }
0x87: {  	_ =	shalt  }
.Lfunc_end0:
.L_simem_size_0:
called_computation.2_lowered:
.L_overlay_start_0:
0x88: {  	s2 =	sld [smem:$0x3FD9]  }
0x89: {  	s3 =	sld [smem:$0x3FFE];
	_ =	sdelay $0x1  }
0x8a: {  	s1 =	srdreg.scid  }
0x8b: {  	s0 =	sand.u32 $0x1, s1  }
0x8c: {  	s17 =	sshll.u32 s0, $0xA;
	s2 =	sadd.s32 s3, s2  }
0x8d: {  	s2 =	sadd.s32 s2, s17  }
0x8e: {  	[smem:$0x3FC0] =	sst s2  }
0x8f: {  	_ = 	snop  }
0x90: {  	s2 =	sld [smem:$0x3FD0];
	(tm) =	ssettm $0x1  }
0x91: {  	s18 =	sld [smem:$0x3FFB];
	_ =	sdelay $0x3  }
0x92: {  	_ =	strace s18  }
0x93: {  	s3 =	sld [smem:$0x3FFC];
	_ =	sdelay $0x3  }
0x94: {  	_ =	strace s3  }
0x95: {  	s3 =	sld [smem:$0x3FFD];
	_ =	sdelay $0x3  }
0x96: {  	_ =	strace s3  }
0x97: {  	_ =	strace $0x8FFFFFFF  }
0x98: {  	s19 =	sld [smem:$0x3FDB];
	_ =	sdelay $0x1  }
0x99: {  	s4 =	simm.s32 $_scs_section_size  }
0x9a: {  	s5 =	simm.s32 $_size__tile_overlayer_lowered;
	s6 =	simm.s32 $_tile_overlayer_lowered  }
0x9b: {  	s22 =	simm.s32 $0x1BFF;
	s21 =	sshll.u32 s6, $0x1;
	s3 =	sadd.s32 s4, s19  }
0x9c: {  	s7 =	simm.s32 $0x0;
	s20 =	sshll.u32 s5, $0x1;
	s5 =	sadd.s32 s21, s3  }
0x9d: {  	[timem:s7], [sflag:s22] =	dma.local [hbm:s5], s20  }
0x9e: {  	_ =	swait.ge [sflag:s22], s20  }
0x9f: {  	s4 =	ssub.s32 $0x0, s20;
	[sflag:s22] =	ssyncset.done $0x0  }
0xa0: {  	[sflag:s22] =	ssyncadd.s32 s4;
	_ =	sdelay $0x1  }
0xa1: {  	s23 =	simm.s32 $0x1B8B  }
0xa2: {  	_ =	swait.ge [sflag:s23], $0x1  }
0xa3: {  	[sflag:s23] =	ssyncset.done $0x0  }
0xa4: {  	s25 =	simm.s32 $0x1B8E;
	s24 =	sld [smem:$0x3FFE];
	[sflag:s23] =	ssyncadd.s32 $0xFFFFFFFF  }
0xa5: {  	s26 =	simm.s32 $execute0_lowered;
	[smem:$0x3FD2] =	sst s25  }
0xa6: {  	s5 =	sshll.u32 s26, $0x1;
	_ =	strace $0x8000004C;
	[dreg:$0x1] =	wrdreg $0xFFFFFFFF  }
0xa7: {  	s28 =	simm.s32 $_size_execute0_lowered;
	s3 =	sadd.s32 s3, s5;
	[dreg:$0x0] =	wrdreg $0x0  }
0xa8: {  	s5 =	sshll.u32 s28, $0x1;
	[dreg:$0x2] =	wrdreg s3  }
0xa9: {  	[dreg:$0x3] =	wrdreg s5  }
0xaa: {  	[dreg:$0x4] =	wrdreg $0xC0  }
0xab: {  	_ =	task [dreg:s7], $0x5FFFF  }
0xac: {  	[dreg:$0x1] =	wrdreg $0xFFFFFFFF  }
0xad: {  	[dreg:$0x0] =	wrdreg $0x60  }
0xae: {  	[dreg:$0x2] =	wrdreg s24  }
0xaf: {  	[dreg:$0x3] =	wrdreg s2  }
0xb0: {  	[dreg:$0x4] =	wrdreg $0x0  }
0xb1: {  	[dreg:$0x5] =	wrdreg $0x9  }
0xb2: {  	_ =	task.clear_ibuf [dreg:s7], $0x6FFFF;
	_ =	strace $0x9000004C  }
0xb3: {  	s29 =	simm.s32 $0x9;
	_ =	strace $0x8000004E  }
0xb4: {  	_ =	swait.ge [sflag:s29], $0x1  }
0xb5: {  	[sflag:s29] =	ssyncadd.s32 $0xFFFFFFFF  }
0xb6: {  	_ =	strace $0x9000004E  }
0xb7: {  	_ =	sfence  }
0xb8: {  	s30 =	sld [smem:$0x0];
	_ =	sdelay $0x2  }
0xb9: {  	s31 =	sshll.u32 s1, $0xD;
	s1 =	sshrl.u32 s1, $0x2  }
0xba: {  	s3 =	sand.u32 $0x4000, s31;
	s1 =	sadd.s32 s1, s30  }
0xbb: {  	s0 =	sor.u32 s3, s0;
	s1 =	sshll.u32 s1, $0x11  }
0xbc: {  	s0 =	sor.u32 s1, s0  }
0xbd: {  	s0 =	sadd.s32 $0x8F2B, s0  }
0xbe: {  	[sflag:s0] =	ssyncadd.remote.s32 $0x1  }
0xbf: {  	_ =	sfence.sel $0xFFFF  }
0xc0: {  	[dreg:$0x0] =	wrdreg $0xFFFFFFFF;
	(pc) =	sbr.abs _section_cstart, $3  }
0xc1: {  	[dreg:$0x1] =	wrdreg $0xFFFFFFFF  }
0xc2: {  	_ =	task.clear_ibuf [dreg:s7], $0x2FFFF;
	_ =	strace $0x9FFFFFFF  }
0xc3: {  	(tm) =	ssettm $0x7FFFFFFF  }
tec
execute0_lowered:
.L_overlay_start_1:
0x0: {  	(tag) =	ssettag $0x1  }
0x1: {  	s0 =	rddreg [dreg:$0x0]  }
0x2: {  	s2 =	rddreg [dreg:$0x1]  }
0x3: {  	s1 =	rddreg [dreg:$0x2];
	s3 =	srdreg.scid  }
0x4: {  	s9 =	stileid.u32;
	s16 =	simm.s32 $0x16800;
	s17 =	simm.s32 $0x5  }
0x5: {  	s18 =	simm.s32 $0x14000;
	s19 =	simm.s32 $0x15400;
	s20 =	simm.s32 $0x80  }
0x6: {  	s21 =	simm.s32 $0x1;
	s28 =	simm.s32 $0x14100;
	s29 =	simm.s32 $0x4  }
0x7: {  	s30 =	simm.s32 $0x16700;
	s31 =	simm.s32 $0x15380;
	s7 =	smul.u32 $0x14000, s9  }
0x8: {  	s5 =	sand.u32 $0x1, s3;
	s3 =	simm.s32 $0x0;
	s23 =	smul.u32 $0x50000, s9  }
0x9: {  	s4 =	sadd.s32 $0x3000, s0;
	s6 =	smul.u32 $0x140000, s5;
	[smem:$0x7FF] =	sst s3  }
0xa: {  	s8 =	sshll.u32 s5, $0x4;
	s5 =	ssub.s32 $0x2, s5;
	_ =	strace $0x8000004D  }
0xb: {  	s22 =	sor.u32 s9, s8;
	s24 =	sshrl.u32 s5, $0x1;
	s6 =	sadd.s32 s7, s6  }
0xc: {  	s8 =	sshrl.u32 s23, $0x2;
	s7 =	smul.u32 $0x2800, s22;
	s6 =	sshrl.u32 s6, $0x3  }
0xd: {  	s23 =	simm.s32 $0x1A800;
	s22 =	simm.s32 $0x14080;
	s0 =	sadd.s32 s6, s0  }
0xe: {  	s6 =	ssub.s32 s5, s24;
	s5 =	sadd.s32 s8, s1;
	s7 =	sshrl.u32 s7, $0x3  }
0xf: {  	s24 =	simm.s32 $0x2;
	s8 =	sadd.s32 $0x4000, s5;
	s25 =	sadd.s32 $0x8000, s5  }
0x10: {  	s26 =	sadd.s32 $0xC000, s5;
	s10 =	sadd.s32 $0x10000, s5;
	[dreg:$0x4] =	wrdreg s8  }
0x11: {  	s14 =	sadd.s32 $0x2B000, s0;
	s15 =	smax.u32 s6, $0x1;
	[dreg:$0x5] =	wrdreg s25  }
0x12: {  	s0 =	simm.s32 $0x16780;
	s8 =	sadd.s32 s2, s7;
	[dreg:$0x6] =	wrdreg s26  }
0x13: {  	s25 =	simm.s32 $0x15480;
	s26 =	simm.s32 $0x3;
	s2 =	simm.s32 $0x0  }
0x14: {  	v0 =	vimm.f32 $0.0e+00;
	s11 =	sadd.s32 $0xA000, s8;
	s12 =	sadd.s32 $0x280, s8;
	s13 =	sadd.s32 $0xA280, s8  }
.LBB2_1:
0x15: {  	s6 =	simm.s32 $0x0;
	s7 =	simm.s32 $0x200  }
.LBB2_2:
0x16: {  	p0 =	sne.s32 s7, $0xFE00;
	[tilespmem:s6+$0x16870] =	vst v0  }
0x17: {  	[tilespmem:s6+$0x16800] =	vst v0  }
0x18: {  	[tilespmem:s6+$0x16810] =	vst v0  }
.Ltmp0:
0x19: {  	[tilespmem:s6+$0x16820] =	vst v0;
	(pc) =	sbr.rel @p0 .LBB2_2-.Ltmp0, $4  }
0x1a: {  	[tilespmem:s6+$0x16830] =	vst v0  }
0x1b: {  	[tilespmem:s6+$0x16840] =	vst v0  }
0x1c: {  	[tilespmem:s6+$0x16850] =	vst v0  }
0x1d: {  	[tilespmem:s6+$0x16860] =	vst v0;
	s6 =	sshra.s32 s7, $0x2;
	s7 =	sadd.s32 $0x200, s7  }
0x1e: {  	[tilespmem:s6+$0x16870] =	vst v0  }
0x1f: {  	[tilespmem:s6+$0x16800] =	vst v0  }
0x20: {  	[tilespmem:s6+$0x16810] =	vst v0  }
0x21: {  	[tilespmem:s6+$0x16820] =	vst v0  }
0x22: {  	[tilespmem:s6+$0x16830] =	vst v0  }
0x23: {  	[tilespmem:s6+$0x16840] =	vst v0  }
0x24: {  	[tilespmem:s6+$0x16850] =	vst v0  }
0x25: {  	[tilespmem:s6+$0x16860] =	vst v0  }
0x26: {  	[spmem:s5] =	stream.linear.scatter [tilespmem:s16], [sflag:$0x5], $0x4000, $0x38;
	[tilespmem:$0x1E800] =	vst v63  }
0x27: {  	_ =	swait.ge [sflag:s17], $0x4000  }
0x28: {  	[sflag:s17] =	ssyncset.done $0x0  }
0x29: {  	s7 =	rddreg [dreg:$0x4];
	[sflag:s17] =	ssyncadd.s32 $0xFFFFC000  }
0x2a: {  	[spmem:s7] =	stream.linear.scatter [tilespmem:s16], [sflag:$0x5], $0x4000, $0x38;
	[tilespmem:$0x1E800] =	vst v63  }
0x2b: {  	_ =	swait.ge [sflag:s17], $0x4000  }
0x2c: {  	[sflag:s17] =	ssyncset.done $0x0  }
0x2d: {  	s9 =	rddreg [dreg:$0x5];
	[sflag:s17] =	ssyncadd.s32 $0xFFFFC000  }
0x2e: {  	[spmem:s9] =	stream.linear.scatter [tilespmem:s16], [sflag:$0x5], $0x4000, $0x38;
	[tilespmem:$0x1E800] =	vst v63  }
0x2f: {  	_ =	swait.ge [sflag:s17], $0x4000  }
0x30: {  	[sflag:s17] =	ssyncset.done $0x0  }
0x31: {  	s7 =	rddreg [dreg:$0x6];
	[sflag:s17] =	ssyncadd.s32 $0xFFFFC000  }
0x32: {  	[spmem:s7] =	stream.linear.scatter [tilespmem:s16], [sflag:$0x5], $0x4000, $0x38;
	[tilespmem:$0x1E800] =	vst v63  }
0x33: {  	_ =	swait.ge [sflag:s17], $0x4000  }
0x34: {  	[sflag:s17] =	ssyncset.done $0x0  }
0x35: {  	[sflag:s17] =	ssyncadd.s32 $0xFFFFC000  }
0x36: {  	[spmem:s10] =	stream.linear.scatter [tilespmem:s16], [sflag:$0x5], $0x4000, $0x38;
	[tilespmem:$0x1E800] =	vst v63  }
0x37: {  	_ =	swait.ge [sflag:s17], $0x4000  }
0x38: {  	[sflag:s17] =	ssyncset.done $0x0  }
0x39: {  	[sflag:s17] =	ssyncadd.s32 $0xFFFFC000  }
0x3a: {  	[bflag:$0x0] =	sbarrier.arrive $0xFFFF  }
0x3b: {  	[tilespmem:s18], [sflag:$0x5] =	stream.linear.gather [hbm4b:s8+s3], $0x1400, $0x38;
	[tilespmem:$0x1E800] =	vst v63  }
0x3c: {  	_ =	swait.ge [sflag:s17], $0x1400  }
0x3d: {  	[sflag:s17] =	ssyncset.done $0x0  }
0x3e: {  	[sflag:s17] =	ssyncadd.s32 $0xFFFFEC00  }
0x3f: {  	[tilespmem:s19], [sflag:$0x5] =	stream.linear.gather [hbm4b:s11+s3], $0x1400, $0x38;
	[tilespmem:$0x1E800] =	vst v63  }
0x40: {  	_ =	swait.ge [sflag:s17], $0x1400  }
0x41: {  	[sflag:s17] =	ssyncset.done $0x0  }
0x42: {  	[sflag:s17] =	ssyncadd.s32 $0xFFFFEC00  }
0x43: {  	[tilespmem:s16], [sflag:$0x1] =	stream.indirect.gather [hbm4b:s4+s20], $0x80, s18, s20, $0xb8;
	[tilespmem:$0x1E800] =	vst v63  }
0x44: {  	_ =	swait.ge [sflag:s21], $0x4000  }
0x45: {  	[sflag:s21] =	ssyncset.done $0x0  }
0x46: {  	[sflag:s21] =	ssyncadd.s32 $0xFFFFC000  }
0x47: {  	[spmem:s1] =	stream.indirect.scatter.add.f32 [tilespmem:s16], [sflag:$0x3], $0x80, s19, s20, $0xb8;
	[tilespmem:$0x1E800] =	vst v63  }
0x48: {  	_ = 	snop  }
0x49: {  	[tilespmem:s23], [sflag:$0x2] =	stream.indirect.gather [hbm4b:s4+s20], $0x80, s22, s20, $0xb8;
	[tilespmem:$0x1E800] =	vst v63  }
0x4a: {  	_ =	swait.ge [sflag:s24], $0x4000  }
0x4b: {  	[sflag:s24] =	ssyncset.done $0x0  }
0x4c: {  	[sflag:s24] =	ssyncadd.s32 $0xFFFFC000  }
0x4d: {  	[spmem:s1] =	stream.indirect.scatter.add.f32 [tilespmem:s23], [sflag:$0x4], $0x80, s25, s20, $0xb8;
	[tilespmem:$0x1E800] =	vst v63  }
0x4e: {  	_ =	swait.ge [sflag:s26], $0x4000  }
0x4f: {  	[sflag:s26] =	ssyncset.done $0x0  }
0x50: {  	[sflag:s26] =	ssyncadd.s32 $0xFFFFC000  }
0x51: {  	[tilespmem:s16], [sflag:$0x1] =	stream.indirect.gather [hbm4b:s4+s20], $0x80, s28, s20, $0xb8;
	[tilespmem:$0x1E800] =	vst v63  }
0x52: {  	_ =	swait.ge [sflag:s21], $0x4000  }
0x53: {  	[sflag:s21] =	ssyncset.done $0x0  }
0x54: {  	s9 =	simm.s32 $0x15500;
	[sflag:s21] =	ssyncadd.s32 $0xFFFFC000  }
0x55: {  	[spmem:s1] =	stream.indirect.scatter.add.f32 [tilespmem:s16], [sflag:$0x3], $0x80, s9, s20, $0xb8;
	[tilespmem:$0x1E800] =	vst v63  }
0x56: {  	_ =	swait.ge [sflag:s29], $0x4000  }
0x57: {  	[sflag:s29] =	ssyncset.done $0x0  }
0x58: {  	s7 =	simm.s32 $0x14180;
	[sflag:s29] =	ssyncadd.s32 $0xFFFFC000  }
0x59: {  	[tilespmem:s23], [sflag:$0x2] =	stream.indirect.gather [hbm4b:s4+s20], $0x80, s7, s20, $0xb8;
	[tilespmem:$0x1E800] =	vst v63  }
0x5a: {  	_ =	swait.ge [sflag:s24], $0x4000  }
0x5b: {  	[sflag:s24] =	ssyncset.done $0x0  }
0x5c: {  	s9 =	simm.s32 $0x15580;
	[sflag:s24] =	ssyncadd.s32 $0xFFFFC000  }
0x5d: {  	[spmem:s1] =	stream.indirect.scatter.add.f32 [tilespmem:s23], [sflag:$0x4], $0x80, s9, s20, $0xb8;
	[tilespmem:$0x1E800] =	vst v63  }
0x5e: {  	_ =	swait.ge [sflag:s26], $0x4000  }
0x5f: {  	[sflag:s26] =	ssyncset.done $0x0  }
0x60: {  	s6 =	simm.s32 $0xFFFFBC00;
	s7 =	simm.s32 $0x14200;
	[sflag:s26] =	ssyncadd.s32 $0xFFFFC000  }
.LBB2_4:
0x61: {  	[tilespmem:s16], [sflag:$0x1] =	stream.indirect.gather [hbm4b:s4+s20], $0x80, s7, s20, $0xb8;
	[tilespmem:$0x1E800] =	vst v63  }
0x62: {  	s7 =	smov.u32 s6  }
0x63: {  	p0 =	sne.s32 s6, $0xFFFFFC00;
	s6 =	sadd.s32 $0x400, s6;
	_ =	swait.ge [sflag:s21], $0x4000  }
0x64: {  	s7 =	sshra.s32 s7, $0x2;
	[sflag:s21] =	ssyncset.done $0x0  }
0x65: {  	s9 =	sadd.s32 $0x16700, s7;
	[sflag:s21] =	ssyncadd.s32 $0xFFFFC000  }
0x66: {  	[spmem:s1] =	stream.indirect.scatter.add.f32 [tilespmem:s16], [sflag:$0x3], $0x80, s9, s20, $0xb8;
	[tilespmem:$0x1E800] =	vst v63  }
0x67: {  	_ =	swait.ge [sflag:s29], $0x4000  }
0x68: {  	[sflag:s29] =	ssyncset.done $0x0  }
0x69: {  	s9 =	sadd.s32 $0x15380, s7;
	[sflag:s29] =	ssyncadd.s32 $0xFFFFC000  }
0x6a: {  	[tilespmem:s23], [sflag:$0x2] =	stream.indirect.gather [hbm4b:s4+s20], $0x80, s9, s20, $0xb8;
	[tilespmem:$0x1E800] =	vst v63  }
0x6b: {  	_ =	swait.ge [sflag:s24], $0x4000  }
0x6c: {  	[sflag:s24] =	ssyncset.done $0x0  }
.Ltmp1:
0x6d: {  	s9 =	sadd.s32 $0x16780, s7;
	[sflag:s24] =	ssyncadd.s32 $0xFFFFC000;
	(pc) =	sbr.rel @p0 .LBB2_4-.Ltmp1, $4  }
0x6e: {  	[spmem:s1] =	stream.indirect.scatter.add.f32 [tilespmem:s23], [sflag:$0x4], $0x80, s9, s20, $0xb8;
	[tilespmem:$0x1E800] =	vst v63  }
0x6f: {  	_ =	swait.ge [sflag:s26], $0x4000  }
0x70: {  	[sflag:s26] =	ssyncset.done $0x0  }
0x71: {  	s7 =	sadd.s32 $0x15400, s7;
	[sflag:s26] =	ssyncadd.s32 $0xFFFFC000  }
0x72: {  	[tilespmem:s16], [sflag:$0x1] =	stream.indirect.gather [hbm4b:s4+s20], $0x80, s7, s20, $0xb8;
	[tilespmem:$0x1E800] =	vst v63  }
0x73: {  	_ =	swait.ge [sflag:s21], $0x4000  }
0x74: {  	[sflag:s21] =	ssyncset.done $0x0  }
0x75: {  	[sflag:s21] =	ssyncadd.s32 $0xFFFFC000  }
0x76: {  	[spmem:s1] =	stream.indirect.scatter.add.f32 [tilespmem:s16], [sflag:$0x3], $0x80, s30, s20, $0xb8;
	[tilespmem:$0x1E800] =	vst v63  }
0x77: {  	_ =	swait.ge [sflag:s29], $0x4000  }
0x78: {  	[sflag:s29] =	ssyncset.done $0x0  }
0x79: {  	[sflag:s29] =	ssyncadd.s32 $0xFFFFC000  }
0x7a: {  	[tilespmem:s23], [sflag:$0x2] =	stream.indirect.gather [hbm4b:s4+s20], $0x80, s31, s20, $0xb8;
	[tilespmem:$0x1E800] =	vst v63  }
0x7b: {  	_ =	swait.ge [sflag:s24], $0x4000  }
0x7c: {  	[sflag:s24] =	ssyncset.done $0x0  }
0x7d: {  	[sflag:s24] =	ssyncadd.s32 $0xFFFFC000  }
0x7e: {  	[spmem:s1] =	stream.indirect.scatter.add.f32 [tilespmem:s23], [sflag:$0x4], $0x80, s0, s20, $0xb8;
	[tilespmem:$0x1E800] =	vst v63  }
0x7f: {  	_ =	swait.ge [sflag:s26], $0x4000  }
0x80: {  	[sflag:s26] =	ssyncset.done $0x0  }
0x81: {  	[sflag:s26] =	ssyncadd.s32 $0xFFFFC000  }
0x82: {  	_ =	swait.ge [sflag:s29], $0x4000  }
0x83: {  	[sflag:s29] =	ssyncset.done $0x0  }
0x84: {  	[sflag:s29] =	ssyncadd.s32 $0xFFFFC000  }
0x85: {  	[tilespmem:s18], [sflag:$0x5] =	stream.linear.gather [hbm4b:s12+s3], $0x1400, $0x38;
	[tilespmem:$0x1E800] =	vst v63  }
0x86: {  	_ =	swait.ge [sflag:s17], $0x1400  }
0x87: {  	[sflag:s17] =	ssyncset.done $0x0  }
0x88: {  	[sflag:s17] =	ssyncadd.s32 $0xFFFFEC00  }
0x89: {  	[tilespmem:s19], [sflag:$0x5] =	stream.linear.gather [hbm4b:s13+s3], $0x1400, $0x38;
	[tilespmem:$0x1E800] =	vst v63  }
0x8a: {  	_ =	swait.ge [sflag:s17], $0x1400  }
0x8b: {  	[sflag:s17] =	ssyncset.done $0x0  }
0x8c: {  	[sflag:s17] =	ssyncadd.s32 $0xFFFFEC00  }
0x8d: {  	[tilespmem:s16], [sflag:$0x1] =	stream.indirect.gather [hbm4b:s4+s20], $0x80, s18, s20, $0xb8;
	[tilespmem:$0x1E800] =	vst v63  }
0x8e: {  	_ =	swait.ge [sflag:s21], $0x4000  }
0x8f: {  	[sflag:s21] =	ssyncset.done $0x0  }
0x90: {  	[sflag:s21] =	ssyncadd.s32 $0xFFFFC000  }
0x91: {  	[spmem:s1] =	stream.indirect.scatter.add.f32 [tilespmem:s16], [sflag:$0x3], $0x80, s19, s20, $0xb8;
	[tilespmem:$0x1E800] =	vst v63  }
0x92: {  	_ = 	snop  }
0x93: {  	[tilespmem:s23], [sflag:$0x2] =	stream.indirect.gather [hbm4b:s4+s20], $0x80, s22, s20, $0xb8;
	[tilespmem:$0x1E800] =	vst v63  }
0x94: {  	_ =	swait.ge [sflag:s24], $0x4000  }
0x95: {  	[sflag:s24] =	ssyncset.done $0x0  }
0x96: {  	[sflag:s24] =	ssyncadd.s32 $0xFFFFC000  }
0x97: {  	[spmem:s1] =	stream.indirect.scatter.add.f32 [tilespmem:s23], [sflag:$0x4], $0x80, s25, s20, $0xb8;
	[tilespmem:$0x1E800] =	vst v63  }
0x98: {  	_ =	swait.ge [sflag:s26], $0x4000  }
0x99: {  	[sflag:s26] =	ssyncset.done $0x0  }
0x9a: {  	[sflag:s26] =	ssyncadd.s32 $0xFFFFC000  }
0x9b: {  	[tilespmem:s16], [sflag:$0x1] =	stream.indirect.gather [hbm4b:s4+s20], $0x80, s28, s20, $0xb8;
	[tilespmem:$0x1E800] =	vst v63  }
0x9c: {  	_ =	swait.ge [sflag:s21], $0x4000  }
0x9d: {  	[sflag:s21] =	ssyncset.done $0x0  }
0x9e: {  	s6 =	simm.s32 $0x15500;
	[sflag:s21] =	ssyncadd.s32 $0xFFFFC000  }
0x9f: {  	[spmem:s1] =	stream.indirect.scatter.add.f32 [tilespmem:s16], [sflag:$0x3], $0x80, s6, s20, $0xb8;
	[tilespmem:$0x1E800] =	vst v63  }
0xa0: {  	_ =	swait.ge [sflag:s29], $0x4000  }
0xa1: {  	[sflag:s29] =	ssyncset.done $0x0  }
0xa2: {  	s7 =	simm.s32 $0x14180;
	[sflag:s29] =	ssyncadd.s32 $0xFFFFC000  }
0xa3: {  	[tilespmem:s23], [sflag:$0x2] =	stream.indirect.gather [hbm4b:s4+s20], $0x80, s7, s20, $0xb8;
	[tilespmem:$0x1E800] =	vst v63  }
0xa4: {  	_ =	swait.ge [sflag:s24], $0x4000  }
0xa5: {  	[sflag:s24] =	ssyncset.done $0x0  }
0xa6: {  	s9 =	simm.s32 $0x15580;
	[sflag:s24] =	ssyncadd.s32 $0xFFFFC000  }
0xa7: {  	[spmem:s1] =	stream.indirect.scatter.add.f32 [tilespmem:s23], [sflag:$0x4], $0x80, s9, s20, $0xb8;
	[tilespmem:$0x1E800] =	vst v63  }
0xa8: {  	_ =	swait.ge [sflag:s26], $0x4000  }
0xa9: {  	[sflag:s26] =	ssyncset.done $0x0  }
0xaa: {  	s6 =	simm.s32 $0xFFFFBC00;
	s7 =	simm.s32 $0x14200;
	[sflag:s26] =	ssyncadd.s32 $0xFFFFC000  }
.LBB2_6:
0xab: {  	[tilespmem:s16], [sflag:$0x1] =	stream.indirect.gather [hbm4b:s4+s20], $0x80, s7, s20, $0xb8;
	[tilespmem:$0x1E800] =	vst v63  }
0xac: {  	s7 =	smov.u32 s6  }
0xad: {  	p0 =	sne.s32 s6, $0xFFFFFC00;
	s6 =	sadd.s32 $0x400, s6;
	_ =	swait.ge [sflag:s21], $0x4000  }
0xae: {  	s7 =	sshra.s32 s7, $0x2;
	[sflag:s21] =	ssyncset.done $0x0  }
0xaf: {  	s9 =	sadd.s32 $0x16700, s7;
	[sflag:s21] =	ssyncadd.s32 $0xFFFFC000  }
0xb0: {  	[spmem:s1] =	stream.indirect.scatter.add.f32 [tilespmem:s16], [sflag:$0x3], $0x80, s9, s20, $0xb8;
	[tilespmem:$0x1E800] =	vst v63  }
0xb1: {  	_ =	swait.ge [sflag:s29], $0x4000  }
0xb2: {  	[sflag:s29] =	ssyncset.done $0x0  }
0xb3: {  	s9 =	sadd.s32 $0x15380, s7;
	[sflag:s29] =	ssyncadd.s32 $0xFFFFC000  }
0xb4: {  	[tilespmem:s23], [sflag:$0x2] =	stream.indirect.gather [hbm4b:s4+s20], $0x80, s9, s20, $0xb8;
	[tilespmem:$0x1E800] =	vst v63  }
0xb5: {  	_ =	swait.ge [sflag:s24], $0x4000  }
0xb6: {  	[sflag:s24] =	ssyncset.done $0x0  }
.Ltmp2:
0xb7: {  	s9 =	sadd.s32 $0x16780, s7;
	[sflag:s24] =	ssyncadd.s32 $0xFFFFC000;
	(pc) =	sbr.rel @p0 .LBB2_6-.Ltmp2, $4  }
0xb8: {  	[spmem:s1] =	stream.indirect.scatter.add.f32 [tilespmem:s23], [sflag:$0x4], $0x80, s9, s20, $0xb8;
	[tilespmem:$0x1E800] =	vst v63  }
0xb9: {  	_ =	swait.ge [sflag:s26], $0x4000  }
0xba: {  	[sflag:s26] =	ssyncset.done $0x0  }
0xbb: {  	s7 =	sadd.s32 $0x15400, s7;
	[sflag:s26] =	ssyncadd.s32 $0xFFFFC000  }
0xbc: {  	[tilespmem:s16], [sflag:$0x1] =	stream.indirect.gather [hbm4b:s4+s20], $0x80, s7, s20, $0xb8;
	[tilespmem:$0x1E800] =	vst v63  }
0xbd: {  	_ =	swait.ge [sflag:s21], $0x4000  }
0xbe: {  	[sflag:s21] =	ssyncset.done $0x0  }
0xbf: {  	[sflag:s21] =	ssyncadd.s32 $0xFFFFC000  }
0xc0: {  	[spmem:s1] =	stream.indirect.scatter.add.f32 [tilespmem:s16], [sflag:$0x3], $0x80, s30, s20, $0xb8;
	[tilespmem:$0x1E800] =	vst v63  }
0xc1: {  	_ =	swait.ge [sflag:s29], $0x4000  }
0xc2: {  	[sflag:s29] =	ssyncset.done $0x0  }
0xc3: {  	[sflag:s29] =	ssyncadd.s32 $0xFFFFC000  }
0xc4: {  	[tilespmem:s23], [sflag:$0x2] =	stream.indirect.gather [hbm4b:s4+s20], $0x80, s31, s20, $0xb8;
	[tilespmem:$0x1E800] =	vst v63  }
0xc5: {  	_ =	swait.ge [sflag:s24], $0x4000  }
0xc6: {  	[sflag:s24] =	ssyncset.done $0x0  }
0xc7: {  	[sflag:s24] =	ssyncadd.s32 $0xFFFFC000  }
0xc8: {  	[spmem:s1] =	stream.indirect.scatter.add.f32 [tilespmem:s23], [sflag:$0x4], $0x80, s0, s20, $0xb8;
	[tilespmem:$0x1E800] =	vst v63  }
0xc9: {  	_ =	swait.ge [sflag:s26], $0x4000  }
0xca: {  	[sflag:s26] =	ssyncset.done $0x0  }
0xcb: {  	[sflag:s26] =	ssyncadd.s32 $0xFFFFC000  }
0xcc: {  	s6 =	stileid.u32;
	_ =	swait.ge [sflag:s29], $0x4000  }
0xcd: {  	s9 =	sshrl.u32 s5, $0x3;
	s2 =	sadd.s32 $0x1, s2;
	[sflag:s29] =	ssyncset.done $0x0  }
0xce: {  	s6 =	sshll.u32 s6, $0x6;
	p0 =	sne.s32 s2, s15;
	[sflag:s29] =	ssyncadd.s32 $0xFFFFC000  }
.Ltmp3:
0xcf: {  	s6 =	sor.u32 $0x1C05, s6;
	[bflag:$0x0] =	sbarrier.arrive $0xFFFF;
	(pc) =	sbr.rel @p0 .LBB2_1-.Ltmp3, $4  }
0xd0: {  	[hbm:s14], [sflag:s6] =	dma.local [spmem:s9], $0x2800  }
0xd1: {  	_ =	swait.ge [sflag:s17], $0x2800  }
0xd2: {  	[sflag:s17] =	ssyncset.done $0x0  }
0xd3: {  	[sflag:s17] =	ssyncadd.s32 $0xFFFFD800  }
0xd4: {  	_ =	sfence.sel $0x180000  }
0xd5: {  	[bflag:$0x0] =	sbarrier.arrive $0xFFFF  }
0xd6: {  	_ =	strace $0x9000004D  }
0xd7: {  	s0 =	stileid.u32;
	[bflag:$0x2] =	sbarrier.arrive $0xFFFF  }
0xd8: {  	p0 =	sne.s32 s0, $0x0;
	s0 =	rddreg [dreg:$0x3]  }
0xd9: {  	s0 =	sadd.s32 @!p0 $0x100000, s0  }
0xda: {  	[sflag:s0] =	ssyncadd.tile.s32 @!p0 $0x1;
	_ =	shalt  }
.Lfunc_end2:
_tile_overlayer_lowered:
.L_overlay_start_2:
0xdb: {  	(tag) =	ssettag $0x2  }
0xdc: {  	s0 =	rddreg [dreg:$0x0];
	s2 =	stileid.u32  }
0xdd: {  	s1 =	rddreg [dreg:$0x1];
	p0 =	sne.s32 s2, $0x0  }
0xde: {  	s3 =	rddreg [dreg:$0x2];
	[bflag:$0x3] =	sbarrier.arrive $0xFFFF;
	s2 =	simm.s32 @!p0 $0x1C05  }
0xdf: {  	[timem:s3], [sflag:s2] =	dma.local @!p0 [hbm:s0], s1  }
0xe0: {  	s0 =	simm.s32 @!p0 $0x5  }
0xe1: {  	_ =	swait.ge @!p0 [sflag:s0], s1  }
0xe2: {  	s1 =	ssub.s32 @!p0 $0x0, s1;
	[sflag:s0] =	ssyncset.done @!p0 $0x0  }
0xe3: {  	[sflag:s0] =	ssyncadd.s32 @!p0 s1  }
0xe4: {  	[bflag:$0x3] =	sbarrier.arrive $0xFFFF  }
0xe5: {  	_ =	shalt  }

// kernel: kernel.19.cloned.1.call-start
scs
__scs_entry_jumppad:
0x0: {  	(pc) =	sbr.rel $0x88, $3  }
0x1: {  	(tag) =	ssettag $0x0;
	lr =	simm.s32 $0x1  }
0x2: {  	[smem:$0x3F99] =	sst lr;
	_ =	strace $0xD0000000  }
0x3: {  	_ = 	snop  }
0x4: {  	_ = 	snop  }
0x5: {  	_ = 	snop  }
0x6: {  	_ = 	snop  }
0x7: {  	_ = 	snop  }
__scs_overlays_trampoline_lowered:
0x8: {  	[smem:$0x3FA8] =	sst s0  }
0x9: {  	[smem:$0x3FA9] =	sst s1  }
0xa: {  	[smem:$0x3FAA] =	sst s2  }
0xb: {  	[smem:$0x3FAB] =	sst s3  }
0xc: {  	[smem:$0x3FAC] =	sst s4  }
0xd: {  	[smem:$0x3FAD] =	sst s5  }
0xe: {  	[smem:$0x3FAE] =	sst s6  }
0xf: {  	[smem:$0x3FAF] =	sst s7  }
0x10: {  	[smem:$0x3FB0] =	sst s8  }
0x11: {  	[smem:$0x3FB1] =	sst s9;
	s0 =	simm.s32 @!p0 $0x0  }
0x12: {  	s1 =	sld [smem:$0x3F97];
	s0 =	simm.s32 @p0 $0x1  }
0x13: {  	[smem:$0x3FB2] =	sst s0;
	s0 =	simm.s32 @!p1 $0x0  }
0x14: {  	s2 =	sld [smem:$0x3F96];
	s0 =	simm.s32 @p1 $0x1  }
0x15: {  	[smem:$0x3FB3] =	sst s0;
	s0 =	simm.s32 @!p2 $0x0  }
0x16: {  	s3 =	sld [smem:$0x3FDB];
	s0 =	simm.s32 @p2 $0x1  }
0x17: {  	s4 =	simm.s32 $0x1BF5;
	[smem:$0x3FB5] =	sst s0  }
0x18: {  	s0 =	sld [smem:$0x3F98];
	_ =	swait.ge [sflag:s4], $0x0  }
0x19: {  	s7 =	sld [smem:$0x3F99]  }
0x1a: {  	s8 =	sadd.s32 $0xFFFFE003, lr  }
0x1b: {  	s9 =	sadd.s32 $0xFFFFFEF7, lr;
	s5 =	simm.s32 $0xFFFFFFFF;
	p2 =	slt.u32 s8, $0xFFFFF086  }
0x1c: {  	p1 =	slt.u32 s9, $0xF7A;
	s5 =	simm.s32 @!p2 $0x0  }
0x1d: {  	s5 =	simm.s32 @p1 $0x1;
	p0 =	seq.s32 s7, s2  }
0x1e: {  	s7 =	smul.u32 @!p0 $0xF7A, s2;
	p2 =	seq.s32 @!p0 s5, $0x0  }
0x1f: {  	s9 =	smul.u32 $0xF7A, s1;
	s8 =	simm.s32 @!p0 $0x1BF5;
	p2 =	por !p2, p0  }
0x20: {  	[sflag:s8] =	ssyncset.s32 @!p0 $0xFFFFF086;
	s6 =	sadd.s32 @!p0 s3, s7;
	s7 =	simm.s32 @!p0 $0x108  }
0x21: {  	s3 =	sadd.s32 s3, s9;
	s6 =	sadd.s32 @!p0 $0x88, s6;
	s7 =	simm.s32 @p2 $0x1082  }
0x22: {  	[simem:s7], [sflag:s8] =	dma.local @!p0 [hbm:s6], $0xF7A  }
0x23: {  	s9 =	sor.u32 $0xD0000000, s2;
	s6 =	simm.s32 $0x108;
	_ =	swait.ge @!p0 [sflag:s8], $0x0  }
0x24: {  	s3 =	sadd.s32 $0x88, s3;
	s6 =	simm.s32 @!p1 $0x1082;
	[sflag:s4] =	ssyncset.s32 $0xFFFFF086  }
0x25: {  	[simem:s6], [sflag:s4] =	dma.local [hbm:s3], $0xF7A  }
0x26: {  	[smem:$0x3F99] =	sst s1;
	(tag) =	ssettag s2;
	_ =	strace s9  }
0x27: {  	s1 =	sld [smem:$0x3FA9]  }
0x28: {  	s2 =	sld [smem:$0x3FAA]  }
0x29: {  	s4 =	sld [smem:$0x3FAC]  }
0x2a: {  	p0 =	seq.s32 s5, $0x0;
	s5 =	sld [smem:$0x3FAD]  }
0x2b: {  	s6 =	sld [smem:$0x3FAE]  }
0x2c: {  	s7 =	sld [smem:$0x3FAF]  }
0x2d: {  	s3 =	simm.s32 $0x108;
	s8 =	sld [smem:$0x3FB0]  }
0x2e: {  	s3 =	simm.s32 @!p0 $0x1082;
	s9 =	sld [smem:$0x3FB1]  }
0x2f: {  	lr =	sadd.s32 s0, s3;
	s0 =	sld [smem:$0x3FA8]  }
0x30: {  	s3 =	sld [smem:$0x3FAB]  }
0x31: {  	[smem:$0x3FB4] =	sst s10  }
0x32: {  	s10 =	sld [smem:$0x3FB2];
	_ =	sdelay $0x3  }
0x33: {  	p0 =	seq.s32 s10, $0x1;
	s10 =	sld [smem:$0x3FB4];
	_ =	sdelay $0x3  }
0x34: {  	[smem:$0x3FB4] =	sst s10  }
0x35: {  	s10 =	sld [smem:$0x3FB3];
	_ =	sdelay $0x3  }
0x36: {  	p1 =	seq.s32 s10, $0x1;
	s10 =	sld [smem:$0x3FB4];
	_ =	sdelay $0x3  }
0x37: {  	[smem:$0x3FB4] =	sst s10  }
0x38: {  	s10 =	sld [smem:$0x3FB5]  }
0x39: {  	_ = 	snop;
	(pc) =	sbr.ind lr, $3  }
0x3a: {  	_ = 	snop  }
0x3b: {  	_ = 	snop  }
0x3c: {  	p2 =	seq.s32 s10, $0x1;
	s10 =	sld [smem:$0x3FB4]  }
0x3d: {  	_ =	shalt  }
0x3e: {  	_ =	shalt  }
0x3f: {  	_ =	shalt  }
0x40: {  	_ =	shalt  }
0x41: {  	_ =	shalt  }
0x42: {  	_ =	shalt  }
0x43: {  	_ =	shalt  }
0x44: {  	_ =	shalt  }
0x45: {  	_ =	shalt  }
0x46: {  	_ =	shalt  }
0x47: {  	_ =	shalt  }
0x48: {  	_ =	shalt  }
0x49: {  	_ =	shalt  }
0x4a: {  	_ =	shalt  }
0x4b: {  	_ =	shalt  }
0x4c: {  	_ =	shalt  }
0x4d: {  	_ =	shalt  }
0x4e: {  	_ =	shalt  }
0x4f: {  	_ =	shalt  }
0x50: {  	_ =	shalt  }
0x51: {  	_ =	shalt  }
0x52: {  	_ =	shalt  }
0x53: {  	_ =	shalt  }
0x54: {  	_ =	shalt  }
0x55: {  	_ =	shalt  }
0x56: {  	_ =	shalt  }
0x57: {  	_ =	shalt  }
0x58: {  	_ =	shalt  }
0x59: {  	_ =	shalt  }
0x5a: {  	_ =	shalt  }
0x5b: {  	_ =	shalt  }
0x5c: {  	_ =	shalt  }
0x5d: {  	_ =	shalt  }
0x5e: {  	_ =	shalt  }
0x5f: {  	_ =	shalt  }
0x60: {  	_ =	shalt  }
0x61: {  	_ =	shalt  }
0x62: {  	_ =	shalt  }
0x63: {  	_ =	shalt  }
0x64: {  	_ =	shalt  }
0x65: {  	_ =	shalt  }
0x66: {  	_ =	shalt  }
0x67: {  	_ =	shalt  }
0x68: {  	_ =	shalt  }
0x69: {  	_ =	shalt  }
0x6a: {  	_ =	shalt  }
0x6b: {  	_ =	shalt  }
0x6c: {  	_ =	shalt  }
0x6d: {  	_ =	shalt  }
0x6e: {  	_ =	shalt  }
0x6f: {  	_ =	shalt  }
0x70: {  	_ =	shalt  }
0x71: {  	_ =	shalt  }
0x72: {  	_ =	shalt  }
0x73: {  	_ =	shalt  }
0x74: {  	_ =	shalt  }
0x75: {  	_ =	shalt  }
0x76: {  	_ =	shalt  }
0x77: {  	_ =	shalt  }
0x78: {  	_ =	shalt  }
0x79: {  	_ =	shalt  }
0x7a: {  	_ =	shalt  }
0x7b: {  	_ =	shalt  }
0x7c: {  	_ =	shalt  }
0x7d: {  	_ =	shalt  }
0x7e: {  	_ =	shalt  }
0x7f: {  	_ =	shalt  }
0x80: {  	_ =	shalt  }
0x81: {  	_ =	shalt  }
0x82: {  	_ =	shalt  }
0x83: {  	_ =	shalt  }
0x84: {  	_ =	shalt  }
0x85: {  	_ =	shalt  }
0x86: {  	_ =	shalt  }
0x87: {  	_ =	shalt  }
.Lfunc_end0:
.L_simem_size_0:
called_computation.3_lowered:
.L_overlay_start_0:
0x88: {  	s2 =	sld [smem:$0x3FD9]  }
0x89: {  	s3 =	sld [smem:$0x3FFE];
	_ =	sdelay $0x1  }
0x8a: {  	s1 =	srdreg.scid  }
0x8b: {  	s0 =	sand.u32 $0x1, s1  }
0x8c: {  	s17 =	sshll.u32 s0, $0xA;
	s2 =	sadd.s32 s3, s2  }
0x8d: {  	s2 =	sadd.s32 s2, s17  }
0x8e: {  	[smem:$0x3FC0] =	sst s2  }
0x8f: {  	_ = 	snop  }
0x90: {  	s2 =	sld [smem:$0x3FD0];
	(tm) =	ssettm $0x1  }
0x91: {  	s18 =	sld [smem:$0x3FFB];
	_ =	sdelay $0x3  }
0x92: {  	_ =	strace s18  }
0x93: {  	s3 =	sld [smem:$0x3FFC];
	_ =	sdelay $0x3  }
0x94: {  	_ =	strace s3  }
0x95: {  	s3 =	sld [smem:$0x3FFD];
	_ =	sdelay $0x3  }
0x96: {  	_ =	strace s3  }
0x97: {  	_ =	strace $0x8FFFFFFF  }
0x98: {  	s19 =	sld [smem:$0x3FDB];
	_ =	sdelay $0x1  }
0x99: {  	s4 =	simm.s32 $_scs_section_size  }
0x9a: {  	s5 =	simm.s32 $_size__tile_overlayer_lowered;
	s6 =	simm.s32 $_tile_overlayer_lowered  }
0x9b: {  	s22 =	simm.s32 $0x1BFF;
	s21 =	sshll.u32 s6, $0x1;
	s3 =	sadd.s32 s4, s19  }
0x9c: {  	s7 =	simm.s32 $0x0;
	s20 =	sshll.u32 s5, $0x1;
	s5 =	sadd.s32 s21, s3  }
0x9d: {  	[timem:s7], [sflag:s22] =	dma.local [hbm:s5], s20  }
0x9e: {  	_ =	swait.ge [sflag:s22], s20  }
0x9f: {  	s4 =	ssub.s32 $0x0, s20;
	[sflag:s22] =	ssyncset.done $0x0  }
0xa0: {  	[sflag:s22] =	ssyncadd.s32 s4;
	_ =	sdelay $0x1  }
0xa1: {  	s23 =	simm.s32 $0x1B8B  }
0xa2: {  	_ =	swait.ge [sflag:s23], $0x1  }
0xa3: {  	[sflag:s23] =	ssyncset.done $0x0  }
0xa4: {  	s25 =	simm.s32 $0x1B8E;
	s24 =	sld [smem:$0x3FFE];
	[sflag:s23] =	ssyncadd.s32 $0xFFFFFFFF  }
0xa5: {  	s26 =	simm.s32 $execute0_lowered;
	[smem:$0x3FD2] =	sst s25  }
0xa6: {  	s5 =	sshll.u32 s26, $0x1;
	_ =	strace $0x8000004F;
	[dreg:$0x1] =	wrdreg $0xFFFFFFFF  }
0xa7: {  	s28 =	simm.s32 $_size_execute0_lowered;
	s3 =	sadd.s32 s3, s5;
	[dreg:$0x0] =	wrdreg $0x0  }
0xa8: {  	s5 =	sshll.u32 s28, $0x1;
	[dreg:$0x2] =	wrdreg s3  }
0xa9: {  	[dreg:$0x3] =	wrdreg s5  }
0xaa: {  	[dreg:$0x4] =	wrdreg $0xC0  }
0xab: {  	_ =	task [dreg:s7], $0x5FFFF  }
0xac: {  	[dreg:$0x1] =	wrdreg $0xFFFFFFFF  }
0xad: {  	[dreg:$0x0] =	wrdreg $0x60  }
0xae: {  	[dreg:$0x2] =	wrdreg s24  }
0xaf: {  	[dreg:$0x3] =	wrdreg s2  }
0xb0: {  	[dreg:$0x4] =	wrdreg $0x0  }
0xb1: {  	[dreg:$0x5] =	wrdreg $0x9  }
0xb2: {  	_ =	task.clear_ibuf [dreg:s7], $0x6FFFF;
	_ =	strace $0x9000004F  }
0xb3: {  	s29 =	simm.s32 $0x9;
	_ =	strace $0x80000051  }
0xb4: {  	_ =	swait.ge [sflag:s29], $0x1  }
0xb5: {  	[sflag:s29] =	ssyncadd.s32 $0xFFFFFFFF  }
0xb6: {  	_ =	strace $0x90000051  }
0xb7: {  	_ =	sfence  }
0xb8: {  	s30 =	sld [smem:$0x0];
	_ =	sdelay $0x2  }
0xb9: {  	s31 =	sshll.u32 s1, $0xD;
	s1 =	sshrl.u32 s1, $0x2  }
0xba: {  	s3 =	sand.u32 $0x4000, s31;
	s1 =	sadd.s32 s1, s30  }
0xbb: {  	s0 =	sor.u32 s3, s0;
	s1 =	sshll.u32 s1, $0x11  }
0xbc: {  	s0 =	sor.u32 s1, s0  }
0xbd: {  	s0 =	sadd.s32 $0x8F2B, s0  }
0xbe: {  	[sflag:s0] =	ssyncadd.remote.s32 $0x1  }
0xbf: {  	_ =	sfence.sel $0xFFFF  }
0xc0: {  	[dreg:$0x0] =	wrdreg $0xFFFFFFFF;
	(pc) =	sbr.abs _section_cstart, $3  }
0xc1: {  	[dreg:$0x1] =	wrdreg $0xFFFFFFFF  }
0xc2: {  	_ =	task.clear_ibuf [dreg:s7], $0x2FFFF;
	_ =	strace $0x9FFFFFFF  }
0xc3: {  	(tm) =	ssettm $0x7FFFFFFF  }
tec
execute0_lowered:
.L_overlay_start_1:
0x0: {  	(tag) =	ssettag $0x1  }
0x1: {  	s0 =	rddreg [dreg:$0x0]  }
0x2: {  	s2 =	rddreg [dreg:$0x1]  }
0x3: {  	s1 =	rddreg [dreg:$0x2];
	s3 =	srdreg.scid  }
0x4: {  	s9 =	stileid.u32;
	s16 =	simm.s32 $0x16800;
	s17 =	simm.s32 $0x5  }
0x5: {  	s18 =	simm.s32 $0x14000;
	s19 =	simm.s32 $0x15400;
	s20 =	simm.s32 $0x80  }
0x6: {  	s21 =	simm.s32 $0x1;
	s28 =	simm.s32 $0x14100;
	s29 =	simm.s32 $0x4  }
0x7: {  	s30 =	simm.s32 $0x16700;
	s31 =	simm.s32 $0x15380;
	s7 =	smul.u32 $0x14000, s9  }
0x8: {  	s5 =	sand.u32 $0x1, s3;
	s3 =	simm.s32 $0x0;
	s23 =	smul.u32 $0x50000, s9  }
0x9: {  	s4 =	sadd.s32 $0x3000, s0;
	s6 =	smul.u32 $0x140000, s5;
	[smem:$0x7FF] =	sst s3  }
0xa: {  	s8 =	sshll.u32 s5, $0x4;
	s5 =	ssub.s32 $0x2, s5;
	_ =	strace $0x80000050  }
0xb: {  	s22 =	sor.u32 s9, s8;
	s24 =	sshrl.u32 s5, $0x1;
	s6 =	sadd.s32 s7, s6  }
0xc: {  	s8 =	sshrl.u32 s23, $0x2;
	s7 =	smul.u32 $0x2800, s22;
	s6 =	sshrl.u32 s6, $0x3  }
0xd: {  	s23 =	simm.s32 $0x1A800;
	s22 =	simm.s32 $0x14080;
	s0 =	sadd.s32 s6, s0  }
0xe: {  	s6 =	ssub.s32 s5, s24;
	s5 =	sadd.s32 s8, s1;
	s7 =	sshrl.u32 s7, $0x3  }
0xf: {  	s24 =	simm.s32 $0x2;
	s8 =	sadd.s32 $0x4000, s5;
	s25 =	sadd.s32 $0x8000, s5  }
0x10: {  	s26 =	sadd.s32 $0xC000, s5;
	s10 =	sadd.s32 $0x10000, s5;
	[dreg:$0x4] =	wrdreg s8  }
0x11: {  	s14 =	sadd.s32 $0x2B000, s0;
	s15 =	smax.u32 s6, $0x1;
	[dreg:$0x5] =	wrdreg s25  }
0x12: {  	s0 =	simm.s32 $0x16780;
	s8 =	sadd.s32 s2, s7;
	[dreg:$0x6] =	wrdreg s26  }
0x13: {  	s25 =	simm.s32 $0x15480;
	s26 =	simm.s32 $0x3;
	s2 =	simm.s32 $0x0  }
0x14: {  	v0 =	vimm.f32 $0.0e+00;
	s11 =	sadd.s32 $0xA000, s8;
	s12 =	sadd.s32 $0x280, s8;
	s13 =	sadd.s32 $0xA280, s8  }
.LBB2_1:
0x15: {  	s6 =	simm.s32 $0x0;
	s7 =	simm.s32 $0x200  }
.LBB2_2:
0x16: {  	p0 =	sne.s32 s7, $0xFE00;
	[tilespmem:s6+$0x16870] =	vst v0  }
0x17: {  	[tilespmem:s6+$0x16800] =	vst v0  }
0x18: {  	[tilespmem:s6+$0x16810] =	vst v0  }
.Ltmp0:
0x19: {  	[tilespmem:s6+$0x16820] =	vst v0;
	(pc) =	sbr.rel @p0 .LBB2_2-.Ltmp0, $4  }
0x1a: {  	[tilespmem:s6+$0x16830] =	vst v0  }
0x1b: {  	[tilespmem:s6+$0x16840] =	vst v0  }
0x1c: {  	[tilespmem:s6+$0x16850] =	vst v0  }
0x1d: {  	[tilespmem:s6+$0x16860] =	vst v0;
	s6 =	sshra.s32 s7, $0x2;
	s7 =	sadd.s32 $0x200, s7  }
0x1e: {  	[tilespmem:s6+$0x16870] =	vst v0  }
0x1f: {  	[tilespmem:s6+$0x16800] =	vst v0  }
0x20: {  	[tilespmem:s6+$0x16810] =	vst v0  }
0x21: {  	[tilespmem:s6+$0x16820] =	vst v0  }
0x22: {  	[tilespmem:s6+$0x16830] =	vst v0  }
0x23: {  	[tilespmem:s6+$0x16840] =	vst v0  }
0x24: {  	[tilespmem:s6+$0x16850] =	vst v0  }
0x25: {  	[tilespmem:s6+$0x16860] =	vst v0  }
0x26: {  	[spmem:s5] =	stream.linear.scatter [tilespmem:s16], [sflag:$0x5], $0x4000, $0x38;
	[tilespmem:$0x1E800] =	vst v63  }
0x27: {  	_ =	swait.ge [sflag:s17], $0x4000  }
0x28: {  	[sflag:s17] =	ssyncset.done $0x0  }
0x29: {  	s7 =	rddreg [dreg:$0x4];
	[sflag:s17] =	ssyncadd.s32 $0xFFFFC000  }
0x2a: {  	[spmem:s7] =	stream.linear.scatter [tilespmem:s16], [sflag:$0x5], $0x4000, $0x38;
	[tilespmem:$0x1E800] =	vst v63  }
0x2b: {  	_ =	swait.ge [sflag:s17], $0x4000  }
0x2c: {  	[sflag:s17] =	ssyncset.done $0x0  }
0x2d: {  	s9 =	rddreg [dreg:$0x5];
	[sflag:s17] =	ssyncadd.s32 $0xFFFFC000  }
0x2e: {  	[spmem:s9] =	stream.linear.scatter [tilespmem:s16], [sflag:$0x5], $0x4000, $0x38;
	[tilespmem:$0x1E800] =	vst v63  }
0x2f: {  	_ =	swait.ge [sflag:s17], $0x4000  }
0x30: {  	[sflag:s17] =	ssyncset.done $0x0  }
0x31: {  	s7 =	rddreg [dreg:$0x6];
	[sflag:s17] =	ssyncadd.s32 $0xFFFFC000  }
0x32: {  	[spmem:s7] =	stream.linear.scatter [tilespmem:s16], [sflag:$0x5], $0x4000, $0x38;
	[tilespmem:$0x1E800] =	vst v63  }
0x33: {  	_ =	swait.ge [sflag:s17], $0x4000  }
0x34: {  	[sflag:s17] =	ssyncset.done $0x0  }
0x35: {  	[sflag:s17] =	ssyncadd.s32 $0xFFFFC000  }
0x36: {  	[spmem:s10] =	stream.linear.scatter [tilespmem:s16], [sflag:$0x5], $0x4000, $0x38;
	[tilespmem:$0x1E800] =	vst v63  }
0x37: {  	_ =	swait.ge [sflag:s17], $0x4000  }
0x38: {  	[sflag:s17] =	ssyncset.done $0x0  }
0x39: {  	[sflag:s17] =	ssyncadd.s32 $0xFFFFC000  }
0x3a: {  	[bflag:$0x0] =	sbarrier.arrive $0xFFFF  }
0x3b: {  	[tilespmem:s18], [sflag:$0x5] =	stream.linear.gather [hbm4b:s8+s3], $0x1400, $0x38;
	[tilespmem:$0x1E800] =	vst v63  }
0x3c: {  	_ =	swait.ge [sflag:s17], $0x1400  }
0x3d: {  	[sflag:s17] =	ssyncset.done $0x0  }
0x3e: {  	[sflag:s17] =	ssyncadd.s32 $0xFFFFEC00  }
0x3f: {  	[tilespmem:s19], [sflag:$0x5] =	stream.linear.gather [hbm4b:s11+s3], $0x1400, $0x38;
	[tilespmem:$0x1E800] =	vst v63  }
0x40: {  	_ =	swait.ge [sflag:s17], $0x1400  }
0x41: {  	[sflag:s17] =	ssyncset.done $0x0  }
0x42: {  	[sflag:s17] =	ssyncadd.s32 $0xFFFFEC00  }
0x43: {  	[tilespmem:s16], [sflag:$0x1] =	stream.indirect.gather [hbm4b:s4+s20], $0x80, s18, s20, $0xb8;
	[tilespmem:$0x1E800] =	vst v63  }
0x44: {  	_ =	swait.ge [sflag:s21], $0x4000  }
0x45: {  	[sflag:s21] =	ssyncset.done $0x0  }
0x46: {  	[sflag:s21] =	ssyncadd.s32 $0xFFFFC000  }
0x47: {  	[spmem:s1] =	stream.indirect.scatter.add.f32 [tilespmem:s16], [sflag:$0x3], $0x80, s19, s20, $0xb8;
	[tilespmem:$0x1E800] =	vst v63  }
0x48: {  	_ = 	snop  }
0x49: {  	[tilespmem:s23], [sflag:$0x2] =	stream.indirect.gather [hbm4b:s4+s20], $0x80, s22, s20, $0xb8;
	[tilespmem:$0x1E800] =	vst v63  }
0x4a: {  	_ =	swait.ge [sflag:s24], $0x4000  }
0x4b: {  	[sflag:s24] =	ssyncset.done $0x0  }
0x4c: {  	[sflag:s24] =	ssyncadd.s32 $0xFFFFC000  }
0x4d: {  	[spmem:s1] =	stream.indirect.scatter.add.f32 [tilespmem:s23], [sflag:$0x4], $0x80, s25, s20, $0xb8;
	[tilespmem:$0x1E800] =	vst v63  }
0x4e: {  	_ =	swait.ge [sflag:s26], $0x4000  }
0x4f: {  	[sflag:s26] =	ssyncset.done $0x0  }
0x50: {  	[sflag:s26] =	ssyncadd.s32 $0xFFFFC000  }
0x51: {  	[tilespmem:s16], [sflag:$0x1] =	stream.indirect.gather [hbm4b:s4+s20], $0x80, s28, s20, $0xb8;
	[tilespmem:$0x1E800] =	vst v63  }
0x52: {  	_ =	swait.ge [sflag:s21], $0x4000  }
0x53: {  	[sflag:s21] =	ssyncset.done $0x0  }
0x54: {  	s9 =	simm.s32 $0x15500;
	[sflag:s21] =	ssyncadd.s32 $0xFFFFC000  }
0x55: {  	[spmem:s1] =	stream.indirect.scatter.add.f32 [tilespmem:s16], [sflag:$0x3], $0x80, s9, s20, $0xb8;
	[tilespmem:$0x1E800] =	vst v63  }
0x56: {  	_ =	swait.ge [sflag:s29], $0x4000  }
0x57: {  	[sflag:s29] =	ssyncset.done $0x0  }
0x58: {  	s7 =	simm.s32 $0x14180;
	[sflag:s29] =	ssyncadd.s32 $0xFFFFC000  }
0x59: {  	[tilespmem:s23], [sflag:$0x2] =	stream.indirect.gather [hbm4b:s4+s20], $0x80, s7, s20, $0xb8;
	[tilespmem:$0x1E800] =	vst v63  }
0x5a: {  	_ =	swait.ge [sflag:s24], $0x4000  }
0x5b: {  	[sflag:s24] =	ssyncset.done $0x0  }
0x5c: {  	s9 =	simm.s32 $0x15580;
	[sflag:s24] =	ssyncadd.s32 $0xFFFFC000  }
0x5d: {  	[spmem:s1] =	stream.indirect.scatter.add.f32 [tilespmem:s23], [sflag:$0x4], $0x80, s9, s20, $0xb8;
	[tilespmem:$0x1E800] =	vst v63  }
0x5e: {  	_ =	swait.ge [sflag:s26], $0x4000  }
0x5f: {  	[sflag:s26] =	ssyncset.done $0x0  }
0x60: {  	s6 =	simm.s32 $0xFFFFBC00;
	s7 =	simm.s32 $0x14200;
	[sflag:s26] =	ssyncadd.s32 $0xFFFFC000  }
.LBB2_4:
0x61: {  	[tilespmem:s16], [sflag:$0x1] =	stream.indirect.gather [hbm4b:s4+s20], $0x80, s7, s20, $0xb8;
	[tilespmem:$0x1E800] =	vst v63  }
0x62: {  	s7 =	smov.u32 s6  }
0x63: {  	p0 =	sne.s32 s6, $0xFFFFFC00;
	s6 =	sadd.s32 $0x400, s6;
	_ =	swait.ge [sflag:s21], $0x4000  }
0x64: {  	s7 =	sshra.s32 s7, $0x2;
	[sflag:s21] =	ssyncset.done $0x0  }
0x65: {  	s9 =	sadd.s32 $0x16700, s7;
	[sflag:s21] =	ssyncadd.s32 $0xFFFFC000  }
0x66: {  	[spmem:s1] =	stream.indirect.scatter.add.f32 [tilespmem:s16], [sflag:$0x3], $0x80, s9, s20, $0xb8;
	[tilespmem:$0x1E800] =	vst v63  }
0x67: {  	_ =	swait.ge [sflag:s29], $0x4000  }
0x68: {  	[sflag:s29] =	ssyncset.done $0x0  }
0x69: {  	s9 =	sadd.s32 $0x15380, s7;
	[sflag:s29] =	ssyncadd.s32 $0xFFFFC000  }
0x6a: {  	[tilespmem:s23], [sflag:$0x2] =	stream.indirect.gather [hbm4b:s4+s20], $0x80, s9, s20, $0xb8;
	[tilespmem:$0x1E800] =	vst v63  }
0x6b: {  	_ =	swait.ge [sflag:s24], $0x4000  }
0x6c: {  	[sflag:s24] =	ssyncset.done $0x0  }
.Ltmp1:
0x6d: {  	s9 =	sadd.s32 $0x16780, s7;
	[sflag:s24] =	ssyncadd.s32 $0xFFFFC000;
	(pc) =	sbr.rel @p0 .LBB2_4-.Ltmp1, $4  }
0x6e: {  	[spmem:s1] =	stream.indirect.scatter.add.f32 [tilespmem:s23], [sflag:$0x4], $0x80, s9, s20, $0xb8;
	[tilespmem:$0x1E800] =	vst v63  }
0x6f: {  	_ =	swait.ge [sflag:s26], $0x4000  }
0x70: {  	[sflag:s26] =	ssyncset.done $0x0  }
0x71: {  	s7 =	sadd.s32 $0x15400, s7;
	[sflag:s26] =	ssyncadd.s32 $0xFFFFC000  }
0x72: {  	[tilespmem:s16], [sflag:$0x1] =	stream.indirect.gather [hbm4b:s4+s20], $0x80, s7, s20, $0xb8;
	[tilespmem:$0x1E800] =	vst v63  }
0x73: {  	_ =	swait.ge [sflag:s21], $0x4000  }
0x74: {  	[sflag:s21] =	ssyncset.done $0x0  }
0x75: {  	[sflag:s21] =	ssyncadd.s32 $0xFFFFC000  }
0x76: {  	[spmem:s1] =	stream.indirect.scatter.add.f32 [tilespmem:s16], [sflag:$0x3], $0x80, s30, s20, $0xb8;
	[tilespmem:$0x1E800] =	vst v63  }
0x77: {  	_ =	swait.ge [sflag:s29], $0x4000  }
0x78: {  	[sflag:s29] =	ssyncset.done $0x0  }
0x79: {  	[sflag:s29] =	ssyncadd.s32 $0xFFFFC000  }
0x7a: {  	[tilespmem:s23], [sflag:$0x2] =	stream.indirect.gather [hbm4b:s4+s20], $0x80, s31, s20, $0xb8;
	[tilespmem:$0x1E800] =	vst v63  }
0x7b: {  	_ =	swait.ge [sflag:s24], $0x4000  }
0x7c: {  	[sflag:s24] =	ssyncset.done $0x0  }
0x7d: {  	[sflag:s24] =	ssyncadd.s32 $0xFFFFC000  }
0x7e: {  	[spmem:s1] =	stream.indirect.scatter.add.f32 [tilespmem:s23], [sflag:$0x4], $0x80, s0, s20, $0xb8;
	[tilespmem:$0x1E800] =	vst v63  }
0x7f: {  	_ =	swait.ge [sflag:s26], $0x4000  }
0x80: {  	[sflag:s26] =	ssyncset.done $0x0  }
0x81: {  	[sflag:s26] =	ssyncadd.s32 $0xFFFFC000  }
0x82: {  	_ =	swait.ge [sflag:s29], $0x4000  }
0x83: {  	[sflag:s29] =	ssyncset.done $0x0  }
0x84: {  	[sflag:s29] =	ssyncadd.s32 $0xFFFFC000  }
0x85: {  	[tilespmem:s18], [sflag:$0x5] =	stream.linear.gather [hbm4b:s12+s3], $0x1400, $0x38;
	[tilespmem:$0x1E800] =	vst v63  }
0x86: {  	_ =	swait.ge [sflag:s17], $0x1400  }
0x87: {  	[sflag:s17] =	ssyncset.done $0x0  }
0x88: {  	[sflag:s17] =	ssyncadd.s32 $0xFFFFEC00  }
0x89: {  	[tilespmem:s19], [sflag:$0x5] =	stream.linear.gather [hbm4b:s13+s3], $0x1400, $0x38;
	[tilespmem:$0x1E800] =	vst v63  }
0x8a: {  	_ =	swait.ge [sflag:s17], $0x1400  }
0x8b: {  	[sflag:s17] =	ssyncset.done $0x0  }
0x8c: {  	[sflag:s17] =	ssyncadd.s32 $0xFFFFEC00  }
0x8d: {  	[tilespmem:s16], [sflag:$0x1] =	stream.indirect.gather [hbm4b:s4+s20], $0x80, s18, s20, $0xb8;
	[tilespmem:$0x1E800] =	vst v63  }
0x8e: {  	_ =	swait.ge [sflag:s21], $0x4000  }
0x8f: {  	[sflag:s21] =	ssyncset.done $0x0  }
0x90: {  	[sflag:s21] =	ssyncadd.s32 $0xFFFFC000  }
0x91: {  	[spmem:s1] =	stream.indirect.scatter.add.f32 [tilespmem:s16], [sflag:$0x3], $0x80, s19, s20, $0xb8;
	[tilespmem:$0x1E800] =	vst v63  }
0x92: {  	_ = 	snop  }
0x93: {  	[tilespmem:s23], [sflag:$0x2] =	stream.indirect.gather [hbm4b:s4+s20], $0x80, s22, s20, $0xb8;
	[tilespmem:$0x1E800] =	vst v63  }
0x94: {  	_ =	swait.ge [sflag:s24], $0x4000  }
0x95: {  	[sflag:s24] =	ssyncset.done $0x0  }
0x96: {  	[sflag:s24] =	ssyncadd.s32 $0xFFFFC000  }
0x97: {  	[spmem:s1] =	stream.indirect.scatter.add.f32 [tilespmem:s23], [sflag:$0x4], $0x80, s25, s20, $0xb8;
	[tilespmem:$0x1E800] =	vst v63  }
0x98: {  	_ =	swait.ge [sflag:s26], $0x4000  }
0x99: {  	[sflag:s26] =	ssyncset.done $0x0  }
0x9a: {  	[sflag:s26] =	ssyncadd.s32 $0xFFFFC000  }
0x9b: {  	[tilespmem:s16], [sflag:$0x1] =	stream.indirect.gather [hbm4b:s4+s20], $0x80, s28, s20, $0xb8;
	[tilespmem:$0x1E800] =	vst v63  }
0x9c: {  	_ =	swait.ge [sflag:s21], $0x4000  }
0x9d: {  	[sflag:s21] =	ssyncset.done $0x0  }
0x9e: {  	s6 =	simm.s32 $0x15500;
	[sflag:s21] =	ssyncadd.s32 $0xFFFFC000  }
0x9f: {  	[spmem:s1] =	stream.indirect.scatter.add.f32 [tilespmem:s16], [sflag:$0x3], $0x80, s6, s20, $0xb8;
	[tilespmem:$0x1E800] =	vst v63  }
0xa0: {  	_ =	swait.ge [sflag:s29], $0x4000  }
0xa1: {  	[sflag:s29] =	ssyncset.done $0x0  }
0xa2: {  	s7 =	simm.s32 $0x14180;
	[sflag:s29] =	ssyncadd.s32 $0xFFFFC000  }
0xa3: {  	[tilespmem:s23], [sflag:$0x2] =	stream.indirect.gather [hbm4b:s4+s20], $0x80, s7, s20, $0xb8;
	[tilespmem:$0x1E800] =	vst v63  }
0xa4: {  	_ =	swait.ge [sflag:s24], $0x4000  }
0xa5: {  	[sflag:s24] =	ssyncset.done $0x0  }
0xa6: {  	s9 =	simm.s32 $0x15580;
	[sflag:s24] =	ssyncadd.s32 $0xFFFFC000  }
0xa7: {  	[spmem:s1] =	stream.indirect.scatter.add.f32 [tilespmem:s23], [sflag:$0x4], $0x80, s9, s20, $0xb8;
	[tilespmem:$0x1E800] =	vst v63  }
0xa8: {  	_ =	swait.ge [sflag:s26], $0x4000  }
0xa9: {  	[sflag:s26] =	ssyncset.done $0x0  }
0xaa: {  	s6 =	simm.s32 $0xFFFFBC00;
	s7 =	simm.s32 $0x14200;
	[sflag:s26] =	ssyncadd.s32 $0xFFFFC000  }
.LBB2_6:
0xab: {  	[tilespmem:s16], [sflag:$0x1] =	stream.indirect.gather [hbm4b:s4+s20], $0x80, s7, s20, $0xb8;
	[tilespmem:$0x1E800] =	vst v63  }
0xac: {  	s7 =	smov.u32 s6  }
0xad: {  	p0 =	sne.s32 s6, $0xFFFFFC00;
	s6 =	sadd.s32 $0x400, s6;
	_ =	swait.ge [sflag:s21], $0x4000  }
0xae: {  	s7 =	sshra.s32 s7, $0x2;
	[sflag:s21] =	ssyncset.done $0x0  }
0xaf: {  	s9 =	sadd.s32 $0x16700, s7;
	[sflag:s21] =	ssyncadd.s32 $0xFFFFC000  }
0xb0: {  	[spmem:s1] =	stream.indirect.scatter.add.f32 [tilespmem:s16], [sflag:$0x3], $0x80, s9, s20, $0xb8;
	[tilespmem:$0x1E800] =	vst v63  }
0xb1: {  	_ =	swait.ge [sflag:s29], $0x4000  }
0xb2: {  	[sflag:s29] =	ssyncset.done $0x0  }
0xb3: {  	s9 =	sadd.s32 $0x15380, s7;
	[sflag:s29] =	ssyncadd.s32 $0xFFFFC000  }
0xb4: {  	[tilespmem:s23], [sflag:$0x2] =	stream.indirect.gather [hbm4b:s4+s20], $0x80, s9, s20, $0xb8;
	[tilespmem:$0x1E800] =	vst v63  }
0xb5: {  	_ =	swait.ge [sflag:s24], $0x4000  }
0xb6: {  	[sflag:s24] =	ssyncset.done $0x0  }
.Ltmp2:
0xb7: {  	s9 =	sadd.s32 $0x16780, s7;
	[sflag:s24] =	ssyncadd.s32 $0xFFFFC000;
	(pc) =	sbr.rel @p0 .LBB2_6-.Ltmp2, $4  }
0xb8: {  	[spmem:s1] =	stream.indirect.scatter.add.f32 [tilespmem:s23], [sflag:$0x4], $0x80, s9, s20, $0xb8;
	[tilespmem:$0x1E800] =	vst v63  }
0xb9: {  	_ =	swait.ge [sflag:s26], $0x4000  }
0xba: {  	[sflag:s26] =	ssyncset.done $0x0  }
0xbb: {  	s7 =	sadd.s32 $0x15400, s7;
	[sflag:s26] =	ssyncadd.s32 $0xFFFFC000  }
0xbc: {  	[tilespmem:s16], [sflag:$0x1] =	stream.indirect.gather [hbm4b:s4+s20], $0x80, s7, s20, $0xb8;
	[tilespmem:$0x1E800] =	vst v63  }
0xbd: {  	_ =	swait.ge [sflag:s21], $0x4000  }
0xbe: {  	[sflag:s21] =	ssyncset.done $0x0  }
0xbf: {  	[sflag:s21] =	ssyncadd.s32 $0xFFFFC000  }
0xc0: {  	[spmem:s1] =	stream.indirect.scatter.add.f32 [tilespmem:s16], [sflag:$0x3], $0x80, s30, s20, $0xb8;
	[tilespmem:$0x1E800] =	vst v63  }
0xc1: {  	_ =	swait.ge [sflag:s29], $0x4000  }
0xc2: {  	[sflag:s29] =	ssyncset.done $0x0  }
0xc3: {  	[sflag:s29] =	ssyncadd.s32 $0xFFFFC000  }
0xc4: {  	[tilespmem:s23], [sflag:$0x2] =	stream.indirect.gather [hbm4b:s4+s20], $0x80, s31, s20, $0xb8;
	[tilespmem:$0x1E800] =	vst v63  }
0xc5: {  	_ =	swait.ge [sflag:s24], $0x4000  }
0xc6: {  	[sflag:s24] =	ssyncset.done $0x0  }
0xc7: {  	[sflag:s24] =	ssyncadd.s32 $0xFFFFC000  }
0xc8: {  	[spmem:s1] =	stream.indirect.scatter.add.f32 [tilespmem:s23], [sflag:$0x4], $0x80, s0, s20, $0xb8;
	[tilespmem:$0x1E800] =	vst v63  }
0xc9: {  	_ =	swait.ge [sflag:s26], $0x4000  }
0xca: {  	[sflag:s26] =	ssyncset.done $0x0  }
0xcb: {  	[sflag:s26] =	ssyncadd.s32 $0xFFFFC000  }
0xcc: {  	s6 =	stileid.u32;
	_ =	swait.ge [sflag:s29], $0x4000  }
0xcd: {  	s9 =	sshrl.u32 s5, $0x3;
	s2 =	sadd.s32 $0x1, s2;
	[sflag:s29] =	ssyncset.done $0x0  }
0xce: {  	s6 =	sshll.u32 s6, $0x6;
	p0 =	sne.s32 s2, s15;
	[sflag:s29] =	ssyncadd.s32 $0xFFFFC000  }
.Ltmp3:
0xcf: {  	s6 =	sor.u32 $0x1C05, s6;
	[bflag:$0x0] =	sbarrier.arrive $0xFFFF;
	(pc) =	sbr.rel @p0 .LBB2_1-.Ltmp3, $4  }
0xd0: {  	[hbm:s14], [sflag:s6] =	dma.local [spmem:s9], $0x2800  }
0xd1: {  	_ =	swait.ge [sflag:s17], $0x2800  }
0xd2: {  	[sflag:s17] =	ssyncset.done $0x0  }
0xd3: {  	[sflag:s17] =	ssyncadd.s32 $0xFFFFD800  }
0xd4: {  	_ =	sfence.sel $0x180000  }
0xd5: {  	[bflag:$0x0] =	sbarrier.arrive $0xFFFF  }
0xd6: {  	_ =	strace $0x90000050  }
0xd7: {  	s0 =	stileid.u32;
	[bflag:$0x2] =	sbarrier.arrive $0xFFFF  }
0xd8: {  	p0 =	sne.s32 s0, $0x0;
	s0 =	rddreg [dreg:$0x3]  }
0xd9: {  	s0 =	sadd.s32 @!p0 $0x100000, s0  }
0xda: {  	[sflag:s0] =	ssyncadd.tile.s32 @!p0 $0x1;
	_ =	shalt  }
.Lfunc_end2:
_tile_overlayer_lowered:
.L_overlay_start_2:
0xdb: {  	(tag) =	ssettag $0x2  }
0xdc: {  	s0 =	rddreg [dreg:$0x0];
	s2 =	stileid.u32  }
0xdd: {  	s1 =	rddreg [dreg:$0x1];
	p0 =	sne.s32 s2, $0x0  }
0xde: {  	s3 =	rddreg [dreg:$0x2];
	[bflag:$0x3] =	sbarrier.arrive $0xFFFF;
	s2 =	simm.s32 @!p0 $0x1C05  }
0xdf: {  	[timem:s3], [sflag:s2] =	dma.local @!p0 [hbm:s0], s1  }
0xe0: {  	s0 =	simm.s32 @!p0 $0x5  }
0xe1: {  	_ =	swait.ge @!p0 [sflag:s0], s1  }
0xe2: {  	s1 =	ssub.s32 @!p0 $0x0, s1;
	[sflag:s0] =	ssyncset.done @!p0 $0x0  }
0xe3: {  	[sflag:s0] =	ssyncadd.s32 @!p0 s1  }
0xe4: {  	[bflag:$0x3] =	sbarrier.arrive $0xFFFF  }
0xe5: {  	_ =	shalt  }

</sc_bundles>
